<compile_context>
chip_gen: v7x
topology: tpu7x:2x2x1
jax: 0.10.2.dev20260603
libtpu: 0.0.44.dev20260713+nightly
codegen_flags: <defaults>
</compile_context>

<pallas_src>
import functools

import jax
import jax.numpy as jnp
from jax import lax
from jax.experimental import pallas as pl
from jax.experimental.pallas import tpu as pltpu
from jax.experimental.pallas import tpu_sc as plsc

DIM = 32
NN = 16
NR = 32
NW = 32
CH_B = 4


def _sc_kernel_body(
    user_idx_hbm, item_idx_hbm, adj_e_hbm, adj_r_hbm,
    user_emb_hbm, entity_emb_hbm, rel_t_hbm,
    u_out, e0_out, w0_out, e1_out, agg_out,
    item_v, user_v, ubuf, e0buf, e1ids, r0buf, relt_v, pflat, w0buf,
    eflat0, eflat1, nbflat0, nbflat1, nbr0, nbr1, rel20, rel21,
    ebuf0, ebuf1, e1buf0, e1buf1, aggbuf,
    sem, sem_adj0, sem_adj1, sem_e0, sem_e1,
    *, bpw,
):
    cid = lax.axis_index("c")
    sid = lax.axis_index("s")
    wid = sid * 2 + cid
    base = wid * bpw

    pltpu.sync_copy(item_idx_hbm.at[pl.ds(base, bpw)], item_v)
    pltpu.sync_copy(user_idx_hbm.at[pl.ds(base, bpw)], user_v)
    pltpu.sync_copy(rel_t_hbm, relt_v)
    cps = [
        pltpu.async_copy(user_emb_hbm.at[user_v], ubuf, sem),
        pltpu.async_copy(entity_emb_hbm.at[item_v], e0buf, sem),
        pltpu.async_copy(adj_e_hbm.at[item_v], e1ids, sem),
        pltpu.async_copy(adj_r_hbm.at[item_v], r0buf, sem),
    ]
    for cp in cps:
        cp.wait()
    pltpu.sync_copy(ubuf, u_out.at[pl.ds(base, bpw)])
    pltpu.sync_copy(e0buf, e0_out.at[pl.ds(base, bpw)])

    def p_body(b, _):
        plo = jnp.zeros((16,), jnp.float32)
        phi = jnp.zeros((16,), jnp.float32)
        ulo = ubuf[b, 0:16]
        uhi = ubuf[b, 16:32]
        for d in range(DIM):
            ud = ulo[d] if d < 16 else uhi[d - 16]
            plo = plo + ud * relt_v[d, 0:16]
            phi = phi + ud * relt_v[d, 16:32]
        inv = 1.0 / DIM
        pflat[pl.ds(b * NR, 16)] = plo * inv
        pflat[pl.ds(b * NR + 16, 16)] = phi * inv
        return 0
    lax.fori_loop(0, bpw, p_body, 0)

    def w0_body(b, _):
        rvec = r0buf[b, 0:16]
        score = plsc.load_gather(pflat, [b * NR + rvec])
        e = jnp.exp(score)
        s = jnp.sum(e)
        w0buf[b, 0:16] = e * (1.0 / jnp.broadcast_to(s, (16,)))
        return 0
    lax.fori_loop(0, bpw, w0_body, 0)
    pltpu.sync_copy(w0buf, w0_out.at[pl.ds(base, bpw)])

    n_chunks = bpw // CH_B
    nodes = CH_B * NN
    n_estreams = nodes * NN // 128

    eflat_ = (eflat0, eflat1)
    nbr_ = (nbr0, nbr1)
    rel2_ = (rel20, rel21)
    e1buf_ = (e1buf0, e1buf1)
    nbflat_ = (nbflat0, nbflat1)
    ebuf_ = (ebuf0, ebuf1)
    sem_adj_ = (sem_adj0, sem_adj1)
    sem_e_ = (sem_e0, sem_e1)

    def adj_copies(c, s):
        return [
            pltpu.make_async_copy(adj_e_hbm.at[eflat_[s]], nbr_[s],
                                  sem_adj_[s]),
            pltpu.make_async_copy(adj_r_hbm.at[eflat_[s]], rel2_[s],
                                  sem_adj_[s]),
            pltpu.make_async_copy(entity_emb_hbm.at[eflat_[s]], e1buf_[s],
                                  sem_adj_[s]),
        ]

    def fire_adj(c, s):
        for bb in range(CH_B):
            eflat_[s][pl.ds(bb * NN, NN)] = e1ids[c * CH_B + bb, 0:16]
        for cp in adj_copies(c, s):
            cp.start()

    def wait_adj(c, s):
        for cp in adj_copies(c, s):
            cp.wait()
        pltpu.sync_copy(e1buf_[s], e1_out.at[pl.ds((base + c * CH_B) * NN,
                                                   nodes)])

    def e_copies(s):
        return [
            pltpu.make_async_copy(
                entity_emb_hbm.at[nbflat_[s].at[pl.ds(j * 128, 128)]],
                ebuf_[s].at[pl.ds(j * 128, 128)], sem_e_[s])
            for j in range(n_estreams)
        ]

    def fire_e(s):
        def flat_body(i, _):
            nbflat_[s][pl.ds(i * NN, NN)] = nbr_[s][i, 0:16]
            return 0
        lax.fori_loop(0, nodes, flat_body, 0, unroll=4)
        for cp in e_copies(s):
            cp.start()

    def compute(c, s):
        for cp in e_copies(s):
            cp.wait()

        def node_body(node, _):
            b_loc = c * CH_B + node // NN
            rvec = rel2_[s][node, 0:16]
            score = plsc.load_gather(pflat, [b_loc * NR + rvec])
            e = jnp.exp(score)
            ssum = jnp.sum(e)
            alo = jnp.zeros((16,), jnp.float32)
            ahi = jnp.zeros((16,), jnp.float32)
            for n in range(NN):
                wn = e[n]
                alo = alo + wn * ebuf_[s][node * NN + n, 0:16]
                ahi = ahi + wn * ebuf_[s][node * NN + n, 16:32]
            sinv = 1.0 / jnp.broadcast_to(ssum, (16,))
            aggbuf[node, 0:16] = alo * sinv
            aggbuf[node, 16:32] = ahi * sinv
            return 0
        lax.fori_loop(0, nodes, node_body, 0, unroll=2)
        pltpu.sync_copy(aggbuf, agg_out.at[pl.ds((base + c * CH_B) * NN,
                                                 nodes)])

    fire_adj(0, 0)
    wait_adj(0, 0)
    fire_e(0)
    fire_adj(1, 1)

    def pair_body(g, _):
        c0 = 2 * g

        @pl.when(g + 1 < n_chunks // 2)
        def _():
            fire_adj(c0 + 2, 0)
        wait_adj(c0 + 1, 1)
        fire_e(1)
        compute(c0, 0)

        @pl.when(g + 1 < n_chunks // 2)
        def _():
            fire_adj(c0 + 3, 1)

        @pl.when(g + 1 < n_chunks // 2)
        def _():
            wait_adj(c0 + 2, 0)
            fire_e(0)
        compute(c0 + 1, 1)
        return 0

    lax.fori_loop(0, n_chunks // 2, pair_body, 0)


def _tc_kernel_body(e1_ref, agg_ref, e0_ref, w0v_ref, u_ref,
                    w0abd_ref, w0bbd_ref, exp_ref, seg_ref,
                    w0a_ref, w0b_ref, w1a_ref, w1b_ref,
                    b0_ref, b0t_ref, b1_ref, out_ref):
    f32 = jnp.float32
    e1 = e1_ref[...]
    agg = agg_ref[...]
    w0v = w0v_ref[...]
    wexp = jnp.dot(w0v, exp_ref[...], preferred_element_type=f32)
    v1 = jnp.maximum(
        jnp.dot(e1, w0abd_ref[...], preferred_element_type=f32)
        + jnp.dot(agg, w0bbd_ref[...], preferred_element_type=f32)
        + b0t_ref[...], 0.0)
    seg = seg_ref[...]
    agg_a = jnp.dot(wexp * e1, seg, preferred_element_type=f32)
    agg_b = jnp.dot(wexp * v1, seg, preferred_element_type=f32)
    h0 = jnp.maximum(
        jnp.dot(e0_ref[...], w0a_ref[...], preferred_element_type=f32)
        + jnp.dot(agg_a, w0b_ref[...], preferred_element_type=f32)
        + b0_ref[...], 0.0)
    out = jnp.tanh(
        jnp.dot(h0, w1a_ref[...], preferred_element_type=f32)
        + jnp.dot(agg_b, w1b_ref[...], preferred_element_type=f32)
        + b1_ref[...])
    out_ref[...] = jax.nn.sigmoid(jnp.sum(out * u_ref[...], axis=1))


def kernel(user_indices, item_indices, adj_entity, adj_relation,
           user_emb, entity_emb, relation_emb, W0, b0, W1, b1):
    B = user_indices.shape[0]
    bpw = B // NW
    rel_t = relation_emb.T

    mesh = plsc.VectorSubcoreMesh(core_axis_name="c", subcore_axis_name="s")
    out_type = (
        jax.ShapeDtypeStruct((B, DIM), jnp.float32),
        jax.ShapeDtypeStruct((B, DIM), jnp.float32),
        jax.ShapeDtypeStruct((B, NN), jnp.float32),
        jax.ShapeDtypeStruct((B * NN, DIM), jnp.float32),
        jax.ShapeDtypeStruct((B * NN, DIM), jnp.float32),
    )
    scratch = [
        pltpu.VMEM((bpw,), jnp.int32),
        pltpu.VMEM((bpw,), jnp.int32),
        pltpu.VMEM((bpw, DIM), jnp.float32),
        pltpu.VMEM((bpw, DIM), jnp.float32),
        pltpu.VMEM((bpw, NN), jnp.int32),
        pltpu.VMEM((bpw, NN), jnp.int32),
        pltpu.VMEM((DIM, NR), jnp.float32),
        pltpu.VMEM((bpw * NR,), jnp.float32),
        pltpu.VMEM((bpw, NN), jnp.float32),
        pltpu.VMEM((CH_B * NN,), jnp.int32),
        pltpu.VMEM((CH_B * NN,), jnp.int32),
        pltpu.VMEM((CH_B * NN * NN,), jnp.int32),
        pltpu.VMEM((CH_B * NN * NN,), jnp.int32),
        pltpu.VMEM((CH_B * NN, NN), jnp.int32),
        pltpu.VMEM((CH_B * NN, NN), jnp.int32),
        pltpu.VMEM((CH_B * NN, NN), jnp.int32),
        pltpu.VMEM((CH_B * NN, NN), jnp.int32),
        pltpu.VMEM((CH_B * NN * NN, DIM), jnp.float32),
        pltpu.VMEM((CH_B * NN * NN, DIM), jnp.float32),
        pltpu.VMEM((CH_B * NN, DIM), jnp.float32),
        pltpu.VMEM((CH_B * NN, DIM), jnp.float32),
        pltpu.VMEM((CH_B * NN, DIM), jnp.float32),
        pltpu.SemaphoreType.DMA,
        pltpu.SemaphoreType.DMA,
        pltpu.SemaphoreType.DMA,
        pltpu.SemaphoreType.DMA,
        pltpu.SemaphoreType.DMA,
    ]
    sc = pl.kernel(
        functools.partial(_sc_kernel_body, bpw=bpw),
        out_type=out_type, mesh=mesh, scratch_types=scratch,
        compiler_params=pltpu.CompilerParams(
            needs_layout_passes=False, use_tc_tiling_on_sc=False),
    )
    u_g, e0, w0v, e1, agg1 = sc(
        user_indices, item_indices, adj_entity, adj_relation,
        user_emb, entity_emb, rel_t)

    e1f = e1.reshape(B, NN * DIM)
    aggf = agg1.reshape(B, NN * DIM)
    del agg1, e1

    W0a, W0b = W0[:DIM, :], W0[DIM:, :]
    W1a, W1b = W1[:DIM, :], W1[DIM:, :]
    eye16 = jnp.eye(NN, dtype=jnp.float32)
    W0A_bd = jnp.kron(eye16, W0a)
    W0B_bd = jnp.kron(eye16, W0b)
    cols = jnp.arange(NN * DIM, dtype=jnp.int32)
    expand = (cols[None, :] // DIM
              == jnp.arange(NN, dtype=jnp.int32)[:, None]).astype(jnp.float32)
    seg = (cols[:, None] % DIM
           == jnp.arange(DIM, dtype=jnp.int32)[None, :]).astype(jnp.float32)
    b0t = jnp.tile(b0, NN).reshape(1, NN * DIM)

    BB = 512
    grid = (B // BB,)
    full = lambda shape: pl.BlockSpec(shape, lambda i: tuple(0 for _ in shape))
    out = pl.pallas_call(
        _tc_kernel_body,
        grid=grid,
        in_specs=[
            pl.BlockSpec((BB, NN * DIM), lambda i: (i, 0)),
            pl.BlockSpec((BB, NN * DIM), lambda i: (i, 0)),
            pl.BlockSpec((BB, DIM), lambda i: (i, 0)),
            pl.BlockSpec((BB, NN), lambda i: (i, 0)),
            pl.BlockSpec((BB, DIM), lambda i: (i, 0)),
            full((NN * DIM, NN * DIM)),
            full((NN * DIM, NN * DIM)),
            full((NN, NN * DIM)),
            full((NN * DIM, DIM)),
            full((DIM, DIM)),
            full((DIM, DIM)),
            full((DIM, DIM)),
            full((DIM, DIM)),
            full((1, DIM)),
            full((1, NN * DIM)),
            full((1, DIM)),
        ],
        out_specs=pl.BlockSpec((BB,), lambda i: (i,)),
        out_shape=jax.ShapeDtypeStruct((B,), jnp.float32),
    )(e1f, aggf, e0, w0v, u_g, W0A_bd, W0B_bd, expand, seg,
      W0a, W0b, W1a, W1b, b0.reshape(1, DIM), b0t, b1.reshape(1, DIM))
    return out

# --- scband reference (transcript-rebuilt; emitter-appended) ---
"""Pipeline reference for scband-kgcn-11029476016331 (READ-ONLY COPY).

The authoritative reference and input builder live on the scoring server;
editing this copy changes nothing except your own understanding.
"""

import jax, jax.numpy as jnp
import numpy as np

N_USER = 100000
N_ENTITY = 100000
N_RELATION = 32
DIM = 32
N_NEIGHBOR = 16
N_ITER = 2
BATCH = 4096


def setup_inputs(seed: int = 0) -> dict:
    key = jax.random.key(seed)
    ks = jax.random.split(key, 12)
    user_indices = jax.random.randint(ks[0], (BATCH,), 0, N_USER, dtype=jnp.int32)
    item_indices = jax.random.randint(ks[1], (BATCH,), 0, N_ENTITY, dtype=jnp.int32)
    adj_entity = jax.random.randint(ks[2], (N_ENTITY, N_NEIGHBOR), 0, N_ENTITY, dtype=jnp.int32)
    adj_relation = jax.random.randint(ks[3], (N_ENTITY, N_NEIGHBOR), 0, N_RELATION, dtype=jnp.int32)
    user_emb = jax.random.normal(ks[4], (N_USER, DIM), dtype=jnp.float32) * 0.1
    entity_emb = jax.random.normal(ks[5], (N_ENTITY, DIM), dtype=jnp.float32) * 0.1
    relation_emb = jax.random.normal(ks[6], (N_RELATION, DIM), dtype=jnp.float32) * 0.1
    W0 = jax.random.normal(ks[7], (2 * DIM, DIM), dtype=jnp.float32) * (1.0 / np.sqrt(2 * DIM))
    b0 = jnp.zeros((DIM,), dtype=jnp.float32)
    W1 = jax.random.normal(ks[8], (2 * DIM, DIM), dtype=jnp.float32) * (1.0 / np.sqrt(2 * DIM))
    b1 = jnp.zeros((DIM,), dtype=jnp.float32)
    return {"user_indices": user_indices, "item_indices": item_indices,
            "adj_entity": adj_entity, "adj_relation": adj_relation,
            "user_emb": user_emb, "entity_emb": entity_emb, "relation_emb": relation_emb,
            "W0": W0, "b0": b0, "W1": W1, "b1": b1}


def _aggregate(self_vec, neigh_vec, neigh_rel, user_e, W, b, act):
    # ConcatAggregator: user-relation attention over neighbors, concat self+agg, linear, act
    b_sz, dim = user_e.shape
    u = user_e.reshape(b_sz, 1, 1, dim)
    scores = jnp.mean(u * neigh_rel, axis=-1)              # [B, -1, n_neighbor]
    scores = jax.nn.softmax(scores, axis=-1)
    agg = jnp.sum(scores[..., None] * neigh_vec, axis=2)    # [B, -1, dim]
    sv = self_vec.reshape(b_sz, -1, dim)
    out = jnp.concatenate([sv, agg], axis=-1).reshape(-1, 2 * dim)
    out = act(out @ W + b)
    return out.reshape(b_sz, -1, dim)


def _forward(user_indices, item_indices, adj_entity, adj_relation,
             user_emb, entity_emb, relation_emb, Ws, bs):
    user_embeddings = user_emb[user_indices]               # [B, dim]
    seeds = item_indices[:, None]
    entities = [seeds]
    relations = []
    for i in range(N_ITER):
        ne = adj_entity[entities[i]].reshape(BATCH, -1)
        nr = adj_relation[entities[i]].reshape(BATCH, -1)
        entities.append(ne)
        relations.append(nr)
    entity_vectors = [entity_emb[e] for e in entities]
    relation_vectors = [relation_emb[r] for r in relations]
    for i in range(N_ITER):
        act = jnp.tanh if i == N_ITER - 1 else jax.nn.relu
        nxt = []
        for hop in range(N_ITER - i):
            nv = entity_vectors[hop + 1].reshape(BATCH, -1, N_NEIGHBOR, DIM)
            rv = relation_vectors[hop].reshape(BATCH, -1, N_NEIGHBOR, DIM)
            nxt.append(_aggregate(entity_vectors[hop], nv, rv, user_embeddings, Ws[i], bs[i], act))
        entity_vectors = nxt
    res = entity_vectors[0].reshape(BATCH, DIM)
    return jax.nn.sigmoid(jnp.sum(res * user_embeddings, axis=-1))


def reference(user_indices, item_indices, adj_entity, adj_relation,
              user_emb, entity_emb, relation_emb, W0, b0, W1, b1):
    return _forward(user_indices, item_indices, adj_entity, adj_relation,
                    user_emb, entity_emb, relation_emb, [W0, W1], [b0, b1])

if __name__ == "__main__":
    import jax
    _d = setup_inputs()
    print(jax.jit(kernel)(*tuple(_d.values())))

</pallas_src>

<mosaic_0001>
#map = affine_map<(d0, d1) -> (0)>
#map1 = affine_map<(d0, d1) -> (0, 0)>
module attributes {stable_mosaic.version = 14 : i64} {
  func.func @_sc_kernel_body(%arg0: i32, %arg1: i32, %arg2: memref<4096xi32, #tpu.memory_space<hbm>>, %arg3: memref<4096xi32, #tpu.memory_space<hbm>>, %arg4: memref<100000x16xi32, #tpu.memory_space<hbm>>, %arg5: memref<100000x16xi32, #tpu.memory_space<hbm>>, %arg6: memref<100000x32xf32, #tpu.memory_space<hbm>>, %arg7: memref<100000x32xf32, #tpu.memory_space<hbm>>, %arg8: memref<32x32xf32, #tpu.memory_space<hbm>>, %arg9: memref<4096x32xf32, #tpu.memory_space<hbm>>, %arg10: memref<4096x32xf32, #tpu.memory_space<hbm>>, %arg11: memref<4096x16xf32, #tpu.memory_space<hbm>>, %arg12: memref<65536x32xf32, #tpu.memory_space<hbm>>, %arg13: memref<65536x32xf32, #tpu.memory_space<hbm>>, %arg14: memref<128xi32, #tpu.memory_space<vmem>>, %arg15: memref<128xi32, #tpu.memory_space<vmem>>, %arg16: memref<128x32xf32, #tpu.memory_space<vmem>>, %arg17: memref<128x32xf32, #tpu.memory_space<vmem>>, %arg18: memref<128x16xi32, #tpu.memory_space<vmem>>, %arg19: memref<128x16xi32, #tpu.memory_space<vmem>>, %arg20: memref<32x32xf32, #tpu.memory_space<vmem>>, %arg21: memref<4096xf32, #tpu.memory_space<vmem>>, %arg22: memref<128x16xf32, #tpu.memory_space<vmem>>, %arg23: memref<64xi32, #tpu.memory_space<vmem>>, %arg24: memref<64xi32, #tpu.memory_space<vmem>>, %arg25: memref<1024xi32, #tpu.memory_space<vmem>>, %arg26: memref<1024xi32, #tpu.memory_space<vmem>>, %arg27: memref<64x16xi32, #tpu.memory_space<vmem>>, %arg28: memref<64x16xi32, #tpu.memory_space<vmem>>, %arg29: memref<64x16xi32, #tpu.memory_space<vmem>>, %arg30: memref<64x16xi32, #tpu.memory_space<vmem>>, %arg31: memref<1024x32xf32, #tpu.memory_space<vmem>>, %arg32: memref<1024x32xf32, #tpu.memory_space<vmem>>, %arg33: memref<64x32xf32, #tpu.memory_space<vmem>>, %arg34: memref<64x32xf32, #tpu.memory_space<vmem>>, %arg35: memref<64x32xf32, #tpu.memory_space<vmem>>, %arg36: memref<!tpu.dma_semaphore, #tpu.memory_space<semaphore_mem>>, %arg37: memref<!tpu.dma_semaphore, #tpu.memory_space<semaphore_mem>>, %arg38: memref<!tpu.dma_semaphore, #tpu.memory_space<semaphore_mem>>, %arg39: memref<!tpu.dma_semaphore, #tpu.memory_space<semaphore_mem>>, %arg40: memref<!tpu.dma_semaphore, #tpu.memory_space<semaphore_mem>>) attributes {dimension_semantics = [#tpu.dimension_semantics<core_parallel>, #tpu.dimension_semantics<subcore_parallel>], iteration_bounds = array<i64: 2, 16>, scalar_prefetch = 0 : i64, scratch_operands = 27 : i64, tpu.core_type = #tpu.core_type<sc_vector_subcore>, window_params = [{transform_indices = #map}, {transform_indices = #map}, {transform_indices = #map1}, {transform_indices = #map1}, {transform_indices = #map1}, {transform_indices = #map1}, {transform_indices = #map1}, {transform_indices = #map1}, {transform_indices = #map1}, {transform_indices = #map1}, {transform_indices = #map1}, {transform_indices = #map1}]} {
    %mul3A = arith.constant 2 : i32
    %mul3A_0 = arith.muli %arg1, %mul3A : i32
    %add3A = arith.addi %mul3A_0, %arg0 : i32
    %mul3A_1 = arith.constant 128 : i32
    %mul3A_2 = arith.muli %add3A, %mul3A_1 : i32
    "tpu.region"() ({
      %run_scoped3A = tpu.sem_alloc : memref<!tpu.dma_semaphore, #tpu.memory_space<semaphore_mem>>
      %dma_start3A_193 = tpu.memref_slice %arg3[%mul3A_2] : memref<4096xi32, #tpu.memory_space<hbm>> -> memref<128xi32, #tpu.memory_space<hbm>>
      %dma_start3A_194 = tpu.memref_slice %arg3[%mul3A_2] : memref<4096xi32, #tpu.memory_space<hbm>> -> memref<128xi32, #tpu.memory_space<hbm>>
      tpu.enqueue_dma source(%dma_start3A_194 : memref<128xi32, #tpu.memory_space<hbm>>) target(%arg14 : memref<128xi32, #tpu.memory_space<vmem>>) target_semaphore(%run_scoped3A : memref<!tpu.dma_semaphore, #tpu.memory_space<semaphore_mem>>)
      %dma_wait3A_195 = tpu.memref_slice %arg3[%mul3A_2] : memref<4096xi32, #tpu.memory_space<hbm>> -> memref<128xi32, #tpu.memory_space<hbm>>
      %dma_wait3A_196 = tpu.memref_slice %arg3[%mul3A_2] : memref<4096xi32, #tpu.memory_space<hbm>> -> memref<128xi32, #tpu.memory_space<hbm>>
      tpu.wait_dma2 semaphore(%run_scoped3A : memref<!tpu.dma_semaphore, #tpu.memory_space<semaphore_mem>>) src(%dma_wait3A_196 : memref<128xi32, #tpu.memory_space<hbm>>) dst(%arg14 : memref<128xi32, #tpu.memory_space<vmem>>)
      tpu.yield
    }) : () -> ()
    "tpu.region"() ({
      %run_scoped3A = tpu.sem_alloc : memref<!tpu.dma_semaphore, #tpu.memory_space<semaphore_mem>>
      %dma_start3A_193 = tpu.memref_slice %arg2[%mul3A_2] : memref<4096xi32, #tpu.memory_space<hbm>> -> memref<128xi32, #tpu.memory_space<hbm>>
      %dma_start3A_194 = tpu.memref_slice %arg2[%mul3A_2] : memref<4096xi32, #tpu.memory_space<hbm>> -> memref<128xi32, #tpu.memory_space<hbm>>
      tpu.enqueue_dma source(%dma_start3A_194 : memref<128xi32, #tpu.memory_space<hbm>>) target(%arg15 : memref<128xi32, #tpu.memory_space<vmem>>) target_semaphore(%run_scoped3A : memref<!tpu.dma_semaphore, #tpu.memory_space<semaphore_mem>>)
      %dma_wait3A_195 = tpu.memref_slice %arg2[%mul3A_2] : memref<4096xi32, #tpu.memory_space<hbm>> -> memref<128xi32, #tpu.memory_space<hbm>>
      %dma_wait3A_196 = tpu.memref_slice %arg2[%mul3A_2] : memref<4096xi32, #tpu.memory_space<hbm>> -> memref<128xi32, #tpu.memory_space<hbm>>
      tpu.wait_dma2 semaphore(%run_scoped3A : memref<!tpu.dma_semaphore, #tpu.memory_space<semaphore_mem>>) src(%dma_wait3A_196 : memref<128xi32, #tpu.memory_space<hbm>>) dst(%arg15 : memref<128xi32, #tpu.memory_space<vmem>>)
      tpu.yield
    }) : () -> ()
    "tpu.region"() ({
      %run_scoped3A = tpu.sem_alloc : memref<!tpu.dma_semaphore, #tpu.memory_space<semaphore_mem>>
      tpu.enqueue_dma source(%arg8 : memref<32x32xf32, #tpu.memory_space<hbm>>) target(%arg20 : memref<32x32xf32, #tpu.memory_space<vmem>>) target_semaphore(%run_scoped3A : memref<!tpu.dma_semaphore, #tpu.memory_space<semaphore_mem>>)
      tpu.wait_dma2 semaphore(%run_scoped3A : memref<!tpu.dma_semaphore, #tpu.memory_space<semaphore_mem>>) src(%arg8 : memref<32x32xf32, #tpu.memory_space<hbm>>) dst(%arg20 : memref<32x32xf32, #tpu.memory_space<vmem>>)
      tpu.yield
    }) : () -> ()
    %dma_start3A = arith.constant 0 : i32
    %dma_start3A_3 = arith.constant 0 : i32
    %dma_start3A_4 = tpu.memref_slice %arg6[%dma_start3A, %dma_start3A_3] : memref<100000x32xf32, #tpu.memory_space<hbm>> -> memref<100000x32xf32, #tpu.memory_space<hbm>>
    tpu.enqueue_indirect_dma source(%dma_start3A_4 : memref<100000x32xf32, #tpu.memory_space<hbm>>) target(%arg16 : memref<128x32xf32, #tpu.memory_space<vmem>>) offsets(%arg15 : memref<128xi32, #tpu.memory_space<vmem>>) semaphore(%arg36 : memref<!tpu.dma_semaphore, #tpu.memory_space<semaphore_mem>>)
    %dma_start3A_5 = arith.constant 0 : i32
    %dma_start3A_6 = arith.constant 0 : i32
    %dma_start3A_7 = tpu.memref_slice %arg7[%dma_start3A_5, %dma_start3A_6] : memref<100000x32xf32, #tpu.memory_space<hbm>> -> memref<100000x32xf32, #tpu.memory_space<hbm>>
    tpu.enqueue_indirect_dma source(%dma_start3A_7 : memref<100000x32xf32, #tpu.memory_space<hbm>>) target(%arg17 : memref<128x32xf32, #tpu.memory_space<vmem>>) offsets(%arg14 : memref<128xi32, #tpu.memory_space<vmem>>) semaphore(%arg36 : memref<!tpu.dma_semaphore, #tpu.memory_space<semaphore_mem>>)
    %dma_start3A_8 = arith.constant 0 : i32
    %dma_start3A_9 = arith.constant 0 : i32
    %dma_start3A_10 = tpu.memref_slice %arg4[%dma_start3A_8, %dma_start3A_9] : memref<100000x16xi32, #tpu.memory_space<hbm>> -> memref<100000x16xi32, #tpu.memory_space<hbm>>
    tpu.enqueue_indirect_dma source(%dma_start3A_10 : memref<100000x16xi32, #tpu.memory_space<hbm>>) target(%arg18 : memref<128x16xi32, #tpu.memory_space<vmem>>) offsets(%arg14 : memref<128xi32, #tpu.memory_space<vmem>>) semaphore(%arg36 : memref<!tpu.dma_semaphore, #tpu.memory_space<semaphore_mem>>)
    %dma_start3A_11 = arith.constant 0 : i32
    %dma_start3A_12 = arith.constant 0 : i32
    %dma_start3A_13 = tpu.memref_slice %arg5[%dma_start3A_11, %dma_start3A_12] : memref<100000x16xi32, #tpu.memory_space<hbm>> -> memref<100000x16xi32, #tpu.memory_space<hbm>>
    tpu.enqueue_indirect_dma source(%dma_start3A_13 : memref<100000x16xi32, #tpu.memory_space<hbm>>) target(%arg19 : memref<128x16xi32, #tpu.memory_space<vmem>>) offsets(%arg14 : memref<128xi32, #tpu.memory_space<vmem>>) semaphore(%arg36 : memref<!tpu.dma_semaphore, #tpu.memory_space<semaphore_mem>>)
    %dma_wait3A = arith.constant 0 : i32
    %dma_wait3A_14 = arith.constant 0 : i32
    %dma_wait3A_15 = tpu.memref_slice %arg6[%dma_wait3A, %dma_wait3A_14] : memref<100000x32xf32, #tpu.memory_space<hbm>> -> memref<100000x32xf32, #tpu.memory_space<hbm>>
    tpu.wait_indirect_dma semaphore(%arg36 : memref<!tpu.dma_semaphore, #tpu.memory_space<semaphore_mem>>) src(%dma_wait3A_15 : memref<100000x32xf32, #tpu.memory_space<hbm>>) dst(%arg16 : memref<128x32xf32, #tpu.memory_space<vmem>>)
    %dma_wait3A_16 = arith.constant 0 : i32
    %dma_wait3A_17 = arith.constant 0 : i32
    %dma_wait3A_18 = tpu.memref_slice %arg7[%dma_wait3A_16, %dma_wait3A_17] : memref<100000x32xf32, #tpu.memory_space<hbm>> -> memref<100000x32xf32, #tpu.memory_space<hbm>>
    tpu.wait_indirect_dma semaphore(%arg36 : memref<!tpu.dma_semaphore, #tpu.memory_space<semaphore_mem>>) src(%dma_wait3A_18 : memref<100000x32xf32, #tpu.memory_space<hbm>>) dst(%arg17 : memref<128x32xf32, #tpu.memory_space<vmem>>)
    %dma_wait3A_19 = arith.constant 0 : i32
    %dma_wait3A_20 = arith.constant 0 : i32
    %dma_wait3A_21 = tpu.memref_slice %arg4[%dma_wait3A_19, %dma_wait3A_20] : memref<100000x16xi32, #tpu.memory_space<hbm>> -> memref<100000x16xi32, #tpu.memory_space<hbm>>
    tpu.wait_indirect_dma semaphore(%arg36 : memref<!tpu.dma_semaphore, #tpu.memory_space<semaphore_mem>>) src(%dma_wait3A_21 : memref<100000x16xi32, #tpu.memory_space<hbm>>) dst(%arg18 : memref<128x16xi32, #tpu.memory_space<vmem>>)
    %dma_wait3A_22 = arith.constant 0 : i32
    %dma_wait3A_23 = arith.constant 0 : i32
    %dma_wait3A_24 = tpu.memref_slice %arg5[%dma_wait3A_22, %dma_wait3A_23] : memref<100000x16xi32, #tpu.memory_space<hbm>> -> memref<100000x16xi32, #tpu.memory_space<hbm>>
    tpu.wait_indirect_dma semaphore(%arg36 : memref<!tpu.dma_semaphore, #tpu.memory_space<semaphore_mem>>) src(%dma_wait3A_24 : memref<100000x16xi32, #tpu.memory_space<hbm>>) dst(%arg19 : memref<128x16xi32, #tpu.memory_space<vmem>>)
    "tpu.region"() ({
      %run_scoped3A = tpu.sem_alloc : memref<!tpu.dma_semaphore, #tpu.memory_space<semaphore_mem>>
      %dma_start3A_193 = arith.constant 0 : i32
      %dma_start3A_194 = tpu.memref_slice %arg9[%mul3A_2, %dma_start3A_193] : memref<4096x32xf32, #tpu.memory_space<hbm>> -> memref<128x32xf32, #tpu.memory_space<hbm>>
      %dma_start3A_195 = arith.constant 0 : i32
      %dma_start3A_196 = tpu.memref_slice %arg9[%mul3A_2, %dma_start3A_195] : memref<4096x32xf32, #tpu.memory_space<hbm>> -> memref<128x32xf32, #tpu.memory_space<hbm>>
      tpu.enqueue_dma source(%arg16 : memref<128x32xf32, #tpu.memory_space<vmem>>) target(%dma_start3A_196 : memref<128x32xf32, #tpu.memory_space<hbm>>) target_semaphore(%run_scoped3A : memref<!tpu.dma_semaphore, #tpu.memory_space<semaphore_mem>>)
      %dma_wait3A_197 = arith.constant 0 : i32
      %dma_wait3A_198 = tpu.memref_slice %arg9[%mul3A_2, %dma_wait3A_197] : memref<4096x32xf32, #tpu.memory_space<hbm>> -> memref<128x32xf32, #tpu.memory_space<hbm>>
      %dma_wait3A_199 = arith.constant 0 : i32
      %dma_wait3A_200 = tpu.memref_slice %arg9[%mul3A_2, %dma_wait3A_199] : memref<4096x32xf32, #tpu.memory_space<hbm>> -> memref<128x32xf32, #tpu.memory_space<hbm>>
      tpu.wait_dma2 semaphore(%run_scoped3A : memref<!tpu.dma_semaphore, #tpu.memory_space<semaphore_mem>>) src(%arg16 : memref<128x32xf32, #tpu.memory_space<vmem>>) dst(%dma_wait3A_200 : memref<128x32xf32, #tpu.memory_space<hbm>>)
      tpu.yield
    }) : () -> ()
    "tpu.region"() ({
      %run_scoped3A = tpu.sem_alloc : memref<!tpu.dma_semaphore, #tpu.memory_space<semaphore_mem>>
      %dma_start3A_193 = arith.constant 0 : i32
      %dma_start3A_194 = tpu.memref_slice %arg10[%mul3A_2, %dma_start3A_193] : memref<4096x32xf32, #tpu.memory_space<hbm>> -> memref<128x32xf32, #tpu.memory_space<hbm>>
      %dma_start3A_195 = arith.constant 0 : i32
      %dma_start3A_196 = tpu.memref_slice %arg10[%mul3A_2, %dma_start3A_195] : memref<4096x32xf32, #tpu.memory_space<hbm>> -> memref<128x32xf32, #tpu.memory_space<hbm>>
      tpu.enqueue_dma source(%arg17 : memref<128x32xf32, #tpu.memory_space<vmem>>) target(%dma_start3A_196 : memref<128x32xf32, #tpu.memory_space<hbm>>) target_semaphore(%run_scoped3A : memref<!tpu.dma_semaphore, #tpu.memory_space<semaphore_mem>>)
      %dma_wait3A_197 = arith.constant 0 : i32
      %dma_wait3A_198 = tpu.memref_slice %arg10[%mul3A_2, %dma_wait3A_197] : memref<4096x32xf32, #tpu.memory_space<hbm>> -> memref<128x32xf32, #tpu.memory_space<hbm>>
      %dma_wait3A_199 = arith.constant 0 : i32
      %dma_wait3A_200 = tpu.memref_slice %arg10[%mul3A_2, %dma_wait3A_199] : memref<4096x32xf32, #tpu.memory_space<hbm>> -> memref<128x32xf32, #tpu.memory_space<hbm>>
      tpu.wait_dma2 semaphore(%run_scoped3A : memref<!tpu.dma_semaphore, #tpu.memory_space<semaphore_mem>>) src(%arg17 : memref<128x32xf32, #tpu.memory_space<vmem>>) dst(%dma_wait3A_200 : memref<128x32xf32, #tpu.memory_space<hbm>>)
      tpu.yield
    }) : () -> ()
    %scan3A = arith.constant 0 : i32
    %scan3A_25 = arith.constant 0 : i32
    %scan3A_26 = arith.constant 128 : i32
    %scan3A_27 = arith.addi %scan3A_25, %scan3A_26 : i32
    %scan3A_28 = arith.constant 1 : i32
    %scan3A_29 = scf.for %scan3A_193 = %scan3A_25 to %scan3A_27 step %scan3A_28 iter_args(%scan3A_194 = %scan3A) -> (i32)  : i32 {
      %broadcast_in_dim3A = arith.constant 0.000000e+00 : f32
      %broadcast_in_dim3A_195 = vector.broadcast %broadcast_in_dim3A : f32 to vector<16xf32>
      %broadcast_in_dim3A_196 = arith.constant 0.000000e+00 : f32
      %broadcast_in_dim3A_197 = vector.broadcast %broadcast_in_dim3A_196 : f32 to vector<16xf32>
      %get3A_198 = arith.index_cast %scan3A_193 : i32 to index
      %get3A_199 = arith.constant 0 : index
      %get3A_200 = tpu.vector_load %arg16[%get3A_198, %get3A_199] {strides = array<i32>} : memref<128x32xf32, #tpu.memory_space<vmem>>, vector<16xf32>,
      %get3A_201 = arith.index_cast %scan3A_193 : i32 to index
      %get3A_202 = arith.constant 16 : index
      %get3A_203 = tpu.vector_load %arg16[%get3A_201, %get3A_202] {strides = array<i32>} : memref<128x32xf32, #tpu.memory_space<vmem>>, vector<16xf32>,
      %slice3A = vector.extract_strided_slice %get3A_200 {offsets = [0], sizes = [1], strides = [1]} : vector<16xf32> to vector<1xf32>
      %squeeze3A = vector.extract %slice3A[0] : f32 from vector<1xf32>
      %get3A_204 = arith.constant 0 : i32
      %get3A_205 = arith.index_cast %get3A_204 : i32 to index
      %get3A_206 = arith.constant 0 : index
      %get3A_207 = tpu.vector_load %arg20[%get3A_205, %get3A_206] {strides = array<i32>} : memref<32x32xf32, #tpu.memory_space<vmem>>, vector<16xf32>,
      %mul3A_208 = vector.broadcast %squeeze3A : f32 to vector<16xf32>
      %mul3A_209 = arith.mulf %mul3A_208, %get3A_207 : vector<16xf32>
      %add3A_210 = arith.addf %broadcast_in_dim3A_195, %mul3A_209 : vector<16xf32>
      %get3A_211 = arith.constant 0 : i32
      %get3A_212 = arith.index_cast %get3A_211 : i32 to index
      %get3A_213 = arith.constant 16 : index
      %get3A_214 = tpu.vector_load %arg20[%get3A_212, %get3A_213] {strides = array<i32>} : memref<32x32xf32, #tpu.memory_space<vmem>>, vector<16xf32>,
      %mul3A_215 = vector.broadcast %squeeze3A : f32 to vector<16xf32>
      %mul3A_216 = arith.mulf %mul3A_215, %get3A_214 : vector<16xf32>
      %add3A_217 = arith.addf %broadcast_in_dim3A_197, %mul3A_216 : vector<16xf32>
      %slice3A_218 = vector.extract_strided_slice %get3A_200 {offsets = [1], sizes = [1], strides = [1]} : vector<16xf32> to vector<1xf32>
      %squeeze3A_219 = vector.extract %slice3A_218[0] : f32 from vector<1xf32>
      %get3A_220 = arith.constant 1 : i32
      %get3A_221 = arith.index_cast %get3A_220 : i32 to index
      %get3A_222 = arith.constant 0 : index
      %get3A_223 = tpu.vector_load %arg20[%get3A_221, %get3A_222] {strides = array<i32>} : memref<32x32xf32, #tpu.memory_space<vmem>>, vector<16xf32>,
      %mul3A_224 = vector.broadcast %squeeze3A_219 : f32 to vector<16xf32>
      %mul3A_225 = arith.mulf %mul3A_224, %get3A_223 : vector<16xf32>
      %add3A_226 = arith.addf %add3A_210, %mul3A_225 : vector<16xf32>
      %get3A_227 = arith.constant 1 : i32
      %get3A_228 = arith.index_cast %get3A_227 : i32 to index
      %get3A_229 = arith.constant 16 : index
      %get3A_230 = tpu.vector_load %arg20[%get3A_228, %get3A_229] {strides = array<i32>} : memref<32x32xf32, #tpu.memory_space<vmem>>, vector<16xf32>,
      %mul3A_231 = vector.broadcast %squeeze3A_219 : f32 to vector<16xf32>
      %mul3A_232 = arith.mulf %mul3A_231, %get3A_230 : vector<16xf32>
      %add3A_233 = arith.addf %add3A_217, %mul3A_232 : vector<16xf32>
      %slice3A_234 = vector.extract_strided_slice %get3A_200 {offsets = [2], sizes = [1], strides = [1]} : vector<16xf32> to vector<1xf32>
      %squeeze3A_235 = vector.extract %slice3A_234[0] : f32 from vector<1xf32>
      %get3A_236 = arith.constant 2 : i32
      %get3A_237 = arith.index_cast %get3A_236 : i32 to index
      %get3A_238 = arith.constant 0 : index
      %get3A_239 = tpu.vector_load %arg20[%get3A_237, %get3A_238] {strides = array<i32>} : memref<32x32xf32, #tpu.memory_space<vmem>>, vector<16xf32>,
      %mul3A_240 = vector.broadcast %squeeze3A_235 : f32 to vector<16xf32>
      %mul3A_241 = arith.mulf %mul3A_240, %get3A_239 : vector<16xf32>
      %add3A_242 = arith.addf %add3A_226, %mul3A_241 : vector<16xf32>
      %get3A_243 = arith.constant 2 : i32
      %get3A_244 = arith.index_cast %get3A_243 : i32 to index
      %get3A_245 = arith.constant 16 : index
      %get3A_246 = tpu.vector_load %arg20[%get3A_244, %get3A_245] {strides = array<i32>} : memref<32x32xf32, #tpu.memory_space<vmem>>, vector<16xf32>,
      %mul3A_247 = vector.broadcast %squeeze3A_235 : f32 to vector<16xf32>
      %mul3A_248 = arith.mulf %mul3A_247, %get3A_246 : vector<16xf32>
      %add3A_249 = arith.addf %add3A_233, %mul3A_248 : vector<16xf32>
      %slice3A_250 = vector.extract_strided_slice %get3A_200 {offsets = [3], sizes = [1], strides = [1]} : vector<16xf32> to vector<1xf32>
      %squeeze3A_251 = vector.extract %slice3A_250[0] : f32 from vector<1xf32>
      %get3A_252 = arith.constant 3 : i32
      %get3A_253 = arith.index_cast %get3A_252 : i32 to index
      %get3A_254 = arith.constant 0 : index
      %get3A_255 = tpu.vector_load %arg20[%get3A_253, %get3A_254] {strides = array<i32>} : memref<32x32xf32, #tpu.memory_space<vmem>>, vector<16xf32>,
      %mul3A_256 = vector.broadcast %squeeze3A_251 : f32 to vector<16xf32>
      %mul3A_257 = arith.mulf %mul3A_256, %get3A_255 : vector<16xf32>
      %add3A_258 = arith.addf %add3A_242, %mul3A_257 : vector<16xf32>
      %get3A_259 = arith.constant 3 : i32
      %get3A_260 = arith.index_cast %get3A_259 : i32 to index
      %get3A_261 = arith.constant 16 : index
      %get3A_262 = tpu.vector_load %arg20[%get3A_260, %get3A_261] {strides = array<i32>} : memref<32x32xf32, #tpu.memory_space<vmem>>, vector<16xf32>,
      %mul3A_263 = vector.broadcast %squeeze3A_251 : f32 to vector<16xf32>
      %mul3A_264 = arith.mulf %mul3A_263, %get3A_262 : vector<16xf32>
      %add3A_265 = arith.addf %add3A_249, %mul3A_264 : vector<16xf32>
      %slice3A_266 = vector.extract_strided_slice %get3A_200 {offsets = [4], sizes = [1], strides = [1]} : vector<16xf32> to vector<1xf32>
      %squeeze3A_267 = vector.extract %slice3A_266[0] : f32 from vector<1xf32>
      %get3A_268 = arith.constant 4 : i32
      %get3A_269 = arith.index_cast %get3A_268 : i32 to index
      %get3A_270 = arith.constant 0 : index
      %get3A_271 = tpu.vector_load %arg20[%get3A_269, %get3A_270] {strides = array<i32>} : memref<32x32xf32, #tpu.memory_space<vmem>>, vector<16xf32>,
      %mul3A_272 = vector.broadcast %squeeze3A_267 : f32 to vector<16xf32>
      %mul3A_273 = arith.mulf %mul3A_272, %get3A_271 : vector<16xf32>
      %add3A_274 = arith.addf %add3A_258, %mul3A_273 : vector<16xf32>
      %get3A_275 = arith.constant 4 : i32
      %get3A_276 = arith.index_cast %get3A_275 : i32 to index
      %get3A_277 = arith.constant 16 : index
      %get3A_278 = tpu.vector_load %arg20[%get3A_276, %get3A_277] {strides = array<i32>} : memref<32x32xf32, #tpu.memory_space<vmem>>, vector<16xf32>,
      %mul3A_279 = vector.broadcast %squeeze3A_267 : f32 to vector<16xf32>
      %mul3A_280 = arith.mulf %mul3A_279, %get3A_278 : vector<16xf32>
      %add3A_281 = arith.addf %add3A_265, %mul3A_280 : vector<16xf32>
      %slice3A_282 = vector.extract_strided_slice %get3A_200 {offsets = [5], sizes = [1], strides = [1]} : vector<16xf32> to vector<1xf32>
      %squeeze3A_283 = vector.extract %slice3A_282[0] : f32 from vector<1xf32>
      %get3A_284 = arith.constant 5 : i32
      %get3A_285 = arith.index_cast %get3A_284 : i32 to index
      %get3A_286 = arith.constant 0 : index
      %get3A_287 = tpu.vector_load %arg20[%get3A_285, %get3A_286] {strides = array<i32>} : memref<32x32xf32, #tpu.memory_space<vmem>>, vector<16xf32>,
      %mul3A_288 = vector.broadcast %squeeze3A_283 : f32 to vector<16xf32>
      %mul3A_289 = arith.mulf %mul3A_288, %get3A_287 : vector<16xf32>
      %add3A_290 = arith.addf %add3A_274, %mul3A_289 : vector<16xf32>
      %get3A_291 = arith.constant 5 : i32
      %get3A_292 = arith.index_cast %get3A_291 : i32 to index
      %get3A_293 = arith.constant 16 : index
      %get3A_294 = tpu.vector_load %arg20[%get3A_292, %get3A_293] {strides = array<i32>} : memref<32x32xf32, #tpu.memory_space<vmem>>, vector<16xf32>,
      %mul3A_295 = vector.broadcast %squeeze3A_283 : f32 to vector<16xf32>
      %mul3A_296 = arith.mulf %mul3A_295, %get3A_294 : vector<16xf32>
      %add3A_297 = arith.addf %add3A_281, %mul3A_296 : vector<16xf32>
      %slice3A_298 = vector.extract_strided_slice %get3A_200 {offsets = [6], sizes = [1], strides = [1]} : vector<16xf32> to vector<1xf32>
      %squeeze3A_299 = vector.extract %slice3A_298[0] : f32 from vector<1xf32>
      %get3A_300 = arith.constant 6 : i32
      %get3A_301 = arith.index_cast %get3A_300 : i32 to index
      %get3A_302 = arith.constant 0 : index
      %get3A_303 = tpu.vector_load %arg20[%get3A_301, %get3A_302] {strides = array<i32>} : memref<32x32xf32, #tpu.memory_space<vmem>>, vector<16xf32>,
      %mul3A_304 = vector.broadcast %squeeze3A_299 : f32 to vector<16xf32>
      %mul3A_305 = arith.mulf %mul3A_304, %get3A_303 : vector<16xf32>
      %add3A_306 = arith.addf %add3A_290, %mul3A_305 : vector<16xf32>
      %get3A_307 = arith.constant 6 : i32
      %get3A_308 = arith.index_cast %get3A_307 : i32 to index
      %get3A_309 = arith.constant 16 : index
      %get3A_310 = tpu.vector_load %arg20[%get3A_308, %get3A_309] {strides = array<i32>} : memref<32x32xf32, #tpu.memory_space<vmem>>, vector<16xf32>,
      %mul3A_311 = vector.broadcast %squeeze3A_299 : f32 to vector<16xf32>
      %mul3A_312 = arith.mulf %mul3A_311, %get3A_310 : vector<16xf32>
      %add3A_313 = arith.addf %add3A_297, %mul3A_312 : vector<16xf32>
      %slice3A_314 = vector.extract_strided_slice %get3A_200 {offsets = [7], sizes = [1], strides = [1]} : vector<16xf32> to vector<1xf32>
      %squeeze3A_315 = vector.extract %slice3A_314[0] : f32 from vector<1xf32>
      %get3A_316 = arith.constant 7 : i32
      %get3A_317 = arith.index_cast %get3A_316 : i32 to index
      %get3A_318 = arith.constant 0 : index
      %get3A_319 = tpu.vector_load %arg20[%get3A_317, %get3A_318] {strides = array<i32>} : memref<32x32xf32, #tpu.memory_space<vmem>>, vector<16xf32>,
      %mul3A_320 = vector.broadcast %squeeze3A_315 : f32 to vector<16xf32>
      %mul3A_321 = arith.mulf %mul3A_320, %get3A_319 : vector<16xf32>
      %add3A_322 = arith.addf %add3A_306, %mul3A_321 : vector<16xf32>
      %get3A_323 = arith.constant 7 : i32
      %get3A_324 = arith.index_cast %get3A_323 : i32 to index
      %get3A_325 = arith.constant 16 : index
      %get3A_326 = tpu.vector_load %arg20[%get3A_324, %get3A_325] {strides = array<i32>} : memref<32x32xf32, #tpu.memory_space<vmem>>, vector<16xf32>,
      %mul3A_327 = vector.broadcast %squeeze3A_315 : f32 to vector<16xf32>
      %mul3A_328 = arith.mulf %mul3A_327, %get3A_326 : vector<16xf32>
      %add3A_329 = arith.addf %add3A_313, %mul3A_328 : vector<16xf32>
      %slice3A_330 = vector.extract_strided_slice %get3A_200 {offsets = [8], sizes = [1], strides = [1]} : vector<16xf32> to vector<1xf32>
      %squeeze3A_331 = vector.extract %slice3A_330[0] : f32 from vector<1xf32>
      %get3A_332 = arith.constant 8 : i32
      %get3A_333 = arith.index_cast %get3A_332 : i32 to index
      %get3A_334 = arith.constant 0 : index
      %get3A_335 = tpu.vector_load %arg20[%get3A_333, %get3A_334] {strides = array<i32>} : memref<32x32xf32, #tpu.memory_space<vmem>>, vector<16xf32>,
      %mul3A_336 = vector.broadcast %squeeze3A_331 : f32 to vector<16xf32>
      %mul3A_337 = arith.mulf %mul3A_336, %get3A_335 : vector<16xf32>
      %add3A_338 = arith.addf %add3A_322, %mul3A_337 : vector<16xf32>
      %get3A_339 = arith.constant 8 : i32
      %get3A_340 = arith.index_cast %get3A_339 : i32 to index
      %get3A_341 = arith.constant 16 : index
      %get3A_342 = tpu.vector_load %arg20[%get3A_340, %get3A_341] {strides = array<i32>} : memref<32x32xf32, #tpu.memory_space<vmem>>, vector<16xf32>,
      %mul3A_343 = vector.broadcast %squeeze3A_331 : f32 to vector<16xf32>
      %mul3A_344 = arith.mulf %mul3A_343, %get3A_342 : vector<16xf32>
      %add3A_345 = arith.addf %add3A_329, %mul3A_344 : vector<16xf32>
      %slice3A_346 = vector.extract_strided_slice %get3A_200 {offsets = [9], sizes = [1], strides = [1]} : vector<16xf32> to vector<1xf32>
      %squeeze3A_347 = vector.extract %slice3A_346[0] : f32 from vector<1xf32>
      %get3A_348 = arith.constant 9 : i32
      %get3A_349 = arith.index_cast %get3A_348 : i32 to index
      %get3A_350 = arith.constant 0 : index
      %get3A_351 = tpu.vector_load %arg20[%get3A_349, %get3A_350] {strides = array<i32>} : memref<32x32xf32, #tpu.memory_space<vmem>>, vector<16xf32>,
      %mul3A_352 = vector.broadcast %squeeze3A_347 : f32 to vector<16xf32>
      %mul3A_353 = arith.mulf %mul3A_352, %get3A_351 : vector<16xf32>
      %add3A_354 = arith.addf %add3A_338, %mul3A_353 : vector<16xf32>
      %get3A_355 = arith.constant 9 : i32
      %get3A_356 = arith.index_cast %get3A_355 : i32 to index
      %get3A_357 = arith.constant 16 : index
      %get3A_358 = tpu.vector_load %arg20[%get3A_356, %get3A_357] {strides = array<i32>} : memref<32x32xf32, #tpu.memory_space<vmem>>, vector<16xf32>,
      %mul3A_359 = vector.broadcast %squeeze3A_347 : f32 to vector<16xf32>
      %mul3A_360 = arith.mulf %mul3A_359, %get3A_358 : vector<16xf32>
      %add3A_361 = arith.addf %add3A_345, %mul3A_360 : vector<16xf32>
      %slice3A_362 = vector.extract_strided_slice %get3A_200 {offsets = [10], sizes = [1], strides = [1]} : vector<16xf32> to vector<1xf32>
      %squeeze3A_363 = vector.extract %slice3A_362[0] : f32 from vector<1xf32>
      %get3A_364 = arith.constant 10 : i32
      %get3A_365 = arith.index_cast %get3A_364 : i32 to index
      %get3A_366 = arith.constant 0 : index
      %get3A_367 = tpu.vector_load %arg20[%get3A_365, %get3A_366] {strides = array<i32>} : memref<32x32xf32, #tpu.memory_space<vmem>>, vector<16xf32>,
      %mul3A_368 = vector.broadcast %squeeze3A_363 : f32 to vector<16xf32>
      %mul3A_369 = arith.mulf %mul3A_368, %get3A_367 : vector<16xf32>
      %add3A_370 = arith.addf %add3A_354, %mul3A_369 : vector<16xf32>
      %get3A_371 = arith.constant 10 : i32
      %get3A_372 = arith.index_cast %get3A_371 : i32 to index
      %get3A_373 = arith.constant 16 : index
      %get3A_374 = tpu.vector_load %arg20[%get3A_372, %get3A_373] {strides = array<i32>} : memref<32x32xf32, #tpu.memory_space<vmem>>, vector<16xf32>,
      %mul3A_375 = vector.broadcast %squeeze3A_363 : f32 to vector<16xf32>
      %mul3A_376 = arith.mulf %mul3A_375, %get3A_374 : vector<16xf32>
      %add3A_377 = arith.addf %add3A_361, %mul3A_376 : vector<16xf32>
      %slice3A_378 = vector.extract_strided_slice %get3A_200 {offsets = [11], sizes = [1], strides = [1]} : vector<16xf32> to vector<1xf32>
      %squeeze3A_379 = vector.extract %slice3A_378[0] : f32 from vector<1xf32>
      %get3A_380 = arith.constant 11 : i32
      %get3A_381 = arith.index_cast %get3A_380 : i32 to index
      %get3A_382 = arith.constant 0 : index
      %get3A_383 = tpu.vector_load %arg20[%get3A_381, %get3A_382] {strides = array<i32>} : memref<32x32xf32, #tpu.memory_space<vmem>>, vector<16xf32>,
      %mul3A_384 = vector.broadcast %squeeze3A_379 : f32 to vector<16xf32>
      %mul3A_385 = arith.mulf %mul3A_384, %get3A_383 : vector<16xf32>
      %add3A_386 = arith.addf %add3A_370, %mul3A_385 : vector<16xf32>
      %get3A_387 = arith.constant 11 : i32
      %get3A_388 = arith.index_cast %get3A_387 : i32 to index
      %get3A_389 = arith.constant 16 : index
      %get3A_390 = tpu.vector_load %arg20[%get3A_388, %get3A_389] {strides = array<i32>} : memref<32x32xf32, #tpu.memory_space<vmem>>, vector<16xf32>,
      %mul3A_391 = vector.broadcast %squeeze3A_379 : f32 to vector<16xf32>
      %mul3A_392 = arith.mulf %mul3A_391, %get3A_390 : vector<16xf32>
      %add3A_393 = arith.addf %add3A_377, %mul3A_392 : vector<16xf32>
      %slice3A_394 = vector.extract_strided_slice %get3A_200 {offsets = [12], sizes = [1], strides = [1]} : vector<16xf32> to vector<1xf32>
      %squeeze3A_395 = vector.extract %slice3A_394[0] : f32 from vector<1xf32>
      %get3A_396 = arith.constant 12 : i32
      %get3A_397 = arith.index_cast %get3A_396 : i32 to index
      %get3A_398 = arith.constant 0 : index
      %get3A_399 = tpu.vector_load %arg20[%get3A_397, %get3A_398] {strides = array<i32>} : memref<32x32xf32, #tpu.memory_space<vmem>>, vector<16xf32>,
      %mul3A_400 = vector.broadcast %squeeze3A_395 : f32 to vector<16xf32>
      %mul3A_401 = arith.mulf %mul3A_400, %get3A_399 : vector<16xf32>
      %add3A_402 = arith.addf %add3A_386, %mul3A_401 : vector<16xf32>
      %get3A_403 = arith.constant 12 : i32
      %get3A_404 = arith.index_cast %get3A_403 : i32 to index
      %get3A_405 = arith.constant 16 : index
      %get3A_406 = tpu.vector_load %arg20[%get3A_404, %get3A_405] {strides = array<i32>} : memref<32x32xf32, #tpu.memory_space<vmem>>, vector<16xf32>,
      %mul3A_407 = vector.broadcast %squeeze3A_395 : f32 to vector<16xf32>
      %mul3A_408 = arith.mulf %mul3A_407, %get3A_406 : vector<16xf32>
      %add3A_409 = arith.addf %add3A_393, %mul3A_408 : vector<16xf32>
      %slice3A_410 = vector.extract_strided_slice %get3A_200 {offsets = [13], sizes = [1], strides = [1]} : vector<16xf32> to vector<1xf32>
      %squeeze3A_411 = vector.extract %slice3A_410[0] : f32 from vector<1xf32>
      %get3A_412 = arith.constant 13 : i32
      %get3A_413 = arith.index_cast %get3A_412 : i32 to index
      %get3A_414 = arith.constant 0 : index
      %get3A_415 = tpu.vector_load %arg20[%get3A_413, %get3A_414] {strides = array<i32>} : memref<32x32xf32, #tpu.memory_space<vmem>>, vector<16xf32>,
      %mul3A_416 = vector.broadcast %squeeze3A_411 : f32 to vector<16xf32>
      %mul3A_417 = arith.mulf %mul3A_416, %get3A_415 : vector<16xf32>
      %add3A_418 = arith.addf %add3A_402, %mul3A_417 : vector<16xf32>
      %get3A_419 = arith.constant 13 : i32
      %get3A_420 = arith.index_cast %get3A_419 : i32 to index
      %get3A_421 = arith.constant 16 : index
      %get3A_422 = tpu.vector_load %arg20[%get3A_420, %get3A_421] {strides = array<i32>} : memref<32x32xf32, #tpu.memory_space<vmem>>, vector<16xf32>,
      %mul3A_423 = vector.broadcast %squeeze3A_411 : f32 to vector<16xf32>
      %mul3A_424 = arith.mulf %mul3A_423, %get3A_422 : vector<16xf32>
      %add3A_425 = arith.addf %add3A_409, %mul3A_424 : vector<16xf32>
      %slice3A_426 = vector.extract_strided_slice %get3A_200 {offsets = [14], sizes = [1], strides = [1]} : vector<16xf32> to vector<1xf32>
      %squeeze3A_427 = vector.extract %slice3A_426[0] : f32 from vector<1xf32>
      %get3A_428 = arith.constant 14 : i32
      %get3A_429 = arith.index_cast %get3A_428 : i32 to index
      %get3A_430 = arith.constant 0 : index
      %get3A_431 = tpu.vector_load %arg20[%get3A_429, %get3A_430] {strides = array<i32>} : memref<32x32xf32, #tpu.memory_space<vmem>>, vector<16xf32>,
      %mul3A_432 = vector.broadcast %squeeze3A_427 : f32 to vector<16xf32>
      %mul3A_433 = arith.mulf %mul3A_432, %get3A_431 : vector<16xf32>
      %add3A_434 = arith.addf %add3A_418, %mul3A_433 : vector<16xf32>
      %get3A_435 = arith.constant 14 : i32
      %get3A_436 = arith.index_cast %get3A_435 : i32 to index
      %get3A_437 = arith.constant 16 : index
      %get3A_438 = tpu.vector_load %arg20[%get3A_436, %get3A_437] {strides = array<i32>} : memref<32x32xf32, #tpu.memory_space<vmem>>, vector<16xf32>,
      %mul3A_439 = vector.broadcast %squeeze3A_427 : f32 to vector<16xf32>
      %mul3A_440 = arith.mulf %mul3A_439, %get3A_438 : vector<16xf32>
      %add3A_441 = arith.addf %add3A_425, %mul3A_440 : vector<16xf32>
      %slice3A_442 = vector.extract_strided_slice %get3A_200 {offsets = [15], sizes = [1], strides = [1]} : vector<16xf32> to vector<1xf32>
      %squeeze3A_443 = vector.extract %slice3A_442[0] : f32 from vector<1xf32>
      %get3A_444 = arith.constant 15 : i32
      %get3A_445 = arith.index_cast %get3A_444 : i32 to index
      %get3A_446 = arith.constant 0 : index
      %get3A_447 = tpu.vector_load %arg20[%get3A_445, %get3A_446] {strides = array<i32>} : memref<32x32xf32, #tpu.memory_space<vmem>>, vector<16xf32>,
      %mul3A_448 = vector.broadcast %squeeze3A_443 : f32 to vector<16xf32>
      %mul3A_449 = arith.mulf %mul3A_448, %get3A_447 : vector<16xf32>
      %add3A_450 = arith.addf %add3A_434, %mul3A_449 : vector<16xf32>
      %get3A_451 = arith.constant 15 : i32
      %get3A_452 = arith.index_cast %get3A_451 : i32 to index
      %get3A_453 = arith.constant 16 : index
      %get3A_454 = tpu.vector_load %arg20[%get3A_452, %get3A_453] {strides = array<i32>} : memref<32x32xf32, #tpu.memory_space<vmem>>, vector<16xf32>,
      %mul3A_455 = vector.broadcast %squeeze3A_443 : f32 to vector<16xf32>
      %mul3A_456 = arith.mulf %mul3A_455, %get3A_454 : vector<16xf32>
      %add3A_457 = arith.addf %add3A_441, %mul3A_456 : vector<16xf32>
      %slice3A_458 = vector.extract_strided_slice %get3A_203 {offsets = [0], sizes = [1], strides = [1]} : vector<16xf32> to vector<1xf32>
      %squeeze3A_459 = vector.extract %slice3A_458[0] : f32 from vector<1xf32>
      %get3A_460 = arith.constant 16 : i32
      %get3A_461 = arith.index_cast %get3A_460 : i32 to index
      %get3A_462 = arith.constant 0 : index
      %get3A_463 = tpu.vector_load %arg20[%get3A_461, %get3A_462] {strides = array<i32>} : memref<32x32xf32, #tpu.memory_space<vmem>>, vector<16xf32>,
      %mul3A_464 = vector.broadcast %squeeze3A_459 : f32 to vector<16xf32>
      %mul3A_465 = arith.mulf %mul3A_464, %get3A_463 : vector<16xf32>
      %add3A_466 = arith.addf %add3A_450, %mul3A_465 : vector<16xf32>
      %get3A_467 = arith.constant 16 : i32
      %get3A_468 = arith.index_cast %get3A_467 : i32 to index
      %get3A_469 = arith.constant 16 : index
      %get3A_470 = tpu.vector_load %arg20[%get3A_468, %get3A_469] {strides = array<i32>} : memref<32x32xf32, #tpu.memory_space<vmem>>, vector<16xf32>,
      %mul3A_471 = vector.broadcast %squeeze3A_459 : f32 to vector<16xf32>
      %mul3A_472 = arith.mulf %mul3A_471, %get3A_470 : vector<16xf32>
      %add3A_473 = arith.addf %add3A_457, %mul3A_472 : vector<16xf32>
      %slice3A_474 = vector.extract_strided_slice %get3A_203 {offsets = [1], sizes = [1], strides = [1]} : vector<16xf32> to vector<1xf32>
      %squeeze3A_475 = vector.extract %slice3A_474[0] : f32 from vector<1xf32>
      %get3A_476 = arith.constant 17 : i32
      %get3A_477 = arith.index_cast %get3A_476 : i32 to index
      %get3A_478 = arith.constant 0 : index
      %get3A_479 = tpu.vector_load %arg20[%get3A_477, %get3A_478] {strides = array<i32>} : memref<32x32xf32, #tpu.memory_space<vmem>>, vector<16xf32>,
      %mul3A_480 = vector.broadcast %squeeze3A_475 : f32 to vector<16xf32>
      %mul3A_481 = arith.mulf %mul3A_480, %get3A_479 : vector<16xf32>
      %add3A_482 = arith.addf %add3A_466, %mul3A_481 : vector<16xf32>
      %get3A_483 = arith.constant 17 : i32
      %get3A_484 = arith.index_cast %get3A_483 : i32 to index
      %get3A_485 = arith.constant 16 : index
      %get3A_486 = tpu.vector_load %arg20[%get3A_484, %get3A_485] {strides = array<i32>} : memref<32x32xf32, #tpu.memory_space<vmem>>, vector<16xf32>,
      %mul3A_487 = vector.broadcast %squeeze3A_475 : f32 to vector<16xf32>
      %mul3A_488 = arith.mulf %mul3A_487, %get3A_486 : vector<16xf32>
      %add3A_489 = arith.addf %add3A_473, %mul3A_488 : vector<16xf32>
      %slice3A_490 = vector.extract_strided_slice %get3A_203 {offsets = [2], sizes = [1], strides = [1]} : vector<16xf32> to vector<1xf32>
      %squeeze3A_491 = vector.extract %slice3A_490[0] : f32 from vector<1xf32>
      %get3A_492 = arith.constant 18 : i32
      %get3A_493 = arith.index_cast %get3A_492 : i32 to index
      %get3A_494 = arith.constant 0 : index
      %get3A_495 = tpu.vector_load %arg20[%get3A_493, %get3A_494] {strides = array<i32>} : memref<32x32xf32, #tpu.memory_space<vmem>>, vector<16xf32>,
      %mul3A_496 = vector.broadcast %squeeze3A_491 : f32 to vector<16xf32>
      %mul3A_497 = arith.mulf %mul3A_496, %get3A_495 : vector<16xf32>
      %add3A_498 = arith.addf %add3A_482, %mul3A_497 : vector<16xf32>
      %get3A_499 = arith.constant 18 : i32
      %get3A_500 = arith.index_cast %get3A_499 : i32 to index
      %get3A_501 = arith.constant 16 : index
      %get3A_502 = tpu.vector_load %arg20[%get3A_500, %get3A_501] {strides = array<i32>} : memref<32x32xf32, #tpu.memory_space<vmem>>, vector<16xf32>,
      %mul3A_503 = vector.broadcast %squeeze3A_491 : f32 to vector<16xf32>
      %mul3A_504 = arith.mulf %mul3A_503, %get3A_502 : vector<16xf32>
      %add3A_505 = arith.addf %add3A_489, %mul3A_504 : vector<16xf32>
      %slice3A_506 = vector.extract_strided_slice %get3A_203 {offsets = [3], sizes = [1], strides = [1]} : vector<16xf32> to vector<1xf32>
      %squeeze3A_507 = vector.extract %slice3A_506[0] : f32 from vector<1xf32>
      %get3A_508 = arith.constant 19 : i32
      %get3A_509 = arith.index_cast %get3A_508 : i32 to index
      %get3A_510 = arith.constant 0 : index
      %get3A_511 = tpu.vector_load %arg20[%get3A_509, %get3A_510] {strides = array<i32>} : memref<32x32xf32, #tpu.memory_space<vmem>>, vector<16xf32>,
      %mul3A_512 = vector.broadcast %squeeze3A_507 : f32 to vector<16xf32>
      %mul3A_513 = arith.mulf %mul3A_512, %get3A_511 : vector<16xf32>
      %add3A_514 = arith.addf %add3A_498, %mul3A_513 : vector<16xf32>
      %get3A_515 = arith.constant 19 : i32
      %get3A_516 = arith.index_cast %get3A_515 : i32 to index
      %get3A_517 = arith.constant 16 : index
      %get3A_518 = tpu.vector_load %arg20[%get3A_516, %get3A_517] {strides = array<i32>} : memref<32x32xf32, #tpu.memory_space<vmem>>, vector<16xf32>,
      %mul3A_519 = vector.broadcast %squeeze3A_507 : f32 to vector<16xf32>
      %mul3A_520 = arith.mulf %mul3A_519, %get3A_518 : vector<16xf32>
      %add3A_521 = arith.addf %add3A_505, %mul3A_520 : vector<16xf32>
      %slice3A_522 = vector.extract_strided_slice %get3A_203 {offsets = [4], sizes = [1], strides = [1]} : vector<16xf32> to vector<1xf32>
      %squeeze3A_523 = vector.extract %slice3A_522[0] : f32 from vector<1xf32>
      %get3A_524 = arith.constant 20 : i32
      %get3A_525 = arith.index_cast %get3A_524 : i32 to index
      %get3A_526 = arith.constant 0 : index
      %get3A_527 = tpu.vector_load %arg20[%get3A_525, %get3A_526] {strides = array<i32>} : memref<32x32xf32, #tpu.memory_space<vmem>>, vector<16xf32>,
      %mul3A_528 = vector.broadcast %squeeze3A_523 : f32 to vector<16xf32>
      %mul3A_529 = arith.mulf %mul3A_528, %get3A_527 : vector<16xf32>
      %add3A_530 = arith.addf %add3A_514, %mul3A_529 : vector<16xf32>
      %get3A_531 = arith.constant 20 : i32
      %get3A_532 = arith.index_cast %get3A_531 : i32 to index
      %get3A_533 = arith.constant 16 : index
      %get3A_534 = tpu.vector_load %arg20[%get3A_532, %get3A_533] {strides = array<i32>} : memref<32x32xf32, #tpu.memory_space<vmem>>, vector<16xf32>,
      %mul3A_535 = vector.broadcast %squeeze3A_523 : f32 to vector<16xf32>
      %mul3A_536 = arith.mulf %mul3A_535, %get3A_534 : vector<16xf32>
      %add3A_537 = arith.addf %add3A_521, %mul3A_536 : vector<16xf32>
      %slice3A_538 = vector.extract_strided_slice %get3A_203 {offsets = [5], sizes = [1], strides = [1]} : vector<16xf32> to vector<1xf32>
      %squeeze3A_539 = vector.extract %slice3A_538[0] : f32 from vector<1xf32>
      %get3A_540 = arith.constant 21 : i32
      %get3A_541 = arith.index_cast %get3A_540 : i32 to index
      %get3A_542 = arith.constant 0 : index
      %get3A_543 = tpu.vector_load %arg20[%get3A_541, %get3A_542] {strides = array<i32>} : memref<32x32xf32, #tpu.memory_space<vmem>>, vector<16xf32>,
      %mul3A_544 = vector.broadcast %squeeze3A_539 : f32 to vector<16xf32>
      %mul3A_545 = arith.mulf %mul3A_544, %get3A_543 : vector<16xf32>
      %add3A_546 = arith.addf %add3A_530, %mul3A_545 : vector<16xf32>
      %get3A_547 = arith.constant 21 : i32
      %get3A_548 = arith.index_cast %get3A_547 : i32 to index
      %get3A_549 = arith.constant 16 : index
      %get3A_550 = tpu.vector_load %arg20[%get3A_548, %get3A_549] {strides = array<i32>} : memref<32x32xf32, #tpu.memory_space<vmem>>, vector<16xf32>,
      %mul3A_551 = vector.broadcast %squeeze3A_539 : f32 to vector<16xf32>
      %mul3A_552 = arith.mulf %mul3A_551, %get3A_550 : vector<16xf32>
      %add3A_553 = arith.addf %add3A_537, %mul3A_552 : vector<16xf32>
      %slice3A_554 = vector.extract_strided_slice %get3A_203 {offsets = [6], sizes = [1], strides = [1]} : vector<16xf32> to vector<1xf32>
      %squeeze3A_555 = vector.extract %slice3A_554[0] : f32 from vector<1xf32>
      %get3A_556 = arith.constant 22 : i32
      %get3A_557 = arith.index_cast %get3A_556 : i32 to index
      %get3A_558 = arith.constant 0 : index
      %get3A_559 = tpu.vector_load %arg20[%get3A_557, %get3A_558] {strides = array<i32>} : memref<32x32xf32, #tpu.memory_space<vmem>>, vector<16xf32>,
      %mul3A_560 = vector.broadcast %squeeze3A_555 : f32 to vector<16xf32>
      %mul3A_561 = arith.mulf %mul3A_560, %get3A_559 : vector<16xf32>
      %add3A_562 = arith.addf %add3A_546, %mul3A_561 : vector<16xf32>
      %get3A_563 = arith.constant 22 : i32
      %get3A_564 = arith.index_cast %get3A_563 : i32 to index
      %get3A_565 = arith.constant 16 : index
      %get3A_566 = tpu.vector_load %arg20[%get3A_564, %get3A_565] {strides = array<i32>} : memref<32x32xf32, #tpu.memory_space<vmem>>, vector<16xf32>,
      %mul3A_567 = vector.broadcast %squeeze3A_555 : f32 to vector<16xf32>
      %mul3A_568 = arith.mulf %mul3A_567, %get3A_566 : vector<16xf32>
      %add3A_569 = arith.addf %add3A_553, %mul3A_568 : vector<16xf32>
      %slice3A_570 = vector.extract_strided_slice %get3A_203 {offsets = [7], sizes = [1], strides = [1]} : vector<16xf32> to vector<1xf32>
      %squeeze3A_571 = vector.extract %slice3A_570[0] : f32 from vector<1xf32>
      %get3A_572 = arith.constant 23 : i32
      %get3A_573 = arith.index_cast %get3A_572 : i32 to index
      %get3A_574 = arith.constant 0 : index
      %get3A_575 = tpu.vector_load %arg20[%get3A_573, %get3A_574] {strides = array<i32>} : memref<32x32xf32, #tpu.memory_space<vmem>>, vector<16xf32>,
      %mul3A_576 = vector.broadcast %squeeze3A_571 : f32 to vector<16xf32>
      %mul3A_577 = arith.mulf %mul3A_576, %get3A_575 : vector<16xf32>
      %add3A_578 = arith.addf %add3A_562, %mul3A_577 : vector<16xf32>
      %get3A_579 = arith.constant 23 : i32
      %get3A_580 = arith.index_cast %get3A_579 : i32 to index
      %get3A_581 = arith.constant 16 : index
      %get3A_582 = tpu.vector_load %arg20[%get3A_580, %get3A_581] {strides = array<i32>} : memref<32x32xf32, #tpu.memory_space<vmem>>, vector<16xf32>,
      %mul3A_583 = vector.broadcast %squeeze3A_571 : f32 to vector<16xf32>
      %mul3A_584 = arith.mulf %mul3A_583, %get3A_582 : vector<16xf32>
      %add3A_585 = arith.addf %add3A_569, %mul3A_584 : vector<16xf32>
      %slice3A_586 = vector.extract_strided_slice %get3A_203 {offsets = [8], sizes = [1], strides = [1]} : vector<16xf32> to vector<1xf32>
      %squeeze3A_587 = vector.extract %slice3A_586[0] : f32 from vector<1xf32>
      %get3A_588 = arith.constant 24 : i32
      %get3A_589 = arith.index_cast %get3A_588 : i32 to index
      %get3A_590 = arith.constant 0 : index
      %get3A_591 = tpu.vector_load %arg20[%get3A_589, %get3A_590] {strides = array<i32>} : memref<32x32xf32, #tpu.memory_space<vmem>>, vector<16xf32>,
      %mul3A_592 = vector.broadcast %squeeze3A_587 : f32 to vector<16xf32>
      %mul3A_593 = arith.mulf %mul3A_592, %get3A_591 : vector<16xf32>
      %add3A_594 = arith.addf %add3A_578, %mul3A_593 : vector<16xf32>
      %get3A_595 = arith.constant 24 : i32
      %get3A_596 = arith.index_cast %get3A_595 : i32 to index
      %get3A_597 = arith.constant 16 : index
      %get3A_598 = tpu.vector_load %arg20[%get3A_596, %get3A_597] {strides = array<i32>} : memref<32x32xf32, #tpu.memory_space<vmem>>, vector<16xf32>,
      %mul3A_599 = vector.broadcast %squeeze3A_587 : f32 to vector<16xf32>
      %mul3A_600 = arith.mulf %mul3A_599, %get3A_598 : vector<16xf32>
      %add3A_601 = arith.addf %add3A_585, %mul3A_600 : vector<16xf32>
      %slice3A_602 = vector.extract_strided_slice %get3A_203 {offsets = [9], sizes = [1], strides = [1]} : vector<16xf32> to vector<1xf32>
      %squeeze3A_603 = vector.extract %slice3A_602[0] : f32 from vector<1xf32>
      %get3A_604 = arith.constant 25 : i32
      %get3A_605 = arith.index_cast %get3A_604 : i32 to index
      %get3A_606 = arith.constant 0 : index
      %get3A_607 = tpu.vector_load %arg20[%get3A_605, %get3A_606] {strides = array<i32>} : memref<32x32xf32, #tpu.memory_space<vmem>>, vector<16xf32>,
      %mul3A_608 = vector.broadcast %squeeze3A_603 : f32 to vector<16xf32>
      %mul3A_609 = arith.mulf %mul3A_608, %get3A_607 : vector<16xf32>
      %add3A_610 = arith.addf %add3A_594, %mul3A_609 : vector<16xf32>
      %get3A_611 = arith.constant 25 : i32
      %get3A_612 = arith.index_cast %get3A_611 : i32 to index
      %get3A_613 = arith.constant 16 : index
      %get3A_614 = tpu.vector_load %arg20[%get3A_612, %get3A_613] {strides = array<i32>} : memref<32x32xf32, #tpu.memory_space<vmem>>, vector<16xf32>,
      %mul3A_615 = vector.broadcast %squeeze3A_603 : f32 to vector<16xf32>
      %mul3A_616 = arith.mulf %mul3A_615, %get3A_614 : vector<16xf32>
      %add3A_617 = arith.addf %add3A_601, %mul3A_616 : vector<16xf32>
      %slice3A_618 = vector.extract_strided_slice %get3A_203 {offsets = [10], sizes = [1], strides = [1]} : vector<16xf32> to vector<1xf32>
      %squeeze3A_619 = vector.extract %slice3A_618[0] : f32 from vector<1xf32>
      %get3A_620 = arith.constant 26 : i32
      %get3A_621 = arith.index_cast %get3A_620 : i32 to index
      %get3A_622 = arith.constant 0 : index
      %get3A_623 = tpu.vector_load %arg20[%get3A_621, %get3A_622] {strides = array<i32>} : memref<32x32xf32, #tpu.memory_space<vmem>>, vector<16xf32>,
      %mul3A_624 = vector.broadcast %squeeze3A_619 : f32 to vector<16xf32>
      %mul3A_625 = arith.mulf %mul3A_624, %get3A_623 : vector<16xf32>
      %add3A_626 = arith.addf %add3A_610, %mul3A_625 : vector<16xf32>
      %get3A_627 = arith.constant 26 : i32
      %get3A_628 = arith.index_cast %get3A_627 : i32 to index
      %get3A_629 = arith.constant 16 : index
      %get3A_630 = tpu.vector_load %arg20[%get3A_628, %get3A_629] {strides = array<i32>} : memref<32x32xf32, #tpu.memory_space<vmem>>, vector<16xf32>,
      %mul3A_631 = vector.broadcast %squeeze3A_619 : f32 to vector<16xf32>
      %mul3A_632 = arith.mulf %mul3A_631, %get3A_630 : vector<16xf32>
      %add3A_633 = arith.addf %add3A_617, %mul3A_632 : vector<16xf32>
      %slice3A_634 = vector.extract_strided_slice %get3A_203 {offsets = [11], sizes = [1], strides = [1]} : vector<16xf32> to vector<1xf32>
      %squeeze3A_635 = vector.extract %slice3A_634[0] : f32 from vector<1xf32>
      %get3A_636 = arith.constant 27 : i32
      %get3A_637 = arith.index_cast %get3A_636 : i32 to index
      %get3A_638 = arith.constant 0 : index
      %get3A_639 = tpu.vector_load %arg20[%get3A_637, %get3A_638] {strides = array<i32>} : memref<32x32xf32, #tpu.memory_space<vmem>>, vector<16xf32>,
      %mul3A_640 = vector.broadcast %squeeze3A_635 : f32 to vector<16xf32>
      %mul3A_641 = arith.mulf %mul3A_640, %get3A_639 : vector<16xf32>
      %add3A_642 = arith.addf %add3A_626, %mul3A_641 : vector<16xf32>
      %get3A_643 = arith.constant 27 : i32
      %get3A_644 = arith.index_cast %get3A_643 : i32 to index
      %get3A_645 = arith.constant 16 : index
      %get3A_646 = tpu.vector_load %arg20[%get3A_644, %get3A_645] {strides = array<i32>} : memref<32x32xf32, #tpu.memory_space<vmem>>, vector<16xf32>,
      %mul3A_647 = vector.broadcast %squeeze3A_635 : f32 to vector<16xf32>
      %mul3A_648 = arith.mulf %mul3A_647, %get3A_646 : vector<16xf32>
      %add3A_649 = arith.addf %add3A_633, %mul3A_648 : vector<16xf32>
      %slice3A_650 = vector.extract_strided_slice %get3A_203 {offsets = [12], sizes = [1], strides = [1]} : vector<16xf32> to vector<1xf32>
      %squeeze3A_651 = vector.extract %slice3A_650[0] : f32 from vector<1xf32>
      %get3A_652 = arith.constant 28 : i32
      %get3A_653 = arith.index_cast %get3A_652 : i32 to index
      %get3A_654 = arith.constant 0 : index
      %get3A_655 = tpu.vector_load %arg20[%get3A_653, %get3A_654] {strides = array<i32>} : memref<32x32xf32, #tpu.memory_space<vmem>>, vector<16xf32>,
      %mul3A_656 = vector.broadcast %squeeze3A_651 : f32 to vector<16xf32>
      %mul3A_657 = arith.mulf %mul3A_656, %get3A_655 : vector<16xf32>
      %add3A_658 = arith.addf %add3A_642, %mul3A_657 : vector<16xf32>
      %get3A_659 = arith.constant 28 : i32
      %get3A_660 = arith.index_cast %get3A_659 : i32 to index
      %get3A_661 = arith.constant 16 : index
      %get3A_662 = tpu.vector_load %arg20[%get3A_660, %get3A_661] {strides = array<i32>} : memref<32x32xf32, #tpu.memory_space<vmem>>, vector<16xf32>,
      %mul3A_663 = vector.broadcast %squeeze3A_651 : f32 to vector<16xf32>
      %mul3A_664 = arith.mulf %mul3A_663, %get3A_662 : vector<16xf32>
      %add3A_665 = arith.addf %add3A_649, %mul3A_664 : vector<16xf32>
      %slice3A_666 = vector.extract_strided_slice %get3A_203 {offsets = [13], sizes = [1], strides = [1]} : vector<16xf32> to vector<1xf32>
      %squeeze3A_667 = vector.extract %slice3A_666[0] : f32 from vector<1xf32>
      %get3A_668 = arith.constant 29 : i32
      %get3A_669 = arith.index_cast %get3A_668 : i32 to index
      %get3A_670 = arith.constant 0 : index
      %get3A_671 = tpu.vector_load %arg20[%get3A_669, %get3A_670] {strides = array<i32>} : memref<32x32xf32, #tpu.memory_space<vmem>>, vector<16xf32>,
      %mul3A_672 = vector.broadcast %squeeze3A_667 : f32 to vector<16xf32>
      %mul3A_673 = arith.mulf %mul3A_672, %get3A_671 : vector<16xf32>
      %add3A_674 = arith.addf %add3A_658, %mul3A_673 : vector<16xf32>
      %get3A_675 = arith.constant 29 : i32
      %get3A_676 = arith.index_cast %get3A_675 : i32 to index
      %get3A_677 = arith.constant 16 : index
      %get3A_678 = tpu.vector_load %arg20[%get3A_676, %get3A_677] {strides = array<i32>} : memref<32x32xf32, #tpu.memory_space<vmem>>, vector<16xf32>,
      %mul3A_679 = vector.broadcast %squeeze3A_667 : f32 to vector<16xf32>
      %mul3A_680 = arith.mulf %mul3A_679, %get3A_678 : vector<16xf32>
      %add3A_681 = arith.addf %add3A_665, %mul3A_680 : vector<16xf32>
      %slice3A_682 = vector.extract_strided_slice %get3A_203 {offsets = [14], sizes = [1], strides = [1]} : vector<16xf32> to vector<1xf32>
      %squeeze3A_683 = vector.extract %slice3A_682[0] : f32 from vector<1xf32>
      %get3A_684 = arith.constant 30 : i32
      %get3A_685 = arith.index_cast %get3A_684 : i32 to index
      %get3A_686 = arith.constant 0 : index
      %get3A_687 = tpu.vector_load %arg20[%get3A_685, %get3A_686] {strides = array<i32>} : memref<32x32xf32, #tpu.memory_space<vmem>>, vector<16xf32>,
      %mul3A_688 = vector.broadcast %squeeze3A_683 : f32 to vector<16xf32>
      %mul3A_689 = arith.mulf %mul3A_688, %get3A_687 : vector<16xf32>
      %add3A_690 = arith.addf %add3A_674, %mul3A_689 : vector<16xf32>
      %get3A_691 = arith.constant 30 : i32
      %get3A_692 = arith.index_cast %get3A_691 : i32 to index
      %get3A_693 = arith.constant 16 : index
      %get3A_694 = tpu.vector_load %arg20[%get3A_692, %get3A_693] {strides = array<i32>} : memref<32x32xf32, #tpu.memory_space<vmem>>, vector<16xf32>,
      %mul3A_695 = vector.broadcast %squeeze3A_683 : f32 to vector<16xf32>
      %mul3A_696 = arith.mulf %mul3A_695, %get3A_694 : vector<16xf32>
      %add3A_697 = arith.addf %add3A_681, %mul3A_696 : vector<16xf32>
      %slice3A_698 = vector.extract_strided_slice %get3A_203 {offsets = [15], sizes = [1], strides = [1]} : vector<16xf32> to vector<1xf32>
      %squeeze3A_699 = vector.extract %slice3A_698[0] : f32 from vector<1xf32>
      %get3A_700 = arith.constant 31 : i32
      %get3A_701 = arith.index_cast %get3A_700 : i32 to index
      %get3A_702 = arith.constant 0 : index
      %get3A_703 = tpu.vector_load %arg20[%get3A_701, %get3A_702] {strides = array<i32>} : memref<32x32xf32, #tpu.memory_space<vmem>>, vector<16xf32>,
      %mul3A_704 = vector.broadcast %squeeze3A_699 : f32 to vector<16xf32>
      %mul3A_705 = arith.mulf %mul3A_704, %get3A_703 : vector<16xf32>
      %add3A_706 = arith.addf %add3A_690, %mul3A_705 : vector<16xf32>
      %get3A_707 = arith.constant 31 : i32
      %get3A_708 = arith.index_cast %get3A_707 : i32 to index
      %get3A_709 = arith.constant 16 : index
      %get3A_710 = tpu.vector_load %arg20[%get3A_708, %get3A_709] {strides = array<i32>} : memref<32x32xf32, #tpu.memory_space<vmem>>, vector<16xf32>,
      %mul3A_711 = vector.broadcast %squeeze3A_699 : f32 to vector<16xf32>
      %mul3A_712 = arith.mulf %mul3A_711, %get3A_710 : vector<16xf32>
      %add3A_713 = arith.addf %add3A_697, %mul3A_712 : vector<16xf32>
      %mul3A_714 = arith.constant 3.125000e-02 : f32
      %mul3A_715 = vector.broadcast %mul3A_714 : f32 to vector<16xf32>
      %mul3A_716 = arith.mulf %add3A_706, %mul3A_715 : vector<16xf32>
      %mul3A_717 = arith.constant 32 : i32
      %mul3A_718 = arith.muli %scan3A_193, %mul3A_717 : i32
      %swap3A_719 = arith.index_cast %mul3A_718 : i32 to index
      %swap3A_720 = tpu.vector_load %arg21[%swap3A_719] {strides = array<i32>} : memref<4096xf32, #tpu.memory_space<vmem>>, vector<16xf32>,
      tpu.vector_store %arg21[%swap3A_719], %mul3A_716 {strides = array<i32>} : memref<4096xf32, #tpu.memory_space<vmem>>, vector<16xf32>,
      %mul3A_721 = arith.constant 3.125000e-02 : f32
      %mul3A_722 = vector.broadcast %mul3A_721 : f32 to vector<16xf32>
      %mul3A_723 = arith.mulf %add3A_713, %mul3A_722 : vector<16xf32>
      %mul3A_724 = arith.constant 32 : i32
      %mul3A_725 = arith.muli %scan3A_193, %mul3A_724 : i32
      %add3A_726 = arith.constant 16 : i32
      %add3A_727 = arith.addi %mul3A_725, %add3A_726 : i32
      %swap3A_728 = arith.index_cast %add3A_727 : i32 to index
      %swap3A_729 = tpu.vector_load %arg21[%swap3A_728] {strides = array<i32>} : memref<4096xf32, #tpu.memory_space<vmem>>, vector<16xf32>,
      tpu.vector_store %arg21[%swap3A_728], %mul3A_723 {strides = array<i32>} : memref<4096xf32, #tpu.memory_space<vmem>>, vector<16xf32>,
      %scan3A_730 = arith.constant 0 : i32
      scf.yield %scan3A_730 : i32
    }
    %scan3A_30 = arith.constant 128 : i32
    %scan3A_31 = arith.constant 0 : i32
    %scan3A_32 = arith.constant 0 : i32
    %scan3A_33 = arith.constant 128 : i32
    %scan3A_34 = arith.addi %scan3A_32, %scan3A_33 : i32
    %scan3A_35 = arith.constant 1 : i32
    %scan3A_36 = scf.for %scan3A_193 = %scan3A_32 to %scan3A_34 step %scan3A_35 iter_args(%scan3A_194 = %scan3A_31) -> (i32)  : i32 {
      %get3A_195 = arith.index_cast %scan3A_193 : i32 to index
      %get3A_196 = arith.constant 0 : index
      %get3A_197 = tpu.vector_load %arg19[%get3A_195, %get3A_196] {strides = array<i32>} : memref<128x16xi32, #tpu.memory_space<vmem>>, vector<16xi32>,
      %mul3A_198 = arith.constant 32 : i32
      %mul3A_199 = arith.muli %scan3A_193, %mul3A_198 : i32
      %add3A_200 = vector.broadcast %mul3A_199 : i32 to vector<16xi32>
      %add3A_201 = arith.addi %add3A_200, %get3A_197 : vector<16xi32>
      %gather3A = tpu.vector_load_idx %arg21[%add3A_201] : memref<4096xf32, #tpu.memory_space<vmem>>[vector<16xi32>], vector<16xf32>,
      %exp3A = math.exp %gather3A : vector<16xf32>
      %reduce_sum3A = arith.constant true
      %reduce_sum3A_202 = vector.broadcast %reduce_sum3A : i1 to vector<16xi1>
      %reduce_sum3A_203 = tpu.scan <sum>, %exp3A masked %reduce_sum3A_202 : vector<16xf32>, vector<16xi1> -> vector<16xf32>
      %reduce_sum3A_204 = vector.extract %reduce_sum3A_203[15] : f32 from vector<16xf32>
      %broadcast_in_dim3A = vector.broadcast %reduce_sum3A_204 : f32 to vector<16xf32>
      %div3A = arith.constant 1.000000e+00 : f32
      %div3A_205 = vector.broadcast %div3A : f32 to vector<16xf32>
      %div3A_206 = arith.divf %div3A_205, %broadcast_in_dim3A : vector<16xf32>
      %mul3A_207 = arith.mulf %exp3A, %div3A_206 : vector<16xf32>
      %swap3A_208 = arith.index_cast %scan3A_193 : i32 to index
      %swap3A_209 = arith.constant 0 : index
      %swap3A_210 = tpu.vector_load %arg22[%swap3A_208, %swap3A_209] {strides = array<i32>} : memref<128x16xf32, #tpu.memory_space<vmem>>, vector<16xf32>,
      tpu.vector_store %arg22[%swap3A_208, %swap3A_209], %mul3A_207 {strides = array<i32>} : memref<128x16xf32, #tpu.memory_space<vmem>>, vector<16xf32>,
      %scan3A_211 = arith.constant 0 : i32
      scf.yield %scan3A_211 : i32
    }
    %scan3A_37 = arith.constant 128 : i32
    "tpu.region"() ({
      %run_scoped3A = tpu.sem_alloc : memref<!tpu.dma_semaphore, #tpu.memory_space<semaphore_mem>>
      %dma_start3A_193 = arith.constant 0 : i32
      %dma_start3A_194 = tpu.memref_slice %arg11[%mul3A_2, %dma_start3A_193] : memref<4096x16xf32, #tpu.memory_space<hbm>> -> memref<128x16xf32, #tpu.memory_space<hbm>>
      %dma_start3A_195 = arith.constant 0 : i32
      %dma_start3A_196 = tpu.memref_slice %arg11[%mul3A_2, %dma_start3A_195] : memref<4096x16xf32, #tpu.memory_space<hbm>> -> memref<128x16xf32, #tpu.memory_space<hbm>>
      tpu.enqueue_dma source(%arg22 : memref<128x16xf32, #tpu.memory_space<vmem>>) target(%dma_start3A_196 : memref<128x16xf32, #tpu.memory_space<hbm>>) target_semaphore(%run_scoped3A : memref<!tpu.dma_semaphore, #tpu.memory_space<semaphore_mem>>)
      %dma_wait3A_197 = arith.constant 0 : i32
      %dma_wait3A_198 = tpu.memref_slice %arg11[%mul3A_2, %dma_wait3A_197] : memref<4096x16xf32, #tpu.memory_space<hbm>> -> memref<128x16xf32, #tpu.memory_space<hbm>>
      %dma_wait3A_199 = arith.constant 0 : i32
      %dma_wait3A_200 = tpu.memref_slice %arg11[%mul3A_2, %dma_wait3A_199] : memref<4096x16xf32, #tpu.memory_space<hbm>> -> memref<128x16xf32, #tpu.memory_space<hbm>>
      tpu.wait_dma2 semaphore(%run_scoped3A : memref<!tpu.dma_semaphore, #tpu.memory_space<semaphore_mem>>) src(%arg22 : memref<128x16xf32, #tpu.memory_space<vmem>>) dst(%dma_wait3A_200 : memref<128x16xf32, #tpu.memory_space<hbm>>)
      tpu.yield
    }) : () -> ()
    %get3A = arith.constant 0 : i32
    %get3A_38 = arith.index_cast %get3A : i32 to index
    %get3A_39 = arith.constant 0 : index
    %get3A_40 = tpu.vector_load %arg18[%get3A_38, %get3A_39] {strides = array<i32>} : memref<128x16xi32, #tpu.memory_space<vmem>>, vector<16xi32>,
    %swap3A = arith.constant 0 : index
    %swap3A_41 = tpu.vector_load %arg23[%swap3A] {strides = array<i32>} : memref<64xi32, #tpu.memory_space<vmem>>, vector<16xi32>,
    tpu.vector_store %arg23[%swap3A], %get3A_40 {strides = array<i32>} : memref<64xi32, #tpu.memory_space<vmem>>, vector<16xi32>,
    %get3A_42 = arith.constant 1 : i32
    %get3A_43 = arith.index_cast %get3A_42 : i32 to index
    %get3A_44 = arith.constant 0 : index
    %get3A_45 = tpu.vector_load %arg18[%get3A_43, %get3A_44] {strides = array<i32>} : memref<128x16xi32, #tpu.memory_space<vmem>>, vector<16xi32>,
    %swap3A_46 = arith.constant 16 : index
    %swap3A_47 = tpu.vector_load %arg23[%swap3A_46] {strides = array<i32>} : memref<64xi32, #tpu.memory_space<vmem>>, vector<16xi32>,
    tpu.vector_store %arg23[%swap3A_46], %get3A_45 {strides = array<i32>} : memref<64xi32, #tpu.memory_space<vmem>>, vector<16xi32>,
    %get3A_48 = arith.constant 2 : i32
    %get3A_49 = arith.index_cast %get3A_48 : i32 to index
    %get3A_50 = arith.constant 0 : index
    %get3A_51 = tpu.vector_load %arg18[%get3A_49, %get3A_50] {strides = array<i32>} : memref<128x16xi32, #tpu.memory_space<vmem>>, vector<16xi32>,
    %swap3A_52 = arith.constant 32 : index
    %swap3A_53 = tpu.vector_load %arg23[%swap3A_52] {strides = array<i32>} : memref<64xi32, #tpu.memory_space<vmem>>, vector<16xi32>,
    tpu.vector_store %arg23[%swap3A_52], %get3A_51 {strides = array<i32>} : memref<64xi32, #tpu.memory_space<vmem>>, vector<16xi32>,
    %get3A_54 = arith.constant 3 : i32
    %get3A_55 = arith.index_cast %get3A_54 : i32 to index
    %get3A_56 = arith.constant 0 : index
    %get3A_57 = tpu.vector_load %arg18[%get3A_55, %get3A_56] {strides = array<i32>} : memref<128x16xi32, #tpu.memory_space<vmem>>, vector<16xi32>,
    %swap3A_58 = arith.constant 48 : index
    %swap3A_59 = tpu.vector_load %arg23[%swap3A_58] {strides = array<i32>} : memref<64xi32, #tpu.memory_space<vmem>>, vector<16xi32>,
    tpu.vector_store %arg23[%swap3A_58], %get3A_57 {strides = array<i32>} : memref<64xi32, #tpu.memory_space<vmem>>, vector<16xi32>,
    %dma_start3A_60 = arith.constant 0 : i32
    %dma_start3A_61 = arith.constant 0 : i32
    %dma_start3A_62 = tpu.memref_slice %arg4[%dma_start3A_60, %dma_start3A_61] : memref<100000x16xi32, #tpu.memory_space<hbm>> -> memref<100000x16xi32, #tpu.memory_space<hbm>>
    tpu.enqueue_indirect_dma source(%dma_start3A_62 : memref<100000x16xi32, #tpu.memory_space<hbm>>) target(%arg27 : memref<64x16xi32, #tpu.memory_space<vmem>>) offsets(%arg23 : memref<64xi32, #tpu.memory_space<vmem>>) semaphore(%arg37 : memref<!tpu.dma_semaphore, #tpu.memory_space<semaphore_mem>>)
    %dma_start3A_63 = arith.constant 0 : i32
    %dma_start3A_64 = arith.constant 0 : i32
    %dma_start3A_65 = tpu.memref_slice %arg5[%dma_start3A_63, %dma_start3A_64] : memref<100000x16xi32, #tpu.memory_space<hbm>> -> memref<100000x16xi32, #tpu.memory_space<hbm>>
    tpu.enqueue_indirect_dma source(%dma_start3A_65 : memref<100000x16xi32, #tpu.memory_space<hbm>>) target(%arg29 : memref<64x16xi32, #tpu.memory_space<vmem>>) offsets(%arg23 : memref<64xi32, #tpu.memory_space<vmem>>) semaphore(%arg37 : memref<!tpu.dma_semaphore, #tpu.memory_space<semaphore_mem>>)
    %dma_start3A_66 = arith.constant 0 : i32
    %dma_start3A_67 = arith.constant 0 : i32
    %dma_start3A_68 = tpu.memref_slice %arg7[%dma_start3A_66, %dma_start3A_67] : memref<100000x32xf32, #tpu.memory_space<hbm>> -> memref<100000x32xf32, #tpu.memory_space<hbm>>
    tpu.enqueue_indirect_dma source(%dma_start3A_68 : memref<100000x32xf32, #tpu.memory_space<hbm>>) target(%arg33 : memref<64x32xf32, #tpu.memory_space<vmem>>) offsets(%arg23 : memref<64xi32, #tpu.memory_space<vmem>>) semaphore(%arg37 : memref<!tpu.dma_semaphore, #tpu.memory_space<semaphore_mem>>)
    %dma_wait3A_69 = arith.constant 0 : i32
    %dma_wait3A_70 = arith.constant 0 : i32
    %dma_wait3A_71 = tpu.memref_slice %arg4[%dma_wait3A_69, %dma_wait3A_70] : memref<100000x16xi32, #tpu.memory_space<hbm>> -> memref<100000x16xi32, #tpu.memory_space<hbm>>
    tpu.wait_indirect_dma semaphore(%arg37 : memref<!tpu.dma_semaphore, #tpu.memory_space<semaphore_mem>>) src(%dma_wait3A_71 : memref<100000x16xi32, #tpu.memory_space<hbm>>) dst(%arg27 : memref<64x16xi32, #tpu.memory_space<vmem>>)
    %dma_wait3A_72 = arith.constant 0 : i32
    %dma_wait3A_73 = arith.constant 0 : i32
    %dma_wait3A_74 = tpu.memref_slice %arg5[%dma_wait3A_72, %dma_wait3A_73] : memref<100000x16xi32, #tpu.memory_space<hbm>> -> memref<100000x16xi32, #tpu.memory_space<hbm>>
    tpu.wait_indirect_dma semaphore(%arg37 : memref<!tpu.dma_semaphore, #tpu.memory_space<semaphore_mem>>) src(%dma_wait3A_74 : memref<100000x16xi32, #tpu.memory_space<hbm>>) dst(%arg29 : memref<64x16xi32, #tpu.memory_space<vmem>>)
    %dma_wait3A_75 = arith.constant 0 : i32
    %dma_wait3A_76 = arith.constant 0 : i32
    %dma_wait3A_77 = tpu.memref_slice %arg7[%dma_wait3A_75, %dma_wait3A_76] : memref<100000x32xf32, #tpu.memory_space<hbm>> -> memref<100000x32xf32, #tpu.memory_space<hbm>>
    tpu.wait_indirect_dma semaphore(%arg37 : memref<!tpu.dma_semaphore, #tpu.memory_space<semaphore_mem>>) src(%dma_wait3A_77 : memref<100000x32xf32, #tpu.memory_space<hbm>>) dst(%arg33 : memref<64x32xf32, #tpu.memory_space<vmem>>)
    %add3A_78 = arith.constant 0 : i32
    %add3A_79 = arith.addi %mul3A_2, %add3A_78 : i32
    %mul3A_80 = arith.constant 16 : i32
    %mul3A_81 = arith.muli %add3A_79, %mul3A_80 : i32
    "tpu.region"() ({
      %run_scoped3A = tpu.sem_alloc : memref<!tpu.dma_semaphore, #tpu.memory_space<semaphore_mem>>
      %dma_start3A_193 = arith.constant 0 : i32
      %dma_start3A_194 = tpu.memref_slice %arg12[%mul3A_81, %dma_start3A_193] : memref<65536x32xf32, #tpu.memory_space<hbm>> -> memref<64x32xf32, #tpu.memory_space<hbm>>
      %dma_start3A_195 = arith.constant 0 : i32
      %dma_start3A_196 = tpu.memref_slice %arg12[%mul3A_81, %dma_start3A_195] : memref<65536x32xf32, #tpu.memory_space<hbm>> -> memref<64x32xf32, #tpu.memory_space<hbm>>
      tpu.enqueue_dma source(%arg33 : memref<64x32xf32, #tpu.memory_space<vmem>>) target(%dma_start3A_196 : memref<64x32xf32, #tpu.memory_space<hbm>>) target_semaphore(%run_scoped3A : memref<!tpu.dma_semaphore, #tpu.memory_space<semaphore_mem>>)
      %dma_wait3A_197 = arith.constant 0 : i32
      %dma_wait3A_198 = tpu.memref_slice %arg12[%mul3A_81, %dma_wait3A_197] : memref<65536x32xf32, #tpu.memory_space<hbm>> -> memref<64x32xf32, #tpu.memory_space<hbm>>
      %dma_wait3A_199 = arith.constant 0 : i32
      %dma_wait3A_200 = tpu.memref_slice %arg12[%mul3A_81, %dma_wait3A_199] : memref<65536x32xf32, #tpu.memory_space<hbm>> -> memref<64x32xf32, #tpu.memory_space<hbm>>
      tpu.wait_dma2 semaphore(%run_scoped3A : memref<!tpu.dma_semaphore, #tpu.memory_space<semaphore_mem>>) src(%arg33 : memref<64x32xf32, #tpu.memory_space<vmem>>) dst(%dma_wait3A_200 : memref<64x32xf32, #tpu.memory_space<hbm>>)
      tpu.yield
    }) : () -> ()
    %scan3A_82 = arith.constant 0 : i32
    %scan3A_83 = arith.constant 0 : i32
    %scan3A_84 = arith.constant 64 : i32
    %scan3A_85 = arith.addi %scan3A_83, %scan3A_84 : i32
    %scan3A_86 = arith.constant 4 : i32
    %scan3A_87 = scf.for %scan3A_193 = %scan3A_83 to %scan3A_85 step %scan3A_86 iter_args(%scan3A_194 = %scan3A_82) -> (i32)  : i32 {
      %get3A_195 = arith.index_cast %scan3A_193 : i32 to index
      %get3A_196 = arith.constant 0 : index
      %get3A_197 = tpu.vector_load %arg27[%get3A_195, %get3A_196] {strides = array<i32>} : memref<64x16xi32, #tpu.memory_space<vmem>>, vector<16xi32>,
      %mul3A_198 = arith.constant 16 : i32
      %mul3A_199 = arith.muli %scan3A_193, %mul3A_198 : i32
      %swap3A_200 = arith.index_cast %mul3A_199 : i32 to index
      %swap3A_201 = tpu.vector_load %arg25[%swap3A_200] {strides = array<i32>} : memref<1024xi32, #tpu.memory_space<vmem>>, vector<16xi32>,
      tpu.vector_store %arg25[%swap3A_200], %get3A_197 {strides = array<i32>} : memref<1024xi32, #tpu.memory_space<vmem>>, vector<16xi32>,
      %scan3A_202 = arith.constant 0 : i32
      %scan3A_203 = arith.constant 1 : i32
      %scan3A_204 = arith.addi %scan3A_193, %scan3A_203 : i32
      %get3A_205 = arith.index_cast %scan3A_204 : i32 to index
      %get3A_206 = arith.constant 0 : index
      %get3A_207 = tpu.vector_load %arg27[%get3A_205, %get3A_206] {strides = array<i32>} : memref<64x16xi32, #tpu.memory_space<vmem>>, vector<16xi32>,
      %mul3A_208 = arith.constant 16 : i32
      %mul3A_209 = arith.muli %scan3A_204, %mul3A_208 : i32
      %swap3A_210 = arith.index_cast %mul3A_209 : i32 to index
      %swap3A_211 = tpu.vector_load %arg25[%swap3A_210] {strides = array<i32>} : memref<1024xi32, #tpu.memory_space<vmem>>, vector<16xi32>,
      tpu.vector_store %arg25[%swap3A_210], %get3A_207 {strides = array<i32>} : memref<1024xi32, #tpu.memory_space<vmem>>, vector<16xi32>,
      %scan3A_212 = arith.constant 0 : i32
      %scan3A_213 = arith.constant 2 : i32
      %scan3A_214 = arith.addi %scan3A_193, %scan3A_213 : i32
      %get3A_215 = arith.index_cast %scan3A_214 : i32 to index
      %get3A_216 = arith.constant 0 : index
      %get3A_217 = tpu.vector_load %arg27[%get3A_215, %get3A_216] {strides = array<i32>} : memref<64x16xi32, #tpu.memory_space<vmem>>, vector<16xi32>,
      %mul3A_218 = arith.constant 16 : i32
      %mul3A_219 = arith.muli %scan3A_214, %mul3A_218 : i32
      %swap3A_220 = arith.index_cast %mul3A_219 : i32 to index
      %swap3A_221 = tpu.vector_load %arg25[%swap3A_220] {strides = array<i32>} : memref<1024xi32, #tpu.memory_space<vmem>>, vector<16xi32>,
      tpu.vector_store %arg25[%swap3A_220], %get3A_217 {strides = array<i32>} : memref<1024xi32, #tpu.memory_space<vmem>>, vector<16xi32>,
      %scan3A_222 = arith.constant 0 : i32
      %scan3A_223 = arith.constant 3 : i32
      %scan3A_224 = arith.addi %scan3A_193, %scan3A_223 : i32
      %get3A_225 = arith.index_cast %scan3A_224 : i32 to index
      %get3A_226 = arith.constant 0 : index
      %get3A_227 = tpu.vector_load %arg27[%get3A_225, %get3A_226] {strides = array<i32>} : memref<64x16xi32, #tpu.memory_space<vmem>>, vector<16xi32>,
      %mul3A_228 = arith.constant 16 : i32
      %mul3A_229 = arith.muli %scan3A_224, %mul3A_228 : i32
      %swap3A_230 = arith.index_cast %mul3A_229 : i32 to index
      %swap3A_231 = tpu.vector_load %arg25[%swap3A_230] {strides = array<i32>} : memref<1024xi32, #tpu.memory_space<vmem>>, vector<16xi32>,
      tpu.vector_store %arg25[%swap3A_230], %get3A_227 {strides = array<i32>} : memref<1024xi32, #tpu.memory_space<vmem>>, vector<16xi32>,
      %scan3A_232 = arith.constant 0 : i32
      scf.yield %scan3A_232 : i32
    }
    %scan3A_88 = arith.constant 64 : i32
    %dma_start3A_89 = arith.constant 0 : i32
    %dma_start3A_90 = arith.constant 0 : i32
    %dma_start3A_91 = tpu.memref_slice %arg31[%dma_start3A_89, %dma_start3A_90] : memref<1024x32xf32, #tpu.memory_space<vmem>> -> memref<128x32xf32, #tpu.memory_space<vmem>>
    %dma_start3A_92 = arith.constant 0 : i32
    %dma_start3A_93 = tpu.memref_slice %arg25[%dma_start3A_92] : memref<1024xi32, #tpu.memory_space<vmem>> -> memref<128xi32, #tpu.memory_space<vmem>>
    %dma_start3A_94 = arith.constant 0 : i32
    %dma_start3A_95 = arith.constant 0 : i32
    %dma_start3A_96 = tpu.memref_slice %arg7[%dma_start3A_94, %dma_start3A_95] : memref<100000x32xf32, #tpu.memory_space<hbm>> -> memref<100000x32xf32, #tpu.memory_space<hbm>>
    tpu.enqueue_indirect_dma source(%dma_start3A_96 : memref<100000x32xf32, #tpu.memory_space<hbm>>) target(%dma_start3A_91 : memref<128x32xf32, #tpu.memory_space<vmem>>) offsets(%dma_start3A_93 : memref<128xi32, #tpu.memory_space<vmem>>) semaphore(%arg39 : memref<!tpu.dma_semaphore, #tpu.memory_space<semaphore_mem>>)
    %dma_start3A_97 = arith.constant 128 : i32
    %dma_start3A_98 = arith.constant 0 : i32
    %dma_start3A_99 = tpu.memref_slice %arg31[%dma_start3A_97, %dma_start3A_98] : memref<1024x32xf32, #tpu.memory_space<vmem>> -> memref<128x32xf32, #tpu.memory_space<vmem>>
    %dma_start3A_100 = arith.constant 128 : i32
    %dma_start3A_101 = tpu.memref_slice %arg25[%dma_start3A_100] : memref<1024xi32, #tpu.memory_space<vmem>> -> memref<128xi32, #tpu.memory_space<vmem>>
    %dma_start3A_102 = arith.constant 0 : i32
    %dma_start3A_103 = arith.constant 0 : i32
    %dma_start3A_104 = tpu.memref_slice %arg7[%dma_start3A_102, %dma_start3A_103] : memref<100000x32xf32, #tpu.memory_space<hbm>> -> memref<100000x32xf32, #tpu.memory_space<hbm>>
    tpu.enqueue_indirect_dma source(%dma_start3A_104 : memref<100000x32xf32, #tpu.memory_space<hbm>>) target(%dma_start3A_99 : memref<128x32xf32, #tpu.memory_space<vmem>>) offsets(%dma_start3A_101 : memref<128xi32, #tpu.memory_space<vmem>>) semaphore(%arg39 : memref<!tpu.dma_semaphore, #tpu.memory_space<semaphore_mem>>)
    %dma_start3A_105 = arith.constant 256 : i32
    %dma_start3A_106 = arith.constant 0 : i32
    %dma_start3A_107 = tpu.memref_slice %arg31[%dma_start3A_105, %dma_start3A_106] : memref<1024x32xf32, #tpu.memory_space<vmem>> -> memref<128x32xf32, #tpu.memory_space<vmem>>
    %dma_start3A_108 = arith.constant 256 : i32
    %dma_start3A_109 = tpu.memref_slice %arg25[%dma_start3A_108] : memref<1024xi32, #tpu.memory_space<vmem>> -> memref<128xi32, #tpu.memory_space<vmem>>
    %dma_start3A_110 = arith.constant 0 : i32
    %dma_start3A_111 = arith.constant 0 : i32
    %dma_start3A_112 = tpu.memref_slice %arg7[%dma_start3A_110, %dma_start3A_111] : memref<100000x32xf32, #tpu.memory_space<hbm>> -> memref<100000x32xf32, #tpu.memory_space<hbm>>
    tpu.enqueue_indirect_dma source(%dma_start3A_112 : memref<100000x32xf32, #tpu.memory_space<hbm>>) target(%dma_start3A_107 : memref<128x32xf32, #tpu.memory_space<vmem>>) offsets(%dma_start3A_109 : memref<128xi32, #tpu.memory_space<vmem>>) semaphore(%arg39 : memref<!tpu.dma_semaphore, #tpu.memory_space<semaphore_mem>>)
    %dma_start3A_113 = arith.constant 384 : i32
    %dma_start3A_114 = arith.constant 0 : i32
    %dma_start3A_115 = tpu.memref_slice %arg31[%dma_start3A_113, %dma_start3A_114] : memref<1024x32xf32, #tpu.memory_space<vmem>> -> memref<128x32xf32, #tpu.memory_space<vmem>>
    %dma_start3A_116 = arith.constant 384 : i32
    %dma_start3A_117 = tpu.memref_slice %arg25[%dma_start3A_116] : memref<1024xi32, #tpu.memory_space<vmem>> -> memref<128xi32, #tpu.memory_space<vmem>>
    %dma_start3A_118 = arith.constant 0 : i32
    %dma_start3A_119 = arith.constant 0 : i32
    %dma_start3A_120 = tpu.memref_slice %arg7[%dma_start3A_118, %dma_start3A_119] : memref<100000x32xf32, #tpu.memory_space<hbm>> -> memref<100000x32xf32, #tpu.memory_space<hbm>>
    tpu.enqueue_indirect_dma source(%dma_start3A_120 : memref<100000x32xf32, #tpu.memory_space<hbm>>) target(%dma_start3A_115 : memref<128x32xf32, #tpu.memory_space<vmem>>) offsets(%dma_start3A_117 : memref<128xi32, #tpu.memory_space<vmem>>) semaphore(%arg39 : memref<!tpu.dma_semaphore, #tpu.memory_space<semaphore_mem>>)
    %dma_start3A_121 = arith.constant 512 : i32
    %dma_start3A_122 = arith.constant 0 : i32
    %dma_start3A_123 = tpu.memref_slice %arg31[%dma_start3A_121, %dma_start3A_122] : memref<1024x32xf32, #tpu.memory_space<vmem>> -> memref<128x32xf32, #tpu.memory_space<vmem>>
    %dma_start3A_124 = arith.constant 512 : i32
    %dma_start3A_125 = tpu.memref_slice %arg25[%dma_start3A_124] : memref<1024xi32, #tpu.memory_space<vmem>> -> memref<128xi32, #tpu.memory_space<vmem>>
    %dma_start3A_126 = arith.constant 0 : i32
    %dma_start3A_127 = arith.constant 0 : i32
    %dma_start3A_128 = tpu.memref_slice %arg7[%dma_start3A_126, %dma_start3A_127] : memref<100000x32xf32, #tpu.memory_space<hbm>> -> memref<100000x32xf32, #tpu.memory_space<hbm>>
    tpu.enqueue_indirect_dma source(%dma_start3A_128 : memref<100000x32xf32, #tpu.memory_space<hbm>>) target(%dma_start3A_123 : memref<128x32xf32, #tpu.memory_space<vmem>>) offsets(%dma_start3A_125 : memref<128xi32, #tpu.memory_space<vmem>>) semaphore(%arg39 : memref<!tpu.dma_semaphore, #tpu.memory_space<semaphore_mem>>)
    %dma_start3A_129 = arith.constant 640 : i32
    %dma_start3A_130 = arith.constant 0 : i32
    %dma_start3A_131 = tpu.memref_slice %arg31[%dma_start3A_129, %dma_start3A_130] : memref<1024x32xf32, #tpu.memory_space<vmem>> -> memref<128x32xf32, #tpu.memory_space<vmem>>
    %dma_start3A_132 = arith.constant 640 : i32
    %dma_start3A_133 = tpu.memref_slice %arg25[%dma_start3A_132] : memref<1024xi32, #tpu.memory_space<vmem>> -> memref<128xi32, #tpu.memory_space<vmem>>
    %dma_start3A_134 = arith.constant 0 : i32
    %dma_start3A_135 = arith.constant 0 : i32
    %dma_start3A_136 = tpu.memref_slice %arg7[%dma_start3A_134, %dma_start3A_135] : memref<100000x32xf32, #tpu.memory_space<hbm>> -> memref<100000x32xf32, #tpu.memory_space<hbm>>
    tpu.enqueue_indirect_dma source(%dma_start3A_136 : memref<100000x32xf32, #tpu.memory_space<hbm>>) target(%dma_start3A_131 : memref<128x32xf32, #tpu.memory_space<vmem>>) offsets(%dma_start3A_133 : memref<128xi32, #tpu.memory_space<vmem>>) semaphore(%arg39 : memref<!tpu.dma_semaphore, #tpu.memory_space<semaphore_mem>>)
    %dma_start3A_137 = arith.constant 768 : i32
    %dma_start3A_138 = arith.constant 0 : i32
    %dma_start3A_139 = tpu.memref_slice %arg31[%dma_start3A_137, %dma_start3A_138] : memref<1024x32xf32, #tpu.memory_space<vmem>> -> memref<128x32xf32, #tpu.memory_space<vmem>>
    %dma_start3A_140 = arith.constant 768 : i32
    %dma_start3A_141 = tpu.memref_slice %arg25[%dma_start3A_140] : memref<1024xi32, #tpu.memory_space<vmem>> -> memref<128xi32, #tpu.memory_space<vmem>>
    %dma_start3A_142 = arith.constant 0 : i32
    %dma_start3A_143 = arith.constant 0 : i32
    %dma_start3A_144 = tpu.memref_slice %arg7[%dma_start3A_142, %dma_start3A_143] : memref<100000x32xf32, #tpu.memory_space<hbm>> -> memref<100000x32xf32, #tpu.memory_space<hbm>>
    tpu.enqueue_indirect_dma source(%dma_start3A_144 : memref<100000x32xf32, #tpu.memory_space<hbm>>) target(%dma_start3A_139 : memref<128x32xf32, #tpu.memory_space<vmem>>) offsets(%dma_start3A_141 : memref<128xi32, #tpu.memory_space<vmem>>) semaphore(%arg39 : memref<!tpu.dma_semaphore, #tpu.memory_space<semaphore_mem>>)
    %dma_start3A_145 = arith.constant 896 : i32
    %dma_start3A_146 = arith.constant 0 : i32
    %dma_start3A_147 = tpu.memref_slice %arg31[%dma_start3A_145, %dma_start3A_146] : memref<1024x32xf32, #tpu.memory_space<vmem>> -> memref<128x32xf32, #tpu.memory_space<vmem>>
    %dma_start3A_148 = arith.constant 896 : i32
    %dma_start3A_149 = tpu.memref_slice %arg25[%dma_start3A_148] : memref<1024xi32, #tpu.memory_space<vmem>> -> memref<128xi32, #tpu.memory_space<vmem>>
    %dma_start3A_150 = arith.constant 0 : i32
    %dma_start3A_151 = arith.constant 0 : i32
    %dma_start3A_152 = tpu.memref_slice %arg7[%dma_start3A_150, %dma_start3A_151] : memref<100000x32xf32, #tpu.memory_space<hbm>> -> memref<100000x32xf32, #tpu.memory_space<hbm>>
    tpu.enqueue_indirect_dma source(%dma_start3A_152 : memref<100000x32xf32, #tpu.memory_space<hbm>>) target(%dma_start3A_147 : memref<128x32xf32, #tpu.memory_space<vmem>>) offsets(%dma_start3A_149 : memref<128xi32, #tpu.memory_space<vmem>>) semaphore(%arg39 : memref<!tpu.dma_semaphore, #tpu.memory_space<semaphore_mem>>)
    %get3A_153 = arith.constant 4 : i32
    %get3A_154 = arith.index_cast %get3A_153 : i32 to index
    %get3A_155 = arith.constant 0 : index
    %get3A_156 = tpu.vector_load %arg18[%get3A_154, %get3A_155] {strides = array<i32>} : memref<128x16xi32, #tpu.memory_space<vmem>>, vector<16xi32>,
    %swap3A_157 = arith.constant 0 : index
    %swap3A_158 = tpu.vector_load %arg24[%swap3A_157] {strides = array<i32>} : memref<64xi32, #tpu.memory_space<vmem>>, vector<16xi32>,
    tpu.vector_store %arg24[%swap3A_157], %get3A_156 {strides = array<i32>} : memref<64xi32, #tpu.memory_space<vmem>>, vector<16xi32>,
    %get3A_159 = arith.constant 5 : i32
    %get3A_160 = arith.index_cast %get3A_159 : i32 to index
    %get3A_161 = arith.constant 0 : index
    %get3A_162 = tpu.vector_load %arg18[%get3A_160, %get3A_161] {strides = array<i32>} : memref<128x16xi32, #tpu.memory_space<vmem>>, vector<16xi32>,
    %swap3A_163 = arith.constant 16 : index
    %swap3A_164 = tpu.vector_load %arg24[%swap3A_163] {strides = array<i32>} : memref<64xi32, #tpu.memory_space<vmem>>, vector<16xi32>,
    tpu.vector_store %arg24[%swap3A_163], %get3A_162 {strides = array<i32>} : memref<64xi32, #tpu.memory_space<vmem>>, vector<16xi32>,
    %get3A_165 = arith.constant 6 : i32
    %get3A_166 = arith.index_cast %get3A_165 : i32 to index
    %get3A_167 = arith.constant 0 : index
    %get3A_168 = tpu.vector_load %arg18[%get3A_166, %get3A_167] {strides = array<i32>} : memref<128x16xi32, #tpu.memory_space<vmem>>, vector<16xi32>,
    %swap3A_169 = arith.constant 32 : index
    %swap3A_170 = tpu.vector_load %arg24[%swap3A_169] {strides = array<i32>} : memref<64xi32, #tpu.memory_space<vmem>>, vector<16xi32>,
    tpu.vector_store %arg24[%swap3A_169], %get3A_168 {strides = array<i32>} : memref<64xi32, #tpu.memory_space<vmem>>, vector<16xi32>,
    %get3A_171 = arith.constant 7 : i32
    %get3A_172 = arith.index_cast %get3A_171 : i32 to index
    %get3A_173 = arith.constant 0 : index
    %get3A_174 = tpu.vector_load %arg18[%get3A_172, %get3A_173] {strides = array<i32>} : memref<128x16xi32, #tpu.memory_space<vmem>>, vector<16xi32>,
    %swap3A_175 = arith.constant 48 : index
    %swap3A_176 = tpu.vector_load %arg24[%swap3A_175] {strides = array<i32>} : memref<64xi32, #tpu.memory_space<vmem>>, vector<16xi32>,
    tpu.vector_store %arg24[%swap3A_175], %get3A_174 {strides = array<i32>} : memref<64xi32, #tpu.memory_space<vmem>>, vector<16xi32>,
    %dma_start3A_177 = arith.constant 0 : i32
    %dma_start3A_178 = arith.constant 0 : i32
    %dma_start3A_179 = tpu.memref_slice %arg4[%dma_start3A_177, %dma_start3A_178] : memref<100000x16xi32, #tpu.memory_space<hbm>> -> memref<100000x16xi32, #tpu.memory_space<hbm>>
    tpu.enqueue_indirect_dma source(%dma_start3A_179 : memref<100000x16xi32, #tpu.memory_space<hbm>>) target(%arg28 : memref<64x16xi32, #tpu.memory_space<vmem>>) offsets(%arg24 : memref<64xi32, #tpu.memory_space<vmem>>) semaphore(%arg38 : memref<!tpu.dma_semaphore, #tpu.memory_space<semaphore_mem>>)
    %dma_start3A_180 = arith.constant 0 : i32
    %dma_start3A_181 = arith.constant 0 : i32
    %dma_start3A_182 = tpu.memref_slice %arg5[%dma_start3A_180, %dma_start3A_181] : memref<100000x16xi32, #tpu.memory_space<hbm>> -> memref<100000x16xi32, #tpu.memory_space<hbm>>
    tpu.enqueue_indirect_dma source(%dma_start3A_182 : memref<100000x16xi32, #tpu.memory_space<hbm>>) target(%arg30 : memref<64x16xi32, #tpu.memory_space<vmem>>) offsets(%arg24 : memref<64xi32, #tpu.memory_space<vmem>>) semaphore(%arg38 : memref<!tpu.dma_semaphore, #tpu.memory_space<semaphore_mem>>)
    %dma_start3A_183 = arith.constant 0 : i32
    %dma_start3A_184 = arith.constant 0 : i32
    %dma_start3A_185 = tpu.memref_slice %arg7[%dma_start3A_183, %dma_start3A_184] : memref<100000x32xf32, #tpu.memory_space<hbm>> -> memref<100000x32xf32, #tpu.memory_space<hbm>>
    tpu.enqueue_indirect_dma source(%dma_start3A_185 : memref<100000x32xf32, #tpu.memory_space<hbm>>) target(%arg34 : memref<64x32xf32, #tpu.memory_space<vmem>>) offsets(%arg24 : memref<64xi32, #tpu.memory_space<vmem>>) semaphore(%arg38 : memref<!tpu.dma_semaphore, #tpu.memory_space<semaphore_mem>>)
    %scan3A_186 = arith.constant 0 : i32
    %scan3A_187 = arith.constant 0 : i32
    %scan3A_188 = arith.constant 16 : i32
    %scan3A_189 = arith.addi %scan3A_187, %scan3A_188 : i32
    %scan3A_190 = arith.constant 1 : i32
    %scan3A_191 = scf.for %scan3A_193 = %scan3A_187 to %scan3A_189 step %scan3A_190 iter_args(%scan3A_194 = %scan3A_186) -> (i32)  : i32 {
      %mul3A_195 = arith.constant 2 : i32
      %mul3A_196 = arith.muli %mul3A_195, %scan3A_193 : i32
      %add3A_197 = arith.constant 1 : i32
      %add3A_198 = arith.addi %scan3A_193, %add3A_197 : i32
      %lt3A = arith.constant 16 : i32
      %lt3A_199 = arith.cmpi slt, %add3A_198, %lt3A : i32
      %convert_element_type3A = arith.extui %lt3A_199 : i1 to i32
      %cond3A = arith.constant 0 : i32
      %cond3A_200 = arith.cmpi ne, %convert_element_type3A, %cond3A : i32
      scf.if %cond3A_200 {
        %add3A_457 = arith.constant 2 : i32
        %add3A_458 = arith.addi %mul3A_196, %add3A_457 : i32
        %mul3A_459 = arith.constant 4 : i32
        %mul3A_460 = arith.muli %add3A_458, %mul3A_459 : i32
        %add3A_461 = arith.constant 0 : i32
        %add3A_462 = arith.addi %mul3A_460, %add3A_461 : i32
        %get3A_463 = arith.index_cast %add3A_462 : i32 to index
        %get3A_464 = arith.constant 0 : index
        %get3A_465 = tpu.vector_load %arg18[%get3A_463, %get3A_464] {strides = array<i32>} : memref<128x16xi32, #tpu.memory_space<vmem>>, vector<16xi32>,
        %swap3A_466 = arith.constant 0 : index
        %swap3A_467 = tpu.vector_load %arg23[%swap3A_466] {strides = array<i32>} : memref<64xi32, #tpu.memory_space<vmem>>, vector<16xi32>,
        tpu.vector_store %arg23[%swap3A_466], %get3A_465 {strides = array<i32>} : memref<64xi32, #tpu.memory_space<vmem>>, vector<16xi32>,
        %mul3A_468 = arith.constant 4 : i32
        %mul3A_469 = arith.muli %add3A_458, %mul3A_468 : i32
        %add3A_470 = arith.constant 1 : i32
        %add3A_471 = arith.addi %mul3A_469, %add3A_470 : i32
        %get3A_472 = arith.index_cast %add3A_471 : i32 to index
        %get3A_473 = arith.constant 0 : index
        %get3A_474 = tpu.vector_load %arg18[%get3A_472, %get3A_473] {strides = array<i32>} : memref<128x16xi32, #tpu.memory_space<vmem>>, vector<16xi32>,
        %swap3A_475 = arith.constant 16 : index
        %swap3A_476 = tpu.vector_load %arg23[%swap3A_475] {strides = array<i32>} : memref<64xi32, #tpu.memory_space<vmem>>, vector<16xi32>,
        tpu.vector_store %arg23[%swap3A_475], %get3A_474 {strides = array<i32>} : memref<64xi32, #tpu.memory_space<vmem>>, vector<16xi32>,
        %mul3A_477 = arith.constant 4 : i32
        %mul3A_478 = arith.muli %add3A_458, %mul3A_477 : i32
        %add3A_479 = arith.constant 2 : i32
        %add3A_480 = arith.addi %mul3A_478, %add3A_479 : i32
        %get3A_481 = arith.index_cast %add3A_480 : i32 to index
        %get3A_482 = arith.constant 0 : index
        %get3A_483 = tpu.vector_load %arg18[%get3A_481, %get3A_482] {strides = array<i32>} : memref<128x16xi32, #tpu.memory_space<vmem>>, vector<16xi32>,
        %swap3A_484 = arith.constant 32 : index
        %swap3A_485 = tpu.vector_load %arg23[%swap3A_484] {strides = array<i32>} : memref<64xi32, #tpu.memory_space<vmem>>, vector<16xi32>,
        tpu.vector_store %arg23[%swap3A_484], %get3A_483 {strides = array<i32>} : memref<64xi32, #tpu.memory_space<vmem>>, vector<16xi32>,
        %mul3A_486 = arith.constant 4 : i32
        %mul3A_487 = arith.muli %add3A_458, %mul3A_486 : i32
        %add3A_488 = arith.constant 3 : i32
        %add3A_489 = arith.addi %mul3A_487, %add3A_488 : i32
        %get3A_490 = arith.index_cast %add3A_489 : i32 to index
        %get3A_491 = arith.constant 0 : index
        %get3A_492 = tpu.vector_load %arg18[%get3A_490, %get3A_491] {strides = array<i32>} : memref<128x16xi32, #tpu.memory_space<vmem>>, vector<16xi32>,
        %swap3A_493 = arith.constant 48 : index
        %swap3A_494 = tpu.vector_load %arg23[%swap3A_493] {strides = array<i32>} : memref<64xi32, #tpu.memory_space<vmem>>, vector<16xi32>,
        tpu.vector_store %arg23[%swap3A_493], %get3A_492 {strides = array<i32>} : memref<64xi32, #tpu.memory_space<vmem>>, vector<16xi32>,
        %dma_start3A_495 = arith.constant 0 : i32
        %dma_start3A_496 = arith.constant 0 : i32
        %dma_start3A_497 = tpu.memref_slice %arg4[%dma_start3A_495, %dma_start3A_496] : memref<100000x16xi32, #tpu.memory_space<hbm>> -> memref<100000x16xi32, #tpu.memory_space<hbm>>
        tpu.enqueue_indirect_dma source(%dma_start3A_497 : memref<100000x16xi32, #tpu.memory_space<hbm>>) target(%arg27 : memref<64x16xi32, #tpu.memory_space<vmem>>) offsets(%arg23 : memref<64xi32, #tpu.memory_space<vmem>>) semaphore(%arg37 : memref<!tpu.dma_semaphore, #tpu.memory_space<semaphore_mem>>)
        %dma_start3A_498 = arith.constant 0 : i32
        %dma_start3A_499 = arith.constant 0 : i32
        %dma_start3A_500 = tpu.memref_slice %arg5[%dma_start3A_498, %dma_start3A_499] : memref<100000x16xi32, #tpu.memory_space<hbm>> -> memref<100000x16xi32, #tpu.memory_space<hbm>>
        tpu.enqueue_indirect_dma source(%dma_start3A_500 : memref<100000x16xi32, #tpu.memory_space<hbm>>) target(%arg29 : memref<64x16xi32, #tpu.memory_space<vmem>>) offsets(%arg23 : memref<64xi32, #tpu.memory_space<vmem>>) semaphore(%arg37 : memref<!tpu.dma_semaphore, #tpu.memory_space<semaphore_mem>>)
        %dma_start3A_501 = arith.constant 0 : i32
        %dma_start3A_502 = arith.constant 0 : i32
        %dma_start3A_503 = tpu.memref_slice %arg7[%dma_start3A_501, %dma_start3A_502] : memref<100000x32xf32, #tpu.memory_space<hbm>> -> memref<100000x32xf32, #tpu.memory_space<hbm>>
        tpu.enqueue_indirect_dma source(%dma_start3A_503 : memref<100000x32xf32, #tpu.memory_space<hbm>>) target(%arg33 : memref<64x32xf32, #tpu.memory_space<vmem>>) offsets(%arg23 : memref<64xi32, #tpu.memory_space<vmem>>) semaphore(%arg37 : memref<!tpu.dma_semaphore, #tpu.memory_space<semaphore_mem>>)
      } else {
      }
      %add3A_201 = arith.constant 1 : i32
      %add3A_202 = arith.addi %mul3A_196, %add3A_201 : i32
      %dma_wait3A_203 = arith.constant 0 : i32
      %dma_wait3A_204 = arith.constant 0 : i32
      %dma_wait3A_205 = tpu.memref_slice %arg4[%dma_wait3A_203, %dma_wait3A_204] : memref<100000x16xi32, #tpu.memory_space<hbm>> -> memref<100000x16xi32, #tpu.memory_space<hbm>>
      tpu.wait_indirect_dma semaphore(%arg38 : memref<!tpu.dma_semaphore, #tpu.memory_space<semaphore_mem>>) src(%dma_wait3A_205 : memref<100000x16xi32, #tpu.memory_space<hbm>>) dst(%arg28 : memref<64x16xi32, #tpu.memory_space<vmem>>)
      %dma_wait3A_206 = arith.constant 0 : i32
      %dma_wait3A_207 = arith.constant 0 : i32
      %dma_wait3A_208 = tpu.memref_slice %arg5[%dma_wait3A_206, %dma_wait3A_207] : memref<100000x16xi32, #tpu.memory_space<hbm>> -> memref<100000x16xi32, #tpu.memory_space<hbm>>
      tpu.wait_indirect_dma semaphore(%arg38 : memref<!tpu.dma_semaphore, #tpu.memory_space<semaphore_mem>>) src(%dma_wait3A_208 : memref<100000x16xi32, #tpu.memory_space<hbm>>) dst(%arg30 : memref<64x16xi32, #tpu.memory_space<vmem>>)
      %dma_wait3A_209 = arith.constant 0 : i32
      %dma_wait3A_210 = arith.constant 0 : i32
      %dma_wait3A_211 = tpu.memref_slice %arg7[%dma_wait3A_209, %dma_wait3A_210] : memref<100000x32xf32, #tpu.memory_space<hbm>> -> memref<100000x32xf32, #tpu.memory_space<hbm>>
      tpu.wait_indirect_dma semaphore(%arg38 : memref<!tpu.dma_semaphore, #tpu.memory_space<semaphore_mem>>) src(%dma_wait3A_211 : memref<100000x32xf32, #tpu.memory_space<hbm>>) dst(%arg34 : memref<64x32xf32, #tpu.memory_space<vmem>>)
      %mul3A_212 = arith.constant 4 : i32
      %mul3A_213 = arith.muli %add3A_202, %mul3A_212 : i32
      %add3A_214 = arith.addi %mul3A_2, %mul3A_213 : i32
      %mul3A_215 = arith.constant 16 : i32
      %mul3A_216 = arith.muli %add3A_214, %mul3A_215 : i32
      "tpu.region"() ({
        %run_scoped3A = tpu.sem_alloc : memref<!tpu.dma_semaphore, #tpu.memory_space<semaphore_mem>>
        %dma_start3A_457 = arith.constant 0 : i32
        %dma_start3A_458 = tpu.memref_slice %arg12[%mul3A_216, %dma_start3A_457] : memref<65536x32xf32, #tpu.memory_space<hbm>> -> memref<64x32xf32, #tpu.memory_space<hbm>>
        %dma_start3A_459 = arith.constant 0 : i32
        %dma_start3A_460 = tpu.memref_slice %arg12[%mul3A_216, %dma_start3A_459] : memref<65536x32xf32, #tpu.memory_space<hbm>> -> memref<64x32xf32, #tpu.memory_space<hbm>>
        tpu.enqueue_dma source(%arg34 : memref<64x32xf32, #tpu.memory_space<vmem>>) target(%dma_start3A_460 : memref<64x32xf32, #tpu.memory_space<hbm>>) target_semaphore(%run_scoped3A : memref<!tpu.dma_semaphore, #tpu.memory_space<semaphore_mem>>)
        %dma_wait3A_461 = arith.constant 0 : i32
        %dma_wait3A_462 = tpu.memref_slice %arg12[%mul3A_216, %dma_wait3A_461] : memref<65536x32xf32, #tpu.memory_space<hbm>> -> memref<64x32xf32, #tpu.memory_space<hbm>>
        %dma_wait3A_463 = arith.constant 0 : i32
        %dma_wait3A_464 = tpu.memref_slice %arg12[%mul3A_216, %dma_wait3A_463] : memref<65536x32xf32, #tpu.memory_space<hbm>> -> memref<64x32xf32, #tpu.memory_space<hbm>>
        tpu.wait_dma2 semaphore(%run_scoped3A : memref<!tpu.dma_semaphore, #tpu.memory_space<semaphore_mem>>) src(%arg34 : memref<64x32xf32, #tpu.memory_space<vmem>>) dst(%dma_wait3A_464 : memref<64x32xf32, #tpu.memory_space<hbm>>)
        tpu.yield
      }) : () -> ()
      %scan3A_217 = arith.constant 0 : i32
      %scan3A_218 = arith.constant 0 : i32
      %scan3A_219 = arith.constant 64 : i32
      %scan3A_220 = arith.addi %scan3A_218, %scan3A_219 : i32
      %scan3A_221 = arith.constant 4 : i32
      %scan3A_222 = scf.for %scan3A_457 = %scan3A_218 to %scan3A_220 step %scan3A_221 iter_args(%scan3A_458 = %scan3A_217) -> (i32)  : i32 {
        %get3A_459 = arith.index_cast %scan3A_457 : i32 to index
        %get3A_460 = arith.constant 0 : index
        %get3A_461 = tpu.vector_load %arg28[%get3A_459, %get3A_460] {strides = array<i32>} : memref<64x16xi32, #tpu.memory_space<vmem>>, vector<16xi32>,
        %mul3A_462 = arith.constant 16 : i32
        %mul3A_463 = arith.muli %scan3A_457, %mul3A_462 : i32
        %swap3A_464 = arith.index_cast %mul3A_463 : i32 to index
        %swap3A_465 = tpu.vector_load %arg26[%swap3A_464] {strides = array<i32>} : memref<1024xi32, #tpu.memory_space<vmem>>, vector<16xi32>,
        tpu.vector_store %arg26[%swap3A_464], %get3A_461 {strides = array<i32>} : memref<1024xi32, #tpu.memory_space<vmem>>, vector<16xi32>,
        %scan3A_466 = arith.constant 0 : i32
        %scan3A_467 = arith.constant 1 : i32
        %scan3A_468 = arith.addi %scan3A_457, %scan3A_467 : i32
        %get3A_469 = arith.index_cast %scan3A_468 : i32 to index
        %get3A_470 = arith.constant 0 : index
        %get3A_471 = tpu.vector_load %arg28[%get3A_469, %get3A_470] {strides = array<i32>} : memref<64x16xi32, #tpu.memory_space<vmem>>, vector<16xi32>,
        %mul3A_472 = arith.constant 16 : i32
        %mul3A_473 = arith.muli %scan3A_468, %mul3A_472 : i32
        %swap3A_474 = arith.index_cast %mul3A_473 : i32 to index
        %swap3A_475 = tpu.vector_load %arg26[%swap3A_474] {strides = array<i32>} : memref<1024xi32, #tpu.memory_space<vmem>>, vector<16xi32>,
        tpu.vector_store %arg26[%swap3A_474], %get3A_471 {strides = array<i32>} : memref<1024xi32, #tpu.memory_space<vmem>>, vector<16xi32>,
        %scan3A_476 = arith.constant 0 : i32
        %scan3A_477 = arith.constant 2 : i32
        %scan3A_478 = arith.addi %scan3A_457, %scan3A_477 : i32
        %get3A_479 = arith.index_cast %scan3A_478 : i32 to index
        %get3A_480 = arith.constant 0 : index
        %get3A_481 = tpu.vector_load %arg28[%get3A_479, %get3A_480] {strides = array<i32>} : memref<64x16xi32, #tpu.memory_space<vmem>>, vector<16xi32>,
        %mul3A_482 = arith.constant 16 : i32
        %mul3A_483 = arith.muli %scan3A_478, %mul3A_482 : i32
        %swap3A_484 = arith.index_cast %mul3A_483 : i32 to index
        %swap3A_485 = tpu.vector_load %arg26[%swap3A_484] {strides = array<i32>} : memref<1024xi32, #tpu.memory_space<vmem>>, vector<16xi32>,
        tpu.vector_store %arg26[%swap3A_484], %get3A_481 {strides = array<i32>} : memref<1024xi32, #tpu.memory_space<vmem>>, vector<16xi32>,
        %scan3A_486 = arith.constant 0 : i32
        %scan3A_487 = arith.constant 3 : i32
        %scan3A_488 = arith.addi %scan3A_457, %scan3A_487 : i32
        %get3A_489 = arith.index_cast %scan3A_488 : i32 to index
        %get3A_490 = arith.constant 0 : index
        %get3A_491 = tpu.vector_load %arg28[%get3A_489, %get3A_490] {strides = array<i32>} : memref<64x16xi32, #tpu.memory_space<vmem>>, vector<16xi32>,
        %mul3A_492 = arith.constant 16 : i32
        %mul3A_493 = arith.muli %scan3A_488, %mul3A_492 : i32
        %swap3A_494 = arith.index_cast %mul3A_493 : i32 to index
        %swap3A_495 = tpu.vector_load %arg26[%swap3A_494] {strides = array<i32>} : memref<1024xi32, #tpu.memory_space<vmem>>, vector<16xi32>,
        tpu.vector_store %arg26[%swap3A_494], %get3A_491 {strides = array<i32>} : memref<1024xi32, #tpu.memory_space<vmem>>, vector<16xi32>,
        %scan3A_496 = arith.constant 0 : i32
        scf.yield %scan3A_496 : i32
      }
      %scan3A_223 = arith.constant 64 : i32
      %dma_start3A_224 = arith.constant 0 : i32
      %dma_start3A_225 = arith.constant 0 : i32
      %dma_start3A_226 = tpu.memref_slice %arg32[%dma_start3A_224, %dma_start3A_225] : memref<1024x32xf32, #tpu.memory_space<vmem>> -> memref<128x32xf32, #tpu.memory_space<vmem>>
      %dma_start3A_227 = arith.constant 0 : i32
      %dma_start3A_228 = tpu.memref_slice %arg26[%dma_start3A_227] : memref<1024xi32, #tpu.memory_space<vmem>> -> memref<128xi32, #tpu.memory_space<vmem>>
      %dma_start3A_229 = arith.constant 0 : i32
      %dma_start3A_230 = arith.constant 0 : i32
      %dma_start3A_231 = tpu.memref_slice %arg7[%dma_start3A_229, %dma_start3A_230] : memref<100000x32xf32, #tpu.memory_space<hbm>> -> memref<100000x32xf32, #tpu.memory_space<hbm>>
      tpu.enqueue_indirect_dma source(%dma_start3A_231 : memref<100000x32xf32, #tpu.memory_space<hbm>>) target(%dma_start3A_226 : memref<128x32xf32, #tpu.memory_space<vmem>>) offsets(%dma_start3A_228 : memref<128xi32, #tpu.memory_space<vmem>>) semaphore(%arg40 : memref<!tpu.dma_semaphore, #tpu.memory_space<semaphore_mem>>)
      %dma_start3A_232 = arith.constant 128 : i32
      %dma_start3A_233 = arith.constant 0 : i32
      %dma_start3A_234 = tpu.memref_slice %arg32[%dma_start3A_232, %dma_start3A_233] : memref<1024x32xf32, #tpu.memory_space<vmem>> -> memref<128x32xf32, #tpu.memory_space<vmem>>
      %dma_start3A_235 = arith.constant 128 : i32
      %dma_start3A_236 = tpu.memref_slice %arg26[%dma_start3A_235] : memref<1024xi32, #tpu.memory_space<vmem>> -> memref<128xi32, #tpu.memory_space<vmem>>
      %dma_start3A_237 = arith.constant 0 : i32
      %dma_start3A_238 = arith.constant 0 : i32
      %dma_start3A_239 = tpu.memref_slice %arg7[%dma_start3A_237, %dma_start3A_238] : memref<100000x32xf32, #tpu.memory_space<hbm>> -> memref<100000x32xf32, #tpu.memory_space<hbm>>
      tpu.enqueue_indirect_dma source(%dma_start3A_239 : memref<100000x32xf32, #tpu.memory_space<hbm>>) target(%dma_start3A_234 : memref<128x32xf32, #tpu.memory_space<vmem>>) offsets(%dma_start3A_236 : memref<128xi32, #tpu.memory_space<vmem>>) semaphore(%arg40 : memref<!tpu.dma_semaphore, #tpu.memory_space<semaphore_mem>>)
      %dma_start3A_240 = arith.constant 256 : i32
      %dma_start3A_241 = arith.constant 0 : i32
      %dma_start3A_242 = tpu.memref_slice %arg32[%dma_start3A_240, %dma_start3A_241] : memref<1024x32xf32, #tpu.memory_space<vmem>> -> memref<128x32xf32, #tpu.memory_space<vmem>>
      %dma_start3A_243 = arith.constant 256 : i32
      %dma_start3A_244 = tpu.memref_slice %arg26[%dma_start3A_243] : memref<1024xi32, #tpu.memory_space<vmem>> -> memref<128xi32, #tpu.memory_space<vmem>>
      %dma_start3A_245 = arith.constant 0 : i32
      %dma_start3A_246 = arith.constant 0 : i32
      %dma_start3A_247 = tpu.memref_slice %arg7[%dma_start3A_245, %dma_start3A_246] : memref<100000x32xf32, #tpu.memory_space<hbm>> -> memref<100000x32xf32, #tpu.memory_space<hbm>>
      tpu.enqueue_indirect_dma source(%dma_start3A_247 : memref<100000x32xf32, #tpu.memory_space<hbm>>) target(%dma_start3A_242 : memref<128x32xf32, #tpu.memory_space<vmem>>) offsets(%dma_start3A_244 : memref<128xi32, #tpu.memory_space<vmem>>) semaphore(%arg40 : memref<!tpu.dma_semaphore, #tpu.memory_space<semaphore_mem>>)
      %dma_start3A_248 = arith.constant 384 : i32
      %dma_start3A_249 = arith.constant 0 : i32
      %dma_start3A_250 = tpu.memref_slice %arg32[%dma_start3A_248, %dma_start3A_249] : memref<1024x32xf32, #tpu.memory_space<vmem>> -> memref<128x32xf32, #tpu.memory_space<vmem>>
      %dma_start3A_251 = arith.constant 384 : i32
      %dma_start3A_252 = tpu.memref_slice %arg26[%dma_start3A_251] : memref<1024xi32, #tpu.memory_space<vmem>> -> memref<128xi32, #tpu.memory_space<vmem>>
      %dma_start3A_253 = arith.constant 0 : i32
      %dma_start3A_254 = arith.constant 0 : i32
      %dma_start3A_255 = tpu.memref_slice %arg7[%dma_start3A_253, %dma_start3A_254] : memref<100000x32xf32, #tpu.memory_space<hbm>> -> memref<100000x32xf32, #tpu.memory_space<hbm>>
      tpu.enqueue_indirect_dma source(%dma_start3A_255 : memref<100000x32xf32, #tpu.memory_space<hbm>>) target(%dma_start3A_250 : memref<128x32xf32, #tpu.memory_space<vmem>>) offsets(%dma_start3A_252 : memref<128xi32, #tpu.memory_space<vmem>>) semaphore(%arg40 : memref<!tpu.dma_semaphore, #tpu.memory_space<semaphore_mem>>)
      %dma_start3A_256 = arith.constant 512 : i32
      %dma_start3A_257 = arith.constant 0 : i32
      %dma_start3A_258 = tpu.memref_slice %arg32[%dma_start3A_256, %dma_start3A_257] : memref<1024x32xf32, #tpu.memory_space<vmem>> -> memref<128x32xf32, #tpu.memory_space<vmem>>
      %dma_start3A_259 = arith.constant 512 : i32
      %dma_start3A_260 = tpu.memref_slice %arg26[%dma_start3A_259] : memref<1024xi32, #tpu.memory_space<vmem>> -> memref<128xi32, #tpu.memory_space<vmem>>
      %dma_start3A_261 = arith.constant 0 : i32
      %dma_start3A_262 = arith.constant 0 : i32
      %dma_start3A_263 = tpu.memref_slice %arg7[%dma_start3A_261, %dma_start3A_262] : memref<100000x32xf32, #tpu.memory_space<hbm>> -> memref<100000x32xf32, #tpu.memory_space<hbm>>
      tpu.enqueue_indirect_dma source(%dma_start3A_263 : memref<100000x32xf32, #tpu.memory_space<hbm>>) target(%dma_start3A_258 : memref<128x32xf32, #tpu.memory_space<vmem>>) offsets(%dma_start3A_260 : memref<128xi32, #tpu.memory_space<vmem>>) semaphore(%arg40 : memref<!tpu.dma_semaphore, #tpu.memory_space<semaphore_mem>>)
      %dma_start3A_264 = arith.constant 640 : i32
      %dma_start3A_265 = arith.constant 0 : i32
      %dma_start3A_266 = tpu.memref_slice %arg32[%dma_start3A_264, %dma_start3A_265] : memref<1024x32xf32, #tpu.memory_space<vmem>> -> memref<128x32xf32, #tpu.memory_space<vmem>>
      %dma_start3A_267 = arith.constant 640 : i32
      %dma_start3A_268 = tpu.memref_slice %arg26[%dma_start3A_267] : memref<1024xi32, #tpu.memory_space<vmem>> -> memref<128xi32, #tpu.memory_space<vmem>>
      %dma_start3A_269 = arith.constant 0 : i32
      %dma_start3A_270 = arith.constant 0 : i32
      %dma_start3A_271 = tpu.memref_slice %arg7[%dma_start3A_269, %dma_start3A_270] : memref<100000x32xf32, #tpu.memory_space<hbm>> -> memref<100000x32xf32, #tpu.memory_space<hbm>>
      tpu.enqueue_indirect_dma source(%dma_start3A_271 : memref<100000x32xf32, #tpu.memory_space<hbm>>) target(%dma_start3A_266 : memref<128x32xf32, #tpu.memory_space<vmem>>) offsets(%dma_start3A_268 : memref<128xi32, #tpu.memory_space<vmem>>) semaphore(%arg40 : memref<!tpu.dma_semaphore, #tpu.memory_space<semaphore_mem>>)
      %dma_start3A_272 = arith.constant 768 : i32
      %dma_start3A_273 = arith.constant 0 : i32
      %dma_start3A_274 = tpu.memref_slice %arg32[%dma_start3A_272, %dma_start3A_273] : memref<1024x32xf32, #tpu.memory_space<vmem>> -> memref<128x32xf32, #tpu.memory_space<vmem>>
      %dma_start3A_275 = arith.constant 768 : i32
      %dma_start3A_276 = tpu.memref_slice %arg26[%dma_start3A_275] : memref<1024xi32, #tpu.memory_space<vmem>> -> memref<128xi32, #tpu.memory_space<vmem>>
      %dma_start3A_277 = arith.constant 0 : i32
      %dma_start3A_278 = arith.constant 0 : i32
      %dma_start3A_279 = tpu.memref_slice %arg7[%dma_start3A_277, %dma_start3A_278] : memref<100000x32xf32, #tpu.memory_space<hbm>> -> memref<100000x32xf32, #tpu.memory_space<hbm>>
      tpu.enqueue_indirect_dma source(%dma_start3A_279 : memref<100000x32xf32, #tpu.memory_space<hbm>>) target(%dma_start3A_274 : memref<128x32xf32, #tpu.memory_space<vmem>>) offsets(%dma_start3A_276 : memref<128xi32, #tpu.memory_space<vmem>>) semaphore(%arg40 : memref<!tpu.dma_semaphore, #tpu.memory_space<semaphore_mem>>)
      %dma_start3A_280 = arith.constant 896 : i32
      %dma_start3A_281 = arith.constant 0 : i32
      %dma_start3A_282 = tpu.memref_slice %arg32[%dma_start3A_280, %dma_start3A_281] : memref<1024x32xf32, #tpu.memory_space<vmem>> -> memref<128x32xf32, #tpu.memory_space<vmem>>
      %dma_start3A_283 = arith.constant 896 : i32
      %dma_start3A_284 = tpu.memref_slice %arg26[%dma_start3A_283] : memref<1024xi32, #tpu.memory_space<vmem>> -> memref<128xi32, #tpu.memory_space<vmem>>
      %dma_start3A_285 = arith.constant 0 : i32
      %dma_start3A_286 = arith.constant 0 : i32
      %dma_start3A_287 = tpu.memref_slice %arg7[%dma_start3A_285, %dma_start3A_286] : memref<100000x32xf32, #tpu.memory_space<hbm>> -> memref<100000x32xf32, #tpu.memory_space<hbm>>
      tpu.enqueue_indirect_dma source(%dma_start3A_287 : memref<100000x32xf32, #tpu.memory_space<hbm>>) target(%dma_start3A_282 : memref<128x32xf32, #tpu.memory_space<vmem>>) offsets(%dma_start3A_284 : memref<128xi32, #tpu.memory_space<vmem>>) semaphore(%arg40 : memref<!tpu.dma_semaphore, #tpu.memory_space<semaphore_mem>>)
      %dma_wait3A_288 = arith.constant 0 : i32
      %dma_wait3A_289 = arith.constant 0 : i32
      %dma_wait3A_290 = tpu.memref_slice %arg31[%dma_wait3A_288, %dma_wait3A_289] : memref<1024x32xf32, #tpu.memory_space<vmem>> -> memref<128x32xf32, #tpu.memory_space<vmem>>
      %dma_wait3A_291 = arith.constant 0 : i32
      %dma_wait3A_292 = tpu.memref_slice %arg25[%dma_wait3A_291] : memref<1024xi32, #tpu.memory_space<vmem>> -> memref<128xi32, #tpu.memory_space<vmem>>
      %dma_wait3A_293 = arith.constant 0 : i32
      %dma_wait3A_294 = arith.constant 0 : i32
      %dma_wait3A_295 = tpu.memref_slice %arg7[%dma_wait3A_293, %dma_wait3A_294] : memref<100000x32xf32, #tpu.memory_space<hbm>> -> memref<100000x32xf32, #tpu.memory_space<hbm>>
      tpu.wait_indirect_dma semaphore(%arg39 : memref<!tpu.dma_semaphore, #tpu.memory_space<semaphore_mem>>) src(%dma_wait3A_295 : memref<100000x32xf32, #tpu.memory_space<hbm>>) dst(%dma_wait3A_290 : memref<128x32xf32, #tpu.memory_space<vmem>>)
      %dma_wait3A_296 = arith.constant 128 : i32
      %dma_wait3A_297 = arith.constant 0 : i32
      %dma_wait3A_298 = tpu.memref_slice %arg31[%dma_wait3A_296, %dma_wait3A_297] : memref<1024x32xf32, #tpu.memory_space<vmem>> -> memref<128x32xf32, #tpu.memory_space<vmem>>
      %dma_wait3A_299 = arith.constant 128 : i32
      %dma_wait3A_300 = tpu.memref_slice %arg25[%dma_wait3A_299] : memref<1024xi32, #tpu.memory_space<vmem>> -> memref<128xi32, #tpu.memory_space<vmem>>
      %dma_wait3A_301 = arith.constant 0 : i32
      %dma_wait3A_302 = arith.constant 0 : i32
      %dma_wait3A_303 = tpu.memref_slice %arg7[%dma_wait3A_301, %dma_wait3A_302] : memref<100000x32xf32, #tpu.memory_space<hbm>> -> memref<100000x32xf32, #tpu.memory_space<hbm>>
      tpu.wait_indirect_dma semaphore(%arg39 : memref<!tpu.dma_semaphore, #tpu.memory_space<semaphore_mem>>) src(%dma_wait3A_303 : memref<100000x32xf32, #tpu.memory_space<hbm>>) dst(%dma_wait3A_298 : memref<128x32xf32, #tpu.memory_space<vmem>>)
      %dma_wait3A_304 = arith.constant 256 : i32
      %dma_wait3A_305 = arith.constant 0 : i32
      %dma_wait3A_306 = tpu.memref_slice %arg31[%dma_wait3A_304, %dma_wait3A_305] : memref<1024x32xf32, #tpu.memory_space<vmem>> -> memref<128x32xf32, #tpu.memory_space<vmem>>
      %dma_wait3A_307 = arith.constant 256 : i32
      %dma_wait3A_308 = tpu.memref_slice %arg25[%dma_wait3A_307] : memref<1024xi32, #tpu.memory_space<vmem>> -> memref<128xi32, #tpu.memory_space<vmem>>
      %dma_wait3A_309 = arith.constant 0 : i32
      %dma_wait3A_310 = arith.constant 0 : i32
      %dma_wait3A_311 = tpu.memref_slice %arg7[%dma_wait3A_309, %dma_wait3A_310] : memref<100000x32xf32, #tpu.memory_space<hbm>> -> memref<100000x32xf32, #tpu.memory_space<hbm>>
      tpu.wait_indirect_dma semaphore(%arg39 : memref<!tpu.dma_semaphore, #tpu.memory_space<semaphore_mem>>) src(%dma_wait3A_311 : memref<100000x32xf32, #tpu.memory_space<hbm>>) dst(%dma_wait3A_306 : memref<128x32xf32, #tpu.memory_space<vmem>>)
      %dma_wait3A_312 = arith.constant 384 : i32
      %dma_wait3A_313 = arith.constant 0 : i32
      %dma_wait3A_314 = tpu.memref_slice %arg31[%dma_wait3A_312, %dma_wait3A_313] : memref<1024x32xf32, #tpu.memory_space<vmem>> -> memref<128x32xf32, #tpu.memory_space<vmem>>
      %dma_wait3A_315 = arith.constant 384 : i32
      %dma_wait3A_316 = tpu.memref_slice %arg25[%dma_wait3A_315] : memref<1024xi32, #tpu.memory_space<vmem>> -> memref<128xi32, #tpu.memory_space<vmem>>
      %dma_wait3A_317 = arith.constant 0 : i32
      %dma_wait3A_318 = arith.constant 0 : i32
      %dma_wait3A_319 = tpu.memref_slice %arg7[%dma_wait3A_317, %dma_wait3A_318] : memref<100000x32xf32, #tpu.memory_space<hbm>> -> memref<100000x32xf32, #tpu.memory_space<hbm>>
      tpu.wait_indirect_dma semaphore(%arg39 : memref<!tpu.dma_semaphore, #tpu.memory_space<semaphore_mem>>) src(%dma_wait3A_319 : memref<100000x32xf32, #tpu.memory_space<hbm>>) dst(%dma_wait3A_314 : memref<128x32xf32, #tpu.memory_space<vmem>>)
      %dma_wait3A_320 = arith.constant 512 : i32
      %dma_wait3A_321 = arith.constant 0 : i32
      %dma_wait3A_322 = tpu.memref_slice %arg31[%dma_wait3A_320, %dma_wait3A_321] : memref<1024x32xf32, #tpu.memory_space<vmem>> -> memref<128x32xf32, #tpu.memory_space<vmem>>
      %dma_wait3A_323 = arith.constant 512 : i32
      %dma_wait3A_324 = tpu.memref_slice %arg25[%dma_wait3A_323] : memref<1024xi32, #tpu.memory_space<vmem>> -> memref<128xi32, #tpu.memory_space<vmem>>
      %dma_wait3A_325 = arith.constant 0 : i32
      %dma_wait3A_326 = arith.constant 0 : i32
      %dma_wait3A_327 = tpu.memref_slice %arg7[%dma_wait3A_325, %dma_wait3A_326] : memref<100000x32xf32, #tpu.memory_space<hbm>> -> memref<100000x32xf32, #tpu.memory_space<hbm>>
      tpu.wait_indirect_dma semaphore(%arg39 : memref<!tpu.dma_semaphore, #tpu.memory_space<semaphore_mem>>) src(%dma_wait3A_327 : memref<100000x32xf32, #tpu.memory_space<hbm>>) dst(%dma_wait3A_322 : memref<128x32xf32, #tpu.memory_space<vmem>>)
      %dma_wait3A_328 = arith.constant 640 : i32
      %dma_wait3A_329 = arith.constant 0 : i32
      %dma_wait3A_330 = tpu.memref_slice %arg31[%dma_wait3A_328, %dma_wait3A_329] : memref<1024x32xf32, #tpu.memory_space<vmem>> -> memref<128x32xf32, #tpu.memory_space<vmem>>
      %dma_wait3A_331 = arith.constant 640 : i32
      %dma_wait3A_332 = tpu.memref_slice %arg25[%dma_wait3A_331] : memref<1024xi32, #tpu.memory_space<vmem>> -> memref<128xi32, #tpu.memory_space<vmem>>
      %dma_wait3A_333 = arith.constant 0 : i32
      %dma_wait3A_334 = arith.constant 0 : i32
      %dma_wait3A_335 = tpu.memref_slice %arg7[%dma_wait3A_333, %dma_wait3A_334] : memref<100000x32xf32, #tpu.memory_space<hbm>> -> memref<100000x32xf32, #tpu.memory_space<hbm>>
      tpu.wait_indirect_dma semaphore(%arg39 : memref<!tpu.dma_semaphore, #tpu.memory_space<semaphore_mem>>) src(%dma_wait3A_335 : memref<100000x32xf32, #tpu.memory_space<hbm>>) dst(%dma_wait3A_330 : memref<128x32xf32, #tpu.memory_space<vmem>>)
      %dma_wait3A_336 = arith.constant 768 : i32
      %dma_wait3A_337 = arith.constant 0 : i32
      %dma_wait3A_338 = tpu.memref_slice %arg31[%dma_wait3A_336, %dma_wait3A_337] : memref<1024x32xf32, #tpu.memory_space<vmem>> -> memref<128x32xf32, #tpu.memory_space<vmem>>
      %dma_wait3A_339 = arith.constant 768 : i32
      %dma_wait3A_340 = tpu.memref_slice %arg25[%dma_wait3A_339] : memref<1024xi32, #tpu.memory_space<vmem>> -> memref<128xi32, #tpu.memory_space<vmem>>
      %dma_wait3A_341 = arith.constant 0 : i32
      %dma_wait3A_342 = arith.constant 0 : i32
      %dma_wait3A_343 = tpu.memref_slice %arg7[%dma_wait3A_341, %dma_wait3A_342] : memref<100000x32xf32, #tpu.memory_space<hbm>> -> memref<100000x32xf32, #tpu.memory_space<hbm>>
      tpu.wait_indirect_dma semaphore(%arg39 : memref<!tpu.dma_semaphore, #tpu.memory_space<semaphore_mem>>) src(%dma_wait3A_343 : memref<100000x32xf32, #tpu.memory_space<hbm>>) dst(%dma_wait3A_338 : memref<128x32xf32, #tpu.memory_space<vmem>>)
      %dma_wait3A_344 = arith.constant 896 : i32
      %dma_wait3A_345 = arith.constant 0 : i32
      %dma_wait3A_346 = tpu.memref_slice %arg31[%dma_wait3A_344, %dma_wait3A_345] : memref<1024x32xf32, #tpu.memory_space<vmem>> -> memref<128x32xf32, #tpu.memory_space<vmem>>
      %dma_wait3A_347 = arith.constant 896 : i32
      %dma_wait3A_348 = tpu.memref_slice %arg25[%dma_wait3A_347] : memref<1024xi32, #tpu.memory_space<vmem>> -> memref<128xi32, #tpu.memory_space<vmem>>
      %dma_wait3A_349 = arith.constant 0 : i32
      %dma_wait3A_350 = arith.constant 0 : i32
      %dma_wait3A_351 = tpu.memref_slice %arg7[%dma_wait3A_349, %dma_wait3A_350] : memref<100000x32xf32, #tpu.memory_space<hbm>> -> memref<100000x32xf32, #tpu.memory_space<hbm>>
      tpu.wait_indirect_dma semaphore(%arg39 : memref<!tpu.dma_semaphore, #tpu.memory_space<semaphore_mem>>) src(%dma_wait3A_351 : memref<100000x32xf32, #tpu.memory_space<hbm>>) dst(%dma_wait3A_346 : memref<128x32xf32, #tpu.memory_space<vmem>>)
      %scan3A_352 = arith.constant 0 : i32
      %scan3A_353 = arith.constant 0 : i32
      %scan3A_354 = arith.constant 64 : i32
      %scan3A_355 = arith.addi %scan3A_353, %scan3A_354 : i32
      %scan3A_356 = arith.constant 2 : i32
      %scan3A_357 = scf.for %scan3A_457 = %scan3A_353 to %scan3A_355 step %scan3A_356 iter_args(%scan3A_458 = %scan3A_352) -> (i32)  : i32 {
        %mul3A_459 = arith.constant 4 : i32
        %mul3A_460 = arith.muli %mul3A_196, %mul3A_459 : i32
        %jit3A = arith.constant 16 : i32
        %div3A = arith.divsi %scan3A_457, %jit3A : i32
        %sign3A = arith.constant 0 : i32
        %sign3A_461 = arith.cmpi sgt, %scan3A_457, %sign3A : i32
        %sign3A_462 = arith.extui %sign3A_461 : i1 to i32
        %sign3A_463 = arith.constant 0 : i32
        %sign3A_464 = arith.cmpi slt, %scan3A_457, %sign3A_463 : i32
        %sign3A_465 = arith.extui %sign3A_464 : i1 to i32
        %sign3A_466 = arith.subi %sign3A_462, %sign3A_465 : i32
        %sign3A_467 = arith.constant 0 : i32
        %sign3A_468 = arith.cmpi sgt, %jit3A, %sign3A_467 : i32
        %sign3A_469 = arith.extui %sign3A_468 : i1 to i32
        %sign3A_470 = arith.constant 0 : i32
        %sign3A_471 = arith.cmpi slt, %jit3A, %sign3A_470 : i32
        %sign3A_472 = arith.extui %sign3A_471 : i1 to i32
        %sign3A_473 = arith.subi %sign3A_469, %sign3A_472 : i32
        %ne3A = arith.cmpi ne, %sign3A_466, %sign3A_473 : i32
        %rem3A = arith.remsi %scan3A_457, %jit3A : i32
        %ne3A_474 = arith.constant 0 : i32
        %ne3A_475 = arith.cmpi ne, %rem3A, %ne3A_474 : i32
        %and3A = arith.andi %ne3A, %ne3A_475 : i1
        %sub3A = arith.constant 1 : i32
        %sub3A_476 = arith.subi %div3A, %sub3A : i32
        %select_n3A = arith.select %and3A, %sub3A_476, %div3A : i32
        %add3A_477 = arith.addi %mul3A_460, %select_n3A : i32
        %get3A_478 = arith.index_cast %scan3A_457 : i32 to index
        %get3A_479 = arith.constant 0 : index
        %get3A_480 = tpu.vector_load %arg29[%get3A_478, %get3A_479] {strides = array<i32>} : memref<64x16xi32, #tpu.memory_space<vmem>>, vector<16xi32>,
        %mul3A_481 = arith.constant 32 : i32
        %mul3A_482 = arith.muli %add3A_477, %mul3A_481 : i32
        %add3A_483 = vector.broadcast %mul3A_482 : i32 to vector<16xi32>
        %add3A_484 = arith.addi %add3A_483, %get3A_480 : vector<16xi32>
        %gather3A = tpu.vector_load_idx %arg21[%add3A_484] : memref<4096xf32, #tpu.memory_space<vmem>>[vector<16xi32>], vector<16xf32>,
        %exp3A = math.exp %gather3A : vector<16xf32>
        %reduce_sum3A = arith.constant true
        %reduce_sum3A_485 = vector.broadcast %reduce_sum3A : i1 to vector<16xi1>
        %reduce_sum3A_486 = tpu.scan <sum>, %exp3A masked %reduce_sum3A_485 : vector<16xf32>, vector<16xi1> -> vector<16xf32>
        %reduce_sum3A_487 = vector.extract %reduce_sum3A_486[15] : f32 from vector<16xf32>
        %broadcast_in_dim3A = arith.constant 0.000000e+00 : f32
        %broadcast_in_dim3A_488 = vector.broadcast %broadcast_in_dim3A : f32 to vector<16xf32>
        %broadcast_in_dim3A_489 = arith.constant 0.000000e+00 : f32
        %broadcast_in_dim3A_490 = vector.broadcast %broadcast_in_dim3A_489 : f32 to vector<16xf32>
        %slice3A = vector.extract_strided_slice %exp3A {offsets = [0], sizes = [1], strides = [1]} : vector<16xf32> to vector<1xf32>
        %squeeze3A = vector.extract %slice3A[0] : f32 from vector<1xf32>
        %mul3A_491 = arith.constant 16 : i32
        %mul3A_492 = arith.muli %scan3A_457, %mul3A_491 : i32
        %add3A_493 = arith.constant 0 : i32
        %add3A_494 = arith.addi %mul3A_492, %add3A_493 : i32
        %get3A_495 = arith.index_cast %add3A_494 : i32 to index
        %get3A_496 = arith.constant 0 : index
        %get3A_497 = tpu.vector_load %arg31[%get3A_495, %get3A_496] {strides = array<i32>} : memref<1024x32xf32, #tpu.memory_space<vmem>>, vector<16xf32>,
        %mul3A_498 = vector.broadcast %squeeze3A : f32 to vector<16xf32>
        %mul3A_499 = arith.mulf %mul3A_498, %get3A_497 : vector<16xf32>
        %add3A_500 = arith.addf %broadcast_in_dim3A_488, %mul3A_499 : vector<16xf32>
        %mul3A_501 = arith.constant 16 : i32
        %mul3A_502 = arith.muli %scan3A_457, %mul3A_501 : i32
        %add3A_503 = arith.constant 0 : i32
        %add3A_504 = arith.addi %mul3A_502, %add3A_503 : i32
        %get3A_505 = arith.index_cast %add3A_504 : i32 to index
        %get3A_506 = arith.constant 16 : index
        %get3A_507 = tpu.vector_load %arg31[%get3A_505, %get3A_506] {strides = array<i32>} : memref<1024x32xf32, #tpu.memory_space<vmem>>, vector<16xf32>,
        %mul3A_508 = vector.broadcast %squeeze3A : f32 to vector<16xf32>
        %mul3A_509 = arith.mulf %mul3A_508, %get3A_507 : vector<16xf32>
        %add3A_510 = arith.addf %broadcast_in_dim3A_490, %mul3A_509 : vector<16xf32>
        %slice3A_511 = vector.extract_strided_slice %exp3A {offsets = [1], sizes = [1], strides = [1]} : vector<16xf32> to vector<1xf32>
        %squeeze3A_512 = vector.extract %slice3A_511[0] : f32 from vector<1xf32>
        %mul3A_513 = arith.constant 16 : i32
        %mul3A_514 = arith.muli %scan3A_457, %mul3A_513 : i32
        %add3A_515 = arith.constant 1 : i32
        %add3A_516 = arith.addi %mul3A_514, %add3A_515 : i32
        %get3A_517 = arith.index_cast %add3A_516 : i32 to index
        %get3A_518 = arith.constant 0 : index
        %get3A_519 = tpu.vector_load %arg31[%get3A_517, %get3A_518] {strides = array<i32>} : memref<1024x32xf32, #tpu.memory_space<vmem>>, vector<16xf32>,
        %mul3A_520 = vector.broadcast %squeeze3A_512 : f32 to vector<16xf32>
        %mul3A_521 = arith.mulf %mul3A_520, %get3A_519 : vector<16xf32>
        %add3A_522 = arith.addf %add3A_500, %mul3A_521 : vector<16xf32>
        %mul3A_523 = arith.constant 16 : i32
        %mul3A_524 = arith.muli %scan3A_457, %mul3A_523 : i32
        %add3A_525 = arith.constant 1 : i32
        %add3A_526 = arith.addi %mul3A_524, %add3A_525 : i32
        %get3A_527 = arith.index_cast %add3A_526 : i32 to index
        %get3A_528 = arith.constant 16 : index
        %get3A_529 = tpu.vector_load %arg31[%get3A_527, %get3A_528] {strides = array<i32>} : memref<1024x32xf32, #tpu.memory_space<vmem>>, vector<16xf32>,
        %mul3A_530 = vector.broadcast %squeeze3A_512 : f32 to vector<16xf32>
        %mul3A_531 = arith.mulf %mul3A_530, %get3A_529 : vector<16xf32>
        %add3A_532 = arith.addf %add3A_510, %mul3A_531 : vector<16xf32>
        %slice3A_533 = vector.extract_strided_slice %exp3A {offsets = [2], sizes = [1], strides = [1]} : vector<16xf32> to vector<1xf32>
        %squeeze3A_534 = vector.extract %slice3A_533[0] : f32 from vector<1xf32>
        %mul3A_535 = arith.constant 16 : i32
        %mul3A_536 = arith.muli %scan3A_457, %mul3A_535 : i32
        %add3A_537 = arith.constant 2 : i32
        %add3A_538 = arith.addi %mul3A_536, %add3A_537 : i32
        %get3A_539 = arith.index_cast %add3A_538 : i32 to index
        %get3A_540 = arith.constant 0 : index
        %get3A_541 = tpu.vector_load %arg31[%get3A_539, %get3A_540] {strides = array<i32>} : memref<1024x32xf32, #tpu.memory_space<vmem>>, vector<16xf32>,
        %mul3A_542 = vector.broadcast %squeeze3A_534 : f32 to vector<16xf32>
        %mul3A_543 = arith.mulf %mul3A_542, %get3A_541 : vector<16xf32>
        %add3A_544 = arith.addf %add3A_522, %mul3A_543 : vector<16xf32>
        %mul3A_545 = arith.constant 16 : i32
        %mul3A_546 = arith.muli %scan3A_457, %mul3A_545 : i32
        %add3A_547 = arith.constant 2 : i32
        %add3A_548 = arith.addi %mul3A_546, %add3A_547 : i32
        %get3A_549 = arith.index_cast %add3A_548 : i32 to index
        %get3A_550 = arith.constant 16 : index
        %get3A_551 = tpu.vector_load %arg31[%get3A_549, %get3A_550] {strides = array<i32>} : memref<1024x32xf32, #tpu.memory_space<vmem>>, vector<16xf32>,
        %mul3A_552 = vector.broadcast %squeeze3A_534 : f32 to vector<16xf32>
        %mul3A_553 = arith.mulf %mul3A_552, %get3A_551 : vector<16xf32>
        %add3A_554 = arith.addf %add3A_532, %mul3A_553 : vector<16xf32>
        %slice3A_555 = vector.extract_strided_slice %exp3A {offsets = [3], sizes = [1], strides = [1]} : vector<16xf32> to vector<1xf32>
        %squeeze3A_556 = vector.extract %slice3A_555[0] : f32 from vector<1xf32>
        %mul3A_557 = arith.constant 16 : i32
        %mul3A_558 = arith.muli %scan3A_457, %mul3A_557 : i32
        %add3A_559 = arith.constant 3 : i32
        %add3A_560 = arith.addi %mul3A_558, %add3A_559 : i32
        %get3A_561 = arith.index_cast %add3A_560 : i32 to index
        %get3A_562 = arith.constant 0 : index
        %get3A_563 = tpu.vector_load %arg31[%get3A_561, %get3A_562] {strides = array<i32>} : memref<1024x32xf32, #tpu.memory_space<vmem>>, vector<16xf32>,
        %mul3A_564 = vector.broadcast %squeeze3A_556 : f32 to vector<16xf32>
        %mul3A_565 = arith.mulf %mul3A_564, %get3A_563 : vector<16xf32>
        %add3A_566 = arith.addf %add3A_544, %mul3A_565 : vector<16xf32>
        %mul3A_567 = arith.constant 16 : i32
        %mul3A_568 = arith.muli %scan3A_457, %mul3A_567 : i32
        %add3A_569 = arith.constant 3 : i32
        %add3A_570 = arith.addi %mul3A_568, %add3A_569 : i32
        %get3A_571 = arith.index_cast %add3A_570 : i32 to index
        %get3A_572 = arith.constant 16 : index
        %get3A_573 = tpu.vector_load %arg31[%get3A_571, %get3A_572] {strides = array<i32>} : memref<1024x32xf32, #tpu.memory_space<vmem>>, vector<16xf32>,
        %mul3A_574 = vector.broadcast %squeeze3A_556 : f32 to vector<16xf32>
        %mul3A_575 = arith.mulf %mul3A_574, %get3A_573 : vector<16xf32>
        %add3A_576 = arith.addf %add3A_554, %mul3A_575 : vector<16xf32>
        %slice3A_577 = vector.extract_strided_slice %exp3A {offsets = [4], sizes = [1], strides = [1]} : vector<16xf32> to vector<1xf32>
        %squeeze3A_578 = vector.extract %slice3A_577[0] : f32 from vector<1xf32>
        %mul3A_579 = arith.constant 16 : i32
        %mul3A_580 = arith.muli %scan3A_457, %mul3A_579 : i32
        %add3A_581 = arith.constant 4 : i32
        %add3A_582 = arith.addi %mul3A_580, %add3A_581 : i32
        %get3A_583 = arith.index_cast %add3A_582 : i32 to index
        %get3A_584 = arith.constant 0 : index
        %get3A_585 = tpu.vector_load %arg31[%get3A_583, %get3A_584] {strides = array<i32>} : memref<1024x32xf32, #tpu.memory_space<vmem>>, vector<16xf32>,
        %mul3A_586 = vector.broadcast %squeeze3A_578 : f32 to vector<16xf32>
        %mul3A_587 = arith.mulf %mul3A_586, %get3A_585 : vector<16xf32>
        %add3A_588 = arith.addf %add3A_566, %mul3A_587 : vector<16xf32>
        %mul3A_589 = arith.constant 16 : i32
        %mul3A_590 = arith.muli %scan3A_457, %mul3A_589 : i32
        %add3A_591 = arith.constant 4 : i32
        %add3A_592 = arith.addi %mul3A_590, %add3A_591 : i32
        %get3A_593 = arith.index_cast %add3A_592 : i32 to index
        %get3A_594 = arith.constant 16 : index
        %get3A_595 = tpu.vector_load %arg31[%get3A_593, %get3A_594] {strides = array<i32>} : memref<1024x32xf32, #tpu.memory_space<vmem>>, vector<16xf32>,
        %mul3A_596 = vector.broadcast %squeeze3A_578 : f32 to vector<16xf32>
        %mul3A_597 = arith.mulf %mul3A_596, %get3A_595 : vector<16xf32>
        %add3A_598 = arith.addf %add3A_576, %mul3A_597 : vector<16xf32>
        %slice3A_599 = vector.extract_strided_slice %exp3A {offsets = [5], sizes = [1], strides = [1]} : vector<16xf32> to vector<1xf32>
        %squeeze3A_600 = vector.extract %slice3A_599[0] : f32 from vector<1xf32>
        %mul3A_601 = arith.constant 16 : i32
        %mul3A_602 = arith.muli %scan3A_457, %mul3A_601 : i32
        %add3A_603 = arith.constant 5 : i32
        %add3A_604 = arith.addi %mul3A_602, %add3A_603 : i32
        %get3A_605 = arith.index_cast %add3A_604 : i32 to index
        %get3A_606 = arith.constant 0 : index
        %get3A_607 = tpu.vector_load %arg31[%get3A_605, %get3A_606] {strides = array<i32>} : memref<1024x32xf32, #tpu.memory_space<vmem>>, vector<16xf32>,
        %mul3A_608 = vector.broadcast %squeeze3A_600 : f32 to vector<16xf32>
        %mul3A_609 = arith.mulf %mul3A_608, %get3A_607 : vector<16xf32>
        %add3A_610 = arith.addf %add3A_588, %mul3A_609 : vector<16xf32>
        %mul3A_611 = arith.constant 16 : i32
        %mul3A_612 = arith.muli %scan3A_457, %mul3A_611 : i32
        %add3A_613 = arith.constant 5 : i32
        %add3A_614 = arith.addi %mul3A_612, %add3A_613 : i32
        %get3A_615 = arith.index_cast %add3A_614 : i32 to index
        %get3A_616 = arith.constant 16 : index
        %get3A_617 = tpu.vector_load %arg31[%get3A_615, %get3A_616] {strides = array<i32>} : memref<1024x32xf32, #tpu.memory_space<vmem>>, vector<16xf32>,
        %mul3A_618 = vector.broadcast %squeeze3A_600 : f32 to vector<16xf32>
        %mul3A_619 = arith.mulf %mul3A_618, %get3A_617 : vector<16xf32>
        %add3A_620 = arith.addf %add3A_598, %mul3A_619 : vector<16xf32>
        %slice3A_621 = vector.extract_strided_slice %exp3A {offsets = [6], sizes = [1], strides = [1]} : vector<16xf32> to vector<1xf32>
        %squeeze3A_622 = vector.extract %slice3A_621[0] : f32 from vector<1xf32>
        %mul3A_623 = arith.constant 16 : i32
        %mul3A_624 = arith.muli %scan3A_457, %mul3A_623 : i32
        %add3A_625 = arith.constant 6 : i32
        %add3A_626 = arith.addi %mul3A_624, %add3A_625 : i32
        %get3A_627 = arith.index_cast %add3A_626 : i32 to index
        %get3A_628 = arith.constant 0 : index
        %get3A_629 = tpu.vector_load %arg31[%get3A_627, %get3A_628] {strides = array<i32>} : memref<1024x32xf32, #tpu.memory_space<vmem>>, vector<16xf32>,
        %mul3A_630 = vector.broadcast %squeeze3A_622 : f32 to vector<16xf32>
        %mul3A_631 = arith.mulf %mul3A_630, %get3A_629 : vector<16xf32>
        %add3A_632 = arith.addf %add3A_610, %mul3A_631 : vector<16xf32>
        %mul3A_633 = arith.constant 16 : i32
        %mul3A_634 = arith.muli %scan3A_457, %mul3A_633 : i32
        %add3A_635 = arith.constant 6 : i32
        %add3A_636 = arith.addi %mul3A_634, %add3A_635 : i32
        %get3A_637 = arith.index_cast %add3A_636 : i32 to index
        %get3A_638 = arith.constant 16 : index
        %get3A_639 = tpu.vector_load %arg31[%get3A_637, %get3A_638] {strides = array<i32>} : memref<1024x32xf32, #tpu.memory_space<vmem>>, vector<16xf32>,
        %mul3A_640 = vector.broadcast %squeeze3A_622 : f32 to vector<16xf32>
        %mul3A_641 = arith.mulf %mul3A_640, %get3A_639 : vector<16xf32>
        %add3A_642 = arith.addf %add3A_620, %mul3A_641 : vector<16xf32>
        %slice3A_643 = vector.extract_strided_slice %exp3A {offsets = [7], sizes = [1], strides = [1]} : vector<16xf32> to vector<1xf32>
        %squeeze3A_644 = vector.extract %slice3A_643[0] : f32 from vector<1xf32>
        %mul3A_645 = arith.constant 16 : i32
        %mul3A_646 = arith.muli %scan3A_457, %mul3A_645 : i32
        %add3A_647 = arith.constant 7 : i32
        %add3A_648 = arith.addi %mul3A_646, %add3A_647 : i32
        %get3A_649 = arith.index_cast %add3A_648 : i32 to index
        %get3A_650 = arith.constant 0 : index
        %get3A_651 = tpu.vector_load %arg31[%get3A_649, %get3A_650] {strides = array<i32>} : memref<1024x32xf32, #tpu.memory_space<vmem>>, vector<16xf32>,
        %mul3A_652 = vector.broadcast %squeeze3A_644 : f32 to vector<16xf32>
        %mul3A_653 = arith.mulf %mul3A_652, %get3A_651 : vector<16xf32>
        %add3A_654 = arith.addf %add3A_632, %mul3A_653 : vector<16xf32>
        %mul3A_655 = arith.constant 16 : i32
        %mul3A_656 = arith.muli %scan3A_457, %mul3A_655 : i32
        %add3A_657 = arith.constant 7 : i32
        %add3A_658 = arith.addi %mul3A_656, %add3A_657 : i32
        %get3A_659 = arith.index_cast %add3A_658 : i32 to index
        %get3A_660 = arith.constant 16 : index
        %get3A_661 = tpu.vector_load %arg31[%get3A_659, %get3A_660] {strides = array<i32>} : memref<1024x32xf32, #tpu.memory_space<vmem>>, vector<16xf32>,
        %mul3A_662 = vector.broadcast %squeeze3A_644 : f32 to vector<16xf32>
        %mul3A_663 = arith.mulf %mul3A_662, %get3A_661 : vector<16xf32>
        %add3A_664 = arith.addf %add3A_642, %mul3A_663 : vector<16xf32>
        %slice3A_665 = vector.extract_strided_slice %exp3A {offsets = [8], sizes = [1], strides = [1]} : vector<16xf32> to vector<1xf32>
        %squeeze3A_666 = vector.extract %slice3A_665[0] : f32 from vector<1xf32>
        %mul3A_667 = arith.constant 16 : i32
        %mul3A_668 = arith.muli %scan3A_457, %mul3A_667 : i32
        %add3A_669 = arith.constant 8 : i32
        %add3A_670 = arith.addi %mul3A_668, %add3A_669 : i32
        %get3A_671 = arith.index_cast %add3A_670 : i32 to index
        %get3A_672 = arith.constant 0 : index
        %get3A_673 = tpu.vector_load %arg31[%get3A_671, %get3A_672] {strides = array<i32>} : memref<1024x32xf32, #tpu.memory_space<vmem>>, vector<16xf32>,
        %mul3A_674 = vector.broadcast %squeeze3A_666 : f32 to vector<16xf32>
        %mul3A_675 = arith.mulf %mul3A_674, %get3A_673 : vector<16xf32>
        %add3A_676 = arith.addf %add3A_654, %mul3A_675 : vector<16xf32>
        %mul3A_677 = arith.constant 16 : i32
        %mul3A_678 = arith.muli %scan3A_457, %mul3A_677 : i32
        %add3A_679 = arith.constant 8 : i32
        %add3A_680 = arith.addi %mul3A_678, %add3A_679 : i32
        %get3A_681 = arith.index_cast %add3A_680 : i32 to index
        %get3A_682 = arith.constant 16 : index
        %get3A_683 = tpu.vector_load %arg31[%get3A_681, %get3A_682] {strides = array<i32>} : memref<1024x32xf32, #tpu.memory_space<vmem>>, vector<16xf32>,
        %mul3A_684 = vector.broadcast %squeeze3A_666 : f32 to vector<16xf32>
        %mul3A_685 = arith.mulf %mul3A_684, %get3A_683 : vector<16xf32>
        %add3A_686 = arith.addf %add3A_664, %mul3A_685 : vector<16xf32>
        %slice3A_687 = vector.extract_strided_slice %exp3A {offsets = [9], sizes = [1], strides = [1]} : vector<16xf32> to vector<1xf32>
        %squeeze3A_688 = vector.extract %slice3A_687[0] : f32 from vector<1xf32>
        %mul3A_689 = arith.constant 16 : i32
        %mul3A_690 = arith.muli %scan3A_457, %mul3A_689 : i32
        %add3A_691 = arith.constant 9 : i32
        %add3A_692 = arith.addi %mul3A_690, %add3A_691 : i32
        %get3A_693 = arith.index_cast %add3A_692 : i32 to index
        %get3A_694 = arith.constant 0 : index
        %get3A_695 = tpu.vector_load %arg31[%get3A_693, %get3A_694] {strides = array<i32>} : memref<1024x32xf32, #tpu.memory_space<vmem>>, vector<16xf32>,
        %mul3A_696 = vector.broadcast %squeeze3A_688 : f32 to vector<16xf32>
        %mul3A_697 = arith.mulf %mul3A_696, %get3A_695 : vector<16xf32>
        %add3A_698 = arith.addf %add3A_676, %mul3A_697 : vector<16xf32>
        %mul3A_699 = arith.constant 16 : i32
        %mul3A_700 = arith.muli %scan3A_457, %mul3A_699 : i32
        %add3A_701 = arith.constant 9 : i32
        %add3A_702 = arith.addi %mul3A_700, %add3A_701 : i32
        %get3A_703 = arith.index_cast %add3A_702 : i32 to index
        %get3A_704 = arith.constant 16 : index
        %get3A_705 = tpu.vector_load %arg31[%get3A_703, %get3A_704] {strides = array<i32>} : memref<1024x32xf32, #tpu.memory_space<vmem>>, vector<16xf32>,
        %mul3A_706 = vector.broadcast %squeeze3A_688 : f32 to vector<16xf32>
        %mul3A_707 = arith.mulf %mul3A_706, %get3A_705 : vector<16xf32>
        %add3A_708 = arith.addf %add3A_686, %mul3A_707 : vector<16xf32>
        %slice3A_709 = vector.extract_strided_slice %exp3A {offsets = [10], sizes = [1], strides = [1]} : vector<16xf32> to vector<1xf32>
        %squeeze3A_710 = vector.extract %slice3A_709[0] : f32 from vector<1xf32>
        %mul3A_711 = arith.constant 16 : i32
        %mul3A_712 = arith.muli %scan3A_457, %mul3A_711 : i32
        %add3A_713 = arith.constant 10 : i32
        %add3A_714 = arith.addi %mul3A_712, %add3A_713 : i32
        %get3A_715 = arith.index_cast %add3A_714 : i32 to index
        %get3A_716 = arith.constant 0 : index
        %get3A_717 = tpu.vector_load %arg31[%get3A_715, %get3A_716] {strides = array<i32>} : memref<1024x32xf32, #tpu.memory_space<vmem>>, vector<16xf32>,
        %mul3A_718 = vector.broadcast %squeeze3A_710 : f32 to vector<16xf32>
        %mul3A_719 = arith.mulf %mul3A_718, %get3A_717 : vector<16xf32>
        %add3A_720 = arith.addf %add3A_698, %mul3A_719 : vector<16xf32>
        %mul3A_721 = arith.constant 16 : i32
        %mul3A_722 = arith.muli %scan3A_457, %mul3A_721 : i32
        %add3A_723 = arith.constant 10 : i32
        %add3A_724 = arith.addi %mul3A_722, %add3A_723 : i32
        %get3A_725 = arith.index_cast %add3A_724 : i32 to index
        %get3A_726 = arith.constant 16 : index
        %get3A_727 = tpu.vector_load %arg31[%get3A_725, %get3A_726] {strides = array<i32>} : memref<1024x32xf32, #tpu.memory_space<vmem>>, vector<16xf32>,
        %mul3A_728 = vector.broadcast %squeeze3A_710 : f32 to vector<16xf32>
        %mul3A_729 = arith.mulf %mul3A_728, %get3A_727 : vector<16xf32>
        %add3A_730 = arith.addf %add3A_708, %mul3A_729 : vector<16xf32>
        %slice3A_731 = vector.extract_strided_slice %exp3A {offsets = [11], sizes = [1], strides = [1]} : vector<16xf32> to vector<1xf32>
        %squeeze3A_732 = vector.extract %slice3A_731[0] : f32 from vector<1xf32>
        %mul3A_733 = arith.constant 16 : i32
        %mul3A_734 = arith.muli %scan3A_457, %mul3A_733 : i32
        %add3A_735 = arith.constant 11 : i32
        %add3A_736 = arith.addi %mul3A_734, %add3A_735 : i32
        %get3A_737 = arith.index_cast %add3A_736 : i32 to index
        %get3A_738 = arith.constant 0 : index
        %get3A_739 = tpu.vector_load %arg31[%get3A_737, %get3A_738] {strides = array<i32>} : memref<1024x32xf32, #tpu.memory_space<vmem>>, vector<16xf32>,
        %mul3A_740 = vector.broadcast %squeeze3A_732 : f32 to vector<16xf32>
        %mul3A_741 = arith.mulf %mul3A_740, %get3A_739 : vector<16xf32>
        %add3A_742 = arith.addf %add3A_720, %mul3A_741 : vector<16xf32>
        %mul3A_743 = arith.constant 16 : i32
        %mul3A_744 = arith.muli %scan3A_457, %mul3A_743 : i32
        %add3A_745 = arith.constant 11 : i32
        %add3A_746 = arith.addi %mul3A_744, %add3A_745 : i32
        %get3A_747 = arith.index_cast %add3A_746 : i32 to index
        %get3A_748 = arith.constant 16 : index
        %get3A_749 = tpu.vector_load %arg31[%get3A_747, %get3A_748] {strides = array<i32>} : memref<1024x32xf32, #tpu.memory_space<vmem>>, vector<16xf32>,
        %mul3A_750 = vector.broadcast %squeeze3A_732 : f32 to vector<16xf32>
        %mul3A_751 = arith.mulf %mul3A_750, %get3A_749 : vector<16xf32>
        %add3A_752 = arith.addf %add3A_730, %mul3A_751 : vector<16xf32>
        %slice3A_753 = vector.extract_strided_slice %exp3A {offsets = [12], sizes = [1], strides = [1]} : vector<16xf32> to vector<1xf32>
        %squeeze3A_754 = vector.extract %slice3A_753[0] : f32 from vector<1xf32>
        %mul3A_755 = arith.constant 16 : i32
        %mul3A_756 = arith.muli %scan3A_457, %mul3A_755 : i32
        %add3A_757 = arith.constant 12 : i32
        %add3A_758 = arith.addi %mul3A_756, %add3A_757 : i32
        %get3A_759 = arith.index_cast %add3A_758 : i32 to index
        %get3A_760 = arith.constant 0 : index
        %get3A_761 = tpu.vector_load %arg31[%get3A_759, %get3A_760] {strides = array<i32>} : memref<1024x32xf32, #tpu.memory_space<vmem>>, vector<16xf32>,
        %mul3A_762 = vector.broadcast %squeeze3A_754 : f32 to vector<16xf32>
        %mul3A_763 = arith.mulf %mul3A_762, %get3A_761 : vector<16xf32>
        %add3A_764 = arith.addf %add3A_742, %mul3A_763 : vector<16xf32>
        %mul3A_765 = arith.constant 16 : i32
        %mul3A_766 = arith.muli %scan3A_457, %mul3A_765 : i32
        %add3A_767 = arith.constant 12 : i32
        %add3A_768 = arith.addi %mul3A_766, %add3A_767 : i32
        %get3A_769 = arith.index_cast %add3A_768 : i32 to index
        %get3A_770 = arith.constant 16 : index
        %get3A_771 = tpu.vector_load %arg31[%get3A_769, %get3A_770] {strides = array<i32>} : memref<1024x32xf32, #tpu.memory_space<vmem>>, vector<16xf32>,
        %mul3A_772 = vector.broadcast %squeeze3A_754 : f32 to vector<16xf32>
        %mul3A_773 = arith.mulf %mul3A_772, %get3A_771 : vector<16xf32>
        %add3A_774 = arith.addf %add3A_752, %mul3A_773 : vector<16xf32>
        %slice3A_775 = vector.extract_strided_slice %exp3A {offsets = [13], sizes = [1], strides = [1]} : vector<16xf32> to vector<1xf32>
        %squeeze3A_776 = vector.extract %slice3A_775[0] : f32 from vector<1xf32>
        %mul3A_777 = arith.constant 16 : i32
        %mul3A_778 = arith.muli %scan3A_457, %mul3A_777 : i32
        %add3A_779 = arith.constant 13 : i32
        %add3A_780 = arith.addi %mul3A_778, %add3A_779 : i32
        %get3A_781 = arith.index_cast %add3A_780 : i32 to index
        %get3A_782 = arith.constant 0 : index
        %get3A_783 = tpu.vector_load %arg31[%get3A_781, %get3A_782] {strides = array<i32>} : memref<1024x32xf32, #tpu.memory_space<vmem>>, vector<16xf32>,
        %mul3A_784 = vector.broadcast %squeeze3A_776 : f32 to vector<16xf32>
        %mul3A_785 = arith.mulf %mul3A_784, %get3A_783 : vector<16xf32>
        %add3A_786 = arith.addf %add3A_764, %mul3A_785 : vector<16xf32>
        %mul3A_787 = arith.constant 16 : i32
        %mul3A_788 = arith.muli %scan3A_457, %mul3A_787 : i32
        %add3A_789 = arith.constant 13 : i32
        %add3A_790 = arith.addi %mul3A_788, %add3A_789 : i32
        %get3A_791 = arith.index_cast %add3A_790 : i32 to index
        %get3A_792 = arith.constant 16 : index
        %get3A_793 = tpu.vector_load %arg31[%get3A_791, %get3A_792] {strides = array<i32>} : memref<1024x32xf32, #tpu.memory_space<vmem>>, vector<16xf32>,
        %mul3A_794 = vector.broadcast %squeeze3A_776 : f32 to vector<16xf32>
        %mul3A_795 = arith.mulf %mul3A_794, %get3A_793 : vector<16xf32>
        %add3A_796 = arith.addf %add3A_774, %mul3A_795 : vector<16xf32>
        %slice3A_797 = vector.extract_strided_slice %exp3A {offsets = [14], sizes = [1], strides = [1]} : vector<16xf32> to vector<1xf32>
        %squeeze3A_798 = vector.extract %slice3A_797[0] : f32 from vector<1xf32>
        %mul3A_799 = arith.constant 16 : i32
        %mul3A_800 = arith.muli %scan3A_457, %mul3A_799 : i32
        %add3A_801 = arith.constant 14 : i32
        %add3A_802 = arith.addi %mul3A_800, %add3A_801 : i32
        %get3A_803 = arith.index_cast %add3A_802 : i32 to index
        %get3A_804 = arith.constant 0 : index
        %get3A_805 = tpu.vector_load %arg31[%get3A_803, %get3A_804] {strides = array<i32>} : memref<1024x32xf32, #tpu.memory_space<vmem>>, vector<16xf32>,
        %mul3A_806 = vector.broadcast %squeeze3A_798 : f32 to vector<16xf32>
        %mul3A_807 = arith.mulf %mul3A_806, %get3A_805 : vector<16xf32>
        %add3A_808 = arith.addf %add3A_786, %mul3A_807 : vector<16xf32>
        %mul3A_809 = arith.constant 16 : i32
        %mul3A_810 = arith.muli %scan3A_457, %mul3A_809 : i32
        %add3A_811 = arith.constant 14 : i32
        %add3A_812 = arith.addi %mul3A_810, %add3A_811 : i32
        %get3A_813 = arith.index_cast %add3A_812 : i32 to index
        %get3A_814 = arith.constant 16 : index
        %get3A_815 = tpu.vector_load %arg31[%get3A_813, %get3A_814] {strides = array<i32>} : memref<1024x32xf32, #tpu.memory_space<vmem>>, vector<16xf32>,
        %mul3A_816 = vector.broadcast %squeeze3A_798 : f32 to vector<16xf32>
        %mul3A_817 = arith.mulf %mul3A_816, %get3A_815 : vector<16xf32>
        %add3A_818 = arith.addf %add3A_796, %mul3A_817 : vector<16xf32>
        %slice3A_819 = vector.extract_strided_slice %exp3A {offsets = [15], sizes = [1], strides = [1]} : vector<16xf32> to vector<1xf32>
        %squeeze3A_820 = vector.extract %slice3A_819[0] : f32 from vector<1xf32>
        %mul3A_821 = arith.constant 16 : i32
        %mul3A_822 = arith.muli %scan3A_457, %mul3A_821 : i32
        %add3A_823 = arith.constant 15 : i32
        %add3A_824 = arith.addi %mul3A_822, %add3A_823 : i32
        %get3A_825 = arith.index_cast %add3A_824 : i32 to index
        %get3A_826 = arith.constant 0 : index
        %get3A_827 = tpu.vector_load %arg31[%get3A_825, %get3A_826] {strides = array<i32>} : memref<1024x32xf32, #tpu.memory_space<vmem>>, vector<16xf32>,
        %mul3A_828 = vector.broadcast %squeeze3A_820 : f32 to vector<16xf32>
        %mul3A_829 = arith.mulf %mul3A_828, %get3A_827 : vector<16xf32>
        %add3A_830 = arith.addf %add3A_808, %mul3A_829 : vector<16xf32>
        %mul3A_831 = arith.constant 16 : i32
        %mul3A_832 = arith.muli %scan3A_457, %mul3A_831 : i32
        %add3A_833 = arith.constant 15 : i32
        %add3A_834 = arith.addi %mul3A_832, %add3A_833 : i32
        %get3A_835 = arith.index_cast %add3A_834 : i32 to index
        %get3A_836 = arith.constant 16 : index
        %get3A_837 = tpu.vector_load %arg31[%get3A_835, %get3A_836] {strides = array<i32>} : memref<1024x32xf32, #tpu.memory_space<vmem>>, vector<16xf32>,
        %mul3A_838 = vector.broadcast %squeeze3A_820 : f32 to vector<16xf32>
        %mul3A_839 = arith.mulf %mul3A_838, %get3A_837 : vector<16xf32>
        %add3A_840 = arith.addf %add3A_818, %mul3A_839 : vector<16xf32>
        %broadcast_in_dim3A_841 = vector.broadcast %reduce_sum3A_487 : f32 to vector<16xf32>
        %div3A_842 = arith.constant 1.000000e+00 : f32
        %div3A_843 = vector.broadcast %div3A_842 : f32 to vector<16xf32>
        %div3A_844 = arith.divf %div3A_843, %broadcast_in_dim3A_841 : vector<16xf32>
        %mul3A_845 = arith.mulf %add3A_830, %div3A_844 : vector<16xf32>
        %swap3A_846 = arith.index_cast %scan3A_457 : i32 to index
        %swap3A_847 = arith.constant 0 : index
        %swap3A_848 = tpu.vector_load %arg35[%swap3A_846, %swap3A_847] {strides = array<i32>} : memref<64x32xf32, #tpu.memory_space<vmem>>, vector<16xf32>,
        tpu.vector_store %arg35[%swap3A_846, %swap3A_847], %mul3A_845 {strides = array<i32>} : memref<64x32xf32, #tpu.memory_space<vmem>>, vector<16xf32>,
        %mul3A_849 = arith.mulf %add3A_840, %div3A_844 : vector<16xf32>
        %swap3A_850 = arith.index_cast %scan3A_457 : i32 to index
        %swap3A_851 = arith.constant 16 : index
        %swap3A_852 = tpu.vector_load %arg35[%swap3A_850, %swap3A_851] {strides = array<i32>} : memref<64x32xf32, #tpu.memory_space<vmem>>, vector<16xf32>,
        tpu.vector_store %arg35[%swap3A_850, %swap3A_851], %mul3A_849 {strides = array<i32>} : memref<64x32xf32, #tpu.memory_space<vmem>>, vector<16xf32>,
        %scan3A_853 = arith.constant 0 : i32
        %scan3A_854 = arith.constant 1 : i32
        %scan3A_855 = arith.addi %scan3A_457, %scan3A_854 : i32
        %mul3A_856 = arith.constant 4 : i32
        %mul3A_857 = arith.muli %mul3A_196, %mul3A_856 : i32
        %jit3A_858 = arith.constant 16 : i32
        %div3A_859 = arith.divsi %scan3A_855, %jit3A_858 : i32
        %sign3A_860 = arith.constant 0 : i32
        %sign3A_861 = arith.cmpi sgt, %scan3A_855, %sign3A_860 : i32
        %sign3A_862 = arith.extui %sign3A_861 : i1 to i32
        %sign3A_863 = arith.constant 0 : i32
        %sign3A_864 = arith.cmpi slt, %scan3A_855, %sign3A_863 : i32
        %sign3A_865 = arith.extui %sign3A_864 : i1 to i32
        %sign3A_866 = arith.subi %sign3A_862, %sign3A_865 : i32
        %sign3A_867 = arith.constant 0 : i32
        %sign3A_868 = arith.cmpi sgt, %jit3A_858, %sign3A_867 : i32
        %sign3A_869 = arith.extui %sign3A_868 : i1 to i32
        %sign3A_870 = arith.constant 0 : i32
        %sign3A_871 = arith.cmpi slt, %jit3A_858, %sign3A_870 : i32
        %sign3A_872 = arith.extui %sign3A_871 : i1 to i32
        %sign3A_873 = arith.subi %sign3A_869, %sign3A_872 : i32
        %ne3A_874 = arith.cmpi ne, %sign3A_866, %sign3A_873 : i32
        %rem3A_875 = arith.remsi %scan3A_855, %jit3A_858 : i32
        %ne3A_876 = arith.constant 0 : i32
        %ne3A_877 = arith.cmpi ne, %rem3A_875, %ne3A_876 : i32
        %and3A_878 = arith.andi %ne3A_874, %ne3A_877 : i1
        %sub3A_879 = arith.constant 1 : i32
        %sub3A_880 = arith.subi %div3A_859, %sub3A_879 : i32
        %select_n3A_881 = arith.select %and3A_878, %sub3A_880, %div3A_859 : i32
        %add3A_882 = arith.addi %mul3A_857, %select_n3A_881 : i32
        %get3A_883 = arith.index_cast %scan3A_855 : i32 to index
        %get3A_884 = arith.constant 0 : index
        %get3A_885 = tpu.vector_load %arg29[%get3A_883, %get3A_884] {strides = array<i32>} : memref<64x16xi32, #tpu.memory_space<vmem>>, vector<16xi32>,
        %mul3A_886 = arith.constant 32 : i32
        %mul3A_887 = arith.muli %add3A_882, %mul3A_886 : i32
        %add3A_888 = vector.broadcast %mul3A_887 : i32 to vector<16xi32>
        %add3A_889 = arith.addi %add3A_888, %get3A_885 : vector<16xi32>
        %gather3A_890 = tpu.vector_load_idx %arg21[%add3A_889] : memref<4096xf32, #tpu.memory_space<vmem>>[vector<16xi32>], vector<16xf32>,
        %exp3A_891 = math.exp %gather3A_890 : vector<16xf32>
        %reduce_sum3A_892 = arith.constant true
        %reduce_sum3A_893 = vector.broadcast %reduce_sum3A_892 : i1 to vector<16xi1>
        %reduce_sum3A_894 = tpu.scan <sum>, %exp3A_891 masked %reduce_sum3A_893 : vector<16xf32>, vector<16xi1> -> vector<16xf32>
        %reduce_sum3A_895 = vector.extract %reduce_sum3A_894[15] : f32 from vector<16xf32>
        %broadcast_in_dim3A_896 = arith.constant 0.000000e+00 : f32
        %broadcast_in_dim3A_897 = vector.broadcast %broadcast_in_dim3A_896 : f32 to vector<16xf32>
        %broadcast_in_dim3A_898 = arith.constant 0.000000e+00 : f32
        %broadcast_in_dim3A_899 = vector.broadcast %broadcast_in_dim3A_898 : f32 to vector<16xf32>
        %slice3A_900 = vector.extract_strided_slice %exp3A_891 {offsets = [0], sizes = [1], strides = [1]} : vector<16xf32> to vector<1xf32>
        %squeeze3A_901 = vector.extract %slice3A_900[0] : f32 from vector<1xf32>
        %mul3A_902 = arith.constant 16 : i32
        %mul3A_903 = arith.muli %scan3A_855, %mul3A_902 : i32
        %add3A_904 = arith.constant 0 : i32
        %add3A_905 = arith.addi %mul3A_903, %add3A_904 : i32
        %get3A_906 = arith.index_cast %add3A_905 : i32 to index
        %get3A_907 = arith.constant 0 : index
        %get3A_908 = tpu.vector_load %arg31[%get3A_906, %get3A_907] {strides = array<i32>} : memref<1024x32xf32, #tpu.memory_space<vmem>>, vector<16xf32>,
        %mul3A_909 = vector.broadcast %squeeze3A_901 : f32 to vector<16xf32>
        %mul3A_910 = arith.mulf %mul3A_909, %get3A_908 : vector<16xf32>
        %add3A_911 = arith.addf %broadcast_in_dim3A_897, %mul3A_910 : vector<16xf32>
        %mul3A_912 = arith.constant 16 : i32
        %mul3A_913 = arith.muli %scan3A_855, %mul3A_912 : i32
        %add3A_914 = arith.constant 0 : i32
        %add3A_915 = arith.addi %mul3A_913, %add3A_914 : i32
        %get3A_916 = arith.index_cast %add3A_915 : i32 to index
        %get3A_917 = arith.constant 16 : index
        %get3A_918 = tpu.vector_load %arg31[%get3A_916, %get3A_917] {strides = array<i32>} : memref<1024x32xf32, #tpu.memory_space<vmem>>, vector<16xf32>,
        %mul3A_919 = vector.broadcast %squeeze3A_901 : f32 to vector<16xf32>
        %mul3A_920 = arith.mulf %mul3A_919, %get3A_918 : vector<16xf32>
        %add3A_921 = arith.addf %broadcast_in_dim3A_899, %mul3A_920 : vector<16xf32>
        %slice3A_922 = vector.extract_strided_slice %exp3A_891 {offsets = [1], sizes = [1], strides = [1]} : vector<16xf32> to vector<1xf32>
        %squeeze3A_923 = vector.extract %slice3A_922[0] : f32 from vector<1xf32>
        %mul3A_924 = arith.constant 16 : i32
        %mul3A_925 = arith.muli %scan3A_855, %mul3A_924 : i32
        %add3A_926 = arith.constant 1 : i32
        %add3A_927 = arith.addi %mul3A_925, %add3A_926 : i32
        %get3A_928 = arith.index_cast %add3A_927 : i32 to index
        %get3A_929 = arith.constant 0 : index
        %get3A_930 = tpu.vector_load %arg31[%get3A_928, %get3A_929] {strides = array<i32>} : memref<1024x32xf32, #tpu.memory_space<vmem>>, vector<16xf32>,
        %mul3A_931 = vector.broadcast %squeeze3A_923 : f32 to vector<16xf32>
        %mul3A_932 = arith.mulf %mul3A_931, %get3A_930 : vector<16xf32>
        %add3A_933 = arith.addf %add3A_911, %mul3A_932 : vector<16xf32>
        %mul3A_934 = arith.constant 16 : i32
        %mul3A_935 = arith.muli %scan3A_855, %mul3A_934 : i32
        %add3A_936 = arith.constant 1 : i32
        %add3A_937 = arith.addi %mul3A_935, %add3A_936 : i32
        %get3A_938 = arith.index_cast %add3A_937 : i32 to index
        %get3A_939 = arith.constant 16 : index
        %get3A_940 = tpu.vector_load %arg31[%get3A_938, %get3A_939] {strides = array<i32>} : memref<1024x32xf32, #tpu.memory_space<vmem>>, vector<16xf32>,
        %mul3A_941 = vector.broadcast %squeeze3A_923 : f32 to vector<16xf32>
        %mul3A_942 = arith.mulf %mul3A_941, %get3A_940 : vector<16xf32>
        %add3A_943 = arith.addf %add3A_921, %mul3A_942 : vector<16xf32>
        %slice3A_944 = vector.extract_strided_slice %exp3A_891 {offsets = [2], sizes = [1], strides = [1]} : vector<16xf32> to vector<1xf32>
        %squeeze3A_945 = vector.extract %slice3A_944[0] : f32 from vector<1xf32>
        %mul3A_946 = arith.constant 16 : i32
        %mul3A_947 = arith.muli %scan3A_855, %mul3A_946 : i32
        %add3A_948 = arith.constant 2 : i32
        %add3A_949 = arith.addi %mul3A_947, %add3A_948 : i32
        %get3A_950 = arith.index_cast %add3A_949 : i32 to index
        %get3A_951 = arith.constant 0 : index
        %get3A_952 = tpu.vector_load %arg31[%get3A_950, %get3A_951] {strides = array<i32>} : memref<1024x32xf32, #tpu.memory_space<vmem>>, vector<16xf32>,
        %mul3A_953 = vector.broadcast %squeeze3A_945 : f32 to vector<16xf32>
        %mul3A_954 = arith.mulf %mul3A_953, %get3A_952 : vector<16xf32>
        %add3A_955 = arith.addf %add3A_933, %mul3A_954 : vector<16xf32>
        %mul3A_956 = arith.constant 16 : i32
        %mul3A_957 = arith.muli %scan3A_855, %mul3A_956 : i32
        %add3A_958 = arith.constant 2 : i32
        %add3A_959 = arith.addi %mul3A_957, %add3A_958 : i32
        %get3A_960 = arith.index_cast %add3A_959 : i32 to index
        %get3A_961 = arith.constant 16 : index
        %get3A_962 = tpu.vector_load %arg31[%get3A_960, %get3A_961] {strides = array<i32>} : memref<1024x32xf32, #tpu.memory_space<vmem>>, vector<16xf32>,
        %mul3A_963 = vector.broadcast %squeeze3A_945 : f32 to vector<16xf32>
        %mul3A_964 = arith.mulf %mul3A_963, %get3A_962 : vector<16xf32>
        %add3A_965 = arith.addf %add3A_943, %mul3A_964 : vector<16xf32>
        %slice3A_966 = vector.extract_strided_slice %exp3A_891 {offsets = [3], sizes = [1], strides = [1]} : vector<16xf32> to vector<1xf32>
        %squeeze3A_967 = vector.extract %slice3A_966[0] : f32 from vector<1xf32>
        %mul3A_968 = arith.constant 16 : i32
        %mul3A_969 = arith.muli %scan3A_855, %mul3A_968 : i32
        %add3A_970 = arith.constant 3 : i32
        %add3A_971 = arith.addi %mul3A_969, %add3A_970 : i32
        %get3A_972 = arith.index_cast %add3A_971 : i32 to index
        %get3A_973 = arith.constant 0 : index
        %get3A_974 = tpu.vector_load %arg31[%get3A_972, %get3A_973] {strides = array<i32>} : memref<1024x32xf32, #tpu.memory_space<vmem>>, vector<16xf32>,
        %mul3A_975 = vector.broadcast %squeeze3A_967 : f32 to vector<16xf32>
        %mul3A_976 = arith.mulf %mul3A_975, %get3A_974 : vector<16xf32>
        %add3A_977 = arith.addf %add3A_955, %mul3A_976 : vector<16xf32>
        %mul3A_978 = arith.constant 16 : i32
        %mul3A_979 = arith.muli %scan3A_855, %mul3A_978 : i32
        %add3A_980 = arith.constant 3 : i32
        %add3A_981 = arith.addi %mul3A_979, %add3A_980 : i32
        %get3A_982 = arith.index_cast %add3A_981 : i32 to index
        %get3A_983 = arith.constant 16 : index
        %get3A_984 = tpu.vector_load %arg31[%get3A_982, %get3A_983] {strides = array<i32>} : memref<1024x32xf32, #tpu.memory_space<vmem>>, vector<16xf32>,
        %mul3A_985 = vector.broadcast %squeeze3A_967 : f32 to vector<16xf32>
        %mul3A_986 = arith.mulf %mul3A_985, %get3A_984 : vector<16xf32>
        %add3A_987 = arith.addf %add3A_965, %mul3A_986 : vector<16xf32>
        %slice3A_988 = vector.extract_strided_slice %exp3A_891 {offsets = [4], sizes = [1], strides = [1]} : vector<16xf32> to vector<1xf32>
        %squeeze3A_989 = vector.extract %slice3A_988[0] : f32 from vector<1xf32>
        %mul3A_990 = arith.constant 16 : i32
        %mul3A_991 = arith.muli %scan3A_855, %mul3A_990 : i32
        %add3A_992 = arith.constant 4 : i32
        %add3A_993 = arith.addi %mul3A_991, %add3A_992 : i32
        %get3A_994 = arith.index_cast %add3A_993 : i32 to index
        %get3A_995 = arith.constant 0 : index
        %get3A_996 = tpu.vector_load %arg31[%get3A_994, %get3A_995] {strides = array<i32>} : memref<1024x32xf32, #tpu.memory_space<vmem>>, vector<16xf32>,
        %mul3A_997 = vector.broadcast %squeeze3A_989 : f32 to vector<16xf32>
        %mul3A_998 = arith.mulf %mul3A_997, %get3A_996 : vector<16xf32>
        %add3A_999 = arith.addf %add3A_977, %mul3A_998 : vector<16xf32>
        %mul3A_1000 = arith.constant 16 : i32
        %mul3A_1001 = arith.muli %scan3A_855, %mul3A_1000 : i32
        %add3A_1002 = arith.constant 4 : i32
        %add3A_1003 = arith.addi %mul3A_1001, %add3A_1002 : i32
        %get3A_1004 = arith.index_cast %add3A_1003 : i32 to index
        %get3A_1005 = arith.constant 16 : index
        %get3A_1006 = tpu.vector_load %arg31[%get3A_1004, %get3A_1005] {strides = array<i32>} : memref<1024x32xf32, #tpu.memory_space<vmem>>, vector<16xf32>,
        %mul3A_1007 = vector.broadcast %squeeze3A_989 : f32 to vector<16xf32>
        %mul3A_1008 = arith.mulf %mul3A_1007, %get3A_1006 : vector<16xf32>
        %add3A_1009 = arith.addf %add3A_987, %mul3A_1008 : vector<16xf32>
        %slice3A_1010 = vector.extract_strided_slice %exp3A_891 {offsets = [5], sizes = [1], strides = [1]} : vector<16xf32> to vector<1xf32>
        %squeeze3A_1011 = vector.extract %slice3A_1010[0] : f32 from vector<1xf32>
        %mul3A_1012 = arith.constant 16 : i32
        %mul3A_1013 = arith.muli %scan3A_855, %mul3A_1012 : i32
        %add3A_1014 = arith.constant 5 : i32
        %add3A_1015 = arith.addi %mul3A_1013, %add3A_1014 : i32
        %get3A_1016 = arith.index_cast %add3A_1015 : i32 to index
        %get3A_1017 = arith.constant 0 : index
        %get3A_1018 = tpu.vector_load %arg31[%get3A_1016, %get3A_1017] {strides = array<i32>} : memref<1024x32xf32, #tpu.memory_space<vmem>>, vector<16xf32>,
        %mul3A_1019 = vector.broadcast %squeeze3A_1011 : f32 to vector<16xf32>
        %mul3A_1020 = arith.mulf %mul3A_1019, %get3A_1018 : vector<16xf32>
        %add3A_1021 = arith.addf %add3A_999, %mul3A_1020 : vector<16xf32>
        %mul3A_1022 = arith.constant 16 : i32
        %mul3A_1023 = arith.muli %scan3A_855, %mul3A_1022 : i32
        %add3A_1024 = arith.constant 5 : i32
        %add3A_1025 = arith.addi %mul3A_1023, %add3A_1024 : i32
        %get3A_1026 = arith.index_cast %add3A_1025 : i32 to index
        %get3A_1027 = arith.constant 16 : index
        %get3A_1028 = tpu.vector_load %arg31[%get3A_1026, %get3A_1027] {strides = array<i32>} : memref<1024x32xf32, #tpu.memory_space<vmem>>, vector<16xf32>,
        %mul3A_1029 = vector.broadcast %squeeze3A_1011 : f32 to vector<16xf32>
        %mul3A_1030 = arith.mulf %mul3A_1029, %get3A_1028 : vector<16xf32>
        %add3A_1031 = arith.addf %add3A_1009, %mul3A_1030 : vector<16xf32>
        %slice3A_1032 = vector.extract_strided_slice %exp3A_891 {offsets = [6], sizes = [1], strides = [1]} : vector<16xf32> to vector<1xf32>
        %squeeze3A_1033 = vector.extract %slice3A_1032[0] : f32 from vector<1xf32>
        %mul3A_1034 = arith.constant 16 : i32
        %mul3A_1035 = arith.muli %scan3A_855, %mul3A_1034 : i32
        %add3A_1036 = arith.constant 6 : i32
        %add3A_1037 = arith.addi %mul3A_1035, %add3A_1036 : i32
        %get3A_1038 = arith.index_cast %add3A_1037 : i32 to index
        %get3A_1039 = arith.constant 0 : index
        %get3A_1040 = tpu.vector_load %arg31[%get3A_1038, %get3A_1039] {strides = array<i32>} : memref<1024x32xf32, #tpu.memory_space<vmem>>, vector<16xf32>,
        %mul3A_1041 = vector.broadcast %squeeze3A_1033 : f32 to vector<16xf32>
        %mul3A_1042 = arith.mulf %mul3A_1041, %get3A_1040 : vector<16xf32>
        %add3A_1043 = arith.addf %add3A_1021, %mul3A_1042 : vector<16xf32>
        %mul3A_1044 = arith.constant 16 : i32
        %mul3A_1045 = arith.muli %scan3A_855, %mul3A_1044 : i32
        %add3A_1046 = arith.constant 6 : i32
        %add3A_1047 = arith.addi %mul3A_1045, %add3A_1046 : i32
        %get3A_1048 = arith.index_cast %add3A_1047 : i32 to index
        %get3A_1049 = arith.constant 16 : index
        %get3A_1050 = tpu.vector_load %arg31[%get3A_1048, %get3A_1049] {strides = array<i32>} : memref<1024x32xf32, #tpu.memory_space<vmem>>, vector<16xf32>,
        %mul3A_1051 = vector.broadcast %squeeze3A_1033 : f32 to vector<16xf32>
        %mul3A_1052 = arith.mulf %mul3A_1051, %get3A_1050 : vector<16xf32>
        %add3A_1053 = arith.addf %add3A_1031, %mul3A_1052 : vector<16xf32>
        %slice3A_1054 = vector.extract_strided_slice %exp3A_891 {offsets = [7], sizes = [1], strides = [1]} : vector<16xf32> to vector<1xf32>
        %squeeze3A_1055 = vector.extract %slice3A_1054[0] : f32 from vector<1xf32>
        %mul3A_1056 = arith.constant 16 : i32
        %mul3A_1057 = arith.muli %scan3A_855, %mul3A_1056 : i32
        %add3A_1058 = arith.constant 7 : i32
        %add3A_1059 = arith.addi %mul3A_1057, %add3A_1058 : i32
        %get3A_1060 = arith.index_cast %add3A_1059 : i32 to index
        %get3A_1061 = arith.constant 0 : index
        %get3A_1062 = tpu.vector_load %arg31[%get3A_1060, %get3A_1061] {strides = array<i32>} : memref<1024x32xf32, #tpu.memory_space<vmem>>, vector<16xf32>,
        %mul3A_1063 = vector.broadcast %squeeze3A_1055 : f32 to vector<16xf32>
        %mul3A_1064 = arith.mulf %mul3A_1063, %get3A_1062 : vector<16xf32>
        %add3A_1065 = arith.addf %add3A_1043, %mul3A_1064 : vector<16xf32>
        %mul3A_1066 = arith.constant 16 : i32
        %mul3A_1067 = arith.muli %scan3A_855, %mul3A_1066 : i32
        %add3A_1068 = arith.constant 7 : i32
        %add3A_1069 = arith.addi %mul3A_1067, %add3A_1068 : i32
        %get3A_1070 = arith.index_cast %add3A_1069 : i32 to index
        %get3A_1071 = arith.constant 16 : index
        %get3A_1072 = tpu.vector_load %arg31[%get3A_1070, %get3A_1071] {strides = array<i32>} : memref<1024x32xf32, #tpu.memory_space<vmem>>, vector<16xf32>,
        %mul3A_1073 = vector.broadcast %squeeze3A_1055 : f32 to vector<16xf32>
        %mul3A_1074 = arith.mulf %mul3A_1073, %get3A_1072 : vector<16xf32>
        %add3A_1075 = arith.addf %add3A_1053, %mul3A_1074 : vector<16xf32>
        %slice3A_1076 = vector.extract_strided_slice %exp3A_891 {offsets = [8], sizes = [1], strides = [1]} : vector<16xf32> to vector<1xf32>
        %squeeze3A_1077 = vector.extract %slice3A_1076[0] : f32 from vector<1xf32>
        %mul3A_1078 = arith.constant 16 : i32
        %mul3A_1079 = arith.muli %scan3A_855, %mul3A_1078 : i32
        %add3A_1080 = arith.constant 8 : i32
        %add3A_1081 = arith.addi %mul3A_1079, %add3A_1080 : i32
        %get3A_1082 = arith.index_cast %add3A_1081 : i32 to index
        %get3A_1083 = arith.constant 0 : index
        %get3A_1084 = tpu.vector_load %arg31[%get3A_1082, %get3A_1083] {strides = array<i32>} : memref<1024x32xf32, #tpu.memory_space<vmem>>, vector<16xf32>,
        %mul3A_1085 = vector.broadcast %squeeze3A_1077 : f32 to vector<16xf32>
        %mul3A_1086 = arith.mulf %mul3A_1085, %get3A_1084 : vector<16xf32>
        %add3A_1087 = arith.addf %add3A_1065, %mul3A_1086 : vector<16xf32>
        %mul3A_1088 = arith.constant 16 : i32
        %mul3A_1089 = arith.muli %scan3A_855, %mul3A_1088 : i32
        %add3A_1090 = arith.constant 8 : i32
        %add3A_1091 = arith.addi %mul3A_1089, %add3A_1090 : i32
        %get3A_1092 = arith.index_cast %add3A_1091 : i32 to index
        %get3A_1093 = arith.constant 16 : index
        %get3A_1094 = tpu.vector_load %arg31[%get3A_1092, %get3A_1093] {strides = array<i32>} : memref<1024x32xf32, #tpu.memory_space<vmem>>, vector<16xf32>,
        %mul3A_1095 = vector.broadcast %squeeze3A_1077 : f32 to vector<16xf32>
        %mul3A_1096 = arith.mulf %mul3A_1095, %get3A_1094 : vector<16xf32>
        %add3A_1097 = arith.addf %add3A_1075, %mul3A_1096 : vector<16xf32>
        %slice3A_1098 = vector.extract_strided_slice %exp3A_891 {offsets = [9], sizes = [1], strides = [1]} : vector<16xf32> to vector<1xf32>
        %squeeze3A_1099 = vector.extract %slice3A_1098[0] : f32 from vector<1xf32>
        %mul3A_1100 = arith.constant 16 : i32
        %mul3A_1101 = arith.muli %scan3A_855, %mul3A_1100 : i32
        %add3A_1102 = arith.constant 9 : i32
        %add3A_1103 = arith.addi %mul3A_1101, %add3A_1102 : i32
        %get3A_1104 = arith.index_cast %add3A_1103 : i32 to index
        %get3A_1105 = arith.constant 0 : index
        %get3A_1106 = tpu.vector_load %arg31[%get3A_1104, %get3A_1105] {strides = array<i32>} : memref<1024x32xf32, #tpu.memory_space<vmem>>, vector<16xf32>,
        %mul3A_1107 = vector.broadcast %squeeze3A_1099 : f32 to vector<16xf32>
        %mul3A_1108 = arith.mulf %mul3A_1107, %get3A_1106 : vector<16xf32>
        %add3A_1109 = arith.addf %add3A_1087, %mul3A_1108 : vector<16xf32>
        %mul3A_1110 = arith.constant 16 : i32
        %mul3A_1111 = arith.muli %scan3A_855, %mul3A_1110 : i32
        %add3A_1112 = arith.constant 9 : i32
        %add3A_1113 = arith.addi %mul3A_1111, %add3A_1112 : i32
        %get3A_1114 = arith.index_cast %add3A_1113 : i32 to index
        %get3A_1115 = arith.constant 16 : index
        %get3A_1116 = tpu.vector_load %arg31[%get3A_1114, %get3A_1115] {strides = array<i32>} : memref<1024x32xf32, #tpu.memory_space<vmem>>, vector<16xf32>,
        %mul3A_1117 = vector.broadcast %squeeze3A_1099 : f32 to vector<16xf32>
        %mul3A_1118 = arith.mulf %mul3A_1117, %get3A_1116 : vector<16xf32>
        %add3A_1119 = arith.addf %add3A_1097, %mul3A_1118 : vector<16xf32>
        %slice3A_1120 = vector.extract_strided_slice %exp3A_891 {offsets = [10], sizes = [1], strides = [1]} : vector<16xf32> to vector<1xf32>
        %squeeze3A_1121 = vector.extract %slice3A_1120[0] : f32 from vector<1xf32>
        %mul3A_1122 = arith.constant 16 : i32
        %mul3A_1123 = arith.muli %scan3A_855, %mul3A_1122 : i32
        %add3A_1124 = arith.constant 10 : i32
        %add3A_1125 = arith.addi %mul3A_1123, %add3A_1124 : i32
        %get3A_1126 = arith.index_cast %add3A_1125 : i32 to index
        %get3A_1127 = arith.constant 0 : index
        %get3A_1128 = tpu.vector_load %arg31[%get3A_1126, %get3A_1127] {strides = array<i32>} : memref<1024x32xf32, #tpu.memory_space<vmem>>, vector<16xf32>,
        %mul3A_1129 = vector.broadcast %squeeze3A_1121 : f32 to vector<16xf32>
        %mul3A_1130 = arith.mulf %mul3A_1129, %get3A_1128 : vector<16xf32>
        %add3A_1131 = arith.addf %add3A_1109, %mul3A_1130 : vector<16xf32>
        %mul3A_1132 = arith.constant 16 : i32
        %mul3A_1133 = arith.muli %scan3A_855, %mul3A_1132 : i32
        %add3A_1134 = arith.constant 10 : i32
        %add3A_1135 = arith.addi %mul3A_1133, %add3A_1134 : i32
        %get3A_1136 = arith.index_cast %add3A_1135 : i32 to index
        %get3A_1137 = arith.constant 16 : index
        %get3A_1138 = tpu.vector_load %arg31[%get3A_1136, %get3A_1137] {strides = array<i32>} : memref<1024x32xf32, #tpu.memory_space<vmem>>, vector<16xf32>,
        %mul3A_1139 = vector.broadcast %squeeze3A_1121 : f32 to vector<16xf32>
        %mul3A_1140 = arith.mulf %mul3A_1139, %get3A_1138 : vector<16xf32>
        %add3A_1141 = arith.addf %add3A_1119, %mul3A_1140 : vector<16xf32>
        %slice3A_1142 = vector.extract_strided_slice %exp3A_891 {offsets = [11], sizes = [1], strides = [1]} : vector<16xf32> to vector<1xf32>
        %squeeze3A_1143 = vector.extract %slice3A_1142[0] : f32 from vector<1xf32>
        %mul3A_1144 = arith.constant 16 : i32
        %mul3A_1145 = arith.muli %scan3A_855, %mul3A_1144 : i32
        %add3A_1146 = arith.constant 11 : i32
        %add3A_1147 = arith.addi %mul3A_1145, %add3A_1146 : i32
        %get3A_1148 = arith.index_cast %add3A_1147 : i32 to index
        %get3A_1149 = arith.constant 0 : index
        %get3A_1150 = tpu.vector_load %arg31[%get3A_1148, %get3A_1149] {strides = array<i32>} : memref<1024x32xf32, #tpu.memory_space<vmem>>, vector<16xf32>,
        %mul3A_1151 = vector.broadcast %squeeze3A_1143 : f32 to vector<16xf32>
        %mul3A_1152 = arith.mulf %mul3A_1151, %get3A_1150 : vector<16xf32>
        %add3A_1153 = arith.addf %add3A_1131, %mul3A_1152 : vector<16xf32>
        %mul3A_1154 = arith.constant 16 : i32
        %mul3A_1155 = arith.muli %scan3A_855, %mul3A_1154 : i32
        %add3A_1156 = arith.constant 11 : i32
        %add3A_1157 = arith.addi %mul3A_1155, %add3A_1156 : i32
        %get3A_1158 = arith.index_cast %add3A_1157 : i32 to index
        %get3A_1159 = arith.constant 16 : index
        %get3A_1160 = tpu.vector_load %arg31[%get3A_1158, %get3A_1159] {strides = array<i32>} : memref<1024x32xf32, #tpu.memory_space<vmem>>, vector<16xf32>,
        %mul3A_1161 = vector.broadcast %squeeze3A_1143 : f32 to vector<16xf32>
        %mul3A_1162 = arith.mulf %mul3A_1161, %get3A_1160 : vector<16xf32>
        %add3A_1163 = arith.addf %add3A_1141, %mul3A_1162 : vector<16xf32>
        %slice3A_1164 = vector.extract_strided_slice %exp3A_891 {offsets = [12], sizes = [1], strides = [1]} : vector<16xf32> to vector<1xf32>
        %squeeze3A_1165 = vector.extract %slice3A_1164[0] : f32 from vector<1xf32>
        %mul3A_1166 = arith.constant 16 : i32
        %mul3A_1167 = arith.muli %scan3A_855, %mul3A_1166 : i32
        %add3A_1168 = arith.constant 12 : i32
        %add3A_1169 = arith.addi %mul3A_1167, %add3A_1168 : i32
        %get3A_1170 = arith.index_cast %add3A_1169 : i32 to index
        %get3A_1171 = arith.constant 0 : index
        %get3A_1172 = tpu.vector_load %arg31[%get3A_1170, %get3A_1171] {strides = array<i32>} : memref<1024x32xf32, #tpu.memory_space<vmem>>, vector<16xf32>,
        %mul3A_1173 = vector.broadcast %squeeze3A_1165 : f32 to vector<16xf32>
        %mul3A_1174 = arith.mulf %mul3A_1173, %get3A_1172 : vector<16xf32>
        %add3A_1175 = arith.addf %add3A_1153, %mul3A_1174 : vector<16xf32>
        %mul3A_1176 = arith.constant 16 : i32
        %mul3A_1177 = arith.muli %scan3A_855, %mul3A_1176 : i32
        %add3A_1178 = arith.constant 12 : i32
        %add3A_1179 = arith.addi %mul3A_1177, %add3A_1178 : i32
        %get3A_1180 = arith.index_cast %add3A_1179 : i32 to index
        %get3A_1181 = arith.constant 16 : index
        %get3A_1182 = tpu.vector_load %arg31[%get3A_1180, %get3A_1181] {strides = array<i32>} : memref<1024x32xf32, #tpu.memory_space<vmem>>, vector<16xf32>,
        %mul3A_1183 = vector.broadcast %squeeze3A_1165 : f32 to vector<16xf32>
        %mul3A_1184 = arith.mulf %mul3A_1183, %get3A_1182 : vector<16xf32>
        %add3A_1185 = arith.addf %add3A_1163, %mul3A_1184 : vector<16xf32>
        %slice3A_1186 = vector.extract_strided_slice %exp3A_891 {offsets = [13], sizes = [1], strides = [1]} : vector<16xf32> to vector<1xf32>
        %squeeze3A_1187 = vector.extract %slice3A_1186[0] : f32 from vector<1xf32>
        %mul3A_1188 = arith.constant 16 : i32
        %mul3A_1189 = arith.muli %scan3A_855, %mul3A_1188 : i32
        %add3A_1190 = arith.constant 13 : i32
        %add3A_1191 = arith.addi %mul3A_1189, %add3A_1190 : i32
        %get3A_1192 = arith.index_cast %add3A_1191 : i32 to index
        %get3A_1193 = arith.constant 0 : index
        %get3A_1194 = tpu.vector_load %arg31[%get3A_1192, %get3A_1193] {strides = array<i32>} : memref<1024x32xf32, #tpu.memory_space<vmem>>, vector<16xf32>,
        %mul3A_1195 = vector.broadcast %squeeze3A_1187 : f32 to vector<16xf32>
        %mul3A_1196 = arith.mulf %mul3A_1195, %get3A_1194 : vector<16xf32>
        %add3A_1197 = arith.addf %add3A_1175, %mul3A_1196 : vector<16xf32>
        %mul3A_1198 = arith.constant 16 : i32
        %mul3A_1199 = arith.muli %scan3A_855, %mul3A_1198 : i32
        %add3A_1200 = arith.constant 13 : i32
        %add3A_1201 = arith.addi %mul3A_1199, %add3A_1200 : i32
        %get3A_1202 = arith.index_cast %add3A_1201 : i32 to index
        %get3A_1203 = arith.constant 16 : index
        %get3A_1204 = tpu.vector_load %arg31[%get3A_1202, %get3A_1203] {strides = array<i32>} : memref<1024x32xf32, #tpu.memory_space<vmem>>, vector<16xf32>,
        %mul3A_1205 = vector.broadcast %squeeze3A_1187 : f32 to vector<16xf32>
        %mul3A_1206 = arith.mulf %mul3A_1205, %get3A_1204 : vector<16xf32>
        %add3A_1207 = arith.addf %add3A_1185, %mul3A_1206 : vector<16xf32>
        %slice3A_1208 = vector.extract_strided_slice %exp3A_891 {offsets = [14], sizes = [1], strides = [1]} : vector<16xf32> to vector<1xf32>
        %squeeze3A_1209 = vector.extract %slice3A_1208[0] : f32 from vector<1xf32>
        %mul3A_1210 = arith.constant 16 : i32
        %mul3A_1211 = arith.muli %scan3A_855, %mul3A_1210 : i32
        %add3A_1212 = arith.constant 14 : i32
        %add3A_1213 = arith.addi %mul3A_1211, %add3A_1212 : i32
        %get3A_1214 = arith.index_cast %add3A_1213 : i32 to index
        %get3A_1215 = arith.constant 0 : index
        %get3A_1216 = tpu.vector_load %arg31[%get3A_1214, %get3A_1215] {strides = array<i32>} : memref<1024x32xf32, #tpu.memory_space<vmem>>, vector<16xf32>,
        %mul3A_1217 = vector.broadcast %squeeze3A_1209 : f32 to vector<16xf32>
        %mul3A_1218 = arith.mulf %mul3A_1217, %get3A_1216 : vector<16xf32>
        %add3A_1219 = arith.addf %add3A_1197, %mul3A_1218 : vector<16xf32>
        %mul3A_1220 = arith.constant 16 : i32
        %mul3A_1221 = arith.muli %scan3A_855, %mul3A_1220 : i32
        %add3A_1222 = arith.constant 14 : i32
        %add3A_1223 = arith.addi %mul3A_1221, %add3A_1222 : i32
        %get3A_1224 = arith.index_cast %add3A_1223 : i32 to index
        %get3A_1225 = arith.constant 16 : index
        %get3A_1226 = tpu.vector_load %arg31[%get3A_1224, %get3A_1225] {strides = array<i32>} : memref<1024x32xf32, #tpu.memory_space<vmem>>, vector<16xf32>,
        %mul3A_1227 = vector.broadcast %squeeze3A_1209 : f32 to vector<16xf32>
        %mul3A_1228 = arith.mulf %mul3A_1227, %get3A_1226 : vector<16xf32>
        %add3A_1229 = arith.addf %add3A_1207, %mul3A_1228 : vector<16xf32>
        %slice3A_1230 = vector.extract_strided_slice %exp3A_891 {offsets = [15], sizes = [1], strides = [1]} : vector<16xf32> to vector<1xf32>
        %squeeze3A_1231 = vector.extract %slice3A_1230[0] : f32 from vector<1xf32>
        %mul3A_1232 = arith.constant 16 : i32
        %mul3A_1233 = arith.muli %scan3A_855, %mul3A_1232 : i32
        %add3A_1234 = arith.constant 15 : i32
        %add3A_1235 = arith.addi %mul3A_1233, %add3A_1234 : i32
        %get3A_1236 = arith.index_cast %add3A_1235 : i32 to index
        %get3A_1237 = arith.constant 0 : index
        %get3A_1238 = tpu.vector_load %arg31[%get3A_1236, %get3A_1237] {strides = array<i32>} : memref<1024x32xf32, #tpu.memory_space<vmem>>, vector<16xf32>,
        %mul3A_1239 = vector.broadcast %squeeze3A_1231 : f32 to vector<16xf32>
        %mul3A_1240 = arith.mulf %mul3A_1239, %get3A_1238 : vector<16xf32>
        %add3A_1241 = arith.addf %add3A_1219, %mul3A_1240 : vector<16xf32>
        %mul3A_1242 = arith.constant 16 : i32
        %mul3A_1243 = arith.muli %scan3A_855, %mul3A_1242 : i32
        %add3A_1244 = arith.constant 15 : i32
        %add3A_1245 = arith.addi %mul3A_1243, %add3A_1244 : i32
        %get3A_1246 = arith.index_cast %add3A_1245 : i32 to index
        %get3A_1247 = arith.constant 16 : index
        %get3A_1248 = tpu.vector_load %arg31[%get3A_1246, %get3A_1247] {strides = array<i32>} : memref<1024x32xf32, #tpu.memory_space<vmem>>, vector<16xf32>,
        %mul3A_1249 = vector.broadcast %squeeze3A_1231 : f32 to vector<16xf32>
        %mul3A_1250 = arith.mulf %mul3A_1249, %get3A_1248 : vector<16xf32>
        %add3A_1251 = arith.addf %add3A_1229, %mul3A_1250 : vector<16xf32>
        %broadcast_in_dim3A_1252 = vector.broadcast %reduce_sum3A_895 : f32 to vector<16xf32>
        %div3A_1253 = arith.constant 1.000000e+00 : f32
        %div3A_1254 = vector.broadcast %div3A_1253 : f32 to vector<16xf32>
        %div3A_1255 = arith.divf %div3A_1254, %broadcast_in_dim3A_1252 : vector<16xf32>
        %mul3A_1256 = arith.mulf %add3A_1241, %div3A_1255 : vector<16xf32>
        %swap3A_1257 = arith.index_cast %scan3A_855 : i32 to index
        %swap3A_1258 = arith.constant 0 : index
        %swap3A_1259 = tpu.vector_load %arg35[%swap3A_1257, %swap3A_1258] {strides = array<i32>} : memref<64x32xf32, #tpu.memory_space<vmem>>, vector<16xf32>,
        tpu.vector_store %arg35[%swap3A_1257, %swap3A_1258], %mul3A_1256 {strides = array<i32>} : memref<64x32xf32, #tpu.memory_space<vmem>>, vector<16xf32>,
        %mul3A_1260 = arith.mulf %add3A_1251, %div3A_1255 : vector<16xf32>
        %swap3A_1261 = arith.index_cast %scan3A_855 : i32 to index
        %swap3A_1262 = arith.constant 16 : index
        %swap3A_1263 = tpu.vector_load %arg35[%swap3A_1261, %swap3A_1262] {strides = array<i32>} : memref<64x32xf32, #tpu.memory_space<vmem>>, vector<16xf32>,
        tpu.vector_store %arg35[%swap3A_1261, %swap3A_1262], %mul3A_1260 {strides = array<i32>} : memref<64x32xf32, #tpu.memory_space<vmem>>, vector<16xf32>,
        %scan3A_1264 = arith.constant 0 : i32
        scf.yield %scan3A_1264 : i32
      }
      %scan3A_358 = arith.constant 64 : i32
      %mul3A_359 = arith.constant 4 : i32
      %mul3A_360 = arith.muli %mul3A_196, %mul3A_359 : i32
      %add3A_361 = arith.addi %mul3A_2, %mul3A_360 : i32
      %mul3A_362 = arith.constant 16 : i32
      %mul3A_363 = arith.muli %add3A_361, %mul3A_362 : i32
      "tpu.region"() ({
        %run_scoped3A = tpu.sem_alloc : memref<!tpu.dma_semaphore, #tpu.memory_space<semaphore_mem>>
        %dma_start3A_457 = arith.constant 0 : i32
        %dma_start3A_458 = tpu.memref_slice %arg13[%mul3A_363, %dma_start3A_457] : memref<65536x32xf32, #tpu.memory_space<hbm>> -> memref<64x32xf32, #tpu.memory_space<hbm>>
        %dma_start3A_459 = arith.constant 0 : i32
        %dma_start3A_460 = tpu.memref_slice %arg13[%mul3A_363, %dma_start3A_459] : memref<65536x32xf32, #tpu.memory_space<hbm>> -> memref<64x32xf32, #tpu.memory_space<hbm>>
        tpu.enqueue_dma source(%arg35 : memref<64x32xf32, #tpu.memory_space<vmem>>) target(%dma_start3A_460 : memref<64x32xf32, #tpu.memory_space<hbm>>) target_semaphore(%run_scoped3A : memref<!tpu.dma_semaphore, #tpu.memory_space<semaphore_mem>>)
        %dma_wait3A_461 = arith.constant 0 : i32
        %dma_wait3A_462 = tpu.memref_slice %arg13[%mul3A_363, %dma_wait3A_461] : memref<65536x32xf32, #tpu.memory_space<hbm>> -> memref<64x32xf32, #tpu.memory_space<hbm>>
        %dma_wait3A_463 = arith.constant 0 : i32
        %dma_wait3A_464 = tpu.memref_slice %arg13[%mul3A_363, %dma_wait3A_463] : memref<65536x32xf32, #tpu.memory_space<hbm>> -> memref<64x32xf32, #tpu.memory_space<hbm>>
        tpu.wait_dma2 semaphore(%run_scoped3A : memref<!tpu.dma_semaphore, #tpu.memory_space<semaphore_mem>>) src(%arg35 : memref<64x32xf32, #tpu.memory_space<vmem>>) dst(%dma_wait3A_464 : memref<64x32xf32, #tpu.memory_space<hbm>>)
        tpu.yield
      }) : () -> ()
      %add3A_364 = arith.constant 1 : i32
      %add3A_365 = arith.addi %scan3A_193, %add3A_364 : i32
      %lt3A_366 = arith.constant 16 : i32
      %lt3A_367 = arith.cmpi slt, %add3A_365, %lt3A_366 : i32
      %convert_element_type3A_368 = arith.extui %lt3A_367 : i1 to i32
      %cond3A_369 = arith.constant 0 : i32
      %cond3A_370 = arith.cmpi ne, %convert_element_type3A_368, %cond3A_369 : i32
      scf.if %cond3A_370 {
        %add3A_457 = arith.constant 3 : i32
        %add3A_458 = arith.addi %mul3A_196, %add3A_457 : i32
        %mul3A_459 = arith.constant 4 : i32
        %mul3A_460 = arith.muli %add3A_458, %mul3A_459 : i32
        %add3A_461 = arith.constant 0 : i32
        %add3A_462 = arith.addi %mul3A_460, %add3A_461 : i32
        %get3A_463 = arith.index_cast %add3A_462 : i32 to index
        %get3A_464 = arith.constant 0 : index
        %get3A_465 = tpu.vector_load %arg18[%get3A_463, %get3A_464] {strides = array<i32>} : memref<128x16xi32, #tpu.memory_space<vmem>>, vector<16xi32>,
        %swap3A_466 = arith.constant 0 : index
        %swap3A_467 = tpu.vector_load %arg24[%swap3A_466] {strides = array<i32>} : memref<64xi32, #tpu.memory_space<vmem>>, vector<16xi32>,
        tpu.vector_store %arg24[%swap3A_466], %get3A_465 {strides = array<i32>} : memref<64xi32, #tpu.memory_space<vmem>>, vector<16xi32>,
        %mul3A_468 = arith.constant 4 : i32
        %mul3A_469 = arith.muli %add3A_458, %mul3A_468 : i32
        %add3A_470 = arith.constant 1 : i32
        %add3A_471 = arith.addi %mul3A_469, %add3A_470 : i32
        %get3A_472 = arith.index_cast %add3A_471 : i32 to index
        %get3A_473 = arith.constant 0 : index
        %get3A_474 = tpu.vector_load %arg18[%get3A_472, %get3A_473] {strides = array<i32>} : memref<128x16xi32, #tpu.memory_space<vmem>>, vector<16xi32>,
        %swap3A_475 = arith.constant 16 : index
        %swap3A_476 = tpu.vector_load %arg24[%swap3A_475] {strides = array<i32>} : memref<64xi32, #tpu.memory_space<vmem>>, vector<16xi32>,
        tpu.vector_store %arg24[%swap3A_475], %get3A_474 {strides = array<i32>} : memref<64xi32, #tpu.memory_space<vmem>>, vector<16xi32>,
        %mul3A_477 = arith.constant 4 : i32
        %mul3A_478 = arith.muli %add3A_458, %mul3A_477 : i32
        %add3A_479 = arith.constant 2 : i32
        %add3A_480 = arith.addi %mul3A_478, %add3A_479 : i32
        %get3A_481 = arith.index_cast %add3A_480 : i32 to index
        %get3A_482 = arith.constant 0 : index
        %get3A_483 = tpu.vector_load %arg18[%get3A_481, %get3A_482] {strides = array<i32>} : memref<128x16xi32, #tpu.memory_space<vmem>>, vector<16xi32>,
        %swap3A_484 = arith.constant 32 : index
        %swap3A_485 = tpu.vector_load %arg24[%swap3A_484] {strides = array<i32>} : memref<64xi32, #tpu.memory_space<vmem>>, vector<16xi32>,
        tpu.vector_store %arg24[%swap3A_484], %get3A_483 {strides = array<i32>} : memref<64xi32, #tpu.memory_space<vmem>>, vector<16xi32>,
        %mul3A_486 = arith.constant 4 : i32
        %mul3A_487 = arith.muli %add3A_458, %mul3A_486 : i32
        %add3A_488 = arith.constant 3 : i32
        %add3A_489 = arith.addi %mul3A_487, %add3A_488 : i32
        %get3A_490 = arith.index_cast %add3A_489 : i32 to index
        %get3A_491 = arith.constant 0 : index
        %get3A_492 = tpu.vector_load %arg18[%get3A_490, %get3A_491] {strides = array<i32>} : memref<128x16xi32, #tpu.memory_space<vmem>>, vector<16xi32>,
        %swap3A_493 = arith.constant 48 : index
        %swap3A_494 = tpu.vector_load %arg24[%swap3A_493] {strides = array<i32>} : memref<64xi32, #tpu.memory_space<vmem>>, vector<16xi32>,
        tpu.vector_store %arg24[%swap3A_493], %get3A_492 {strides = array<i32>} : memref<64xi32, #tpu.memory_space<vmem>>, vector<16xi32>,
        %dma_start3A_495 = arith.constant 0 : i32
        %dma_start3A_496 = arith.constant 0 : i32
        %dma_start3A_497 = tpu.memref_slice %arg4[%dma_start3A_495, %dma_start3A_496] : memref<100000x16xi32, #tpu.memory_space<hbm>> -> memref<100000x16xi32, #tpu.memory_space<hbm>>
        tpu.enqueue_indirect_dma source(%dma_start3A_497 : memref<100000x16xi32, #tpu.memory_space<hbm>>) target(%arg28 : memref<64x16xi32, #tpu.memory_space<vmem>>) offsets(%arg24 : memref<64xi32, #tpu.memory_space<vmem>>) semaphore(%arg38 : memref<!tpu.dma_semaphore, #tpu.memory_space<semaphore_mem>>)
        %dma_start3A_498 = arith.constant 0 : i32
        %dma_start3A_499 = arith.constant 0 : i32
        %dma_start3A_500 = tpu.memref_slice %arg5[%dma_start3A_498, %dma_start3A_499] : memref<100000x16xi32, #tpu.memory_space<hbm>> -> memref<100000x16xi32, #tpu.memory_space<hbm>>
        tpu.enqueue_indirect_dma source(%dma_start3A_500 : memref<100000x16xi32, #tpu.memory_space<hbm>>) target(%arg30 : memref<64x16xi32, #tpu.memory_space<vmem>>) offsets(%arg24 : memref<64xi32, #tpu.memory_space<vmem>>) semaphore(%arg38 : memref<!tpu.dma_semaphore, #tpu.memory_space<semaphore_mem>>)
        %dma_start3A_501 = arith.constant 0 : i32
        %dma_start3A_502 = arith.constant 0 : i32
        %dma_start3A_503 = tpu.memref_slice %arg7[%dma_start3A_501, %dma_start3A_502] : memref<100000x32xf32, #tpu.memory_space<hbm>> -> memref<100000x32xf32, #tpu.memory_space<hbm>>
        tpu.enqueue_indirect_dma source(%dma_start3A_503 : memref<100000x32xf32, #tpu.memory_space<hbm>>) target(%arg34 : memref<64x32xf32, #tpu.memory_space<vmem>>) offsets(%arg24 : memref<64xi32, #tpu.memory_space<vmem>>) semaphore(%arg38 : memref<!tpu.dma_semaphore, #tpu.memory_space<semaphore_mem>>)
      } else {
      }
      %add3A_371 = arith.constant 1 : i32
      %add3A_372 = arith.addi %scan3A_193, %add3A_371 : i32
      %lt3A_373 = arith.constant 16 : i32
      %lt3A_374 = arith.cmpi slt, %add3A_372, %lt3A_373 : i32
      %convert_element_type3A_375 = arith.extui %lt3A_374 : i1 to i32
      %cond3A_376 = arith.constant 0 : i32
      %cond3A_377 = arith.cmpi ne, %convert_element_type3A_375, %cond3A_376 : i32
      scf.if %cond3A_377 {
        %add3A_457 = arith.constant 2 : i32
        %add3A_458 = arith.addi %mul3A_196, %add3A_457 : i32
        %dma_wait3A_459 = arith.constant 0 : i32
        %dma_wait3A_460 = arith.constant 0 : i32
        %dma_wait3A_461 = tpu.memref_slice %arg4[%dma_wait3A_459, %dma_wait3A_460] : memref<100000x16xi32, #tpu.memory_space<hbm>> -> memref<100000x16xi32, #tpu.memory_space<hbm>>
        tpu.wait_indirect_dma semaphore(%arg37 : memref<!tpu.dma_semaphore, #tpu.memory_space<semaphore_mem>>) src(%dma_wait3A_461 : memref<100000x16xi32, #tpu.memory_space<hbm>>) dst(%arg27 : memref<64x16xi32, #tpu.memory_space<vmem>>)
        %dma_wait3A_462 = arith.constant 0 : i32
        %dma_wait3A_463 = arith.constant 0 : i32
        %dma_wait3A_464 = tpu.memref_slice %arg5[%dma_wait3A_462, %dma_wait3A_463] : memref<100000x16xi32, #tpu.memory_space<hbm>> -> memref<100000x16xi32, #tpu.memory_space<hbm>>
        tpu.wait_indirect_dma semaphore(%arg37 : memref<!tpu.dma_semaphore, #tpu.memory_space<semaphore_mem>>) src(%dma_wait3A_464 : memref<100000x16xi32, #tpu.memory_space<hbm>>) dst(%arg29 : memref<64x16xi32, #tpu.memory_space<vmem>>)
        %dma_wait3A_465 = arith.constant 0 : i32
        %dma_wait3A_466 = arith.constant 0 : i32
        %dma_wait3A_467 = tpu.memref_slice %arg7[%dma_wait3A_465, %dma_wait3A_466] : memref<100000x32xf32, #tpu.memory_space<hbm>> -> memref<100000x32xf32, #tpu.memory_space<hbm>>
        tpu.wait_indirect_dma semaphore(%arg37 : memref<!tpu.dma_semaphore, #tpu.memory_space<semaphore_mem>>) src(%dma_wait3A_467 : memref<100000x32xf32, #tpu.memory_space<hbm>>) dst(%arg33 : memref<64x32xf32, #tpu.memory_space<vmem>>)
        %mul3A_468 = arith.constant 4 : i32
        %mul3A_469 = arith.muli %add3A_458, %mul3A_468 : i32
        %add3A_470 = arith.addi %mul3A_2, %mul3A_469 : i32
        %mul3A_471 = arith.constant 16 : i32
        %mul3A_472 = arith.muli %add3A_470, %mul3A_471 : i32
        "tpu.region"() ({
          %run_scoped3A = tpu.sem_alloc : memref<!tpu.dma_semaphore, #tpu.memory_space<semaphore_mem>>
          %dma_start3A_544 = arith.constant 0 : i32
          %dma_start3A_545 = tpu.memref_slice %arg12[%mul3A_472, %dma_start3A_544] : memref<65536x32xf32, #tpu.memory_space<hbm>> -> memref<64x32xf32, #tpu.memory_space<hbm>>
          %dma_start3A_546 = arith.constant 0 : i32
          %dma_start3A_547 = tpu.memref_slice %arg12[%mul3A_472, %dma_start3A_546] : memref<65536x32xf32, #tpu.memory_space<hbm>> -> memref<64x32xf32, #tpu.memory_space<hbm>>
          tpu.enqueue_dma source(%arg33 : memref<64x32xf32, #tpu.memory_space<vmem>>) target(%dma_start3A_547 : memref<64x32xf32, #tpu.memory_space<hbm>>) target_semaphore(%run_scoped3A : memref<!tpu.dma_semaphore, #tpu.memory_space<semaphore_mem>>)
          %dma_wait3A_548 = arith.constant 0 : i32
          %dma_wait3A_549 = tpu.memref_slice %arg12[%mul3A_472, %dma_wait3A_548] : memref<65536x32xf32, #tpu.memory_space<hbm>> -> memref<64x32xf32, #tpu.memory_space<hbm>>
          %dma_wait3A_550 = arith.constant 0 : i32
          %dma_wait3A_551 = tpu.memref_slice %arg12[%mul3A_472, %dma_wait3A_550] : memref<65536x32xf32, #tpu.memory_space<hbm>> -> memref<64x32xf32, #tpu.memory_space<hbm>>
          tpu.wait_dma2 semaphore(%run_scoped3A : memref<!tpu.dma_semaphore, #tpu.memory_space<semaphore_mem>>) src(%arg33 : memref<64x32xf32, #tpu.memory_space<vmem>>) dst(%dma_wait3A_551 : memref<64x32xf32, #tpu.memory_space<hbm>>)
          tpu.yield
        }) : () -> ()
        %scan3A_473 = arith.constant 0 : i32
        %scan3A_474 = arith.constant 0 : i32
        %scan3A_475 = arith.constant 64 : i32
        %scan3A_476 = arith.addi %scan3A_474, %scan3A_475 : i32
        %scan3A_477 = arith.constant 4 : i32
        %scan3A_478 = scf.for %scan3A_544 = %scan3A_474 to %scan3A_476 step %scan3A_477 iter_args(%scan3A_545 = %scan3A_473) -> (i32)  : i32 {
          %get3A_546 = arith.index_cast %scan3A_544 : i32 to index
          %get3A_547 = arith.constant 0 : index
          %get3A_548 = tpu.vector_load %arg27[%get3A_546, %get3A_547] {strides = array<i32>} : memref<64x16xi32, #tpu.memory_space<vmem>>, vector<16xi32>,
          %mul3A_549 = arith.constant 16 : i32
          %mul3A_550 = arith.muli %scan3A_544, %mul3A_549 : i32
          %swap3A_551 = arith.index_cast %mul3A_550 : i32 to index
          %swap3A_552 = tpu.vector_load %arg25[%swap3A_551] {strides = array<i32>} : memref<1024xi32, #tpu.memory_space<vmem>>, vector<16xi32>,
          tpu.vector_store %arg25[%swap3A_551], %get3A_548 {strides = array<i32>} : memref<1024xi32, #tpu.memory_space<vmem>>, vector<16xi32>,
          %scan3A_553 = arith.constant 0 : i32
          %scan3A_554 = arith.constant 1 : i32
          %scan3A_555 = arith.addi %scan3A_544, %scan3A_554 : i32
          %get3A_556 = arith.index_cast %scan3A_555 : i32 to index
          %get3A_557 = arith.constant 0 : index
          %get3A_558 = tpu.vector_load %arg27[%get3A_556, %get3A_557] {strides = array<i32>} : memref<64x16xi32, #tpu.memory_space<vmem>>, vector<16xi32>,
          %mul3A_559 = arith.constant 16 : i32
          %mul3A_560 = arith.muli %scan3A_555, %mul3A_559 : i32
          %swap3A_561 = arith.index_cast %mul3A_560 : i32 to index
          %swap3A_562 = tpu.vector_load %arg25[%swap3A_561] {strides = array<i32>} : memref<1024xi32, #tpu.memory_space<vmem>>, vector<16xi32>,
          tpu.vector_store %arg25[%swap3A_561], %get3A_558 {strides = array<i32>} : memref<1024xi32, #tpu.memory_space<vmem>>, vector<16xi32>,
          %scan3A_563 = arith.constant 0 : i32
          %scan3A_564 = arith.constant 2 : i32
          %scan3A_565 = arith.addi %scan3A_544, %scan3A_564 : i32
          %get3A_566 = arith.index_cast %scan3A_565 : i32 to index
          %get3A_567 = arith.constant 0 : index
          %get3A_568 = tpu.vector_load %arg27[%get3A_566, %get3A_567] {strides = array<i32>} : memref<64x16xi32, #tpu.memory_space<vmem>>, vector<16xi32>,
          %mul3A_569 = arith.constant 16 : i32
          %mul3A_570 = arith.muli %scan3A_565, %mul3A_569 : i32
          %swap3A_571 = arith.index_cast %mul3A_570 : i32 to index
          %swap3A_572 = tpu.vector_load %arg25[%swap3A_571] {strides = array<i32>} : memref<1024xi32, #tpu.memory_space<vmem>>, vector<16xi32>,
          tpu.vector_store %arg25[%swap3A_571], %get3A_568 {strides = array<i32>} : memref<1024xi32, #tpu.memory_space<vmem>>, vector<16xi32>,
          %scan3A_573 = arith.constant 0 : i32
          %scan3A_574 = arith.constant 3 : i32
          %scan3A_575 = arith.addi %scan3A_544, %scan3A_574 : i32
          %get3A_576 = arith.index_cast %scan3A_575 : i32 to index
          %get3A_577 = arith.constant 0 : index
          %get3A_578 = tpu.vector_load %arg27[%get3A_576, %get3A_577] {strides = array<i32>} : memref<64x16xi32, #tpu.memory_space<vmem>>, vector<16xi32>,
          %mul3A_579 = arith.constant 16 : i32
          %mul3A_580 = arith.muli %scan3A_575, %mul3A_579 : i32
          %swap3A_581 = arith.index_cast %mul3A_580 : i32 to index
          %swap3A_582 = tpu.vector_load %arg25[%swap3A_581] {strides = array<i32>} : memref<1024xi32, #tpu.memory_space<vmem>>, vector<16xi32>,
          tpu.vector_store %arg25[%swap3A_581], %get3A_578 {strides = array<i32>} : memref<1024xi32, #tpu.memory_space<vmem>>, vector<16xi32>,
          %scan3A_583 = arith.constant 0 : i32
          scf.yield %scan3A_583 : i32
        }
        %scan3A_479 = arith.constant 64 : i32
        %dma_start3A_480 = arith.constant 0 : i32
        %dma_start3A_481 = arith.constant 0 : i32
        %dma_start3A_482 = tpu.memref_slice %arg31[%dma_start3A_480, %dma_start3A_481] : memref<1024x32xf32, #tpu.memory_space<vmem>> -> memref<128x32xf32, #tpu.memory_space<vmem>>
        %dma_start3A_483 = arith.constant 0 : i32
        %dma_start3A_484 = tpu.memref_slice %arg25[%dma_start3A_483] : memref<1024xi32, #tpu.memory_space<vmem>> -> memref<128xi32, #tpu.memory_space<vmem>>
        %dma_start3A_485 = arith.constant 0 : i32
        %dma_start3A_486 = arith.constant 0 : i32
        %dma_start3A_487 = tpu.memref_slice %arg7[%dma_start3A_485, %dma_start3A_486] : memref<100000x32xf32, #tpu.memory_space<hbm>> -> memref<100000x32xf32, #tpu.memory_space<hbm>>
        tpu.enqueue_indirect_dma source(%dma_start3A_487 : memref<100000x32xf32, #tpu.memory_space<hbm>>) target(%dma_start3A_482 : memref<128x32xf32, #tpu.memory_space<vmem>>) offsets(%dma_start3A_484 : memref<128xi32, #tpu.memory_space<vmem>>) semaphore(%arg39 : memref<!tpu.dma_semaphore, #tpu.memory_space<semaphore_mem>>)
        %dma_start3A_488 = arith.constant 128 : i32
        %dma_start3A_489 = arith.constant 0 : i32
        %dma_start3A_490 = tpu.memref_slice %arg31[%dma_start3A_488, %dma_start3A_489] : memref<1024x32xf32, #tpu.memory_space<vmem>> -> memref<128x32xf32, #tpu.memory_space<vmem>>
        %dma_start3A_491 = arith.constant 128 : i32
        %dma_start3A_492 = tpu.memref_slice %arg25[%dma_start3A_491] : memref<1024xi32, #tpu.memory_space<vmem>> -> memref<128xi32, #tpu.memory_space<vmem>>
        %dma_start3A_493 = arith.constant 0 : i32
        %dma_start3A_494 = arith.constant 0 : i32
        %dma_start3A_495 = tpu.memref_slice %arg7[%dma_start3A_493, %dma_start3A_494] : memref<100000x32xf32, #tpu.memory_space<hbm>> -> memref<100000x32xf32, #tpu.memory_space<hbm>>
        tpu.enqueue_indirect_dma source(%dma_start3A_495 : memref<100000x32xf32, #tpu.memory_space<hbm>>) target(%dma_start3A_490 : memref<128x32xf32, #tpu.memory_space<vmem>>) offsets(%dma_start3A_492 : memref<128xi32, #tpu.memory_space<vmem>>) semaphore(%arg39 : memref<!tpu.dma_semaphore, #tpu.memory_space<semaphore_mem>>)
        %dma_start3A_496 = arith.constant 256 : i32
        %dma_start3A_497 = arith.constant 0 : i32
        %dma_start3A_498 = tpu.memref_slice %arg31[%dma_start3A_496, %dma_start3A_497] : memref<1024x32xf32, #tpu.memory_space<vmem>> -> memref<128x32xf32, #tpu.memory_space<vmem>>
        %dma_start3A_499 = arith.constant 256 : i32
        %dma_start3A_500 = tpu.memref_slice %arg25[%dma_start3A_499] : memref<1024xi32, #tpu.memory_space<vmem>> -> memref<128xi32, #tpu.memory_space<vmem>>
        %dma_start3A_501 = arith.constant 0 : i32
        %dma_start3A_502 = arith.constant 0 : i32
        %dma_start3A_503 = tpu.memref_slice %arg7[%dma_start3A_501, %dma_start3A_502] : memref<100000x32xf32, #tpu.memory_space<hbm>> -> memref<100000x32xf32, #tpu.memory_space<hbm>>
        tpu.enqueue_indirect_dma source(%dma_start3A_503 : memref<100000x32xf32, #tpu.memory_space<hbm>>) target(%dma_start3A_498 : memref<128x32xf32, #tpu.memory_space<vmem>>) offsets(%dma_start3A_500 : memref<128xi32, #tpu.memory_space<vmem>>) semaphore(%arg39 : memref<!tpu.dma_semaphore, #tpu.memory_space<semaphore_mem>>)
        %dma_start3A_504 = arith.constant 384 : i32
        %dma_start3A_505 = arith.constant 0 : i32
        %dma_start3A_506 = tpu.memref_slice %arg31[%dma_start3A_504, %dma_start3A_505] : memref<1024x32xf32, #tpu.memory_space<vmem>> -> memref<128x32xf32, #tpu.memory_space<vmem>>
        %dma_start3A_507 = arith.constant 384 : i32
        %dma_start3A_508 = tpu.memref_slice %arg25[%dma_start3A_507] : memref<1024xi32, #tpu.memory_space<vmem>> -> memref<128xi32, #tpu.memory_space<vmem>>
        %dma_start3A_509 = arith.constant 0 : i32
        %dma_start3A_510 = arith.constant 0 : i32
        %dma_start3A_511 = tpu.memref_slice %arg7[%dma_start3A_509, %dma_start3A_510] : memref<100000x32xf32, #tpu.memory_space<hbm>> -> memref<100000x32xf32, #tpu.memory_space<hbm>>
        tpu.enqueue_indirect_dma source(%dma_start3A_511 : memref<100000x32xf32, #tpu.memory_space<hbm>>) target(%dma_start3A_506 : memref<128x32xf32, #tpu.memory_space<vmem>>) offsets(%dma_start3A_508 : memref<128xi32, #tpu.memory_space<vmem>>) semaphore(%arg39 : memref<!tpu.dma_semaphore, #tpu.memory_space<semaphore_mem>>)
        %dma_start3A_512 = arith.constant 512 : i32
        %dma_start3A_513 = arith.constant 0 : i32
        %dma_start3A_514 = tpu.memref_slice %arg31[%dma_start3A_512, %dma_start3A_513] : memref<1024x32xf32, #tpu.memory_space<vmem>> -> memref<128x32xf32, #tpu.memory_space<vmem>>
        %dma_start3A_515 = arith.constant 512 : i32
        %dma_start3A_516 = tpu.memref_slice %arg25[%dma_start3A_515] : memref<1024xi32, #tpu.memory_space<vmem>> -> memref<128xi32, #tpu.memory_space<vmem>>
        %dma_start3A_517 = arith.constant 0 : i32
        %dma_start3A_518 = arith.constant 0 : i32
        %dma_start3A_519 = tpu.memref_slice %arg7[%dma_start3A_517, %dma_start3A_518] : memref<100000x32xf32, #tpu.memory_space<hbm>> -> memref<100000x32xf32, #tpu.memory_space<hbm>>
        tpu.enqueue_indirect_dma source(%dma_start3A_519 : memref<100000x32xf32, #tpu.memory_space<hbm>>) target(%dma_start3A_514 : memref<128x32xf32, #tpu.memory_space<vmem>>) offsets(%dma_start3A_516 : memref<128xi32, #tpu.memory_space<vmem>>) semaphore(%arg39 : memref<!tpu.dma_semaphore, #tpu.memory_space<semaphore_mem>>)
        %dma_start3A_520 = arith.constant 640 : i32
        %dma_start3A_521 = arith.constant 0 : i32
        %dma_start3A_522 = tpu.memref_slice %arg31[%dma_start3A_520, %dma_start3A_521] : memref<1024x32xf32, #tpu.memory_space<vmem>> -> memref<128x32xf32, #tpu.memory_space<vmem>>
        %dma_start3A_523 = arith.constant 640 : i32
        %dma_start3A_524 = tpu.memref_slice %arg25[%dma_start3A_523] : memref<1024xi32, #tpu.memory_space<vmem>> -> memref<128xi32, #tpu.memory_space<vmem>>
        %dma_start3A_525 = arith.constant 0 : i32
        %dma_start3A_526 = arith.constant 0 : i32
        %dma_start3A_527 = tpu.memref_slice %arg7[%dma_start3A_525, %dma_start3A_526] : memref<100000x32xf32, #tpu.memory_space<hbm>> -> memref<100000x32xf32, #tpu.memory_space<hbm>>
        tpu.enqueue_indirect_dma source(%dma_start3A_527 : memref<100000x32xf32, #tpu.memory_space<hbm>>) target(%dma_start3A_522 : memref<128x32xf32, #tpu.memory_space<vmem>>) offsets(%dma_start3A_524 : memref<128xi32, #tpu.memory_space<vmem>>) semaphore(%arg39 : memref<!tpu.dma_semaphore, #tpu.memory_space<semaphore_mem>>)
        %dma_start3A_528 = arith.constant 768 : i32
        %dma_start3A_529 = arith.constant 0 : i32
        %dma_start3A_530 = tpu.memref_slice %arg31[%dma_start3A_528, %dma_start3A_529] : memref<1024x32xf32, #tpu.memory_space<vmem>> -> memref<128x32xf32, #tpu.memory_space<vmem>>
        %dma_start3A_531 = arith.constant 768 : i32
        %dma_start3A_532 = tpu.memref_slice %arg25[%dma_start3A_531] : memref<1024xi32, #tpu.memory_space<vmem>> -> memref<128xi32, #tpu.memory_space<vmem>>
        %dma_start3A_533 = arith.constant 0 : i32
        %dma_start3A_534 = arith.constant 0 : i32
        %dma_start3A_535 = tpu.memref_slice %arg7[%dma_start3A_533, %dma_start3A_534] : memref<100000x32xf32, #tpu.memory_space<hbm>> -> memref<100000x32xf32, #tpu.memory_space<hbm>>
        tpu.enqueue_indirect_dma source(%dma_start3A_535 : memref<100000x32xf32, #tpu.memory_space<hbm>>) target(%dma_start3A_530 : memref<128x32xf32, #tpu.memory_space<vmem>>) offsets(%dma_start3A_532 : memref<128xi32, #tpu.memory_space<vmem>>) semaphore(%arg39 : memref<!tpu.dma_semaphore, #tpu.memory_space<semaphore_mem>>)
        %dma_start3A_536 = arith.constant 896 : i32
        %dma_start3A_537 = arith.constant 0 : i32
        %dma_start3A_538 = tpu.memref_slice %arg31[%dma_start3A_536, %dma_start3A_537] : memref<1024x32xf32, #tpu.memory_space<vmem>> -> memref<128x32xf32, #tpu.memory_space<vmem>>
        %dma_start3A_539 = arith.constant 896 : i32
        %dma_start3A_540 = tpu.memref_slice %arg25[%dma_start3A_539] : memref<1024xi32, #tpu.memory_space<vmem>> -> memref<128xi32, #tpu.memory_space<vmem>>
        %dma_start3A_541 = arith.constant 0 : i32
        %dma_start3A_542 = arith.constant 0 : i32
        %dma_start3A_543 = tpu.memref_slice %arg7[%dma_start3A_541, %dma_start3A_542] : memref<100000x32xf32, #tpu.memory_space<hbm>> -> memref<100000x32xf32, #tpu.memory_space<hbm>>
        tpu.enqueue_indirect_dma source(%dma_start3A_543 : memref<100000x32xf32, #tpu.memory_space<hbm>>) target(%dma_start3A_538 : memref<128x32xf32, #tpu.memory_space<vmem>>) offsets(%dma_start3A_540 : memref<128xi32, #tpu.memory_space<vmem>>) semaphore(%arg39 : memref<!tpu.dma_semaphore, #tpu.memory_space<semaphore_mem>>)
      } else {
      }
      %add3A_378 = arith.constant 1 : i32
      %add3A_379 = arith.addi %mul3A_196, %add3A_378 : i32
      %dma_wait3A_380 = arith.constant 0 : i32
      %dma_wait3A_381 = arith.constant 0 : i32
      %dma_wait3A_382 = tpu.memref_slice %arg32[%dma_wait3A_380, %dma_wait3A_381] : memref<1024x32xf32, #tpu.memory_space<vmem>> -> memref<128x32xf32, #tpu.memory_space<vmem>>
      %dma_wait3A_383 = arith.constant 0 : i32
      %dma_wait3A_384 = tpu.memref_slice %arg26[%dma_wait3A_383] : memref<1024xi32, #tpu.memory_space<vmem>> -> memref<128xi32, #tpu.memory_space<vmem>>
      %dma_wait3A_385 = arith.constant 0 : i32
      %dma_wait3A_386 = arith.constant 0 : i32
      %dma_wait3A_387 = tpu.memref_slice %arg7[%dma_wait3A_385, %dma_wait3A_386] : memref<100000x32xf32, #tpu.memory_space<hbm>> -> memref<100000x32xf32, #tpu.memory_space<hbm>>
      tpu.wait_indirect_dma semaphore(%arg40 : memref<!tpu.dma_semaphore, #tpu.memory_space<semaphore_mem>>) src(%dma_wait3A_387 : memref<100000x32xf32, #tpu.memory_space<hbm>>) dst(%dma_wait3A_382 : memref<128x32xf32, #tpu.memory_space<vmem>>)
      %dma_wait3A_388 = arith.constant 128 : i32
      %dma_wait3A_389 = arith.constant 0 : i32
      %dma_wait3A_390 = tpu.memref_slice %arg32[%dma_wait3A_388, %dma_wait3A_389] : memref<1024x32xf32, #tpu.memory_space<vmem>> -> memref<128x32xf32, #tpu.memory_space<vmem>>
      %dma_wait3A_391 = arith.constant 128 : i32
      %dma_wait3A_392 = tpu.memref_slice %arg26[%dma_wait3A_391] : memref<1024xi32, #tpu.memory_space<vmem>> -> memref<128xi32, #tpu.memory_space<vmem>>
      %dma_wait3A_393 = arith.constant 0 : i32
      %dma_wait3A_394 = arith.constant 0 : i32
      %dma_wait3A_395 = tpu.memref_slice %arg7[%dma_wait3A_393, %dma_wait3A_394] : memref<100000x32xf32, #tpu.memory_space<hbm>> -> memref<100000x32xf32, #tpu.memory_space<hbm>>
      tpu.wait_indirect_dma semaphore(%arg40 : memref<!tpu.dma_semaphore, #tpu.memory_space<semaphore_mem>>) src(%dma_wait3A_395 : memref<100000x32xf32, #tpu.memory_space<hbm>>) dst(%dma_wait3A_390 : memref<128x32xf32, #tpu.memory_space<vmem>>)
      %dma_wait3A_396 = arith.constant 256 : i32
      %dma_wait3A_397 = arith.constant 0 : i32
      %dma_wait3A_398 = tpu.memref_slice %arg32[%dma_wait3A_396, %dma_wait3A_397] : memref<1024x32xf32, #tpu.memory_space<vmem>> -> memref<128x32xf32, #tpu.memory_space<vmem>>
      %dma_wait3A_399 = arith.constant 256 : i32
      %dma_wait3A_400 = tpu.memref_slice %arg26[%dma_wait3A_399] : memref<1024xi32, #tpu.memory_space<vmem>> -> memref<128xi32, #tpu.memory_space<vmem>>
      %dma_wait3A_401 = arith.constant 0 : i32
      %dma_wait3A_402 = arith.constant 0 : i32
      %dma_wait3A_403 = tpu.memref_slice %arg7[%dma_wait3A_401, %dma_wait3A_402] : memref<100000x32xf32, #tpu.memory_space<hbm>> -> memref<100000x32xf32, #tpu.memory_space<hbm>>
      tpu.wait_indirect_dma semaphore(%arg40 : memref<!tpu.dma_semaphore, #tpu.memory_space<semaphore_mem>>) src(%dma_wait3A_403 : memref<100000x32xf32, #tpu.memory_space<hbm>>) dst(%dma_wait3A_398 : memref<128x32xf32, #tpu.memory_space<vmem>>)
      %dma_wait3A_404 = arith.constant 384 : i32
      %dma_wait3A_405 = arith.constant 0 : i32
      %dma_wait3A_406 = tpu.memref_slice %arg32[%dma_wait3A_404, %dma_wait3A_405] : memref<1024x32xf32, #tpu.memory_space<vmem>> -> memref<128x32xf32, #tpu.memory_space<vmem>>
      %dma_wait3A_407 = arith.constant 384 : i32
      %dma_wait3A_408 = tpu.memref_slice %arg26[%dma_wait3A_407] : memref<1024xi32, #tpu.memory_space<vmem>> -> memref<128xi32, #tpu.memory_space<vmem>>
      %dma_wait3A_409 = arith.constant 0 : i32
      %dma_wait3A_410 = arith.constant 0 : i32
      %dma_wait3A_411 = tpu.memref_slice %arg7[%dma_wait3A_409, %dma_wait3A_410] : memref<100000x32xf32, #tpu.memory_space<hbm>> -> memref<100000x32xf32, #tpu.memory_space<hbm>>
      tpu.wait_indirect_dma semaphore(%arg40 : memref<!tpu.dma_semaphore, #tpu.memory_space<semaphore_mem>>) src(%dma_wait3A_411 : memref<100000x32xf32, #tpu.memory_space<hbm>>) dst(%dma_wait3A_406 : memref<128x32xf32, #tpu.memory_space<vmem>>)
      %dma_wait3A_412 = arith.constant 512 : i32
      %dma_wait3A_413 = arith.constant 0 : i32
      %dma_wait3A_414 = tpu.memref_slice %arg32[%dma_wait3A_412, %dma_wait3A_413] : memref<1024x32xf32, #tpu.memory_space<vmem>> -> memref<128x32xf32, #tpu.memory_space<vmem>>
      %dma_wait3A_415 = arith.constant 512 : i32
      %dma_wait3A_416 = tpu.memref_slice %arg26[%dma_wait3A_415] : memref<1024xi32, #tpu.memory_space<vmem>> -> memref<128xi32, #tpu.memory_space<vmem>>
      %dma_wait3A_417 = arith.constant 0 : i32
      %dma_wait3A_418 = arith.constant 0 : i32
      %dma_wait3A_419 = tpu.memref_slice %arg7[%dma_wait3A_417, %dma_wait3A_418] : memref<100000x32xf32, #tpu.memory_space<hbm>> -> memref<100000x32xf32, #tpu.memory_space<hbm>>
      tpu.wait_indirect_dma semaphore(%arg40 : memref<!tpu.dma_semaphore, #tpu.memory_space<semaphore_mem>>) src(%dma_wait3A_419 : memref<100000x32xf32, #tpu.memory_space<hbm>>) dst(%dma_wait3A_414 : memref<128x32xf32, #tpu.memory_space<vmem>>)
      %dma_wait3A_420 = arith.constant 640 : i32
      %dma_wait3A_421 = arith.constant 0 : i32
      %dma_wait3A_422 = tpu.memref_slice %arg32[%dma_wait3A_420, %dma_wait3A_421] : memref<1024x32xf32, #tpu.memory_space<vmem>> -> memref<128x32xf32, #tpu.memory_space<vmem>>
      %dma_wait3A_423 = arith.constant 640 : i32
      %dma_wait3A_424 = tpu.memref_slice %arg26[%dma_wait3A_423] : memref<1024xi32, #tpu.memory_space<vmem>> -> memref<128xi32, #tpu.memory_space<vmem>>
      %dma_wait3A_425 = arith.constant 0 : i32
      %dma_wait3A_426 = arith.constant 0 : i32
      %dma_wait3A_427 = tpu.memref_slice %arg7[%dma_wait3A_425, %dma_wait3A_426] : memref<100000x32xf32, #tpu.memory_space<hbm>> -> memref<100000x32xf32, #tpu.memory_space<hbm>>
      tpu.wait_indirect_dma semaphore(%arg40 : memref<!tpu.dma_semaphore, #tpu.memory_space<semaphore_mem>>) src(%dma_wait3A_427 : memref<100000x32xf32, #tpu.memory_space<hbm>>) dst(%dma_wait3A_422 : memref<128x32xf32, #tpu.memory_space<vmem>>)
      %dma_wait3A_428 = arith.constant 768 : i32
      %dma_wait3A_429 = arith.constant 0 : i32
      %dma_wait3A_430 = tpu.memref_slice %arg32[%dma_wait3A_428, %dma_wait3A_429] : memref<1024x32xf32, #tpu.memory_space<vmem>> -> memref<128x32xf32, #tpu.memory_space<vmem>>
      %dma_wait3A_431 = arith.constant 768 : i32
      %dma_wait3A_432 = tpu.memref_slice %arg26[%dma_wait3A_431] : memref<1024xi32, #tpu.memory_space<vmem>> -> memref<128xi32, #tpu.memory_space<vmem>>
      %dma_wait3A_433 = arith.constant 0 : i32
      %dma_wait3A_434 = arith.constant 0 : i32
      %dma_wait3A_435 = tpu.memref_slice %arg7[%dma_wait3A_433, %dma_wait3A_434] : memref<100000x32xf32, #tpu.memory_space<hbm>> -> memref<100000x32xf32, #tpu.memory_space<hbm>>
      tpu.wait_indirect_dma semaphore(%arg40 : memref<!tpu.dma_semaphore, #tpu.memory_space<semaphore_mem>>) src(%dma_wait3A_435 : memref<100000x32xf32, #tpu.memory_space<hbm>>) dst(%dma_wait3A_430 : memref<128x32xf32, #tpu.memory_space<vmem>>)
      %dma_wait3A_436 = arith.constant 896 : i32
      %dma_wait3A_437 = arith.constant 0 : i32
      %dma_wait3A_438 = tpu.memref_slice %arg32[%dma_wait3A_436, %dma_wait3A_437] : memref<1024x32xf32, #tpu.memory_space<vmem>> -> memref<128x32xf32, #tpu.memory_space<vmem>>
      %dma_wait3A_439 = arith.constant 896 : i32
      %dma_wait3A_440 = tpu.memref_slice %arg26[%dma_wait3A_439] : memref<1024xi32, #tpu.memory_space<vmem>> -> memref<128xi32, #tpu.memory_space<vmem>>
      %dma_wait3A_441 = arith.constant 0 : i32
      %dma_wait3A_442 = arith.constant 0 : i32
      %dma_wait3A_443 = tpu.memref_slice %arg7[%dma_wait3A_441, %dma_wait3A_442] : memref<100000x32xf32, #tpu.memory_space<hbm>> -> memref<100000x32xf32, #tpu.memory_space<hbm>>
      tpu.wait_indirect_dma semaphore(%arg40 : memref<!tpu.dma_semaphore, #tpu.memory_space<semaphore_mem>>) src(%dma_wait3A_443 : memref<100000x32xf32, #tpu.memory_space<hbm>>) dst(%dma_wait3A_438 : memref<128x32xf32, #tpu.memory_space<vmem>>)
      %scan3A_444 = arith.constant 0 : i32
      %scan3A_445 = arith.constant 0 : i32
      %scan3A_446 = arith.constant 64 : i32
      %scan3A_447 = arith.addi %scan3A_445, %scan3A_446 : i32
      %scan3A_448 = arith.constant 2 : i32
      %scan3A_449 = scf.for %scan3A_457 = %scan3A_445 to %scan3A_447 step %scan3A_448 iter_args(%scan3A_458 = %scan3A_444) -> (i32)  : i32 {
        %mul3A_459 = arith.constant 4 : i32
        %mul3A_460 = arith.muli %add3A_379, %mul3A_459 : i32
        %jit3A = arith.constant 16 : i32
        %div3A = arith.divsi %scan3A_457, %jit3A : i32
        %sign3A = arith.constant 0 : i32
        %sign3A_461 = arith.cmpi sgt, %scan3A_457, %sign3A : i32
        %sign3A_462 = arith.extui %sign3A_461 : i1 to i32
        %sign3A_463 = arith.constant 0 : i32
        %sign3A_464 = arith.cmpi slt, %scan3A_457, %sign3A_463 : i32
        %sign3A_465 = arith.extui %sign3A_464 : i1 to i32
        %sign3A_466 = arith.subi %sign3A_462, %sign3A_465 : i32
        %sign3A_467 = arith.constant 0 : i32
        %sign3A_468 = arith.cmpi sgt, %jit3A, %sign3A_467 : i32
        %sign3A_469 = arith.extui %sign3A_468 : i1 to i32
        %sign3A_470 = arith.constant 0 : i32
        %sign3A_471 = arith.cmpi slt, %jit3A, %sign3A_470 : i32
        %sign3A_472 = arith.extui %sign3A_471 : i1 to i32
        %sign3A_473 = arith.subi %sign3A_469, %sign3A_472 : i32
        %ne3A = arith.cmpi ne, %sign3A_466, %sign3A_473 : i32
        %rem3A = arith.remsi %scan3A_457, %jit3A : i32
        %ne3A_474 = arith.constant 0 : i32
        %ne3A_475 = arith.cmpi ne, %rem3A, %ne3A_474 : i32
        %and3A = arith.andi %ne3A, %ne3A_475 : i1
        %sub3A = arith.constant 1 : i32
        %sub3A_476 = arith.subi %div3A, %sub3A : i32
        %select_n3A = arith.select %and3A, %sub3A_476, %div3A : i32
        %add3A_477 = arith.addi %mul3A_460, %select_n3A : i32
        %get3A_478 = arith.index_cast %scan3A_457 : i32 to index
        %get3A_479 = arith.constant 0 : index
        %get3A_480 = tpu.vector_load %arg30[%get3A_478, %get3A_479] {strides = array<i32>} : memref<64x16xi32, #tpu.memory_space<vmem>>, vector<16xi32>,
        %mul3A_481 = arith.constant 32 : i32
        %mul3A_482 = arith.muli %add3A_477, %mul3A_481 : i32
        %add3A_483 = vector.broadcast %mul3A_482 : i32 to vector<16xi32>
        %add3A_484 = arith.addi %add3A_483, %get3A_480 : vector<16xi32>
        %gather3A = tpu.vector_load_idx %arg21[%add3A_484] : memref<4096xf32, #tpu.memory_space<vmem>>[vector<16xi32>], vector<16xf32>,
        %exp3A = math.exp %gather3A : vector<16xf32>
        %reduce_sum3A = arith.constant true
        %reduce_sum3A_485 = vector.broadcast %reduce_sum3A : i1 to vector<16xi1>
        %reduce_sum3A_486 = tpu.scan <sum>, %exp3A masked %reduce_sum3A_485 : vector<16xf32>, vector<16xi1> -> vector<16xf32>
        %reduce_sum3A_487 = vector.extract %reduce_sum3A_486[15] : f32 from vector<16xf32>
        %broadcast_in_dim3A = arith.constant 0.000000e+00 : f32
        %broadcast_in_dim3A_488 = vector.broadcast %broadcast_in_dim3A : f32 to vector<16xf32>
        %broadcast_in_dim3A_489 = arith.constant 0.000000e+00 : f32
        %broadcast_in_dim3A_490 = vector.broadcast %broadcast_in_dim3A_489 : f32 to vector<16xf32>
        %slice3A = vector.extract_strided_slice %exp3A {offsets = [0], sizes = [1], strides = [1]} : vector<16xf32> to vector<1xf32>
        %squeeze3A = vector.extract %slice3A[0] : f32 from vector<1xf32>
        %mul3A_491 = arith.constant 16 : i32
        %mul3A_492 = arith.muli %scan3A_457, %mul3A_491 : i32
        %add3A_493 = arith.constant 0 : i32
        %add3A_494 = arith.addi %mul3A_492, %add3A_493 : i32
        %get3A_495 = arith.index_cast %add3A_494 : i32 to index
        %get3A_496 = arith.constant 0 : index
        %get3A_497 = tpu.vector_load %arg32[%get3A_495, %get3A_496] {strides = array<i32>} : memref<1024x32xf32, #tpu.memory_space<vmem>>, vector<16xf32>,
        %mul3A_498 = vector.broadcast %squeeze3A : f32 to vector<16xf32>
        %mul3A_499 = arith.mulf %mul3A_498, %get3A_497 : vector<16xf32>
        %add3A_500 = arith.addf %broadcast_in_dim3A_488, %mul3A_499 : vector<16xf32>
        %mul3A_501 = arith.constant 16 : i32
        %mul3A_502 = arith.muli %scan3A_457, %mul3A_501 : i32
        %add3A_503 = arith.constant 0 : i32
        %add3A_504 = arith.addi %mul3A_502, %add3A_503 : i32
        %get3A_505 = arith.index_cast %add3A_504 : i32 to index
        %get3A_506 = arith.constant 16 : index
        %get3A_507 = tpu.vector_load %arg32[%get3A_505, %get3A_506] {strides = array<i32>} : memref<1024x32xf32, #tpu.memory_space<vmem>>, vector<16xf32>,
        %mul3A_508 = vector.broadcast %squeeze3A : f32 to vector<16xf32>
        %mul3A_509 = arith.mulf %mul3A_508, %get3A_507 : vector<16xf32>
        %add3A_510 = arith.addf %broadcast_in_dim3A_490, %mul3A_509 : vector<16xf32>
        %slice3A_511 = vector.extract_strided_slice %exp3A {offsets = [1], sizes = [1], strides = [1]} : vector<16xf32> to vector<1xf32>
        %squeeze3A_512 = vector.extract %slice3A_511[0] : f32 from vector<1xf32>
        %mul3A_513 = arith.constant 16 : i32
        %mul3A_514 = arith.muli %scan3A_457, %mul3A_513 : i32
        %add3A_515 = arith.constant 1 : i32
        %add3A_516 = arith.addi %mul3A_514, %add3A_515 : i32
        %get3A_517 = arith.index_cast %add3A_516 : i32 to index
        %get3A_518 = arith.constant 0 : index
        %get3A_519 = tpu.vector_load %arg32[%get3A_517, %get3A_518] {strides = array<i32>} : memref<1024x32xf32, #tpu.memory_space<vmem>>, vector<16xf32>,
        %mul3A_520 = vector.broadcast %squeeze3A_512 : f32 to vector<16xf32>
        %mul3A_521 = arith.mulf %mul3A_520, %get3A_519 : vector<16xf32>
        %add3A_522 = arith.addf %add3A_500, %mul3A_521 : vector<16xf32>
        %mul3A_523 = arith.constant 16 : i32
        %mul3A_524 = arith.muli %scan3A_457, %mul3A_523 : i32
        %add3A_525 = arith.constant 1 : i32
        %add3A_526 = arith.addi %mul3A_524, %add3A_525 : i32
        %get3A_527 = arith.index_cast %add3A_526 : i32 to index
        %get3A_528 = arith.constant 16 : index
        %get3A_529 = tpu.vector_load %arg32[%get3A_527, %get3A_528] {strides = array<i32>} : memref<1024x32xf32, #tpu.memory_space<vmem>>, vector<16xf32>,
        %mul3A_530 = vector.broadcast %squeeze3A_512 : f32 to vector<16xf32>
        %mul3A_531 = arith.mulf %mul3A_530, %get3A_529 : vector<16xf32>
        %add3A_532 = arith.addf %add3A_510, %mul3A_531 : vector<16xf32>
        %slice3A_533 = vector.extract_strided_slice %exp3A {offsets = [2], sizes = [1], strides = [1]} : vector<16xf32> to vector<1xf32>
        %squeeze3A_534 = vector.extract %slice3A_533[0] : f32 from vector<1xf32>
        %mul3A_535 = arith.constant 16 : i32
        %mul3A_536 = arith.muli %scan3A_457, %mul3A_535 : i32
        %add3A_537 = arith.constant 2 : i32
        %add3A_538 = arith.addi %mul3A_536, %add3A_537 : i32
        %get3A_539 = arith.index_cast %add3A_538 : i32 to index
        %get3A_540 = arith.constant 0 : index
        %get3A_541 = tpu.vector_load %arg32[%get3A_539, %get3A_540] {strides = array<i32>} : memref<1024x32xf32, #tpu.memory_space<vmem>>, vector<16xf32>,
        %mul3A_542 = vector.broadcast %squeeze3A_534 : f32 to vector<16xf32>
        %mul3A_543 = arith.mulf %mul3A_542, %get3A_541 : vector<16xf32>
        %add3A_544 = arith.addf %add3A_522, %mul3A_543 : vector<16xf32>
        %mul3A_545 = arith.constant 16 : i32
        %mul3A_546 = arith.muli %scan3A_457, %mul3A_545 : i32
        %add3A_547 = arith.constant 2 : i32
        %add3A_548 = arith.addi %mul3A_546, %add3A_547 : i32
        %get3A_549 = arith.index_cast %add3A_548 : i32 to index
        %get3A_550 = arith.constant 16 : index
        %get3A_551 = tpu.vector_load %arg32[%get3A_549, %get3A_550] {strides = array<i32>} : memref<1024x32xf32, #tpu.memory_space<vmem>>, vector<16xf32>,
        %mul3A_552 = vector.broadcast %squeeze3A_534 : f32 to vector<16xf32>
        %mul3A_553 = arith.mulf %mul3A_552, %get3A_551 : vector<16xf32>
        %add3A_554 = arith.addf %add3A_532, %mul3A_553 : vector<16xf32>
        %slice3A_555 = vector.extract_strided_slice %exp3A {offsets = [3], sizes = [1], strides = [1]} : vector<16xf32> to vector<1xf32>
        %squeeze3A_556 = vector.extract %slice3A_555[0] : f32 from vector<1xf32>
        %mul3A_557 = arith.constant 16 : i32
        %mul3A_558 = arith.muli %scan3A_457, %mul3A_557 : i32
        %add3A_559 = arith.constant 3 : i32
        %add3A_560 = arith.addi %mul3A_558, %add3A_559 : i32
        %get3A_561 = arith.index_cast %add3A_560 : i32 to index
        %get3A_562 = arith.constant 0 : index
        %get3A_563 = tpu.vector_load %arg32[%get3A_561, %get3A_562] {strides = array<i32>} : memref<1024x32xf32, #tpu.memory_space<vmem>>, vector<16xf32>,
        %mul3A_564 = vector.broadcast %squeeze3A_556 : f32 to vector<16xf32>
        %mul3A_565 = arith.mulf %mul3A_564, %get3A_563 : vector<16xf32>
        %add3A_566 = arith.addf %add3A_544, %mul3A_565 : vector<16xf32>
        %mul3A_567 = arith.constant 16 : i32
        %mul3A_568 = arith.muli %scan3A_457, %mul3A_567 : i32
        %add3A_569 = arith.constant 3 : i32
        %add3A_570 = arith.addi %mul3A_568, %add3A_569 : i32
        %get3A_571 = arith.index_cast %add3A_570 : i32 to index
        %get3A_572 = arith.constant 16 : index
        %get3A_573 = tpu.vector_load %arg32[%get3A_571, %get3A_572] {strides = array<i32>} : memref<1024x32xf32, #tpu.memory_space<vmem>>, vector<16xf32>,
        %mul3A_574 = vector.broadcast %squeeze3A_556 : f32 to vector<16xf32>
        %mul3A_575 = arith.mulf %mul3A_574, %get3A_573 : vector<16xf32>
        %add3A_576 = arith.addf %add3A_554, %mul3A_575 : vector<16xf32>
        %slice3A_577 = vector.extract_strided_slice %exp3A {offsets = [4], sizes = [1], strides = [1]} : vector<16xf32> to vector<1xf32>
        %squeeze3A_578 = vector.extract %slice3A_577[0] : f32 from vector<1xf32>
        %mul3A_579 = arith.constant 16 : i32
        %mul3A_580 = arith.muli %scan3A_457, %mul3A_579 : i32
        %add3A_581 = arith.constant 4 : i32
        %add3A_582 = arith.addi %mul3A_580, %add3A_581 : i32
        %get3A_583 = arith.index_cast %add3A_582 : i32 to index
        %get3A_584 = arith.constant 0 : index
        %get3A_585 = tpu.vector_load %arg32[%get3A_583, %get3A_584] {strides = array<i32>} : memref<1024x32xf32, #tpu.memory_space<vmem>>, vector<16xf32>,
        %mul3A_586 = vector.broadcast %squeeze3A_578 : f32 to vector<16xf32>
        %mul3A_587 = arith.mulf %mul3A_586, %get3A_585 : vector<16xf32>
        %add3A_588 = arith.addf %add3A_566, %mul3A_587 : vector<16xf32>
        %mul3A_589 = arith.constant 16 : i32
        %mul3A_590 = arith.muli %scan3A_457, %mul3A_589 : i32
        %add3A_591 = arith.constant 4 : i32
        %add3A_592 = arith.addi %mul3A_590, %add3A_591 : i32
        %get3A_593 = arith.index_cast %add3A_592 : i32 to index
        %get3A_594 = arith.constant 16 : index
        %get3A_595 = tpu.vector_load %arg32[%get3A_593, %get3A_594] {strides = array<i32>} : memref<1024x32xf32, #tpu.memory_space<vmem>>, vector<16xf32>,
        %mul3A_596 = vector.broadcast %squeeze3A_578 : f32 to vector<16xf32>
        %mul3A_597 = arith.mulf %mul3A_596, %get3A_595 : vector<16xf32>
        %add3A_598 = arith.addf %add3A_576, %mul3A_597 : vector<16xf32>
        %slice3A_599 = vector.extract_strided_slice %exp3A {offsets = [5], sizes = [1], strides = [1]} : vector<16xf32> to vector<1xf32>
        %squeeze3A_600 = vector.extract %slice3A_599[0] : f32 from vector<1xf32>
        %mul3A_601 = arith.constant 16 : i32
        %mul3A_602 = arith.muli %scan3A_457, %mul3A_601 : i32
        %add3A_603 = arith.constant 5 : i32
        %add3A_604 = arith.addi %mul3A_602, %add3A_603 : i32
        %get3A_605 = arith.index_cast %add3A_604 : i32 to index
        %get3A_606 = arith.constant 0 : index
        %get3A_607 = tpu.vector_load %arg32[%get3A_605, %get3A_606] {strides = array<i32>} : memref<1024x32xf32, #tpu.memory_space<vmem>>, vector<16xf32>,
        %mul3A_608 = vector.broadcast %squeeze3A_600 : f32 to vector<16xf32>
        %mul3A_609 = arith.mulf %mul3A_608, %get3A_607 : vector<16xf32>
        %add3A_610 = arith.addf %add3A_588, %mul3A_609 : vector<16xf32>
        %mul3A_611 = arith.constant 16 : i32
        %mul3A_612 = arith.muli %scan3A_457, %mul3A_611 : i32
        %add3A_613 = arith.constant 5 : i32
        %add3A_614 = arith.addi %mul3A_612, %add3A_613 : i32
        %get3A_615 = arith.index_cast %add3A_614 : i32 to index
        %get3A_616 = arith.constant 16 : index
        %get3A_617 = tpu.vector_load %arg32[%get3A_615, %get3A_616] {strides = array<i32>} : memref<1024x32xf32, #tpu.memory_space<vmem>>, vector<16xf32>,
        %mul3A_618 = vector.broadcast %squeeze3A_600 : f32 to vector<16xf32>
        %mul3A_619 = arith.mulf %mul3A_618, %get3A_617 : vector<16xf32>
        %add3A_620 = arith.addf %add3A_598, %mul3A_619 : vector<16xf32>
        %slice3A_621 = vector.extract_strided_slice %exp3A {offsets = [6], sizes = [1], strides = [1]} : vector<16xf32> to vector<1xf32>
        %squeeze3A_622 = vector.extract %slice3A_621[0] : f32 from vector<1xf32>
        %mul3A_623 = arith.constant 16 : i32
        %mul3A_624 = arith.muli %scan3A_457, %mul3A_623 : i32
        %add3A_625 = arith.constant 6 : i32
        %add3A_626 = arith.addi %mul3A_624, %add3A_625 : i32
        %get3A_627 = arith.index_cast %add3A_626 : i32 to index
        %get3A_628 = arith.constant 0 : index
        %get3A_629 = tpu.vector_load %arg32[%get3A_627, %get3A_628] {strides = array<i32>} : memref<1024x32xf32, #tpu.memory_space<vmem>>, vector<16xf32>,
        %mul3A_630 = vector.broadcast %squeeze3A_622 : f32 to vector<16xf32>
        %mul3A_631 = arith.mulf %mul3A_630, %get3A_629 : vector<16xf32>
        %add3A_632 = arith.addf %add3A_610, %mul3A_631 : vector<16xf32>
        %mul3A_633 = arith.constant 16 : i32
        %mul3A_634 = arith.muli %scan3A_457, %mul3A_633 : i32
        %add3A_635 = arith.constant 6 : i32
        %add3A_636 = arith.addi %mul3A_634, %add3A_635 : i32
        %get3A_637 = arith.index_cast %add3A_636 : i32 to index
        %get3A_638 = arith.constant 16 : index
        %get3A_639 = tpu.vector_load %arg32[%get3A_637, %get3A_638] {strides = array<i32>} : memref<1024x32xf32, #tpu.memory_space<vmem>>, vector<16xf32>,
        %mul3A_640 = vector.broadcast %squeeze3A_622 : f32 to vector<16xf32>
        %mul3A_641 = arith.mulf %mul3A_640, %get3A_639 : vector<16xf32>
        %add3A_642 = arith.addf %add3A_620, %mul3A_641 : vector<16xf32>
        %slice3A_643 = vector.extract_strided_slice %exp3A {offsets = [7], sizes = [1], strides = [1]} : vector<16xf32> to vector<1xf32>
        %squeeze3A_644 = vector.extract %slice3A_643[0] : f32 from vector<1xf32>
        %mul3A_645 = arith.constant 16 : i32
        %mul3A_646 = arith.muli %scan3A_457, %mul3A_645 : i32
        %add3A_647 = arith.constant 7 : i32
        %add3A_648 = arith.addi %mul3A_646, %add3A_647 : i32
        %get3A_649 = arith.index_cast %add3A_648 : i32 to index
        %get3A_650 = arith.constant 0 : index
        %get3A_651 = tpu.vector_load %arg32[%get3A_649, %get3A_650] {strides = array<i32>} : memref<1024x32xf32, #tpu.memory_space<vmem>>, vector<16xf32>,
        %mul3A_652 = vector.broadcast %squeeze3A_644 : f32 to vector<16xf32>
        %mul3A_653 = arith.mulf %mul3A_652, %get3A_651 : vector<16xf32>
        %add3A_654 = arith.addf %add3A_632, %mul3A_653 : vector<16xf32>
        %mul3A_655 = arith.constant 16 : i32
        %mul3A_656 = arith.muli %scan3A_457, %mul3A_655 : i32
        %add3A_657 = arith.constant 7 : i32
        %add3A_658 = arith.addi %mul3A_656, %add3A_657 : i32
        %get3A_659 = arith.index_cast %add3A_658 : i32 to index
        %get3A_660 = arith.constant 16 : index
        %get3A_661 = tpu.vector_load %arg32[%get3A_659, %get3A_660] {strides = array<i32>} : memref<1024x32xf32, #tpu.memory_space<vmem>>, vector<16xf32>,
        %mul3A_662 = vector.broadcast %squeeze3A_644 : f32 to vector<16xf32>
        %mul3A_663 = arith.mulf %mul3A_662, %get3A_661 : vector<16xf32>
        %add3A_664 = arith.addf %add3A_642, %mul3A_663 : vector<16xf32>
        %slice3A_665 = vector.extract_strided_slice %exp3A {offsets = [8], sizes = [1], strides = [1]} : vector<16xf32> to vector<1xf32>
        %squeeze3A_666 = vector.extract %slice3A_665[0] : f32 from vector<1xf32>
        %mul3A_667 = arith.constant 16 : i32
        %mul3A_668 = arith.muli %scan3A_457, %mul3A_667 : i32
        %add3A_669 = arith.constant 8 : i32
        %add3A_670 = arith.addi %mul3A_668, %add3A_669 : i32
        %get3A_671 = arith.index_cast %add3A_670 : i32 to index
        %get3A_672 = arith.constant 0 : index
        %get3A_673 = tpu.vector_load %arg32[%get3A_671, %get3A_672] {strides = array<i32>} : memref<1024x32xf32, #tpu.memory_space<vmem>>, vector<16xf32>,
        %mul3A_674 = vector.broadcast %squeeze3A_666 : f32 to vector<16xf32>
        %mul3A_675 = arith.mulf %mul3A_674, %get3A_673 : vector<16xf32>
        %add3A_676 = arith.addf %add3A_654, %mul3A_675 : vector<16xf32>
        %mul3A_677 = arith.constant 16 : i32
        %mul3A_678 = arith.muli %scan3A_457, %mul3A_677 : i32
        %add3A_679 = arith.constant 8 : i32
        %add3A_680 = arith.addi %mul3A_678, %add3A_679 : i32
        %get3A_681 = arith.index_cast %add3A_680 : i32 to index
        %get3A_682 = arith.constant 16 : index
        %get3A_683 = tpu.vector_load %arg32[%get3A_681, %get3A_682] {strides = array<i32>} : memref<1024x32xf32, #tpu.memory_space<vmem>>, vector<16xf32>,
        %mul3A_684 = vector.broadcast %squeeze3A_666 : f32 to vector<16xf32>
        %mul3A_685 = arith.mulf %mul3A_684, %get3A_683 : vector<16xf32>
        %add3A_686 = arith.addf %add3A_664, %mul3A_685 : vector<16xf32>
        %slice3A_687 = vector.extract_strided_slice %exp3A {offsets = [9], sizes = [1], strides = [1]} : vector<16xf32> to vector<1xf32>
        %squeeze3A_688 = vector.extract %slice3A_687[0] : f32 from vector<1xf32>
        %mul3A_689 = arith.constant 16 : i32
        %mul3A_690 = arith.muli %scan3A_457, %mul3A_689 : i32
        %add3A_691 = arith.constant 9 : i32
        %add3A_692 = arith.addi %mul3A_690, %add3A_691 : i32
        %get3A_693 = arith.index_cast %add3A_692 : i32 to index
        %get3A_694 = arith.constant 0 : index
        %get3A_695 = tpu.vector_load %arg32[%get3A_693, %get3A_694] {strides = array<i32>} : memref<1024x32xf32, #tpu.memory_space<vmem>>, vector<16xf32>,
        %mul3A_696 = vector.broadcast %squeeze3A_688 : f32 to vector<16xf32>
        %mul3A_697 = arith.mulf %mul3A_696, %get3A_695 : vector<16xf32>
        %add3A_698 = arith.addf %add3A_676, %mul3A_697 : vector<16xf32>
        %mul3A_699 = arith.constant 16 : i32
        %mul3A_700 = arith.muli %scan3A_457, %mul3A_699 : i32
        %add3A_701 = arith.constant 9 : i32
        %add3A_702 = arith.addi %mul3A_700, %add3A_701 : i32
        %get3A_703 = arith.index_cast %add3A_702 : i32 to index
        %get3A_704 = arith.constant 16 : index
        %get3A_705 = tpu.vector_load %arg32[%get3A_703, %get3A_704] {strides = array<i32>} : memref<1024x32xf32, #tpu.memory_space<vmem>>, vector<16xf32>,
        %mul3A_706 = vector.broadcast %squeeze3A_688 : f32 to vector<16xf32>
        %mul3A_707 = arith.mulf %mul3A_706, %get3A_705 : vector<16xf32>
        %add3A_708 = arith.addf %add3A_686, %mul3A_707 : vector<16xf32>
        %slice3A_709 = vector.extract_strided_slice %exp3A {offsets = [10], sizes = [1], strides = [1]} : vector<16xf32> to vector<1xf32>
        %squeeze3A_710 = vector.extract %slice3A_709[0] : f32 from vector<1xf32>
        %mul3A_711 = arith.constant 16 : i32
        %mul3A_712 = arith.muli %scan3A_457, %mul3A_711 : i32
        %add3A_713 = arith.constant 10 : i32
        %add3A_714 = arith.addi %mul3A_712, %add3A_713 : i32
        %get3A_715 = arith.index_cast %add3A_714 : i32 to index
        %get3A_716 = arith.constant 0 : index
        %get3A_717 = tpu.vector_load %arg32[%get3A_715, %get3A_716] {strides = array<i32>} : memref<1024x32xf32, #tpu.memory_space<vmem>>, vector<16xf32>,
        %mul3A_718 = vector.broadcast %squeeze3A_710 : f32 to vector<16xf32>
        %mul3A_719 = arith.mulf %mul3A_718, %get3A_717 : vector<16xf32>
        %add3A_720 = arith.addf %add3A_698, %mul3A_719 : vector<16xf32>
        %mul3A_721 = arith.constant 16 : i32
        %mul3A_722 = arith.muli %scan3A_457, %mul3A_721 : i32
        %add3A_723 = arith.constant 10 : i32
        %add3A_724 = arith.addi %mul3A_722, %add3A_723 : i32
        %get3A_725 = arith.index_cast %add3A_724 : i32 to index
        %get3A_726 = arith.constant 16 : index
        %get3A_727 = tpu.vector_load %arg32[%get3A_725, %get3A_726] {strides = array<i32>} : memref<1024x32xf32, #tpu.memory_space<vmem>>, vector<16xf32>,
        %mul3A_728 = vector.broadcast %squeeze3A_710 : f32 to vector<16xf32>
        %mul3A_729 = arith.mulf %mul3A_728, %get3A_727 : vector<16xf32>
        %add3A_730 = arith.addf %add3A_708, %mul3A_729 : vector<16xf32>
        %slice3A_731 = vector.extract_strided_slice %exp3A {offsets = [11], sizes = [1], strides = [1]} : vector<16xf32> to vector<1xf32>
        %squeeze3A_732 = vector.extract %slice3A_731[0] : f32 from vector<1xf32>
        %mul3A_733 = arith.constant 16 : i32
        %mul3A_734 = arith.muli %scan3A_457, %mul3A_733 : i32
        %add3A_735 = arith.constant 11 : i32
        %add3A_736 = arith.addi %mul3A_734, %add3A_735 : i32
        %get3A_737 = arith.index_cast %add3A_736 : i32 to index
        %get3A_738 = arith.constant 0 : index
        %get3A_739 = tpu.vector_load %arg32[%get3A_737, %get3A_738] {strides = array<i32>} : memref<1024x32xf32, #tpu.memory_space<vmem>>, vector<16xf32>,
        %mul3A_740 = vector.broadcast %squeeze3A_732 : f32 to vector<16xf32>
        %mul3A_741 = arith.mulf %mul3A_740, %get3A_739 : vector<16xf32>
        %add3A_742 = arith.addf %add3A_720, %mul3A_741 : vector<16xf32>
        %mul3A_743 = arith.constant 16 : i32
        %mul3A_744 = arith.muli %scan3A_457, %mul3A_743 : i32
        %add3A_745 = arith.constant 11 : i32
        %add3A_746 = arith.addi %mul3A_744, %add3A_745 : i32
        %get3A_747 = arith.index_cast %add3A_746 : i32 to index
        %get3A_748 = arith.constant 16 : index
        %get3A_749 = tpu.vector_load %arg32[%get3A_747, %get3A_748] {strides = array<i32>} : memref<1024x32xf32, #tpu.memory_space<vmem>>, vector<16xf32>,
        %mul3A_750 = vector.broadcast %squeeze3A_732 : f32 to vector<16xf32>
        %mul3A_751 = arith.mulf %mul3A_750, %get3A_749 : vector<16xf32>
        %add3A_752 = arith.addf %add3A_730, %mul3A_751 : vector<16xf32>
        %slice3A_753 = vector.extract_strided_slice %exp3A {offsets = [12], sizes = [1], strides = [1]} : vector<16xf32> to vector<1xf32>
        %squeeze3A_754 = vector.extract %slice3A_753[0] : f32 from vector<1xf32>
        %mul3A_755 = arith.constant 16 : i32
        %mul3A_756 = arith.muli %scan3A_457, %mul3A_755 : i32
        %add3A_757 = arith.constant 12 : i32
        %add3A_758 = arith.addi %mul3A_756, %add3A_757 : i32
        %get3A_759 = arith.index_cast %add3A_758 : i32 to index
        %get3A_760 = arith.constant 0 : index
        %get3A_761 = tpu.vector_load %arg32[%get3A_759, %get3A_760] {strides = array<i32>} : memref<1024x32xf32, #tpu.memory_space<vmem>>, vector<16xf32>,
        %mul3A_762 = vector.broadcast %squeeze3A_754 : f32 to vector<16xf32>
        %mul3A_763 = arith.mulf %mul3A_762, %get3A_761 : vector<16xf32>
        %add3A_764 = arith.addf %add3A_742, %mul3A_763 : vector<16xf32>
        %mul3A_765 = arith.constant 16 : i32
        %mul3A_766 = arith.muli %scan3A_457, %mul3A_765 : i32
        %add3A_767 = arith.constant 12 : i32
        %add3A_768 = arith.addi %mul3A_766, %add3A_767 : i32
        %get3A_769 = arith.index_cast %add3A_768 : i32 to index
        %get3A_770 = arith.constant 16 : index
        %get3A_771 = tpu.vector_load %arg32[%get3A_769, %get3A_770] {strides = array<i32>} : memref<1024x32xf32, #tpu.memory_space<vmem>>, vector<16xf32>,
        %mul3A_772 = vector.broadcast %squeeze3A_754 : f32 to vector<16xf32>
        %mul3A_773 = arith.mulf %mul3A_772, %get3A_771 : vector<16xf32>
        %add3A_774 = arith.addf %add3A_752, %mul3A_773 : vector<16xf32>
        %slice3A_775 = vector.extract_strided_slice %exp3A {offsets = [13], sizes = [1], strides = [1]} : vector<16xf32> to vector<1xf32>
        %squeeze3A_776 = vector.extract %slice3A_775[0] : f32 from vector<1xf32>
        %mul3A_777 = arith.constant 16 : i32
        %mul3A_778 = arith.muli %scan3A_457, %mul3A_777 : i32
        %add3A_779 = arith.constant 13 : i32
        %add3A_780 = arith.addi %mul3A_778, %add3A_779 : i32
        %get3A_781 = arith.index_cast %add3A_780 : i32 to index
        %get3A_782 = arith.constant 0 : index
        %get3A_783 = tpu.vector_load %arg32[%get3A_781, %get3A_782] {strides = array<i32>} : memref<1024x32xf32, #tpu.memory_space<vmem>>, vector<16xf32>,
        %mul3A_784 = vector.broadcast %squeeze3A_776 : f32 to vector<16xf32>
        %mul3A_785 = arith.mulf %mul3A_784, %get3A_783 : vector<16xf32>
        %add3A_786 = arith.addf %add3A_764, %mul3A_785 : vector<16xf32>
        %mul3A_787 = arith.constant 16 : i32
        %mul3A_788 = arith.muli %scan3A_457, %mul3A_787 : i32
        %add3A_789 = arith.constant 13 : i32
        %add3A_790 = arith.addi %mul3A_788, %add3A_789 : i32
        %get3A_791 = arith.index_cast %add3A_790 : i32 to index
        %get3A_792 = arith.constant 16 : index
        %get3A_793 = tpu.vector_load %arg32[%get3A_791, %get3A_792] {strides = array<i32>} : memref<1024x32xf32, #tpu.memory_space<vmem>>, vector<16xf32>,
        %mul3A_794 = vector.broadcast %squeeze3A_776 : f32 to vector<16xf32>
        %mul3A_795 = arith.mulf %mul3A_794, %get3A_793 : vector<16xf32>
        %add3A_796 = arith.addf %add3A_774, %mul3A_795 : vector<16xf32>
        %slice3A_797 = vector.extract_strided_slice %exp3A {offsets = [14], sizes = [1], strides = [1]} : vector<16xf32> to vector<1xf32>
        %squeeze3A_798 = vector.extract %slice3A_797[0] : f32 from vector<1xf32>
        %mul3A_799 = arith.constant 16 : i32
        %mul3A_800 = arith.muli %scan3A_457, %mul3A_799 : i32
        %add3A_801 = arith.constant 14 : i32
        %add3A_802 = arith.addi %mul3A_800, %add3A_801 : i32
        %get3A_803 = arith.index_cast %add3A_802 : i32 to index
        %get3A_804 = arith.constant 0 : index
        %get3A_805 = tpu.vector_load %arg32[%get3A_803, %get3A_804] {strides = array<i32>} : memref<1024x32xf32, #tpu.memory_space<vmem>>, vector<16xf32>,
        %mul3A_806 = vector.broadcast %squeeze3A_798 : f32 to vector<16xf32>
        %mul3A_807 = arith.mulf %mul3A_806, %get3A_805 : vector<16xf32>
        %add3A_808 = arith.addf %add3A_786, %mul3A_807 : vector<16xf32>
        %mul3A_809 = arith.constant 16 : i32
        %mul3A_810 = arith.muli %scan3A_457, %mul3A_809 : i32
        %add3A_811 = arith.constant 14 : i32
        %add3A_812 = arith.addi %mul3A_810, %add3A_811 : i32
        %get3A_813 = arith.index_cast %add3A_812 : i32 to index
        %get3A_814 = arith.constant 16 : index
        %get3A_815 = tpu.vector_load %arg32[%get3A_813, %get3A_814] {strides = array<i32>} : memref<1024x32xf32, #tpu.memory_space<vmem>>, vector<16xf32>,
        %mul3A_816 = vector.broadcast %squeeze3A_798 : f32 to vector<16xf32>
        %mul3A_817 = arith.mulf %mul3A_816, %get3A_815 : vector<16xf32>
        %add3A_818 = arith.addf %add3A_796, %mul3A_817 : vector<16xf32>
        %slice3A_819 = vector.extract_strided_slice %exp3A {offsets = [15], sizes = [1], strides = [1]} : vector<16xf32> to vector<1xf32>
        %squeeze3A_820 = vector.extract %slice3A_819[0] : f32 from vector<1xf32>
        %mul3A_821 = arith.constant 16 : i32
        %mul3A_822 = arith.muli %scan3A_457, %mul3A_821 : i32
        %add3A_823 = arith.constant 15 : i32
        %add3A_824 = arith.addi %mul3A_822, %add3A_823 : i32
        %get3A_825 = arith.index_cast %add3A_824 : i32 to index
        %get3A_826 = arith.constant 0 : index
        %get3A_827 = tpu.vector_load %arg32[%get3A_825, %get3A_826] {strides = array<i32>} : memref<1024x32xf32, #tpu.memory_space<vmem>>, vector<16xf32>,
        %mul3A_828 = vector.broadcast %squeeze3A_820 : f32 to vector<16xf32>
        %mul3A_829 = arith.mulf %mul3A_828, %get3A_827 : vector<16xf32>
        %add3A_830 = arith.addf %add3A_808, %mul3A_829 : vector<16xf32>
        %mul3A_831 = arith.constant 16 : i32
        %mul3A_832 = arith.muli %scan3A_457, %mul3A_831 : i32
        %add3A_833 = arith.constant 15 : i32
        %add3A_834 = arith.addi %mul3A_832, %add3A_833 : i32
        %get3A_835 = arith.index_cast %add3A_834 : i32 to index
        %get3A_836 = arith.constant 16 : index
        %get3A_837 = tpu.vector_load %arg32[%get3A_835, %get3A_836] {strides = array<i32>} : memref<1024x32xf32, #tpu.memory_space<vmem>>, vector<16xf32>,
        %mul3A_838 = vector.broadcast %squeeze3A_820 : f32 to vector<16xf32>
        %mul3A_839 = arith.mulf %mul3A_838, %get3A_837 : vector<16xf32>
        %add3A_840 = arith.addf %add3A_818, %mul3A_839 : vector<16xf32>
        %broadcast_in_dim3A_841 = vector.broadcast %reduce_sum3A_487 : f32 to vector<16xf32>
        %div3A_842 = arith.constant 1.000000e+00 : f32
        %div3A_843 = vector.broadcast %div3A_842 : f32 to vector<16xf32>
        %div3A_844 = arith.divf %div3A_843, %broadcast_in_dim3A_841 : vector<16xf32>
        %mul3A_845 = arith.mulf %add3A_830, %div3A_844 : vector<16xf32>
        %swap3A_846 = arith.index_cast %scan3A_457 : i32 to index
        %swap3A_847 = arith.constant 0 : index
        %swap3A_848 = tpu.vector_load %arg35[%swap3A_846, %swap3A_847] {strides = array<i32>} : memref<64x32xf32, #tpu.memory_space<vmem>>, vector<16xf32>,
        tpu.vector_store %arg35[%swap3A_846, %swap3A_847], %mul3A_845 {strides = array<i32>} : memref<64x32xf32, #tpu.memory_space<vmem>>, vector<16xf32>,
        %mul3A_849 = arith.mulf %add3A_840, %div3A_844 : vector<16xf32>
        %swap3A_850 = arith.index_cast %scan3A_457 : i32 to index
        %swap3A_851 = arith.constant 16 : index
        %swap3A_852 = tpu.vector_load %arg35[%swap3A_850, %swap3A_851] {strides = array<i32>} : memref<64x32xf32, #tpu.memory_space<vmem>>, vector<16xf32>,
        tpu.vector_store %arg35[%swap3A_850, %swap3A_851], %mul3A_849 {strides = array<i32>} : memref<64x32xf32, #tpu.memory_space<vmem>>, vector<16xf32>,
        %scan3A_853 = arith.constant 0 : i32
        %scan3A_854 = arith.constant 1 : i32
        %scan3A_855 = arith.addi %scan3A_457, %scan3A_854 : i32
        %mul3A_856 = arith.constant 4 : i32
        %mul3A_857 = arith.muli %add3A_379, %mul3A_856 : i32
        %jit3A_858 = arith.constant 16 : i32
        %div3A_859 = arith.divsi %scan3A_855, %jit3A_858 : i32
        %sign3A_860 = arith.constant 0 : i32
        %sign3A_861 = arith.cmpi sgt, %scan3A_855, %sign3A_860 : i32
        %sign3A_862 = arith.extui %sign3A_861 : i1 to i32
        %sign3A_863 = arith.constant 0 : i32
        %sign3A_864 = arith.cmpi slt, %scan3A_855, %sign3A_863 : i32
        %sign3A_865 = arith.extui %sign3A_864 : i1 to i32
        %sign3A_866 = arith.subi %sign3A_862, %sign3A_865 : i32
        %sign3A_867 = arith.constant 0 : i32
        %sign3A_868 = arith.cmpi sgt, %jit3A_858, %sign3A_867 : i32
        %sign3A_869 = arith.extui %sign3A_868 : i1 to i32
        %sign3A_870 = arith.constant 0 : i32
        %sign3A_871 = arith.cmpi slt, %jit3A_858, %sign3A_870 : i32
        %sign3A_872 = arith.extui %sign3A_871 : i1 to i32
        %sign3A_873 = arith.subi %sign3A_869, %sign3A_872 : i32
        %ne3A_874 = arith.cmpi ne, %sign3A_866, %sign3A_873 : i32
        %rem3A_875 = arith.remsi %scan3A_855, %jit3A_858 : i32
        %ne3A_876 = arith.constant 0 : i32
        %ne3A_877 = arith.cmpi ne, %rem3A_875, %ne3A_876 : i32
        %and3A_878 = arith.andi %ne3A_874, %ne3A_877 : i1
        %sub3A_879 = arith.constant 1 : i32
        %sub3A_880 = arith.subi %div3A_859, %sub3A_879 : i32
        %select_n3A_881 = arith.select %and3A_878, %sub3A_880, %div3A_859 : i32
        %add3A_882 = arith.addi %mul3A_857, %select_n3A_881 : i32
        %get3A_883 = arith.index_cast %scan3A_855 : i32 to index
        %get3A_884 = arith.constant 0 : index
        %get3A_885 = tpu.vector_load %arg30[%get3A_883, %get3A_884] {strides = array<i32>} : memref<64x16xi32, #tpu.memory_space<vmem>>, vector<16xi32>,
        %mul3A_886 = arith.constant 32 : i32
        %mul3A_887 = arith.muli %add3A_882, %mul3A_886 : i32
        %add3A_888 = vector.broadcast %mul3A_887 : i32 to vector<16xi32>
        %add3A_889 = arith.addi %add3A_888, %get3A_885 : vector<16xi32>
        %gather3A_890 = tpu.vector_load_idx %arg21[%add3A_889] : memref<4096xf32, #tpu.memory_space<vmem>>[vector<16xi32>], vector<16xf32>,
        %exp3A_891 = math.exp %gather3A_890 : vector<16xf32>
        %reduce_sum3A_892 = arith.constant true
        %reduce_sum3A_893 = vector.broadcast %reduce_sum3A_892 : i1 to vector<16xi1>
        %reduce_sum3A_894 = tpu.scan <sum>, %exp3A_891 masked %reduce_sum3A_893 : vector<16xf32>, vector<16xi1> -> vector<16xf32>
        %reduce_sum3A_895 = vector.extract %reduce_sum3A_894[15] : f32 from vector<16xf32>
        %broadcast_in_dim3A_896 = arith.constant 0.000000e+00 : f32
        %broadcast_in_dim3A_897 = vector.broadcast %broadcast_in_dim3A_896 : f32 to vector<16xf32>
        %broadcast_in_dim3A_898 = arith.constant 0.000000e+00 : f32
        %broadcast_in_dim3A_899 = vector.broadcast %broadcast_in_dim3A_898 : f32 to vector<16xf32>
        %slice3A_900 = vector.extract_strided_slice %exp3A_891 {offsets = [0], sizes = [1], strides = [1]} : vector<16xf32> to vector<1xf32>
        %squeeze3A_901 = vector.extract %slice3A_900[0] : f32 from vector<1xf32>
        %mul3A_902 = arith.constant 16 : i32
        %mul3A_903 = arith.muli %scan3A_855, %mul3A_902 : i32
        %add3A_904 = arith.constant 0 : i32
        %add3A_905 = arith.addi %mul3A_903, %add3A_904 : i32
        %get3A_906 = arith.index_cast %add3A_905 : i32 to index
        %get3A_907 = arith.constant 0 : index
        %get3A_908 = tpu.vector_load %arg32[%get3A_906, %get3A_907] {strides = array<i32>} : memref<1024x32xf32, #tpu.memory_space<vmem>>, vector<16xf32>,
        %mul3A_909 = vector.broadcast %squeeze3A_901 : f32 to vector<16xf32>
        %mul3A_910 = arith.mulf %mul3A_909, %get3A_908 : vector<16xf32>
        %add3A_911 = arith.addf %broadcast_in_dim3A_897, %mul3A_910 : vector<16xf32>
        %mul3A_912 = arith.constant 16 : i32
        %mul3A_913 = arith.muli %scan3A_855, %mul3A_912 : i32
        %add3A_914 = arith.constant 0 : i32
        %add3A_915 = arith.addi %mul3A_913, %add3A_914 : i32
        %get3A_916 = arith.index_cast %add3A_915 : i32 to index
        %get3A_917 = arith.constant 16 : index
        %get3A_918 = tpu.vector_load %arg32[%get3A_916, %get3A_917] {strides = array<i32>} : memref<1024x32xf32, #tpu.memory_space<vmem>>, vector<16xf32>,
        %mul3A_919 = vector.broadcast %squeeze3A_901 : f32 to vector<16xf32>
        %mul3A_920 = arith.mulf %mul3A_919, %get3A_918 : vector<16xf32>
        %add3A_921 = arith.addf %broadcast_in_dim3A_899, %mul3A_920 : vector<16xf32>
        %slice3A_922 = vector.extract_strided_slice %exp3A_891 {offsets = [1], sizes = [1], strides = [1]} : vector<16xf32> to vector<1xf32>
        %squeeze3A_923 = vector.extract %slice3A_922[0] : f32 from vector<1xf32>
        %mul3A_924 = arith.constant 16 : i32
        %mul3A_925 = arith.muli %scan3A_855, %mul3A_924 : i32
        %add3A_926 = arith.constant 1 : i32
        %add3A_927 = arith.addi %mul3A_925, %add3A_926 : i32
        %get3A_928 = arith.index_cast %add3A_927 : i32 to index
        %get3A_929 = arith.constant 0 : index
        %get3A_930 = tpu.vector_load %arg32[%get3A_928, %get3A_929] {strides = array<i32>} : memref<1024x32xf32, #tpu.memory_space<vmem>>, vector<16xf32>,
        %mul3A_931 = vector.broadcast %squeeze3A_923 : f32 to vector<16xf32>
        %mul3A_932 = arith.mulf %mul3A_931, %get3A_930 : vector<16xf32>
        %add3A_933 = arith.addf %add3A_911, %mul3A_932 : vector<16xf32>
        %mul3A_934 = arith.constant 16 : i32
        %mul3A_935 = arith.muli %scan3A_855, %mul3A_934 : i32
        %add3A_936 = arith.constant 1 : i32
        %add3A_937 = arith.addi %mul3A_935, %add3A_936 : i32
        %get3A_938 = arith.index_cast %add3A_937 : i32 to index
        %get3A_939 = arith.constant 16 : index
        %get3A_940 = tpu.vector_load %arg32[%get3A_938, %get3A_939] {strides = array<i32>} : memref<1024x32xf32, #tpu.memory_space<vmem>>, vector<16xf32>,
        %mul3A_941 = vector.broadcast %squeeze3A_923 : f32 to vector<16xf32>
        %mul3A_942 = arith.mulf %mul3A_941, %get3A_940 : vector<16xf32>
        %add3A_943 = arith.addf %add3A_921, %mul3A_942 : vector<16xf32>
        %slice3A_944 = vector.extract_strided_slice %exp3A_891 {offsets = [2], sizes = [1], strides = [1]} : vector<16xf32> to vector<1xf32>
        %squeeze3A_945 = vector.extract %slice3A_944[0] : f32 from vector<1xf32>
        %mul3A_946 = arith.constant 16 : i32
        %mul3A_947 = arith.muli %scan3A_855, %mul3A_946 : i32
        %add3A_948 = arith.constant 2 : i32
        %add3A_949 = arith.addi %mul3A_947, %add3A_948 : i32
        %get3A_950 = arith.index_cast %add3A_949 : i32 to index
        %get3A_951 = arith.constant 0 : index
        %get3A_952 = tpu.vector_load %arg32[%get3A_950, %get3A_951] {strides = array<i32>} : memref<1024x32xf32, #tpu.memory_space<vmem>>, vector<16xf32>,
        %mul3A_953 = vector.broadcast %squeeze3A_945 : f32 to vector<16xf32>
        %mul3A_954 = arith.mulf %mul3A_953, %get3A_952 : vector<16xf32>
        %add3A_955 = arith.addf %add3A_933, %mul3A_954 : vector<16xf32>
        %mul3A_956 = arith.constant 16 : i32
        %mul3A_957 = arith.muli %scan3A_855, %mul3A_956 : i32
        %add3A_958 = arith.constant 2 : i32
        %add3A_959 = arith.addi %mul3A_957, %add3A_958 : i32
        %get3A_960 = arith.index_cast %add3A_959 : i32 to index
        %get3A_961 = arith.constant 16 : index
        %get3A_962 = tpu.vector_load %arg32[%get3A_960, %get3A_961] {strides = array<i32>} : memref<1024x32xf32, #tpu.memory_space<vmem>>, vector<16xf32>,
        %mul3A_963 = vector.broadcast %squeeze3A_945 : f32 to vector<16xf32>
        %mul3A_964 = arith.mulf %mul3A_963, %get3A_962 : vector<16xf32>
        %add3A_965 = arith.addf %add3A_943, %mul3A_964 : vector<16xf32>
        %slice3A_966 = vector.extract_strided_slice %exp3A_891 {offsets = [3], sizes = [1], strides = [1]} : vector<16xf32> to vector<1xf32>
        %squeeze3A_967 = vector.extract %slice3A_966[0] : f32 from vector<1xf32>
        %mul3A_968 = arith.constant 16 : i32
        %mul3A_969 = arith.muli %scan3A_855, %mul3A_968 : i32
        %add3A_970 = arith.constant 3 : i32
        %add3A_971 = arith.addi %mul3A_969, %add3A_970 : i32
        %get3A_972 = arith.index_cast %add3A_971 : i32 to index
        %get3A_973 = arith.constant 0 : index
        %get3A_974 = tpu.vector_load %arg32[%get3A_972, %get3A_973] {strides = array<i32>} : memref<1024x32xf32, #tpu.memory_space<vmem>>, vector<16xf32>,
        %mul3A_975 = vector.broadcast %squeeze3A_967 : f32 to vector<16xf32>
        %mul3A_976 = arith.mulf %mul3A_975, %get3A_974 : vector<16xf32>
        %add3A_977 = arith.addf %add3A_955, %mul3A_976 : vector<16xf32>
        %mul3A_978 = arith.constant 16 : i32
        %mul3A_979 = arith.muli %scan3A_855, %mul3A_978 : i32
        %add3A_980 = arith.constant 3 : i32
        %add3A_981 = arith.addi %mul3A_979, %add3A_980 : i32
        %get3A_982 = arith.index_cast %add3A_981 : i32 to index
        %get3A_983 = arith.constant 16 : index
        %get3A_984 = tpu.vector_load %arg32[%get3A_982, %get3A_983] {strides = array<i32>} : memref<1024x32xf32, #tpu.memory_space<vmem>>, vector<16xf32>,
        %mul3A_985 = vector.broadcast %squeeze3A_967 : f32 to vector<16xf32>
        %mul3A_986 = arith.mulf %mul3A_985, %get3A_984 : vector<16xf32>
        %add3A_987 = arith.addf %add3A_965, %mul3A_986 : vector<16xf32>
        %slice3A_988 = vector.extract_strided_slice %exp3A_891 {offsets = [4], sizes = [1], strides = [1]} : vector<16xf32> to vector<1xf32>
        %squeeze3A_989 = vector.extract %slice3A_988[0] : f32 from vector<1xf32>
        %mul3A_990 = arith.constant 16 : i32
        %mul3A_991 = arith.muli %scan3A_855, %mul3A_990 : i32
        %add3A_992 = arith.constant 4 : i32
        %add3A_993 = arith.addi %mul3A_991, %add3A_992 : i32
        %get3A_994 = arith.index_cast %add3A_993 : i32 to index
        %get3A_995 = arith.constant 0 : index
        %get3A_996 = tpu.vector_load %arg32[%get3A_994, %get3A_995] {strides = array<i32>} : memref<1024x32xf32, #tpu.memory_space<vmem>>, vector<16xf32>,
        %mul3A_997 = vector.broadcast %squeeze3A_989 : f32 to vector<16xf32>
        %mul3A_998 = arith.mulf %mul3A_997, %get3A_996 : vector<16xf32>
        %add3A_999 = arith.addf %add3A_977, %mul3A_998 : vector<16xf32>
        %mul3A_1000 = arith.constant 16 : i32
        %mul3A_1001 = arith.muli %scan3A_855, %mul3A_1000 : i32
        %add3A_1002 = arith.constant 4 : i32
        %add3A_1003 = arith.addi %mul3A_1001, %add3A_1002 : i32
        %get3A_1004 = arith.index_cast %add3A_1003 : i32 to index
        %get3A_1005 = arith.constant 16 : index
        %get3A_1006 = tpu.vector_load %arg32[%get3A_1004, %get3A_1005] {strides = array<i32>} : memref<1024x32xf32, #tpu.memory_space<vmem>>, vector<16xf32>,
        %mul3A_1007 = vector.broadcast %squeeze3A_989 : f32 to vector<16xf32>
        %mul3A_1008 = arith.mulf %mul3A_1007, %get3A_1006 : vector<16xf32>
        %add3A_1009 = arith.addf %add3A_987, %mul3A_1008 : vector<16xf32>
        %slice3A_1010 = vector.extract_strided_slice %exp3A_891 {offsets = [5], sizes = [1], strides = [1]} : vector<16xf32> to vector<1xf32>
        %squeeze3A_1011 = vector.extract %slice3A_1010[0] : f32 from vector<1xf32>
        %mul3A_1012 = arith.constant 16 : i32
        %mul3A_1013 = arith.muli %scan3A_855, %mul3A_1012 : i32
        %add3A_1014 = arith.constant 5 : i32
        %add3A_1015 = arith.addi %mul3A_1013, %add3A_1014 : i32
        %get3A_1016 = arith.index_cast %add3A_1015 : i32 to index
        %get3A_1017 = arith.constant 0 : index
        %get3A_1018 = tpu.vector_load %arg32[%get3A_1016, %get3A_1017] {strides = array<i32>} : memref<1024x32xf32, #tpu.memory_space<vmem>>, vector<16xf32>,
        %mul3A_1019 = vector.broadcast %squeeze3A_1011 : f32 to vector<16xf32>
        %mul3A_1020 = arith.mulf %mul3A_1019, %get3A_1018 : vector<16xf32>
        %add3A_1021 = arith.addf %add3A_999, %mul3A_1020 : vector<16xf32>
        %mul3A_1022 = arith.constant 16 : i32
        %mul3A_1023 = arith.muli %scan3A_855, %mul3A_1022 : i32
        %add3A_1024 = arith.constant 5 : i32
        %add3A_1025 = arith.addi %mul3A_1023, %add3A_1024 : i32
        %get3A_1026 = arith.index_cast %add3A_1025 : i32 to index
        %get3A_1027 = arith.constant 16 : index
        %get3A_1028 = tpu.vector_load %arg32[%get3A_1026, %get3A_1027] {strides = array<i32>} : memref<1024x32xf32, #tpu.memory_space<vmem>>, vector<16xf32>,
        %mul3A_1029 = vector.broadcast %squeeze3A_1011 : f32 to vector<16xf32>
        %mul3A_1030 = arith.mulf %mul3A_1029, %get3A_1028 : vector<16xf32>
        %add3A_1031 = arith.addf %add3A_1009, %mul3A_1030 : vector<16xf32>
        %slice3A_1032 = vector.extract_strided_slice %exp3A_891 {offsets = [6], sizes = [1], strides = [1]} : vector<16xf32> to vector<1xf32>
        %squeeze3A_1033 = vector.extract %slice3A_1032[0] : f32 from vector<1xf32>
        %mul3A_1034 = arith.constant 16 : i32
        %mul3A_1035 = arith.muli %scan3A_855, %mul3A_1034 : i32
        %add3A_1036 = arith.constant 6 : i32
        %add3A_1037 = arith.addi %mul3A_1035, %add3A_1036 : i32
        %get3A_1038 = arith.index_cast %add3A_1037 : i32 to index
        %get3A_1039 = arith.constant 0 : index
        %get3A_1040 = tpu.vector_load %arg32[%get3A_1038, %get3A_1039] {strides = array<i32>} : memref<1024x32xf32, #tpu.memory_space<vmem>>, vector<16xf32>,
        %mul3A_1041 = vector.broadcast %squeeze3A_1033 : f32 to vector<16xf32>
        %mul3A_1042 = arith.mulf %mul3A_1041, %get3A_1040 : vector<16xf32>
        %add3A_1043 = arith.addf %add3A_1021, %mul3A_1042 : vector<16xf32>
        %mul3A_1044 = arith.constant 16 : i32
        %mul3A_1045 = arith.muli %scan3A_855, %mul3A_1044 : i32
        %add3A_1046 = arith.constant 6 : i32
        %add3A_1047 = arith.addi %mul3A_1045, %add3A_1046 : i32
        %get3A_1048 = arith.index_cast %add3A_1047 : i32 to index
        %get3A_1049 = arith.constant 16 : index
        %get3A_1050 = tpu.vector_load %arg32[%get3A_1048, %get3A_1049] {strides = array<i32>} : memref<1024x32xf32, #tpu.memory_space<vmem>>, vector<16xf32>,
        %mul3A_1051 = vector.broadcast %squeeze3A_1033 : f32 to vector<16xf32>
        %mul3A_1052 = arith.mulf %mul3A_1051, %get3A_1050 : vector<16xf32>
        %add3A_1053 = arith.addf %add3A_1031, %mul3A_1052 : vector<16xf32>
        %slice3A_1054 = vector.extract_strided_slice %exp3A_891 {offsets = [7], sizes = [1], strides = [1]} : vector<16xf32> to vector<1xf32>
        %squeeze3A_1055 = vector.extract %slice3A_1054[0] : f32 from vector<1xf32>
        %mul3A_1056 = arith.constant 16 : i32
        %mul3A_1057 = arith.muli %scan3A_855, %mul3A_1056 : i32
        %add3A_1058 = arith.constant 7 : i32
        %add3A_1059 = arith.addi %mul3A_1057, %add3A_1058 : i32
        %get3A_1060 = arith.index_cast %add3A_1059 : i32 to index
        %get3A_1061 = arith.constant 0 : index
        %get3A_1062 = tpu.vector_load %arg32[%get3A_1060, %get3A_1061] {strides = array<i32>} : memref<1024x32xf32, #tpu.memory_space<vmem>>, vector<16xf32>,
        %mul3A_1063 = vector.broadcast %squeeze3A_1055 : f32 to vector<16xf32>
        %mul3A_1064 = arith.mulf %mul3A_1063, %get3A_1062 : vector<16xf32>
        %add3A_1065 = arith.addf %add3A_1043, %mul3A_1064 : vector<16xf32>
        %mul3A_1066 = arith.constant 16 : i32
        %mul3A_1067 = arith.muli %scan3A_855, %mul3A_1066 : i32
        %add3A_1068 = arith.constant 7 : i32
        %add3A_1069 = arith.addi %mul3A_1067, %add3A_1068 : i32
        %get3A_1070 = arith.index_cast %add3A_1069 : i32 to index
        %get3A_1071 = arith.constant 16 : index
        %get3A_1072 = tpu.vector_load %arg32[%get3A_1070, %get3A_1071] {strides = array<i32>} : memref<1024x32xf32, #tpu.memory_space<vmem>>, vector<16xf32>,
        %mul3A_1073 = vector.broadcast %squeeze3A_1055 : f32 to vector<16xf32>
        %mul3A_1074 = arith.mulf %mul3A_1073, %get3A_1072 : vector<16xf32>
        %add3A_1075 = arith.addf %add3A_1053, %mul3A_1074 : vector<16xf32>
        %slice3A_1076 = vector.extract_strided_slice %exp3A_891 {offsets = [8], sizes = [1], strides = [1]} : vector<16xf32> to vector<1xf32>
        %squeeze3A_1077 = vector.extract %slice3A_1076[0] : f32 from vector<1xf32>
        %mul3A_1078 = arith.constant 16 : i32
        %mul3A_1079 = arith.muli %scan3A_855, %mul3A_1078 : i32
        %add3A_1080 = arith.constant 8 : i32
        %add3A_1081 = arith.addi %mul3A_1079, %add3A_1080 : i32
        %get3A_1082 = arith.index_cast %add3A_1081 : i32 to index
        %get3A_1083 = arith.constant 0 : index
        %get3A_1084 = tpu.vector_load %arg32[%get3A_1082, %get3A_1083] {strides = array<i32>} : memref<1024x32xf32, #tpu.memory_space<vmem>>, vector<16xf32>,
        %mul3A_1085 = vector.broadcast %squeeze3A_1077 : f32 to vector<16xf32>
        %mul3A_1086 = arith.mulf %mul3A_1085, %get3A_1084 : vector<16xf32>
        %add3A_1087 = arith.addf %add3A_1065, %mul3A_1086 : vector<16xf32>
        %mul3A_1088 = arith.constant 16 : i32
        %mul3A_1089 = arith.muli %scan3A_855, %mul3A_1088 : i32
        %add3A_1090 = arith.constant 8 : i32
        %add3A_1091 = arith.addi %mul3A_1089, %add3A_1090 : i32
        %get3A_1092 = arith.index_cast %add3A_1091 : i32 to index
        %get3A_1093 = arith.constant 16 : index
        %get3A_1094 = tpu.vector_load %arg32[%get3A_1092, %get3A_1093] {strides = array<i32>} : memref<1024x32xf32, #tpu.memory_space<vmem>>, vector<16xf32>,
        %mul3A_1095 = vector.broadcast %squeeze3A_1077 : f32 to vector<16xf32>
        %mul3A_1096 = arith.mulf %mul3A_1095, %get3A_1094 : vector<16xf32>
        %add3A_1097 = arith.addf %add3A_1075, %mul3A_1096 : vector<16xf32>
        %slice3A_1098 = vector.extract_strided_slice %exp3A_891 {offsets = [9], sizes = [1], strides = [1]} : vector<16xf32> to vector<1xf32>
        %squeeze3A_1099 = vector.extract %slice3A_1098[0] : f32 from vector<1xf32>
        %mul3A_1100 = arith.constant 16 : i32
        %mul3A_1101 = arith.muli %scan3A_855, %mul3A_1100 : i32
        %add3A_1102 = arith.constant 9 : i32
        %add3A_1103 = arith.addi %mul3A_1101, %add3A_1102 : i32
        %get3A_1104 = arith.index_cast %add3A_1103 : i32 to index
        %get3A_1105 = arith.constant 0 : index
        %get3A_1106 = tpu.vector_load %arg32[%get3A_1104, %get3A_1105] {strides = array<i32>} : memref<1024x32xf32, #tpu.memory_space<vmem>>, vector<16xf32>,
        %mul3A_1107 = vector.broadcast %squeeze3A_1099 : f32 to vector<16xf32>
        %mul3A_1108 = arith.mulf %mul3A_1107, %get3A_1106 : vector<16xf32>
        %add3A_1109 = arith.addf %add3A_1087, %mul3A_1108 : vector<16xf32>
        %mul3A_1110 = arith.constant 16 : i32
        %mul3A_1111 = arith.muli %scan3A_855, %mul3A_1110 : i32
        %add3A_1112 = arith.constant 9 : i32
        %add3A_1113 = arith.addi %mul3A_1111, %add3A_1112 : i32
        %get3A_1114 = arith.index_cast %add3A_1113 : i32 to index
        %get3A_1115 = arith.constant 16 : index
        %get3A_1116 = tpu.vector_load %arg32[%get3A_1114, %get3A_1115] {strides = array<i32>} : memref<1024x32xf32, #tpu.memory_space<vmem>>, vector<16xf32>,
        %mul3A_1117 = vector.broadcast %squeeze3A_1099 : f32 to vector<16xf32>
        %mul3A_1118 = arith.mulf %mul3A_1117, %get3A_1116 : vector<16xf32>
        %add3A_1119 = arith.addf %add3A_1097, %mul3A_1118 : vector<16xf32>
        %slice3A_1120 = vector.extract_strided_slice %exp3A_891 {offsets = [10], sizes = [1], strides = [1]} : vector<16xf32> to vector<1xf32>
        %squeeze3A_1121 = vector.extract %slice3A_1120[0] : f32 from vector<1xf32>
        %mul3A_1122 = arith.constant 16 : i32
        %mul3A_1123 = arith.muli %scan3A_855, %mul3A_1122 : i32
        %add3A_1124 = arith.constant 10 : i32
        %add3A_1125 = arith.addi %mul3A_1123, %add3A_1124 : i32
        %get3A_1126 = arith.index_cast %add3A_1125 : i32 to index
        %get3A_1127 = arith.constant 0 : index
        %get3A_1128 = tpu.vector_load %arg32[%get3A_1126, %get3A_1127] {strides = array<i32>} : memref<1024x32xf32, #tpu.memory_space<vmem>>, vector<16xf32>,
        %mul3A_1129 = vector.broadcast %squeeze3A_1121 : f32 to vector<16xf32>
        %mul3A_1130 = arith.mulf %mul3A_1129, %get3A_1128 : vector<16xf32>
        %add3A_1131 = arith.addf %add3A_1109, %mul3A_1130 : vector<16xf32>
        %mul3A_1132 = arith.constant 16 : i32
        %mul3A_1133 = arith.muli %scan3A_855, %mul3A_1132 : i32
        %add3A_1134 = arith.constant 10 : i32
        %add3A_1135 = arith.addi %mul3A_1133, %add3A_1134 : i32
        %get3A_1136 = arith.index_cast %add3A_1135 : i32 to index
        %get3A_1137 = arith.constant 16 : index
        %get3A_1138 = tpu.vector_load %arg32[%get3A_1136, %get3A_1137] {strides = array<i32>} : memref<1024x32xf32, #tpu.memory_space<vmem>>, vector<16xf32>,
        %mul3A_1139 = vector.broadcast %squeeze3A_1121 : f32 to vector<16xf32>
        %mul3A_1140 = arith.mulf %mul3A_1139, %get3A_1138 : vector<16xf32>
        %add3A_1141 = arith.addf %add3A_1119, %mul3A_1140 : vector<16xf32>
        %slice3A_1142 = vector.extract_strided_slice %exp3A_891 {offsets = [11], sizes = [1], strides = [1]} : vector<16xf32> to vector<1xf32>
        %squeeze3A_1143 = vector.extract %slice3A_1142[0] : f32 from vector<1xf32>
        %mul3A_1144 = arith.constant 16 : i32
        %mul3A_1145 = arith.muli %scan3A_855, %mul3A_1144 : i32
        %add3A_1146 = arith.constant 11 : i32
        %add3A_1147 = arith.addi %mul3A_1145, %add3A_1146 : i32
        %get3A_1148 = arith.index_cast %add3A_1147 : i32 to index
        %get3A_1149 = arith.constant 0 : index
        %get3A_1150 = tpu.vector_load %arg32[%get3A_1148, %get3A_1149] {strides = array<i32>} : memref<1024x32xf32, #tpu.memory_space<vmem>>, vector<16xf32>,
        %mul3A_1151 = vector.broadcast %squeeze3A_1143 : f32 to vector<16xf32>
        %mul3A_1152 = arith.mulf %mul3A_1151, %get3A_1150 : vector<16xf32>
        %add3A_1153 = arith.addf %add3A_1131, %mul3A_1152 : vector<16xf32>
        %mul3A_1154 = arith.constant 16 : i32
        %mul3A_1155 = arith.muli %scan3A_855, %mul3A_1154 : i32
        %add3A_1156 = arith.constant 11 : i32
        %add3A_1157 = arith.addi %mul3A_1155, %add3A_1156 : i32
        %get3A_1158 = arith.index_cast %add3A_1157 : i32 to index
        %get3A_1159 = arith.constant 16 : index
        %get3A_1160 = tpu.vector_load %arg32[%get3A_1158, %get3A_1159] {strides = array<i32>} : memref<1024x32xf32, #tpu.memory_space<vmem>>, vector<16xf32>,
        %mul3A_1161 = vector.broadcast %squeeze3A_1143 : f32 to vector<16xf32>
        %mul3A_1162 = arith.mulf %mul3A_1161, %get3A_1160 : vector<16xf32>
        %add3A_1163 = arith.addf %add3A_1141, %mul3A_1162 : vector<16xf32>
        %slice3A_1164 = vector.extract_strided_slice %exp3A_891 {offsets = [12], sizes = [1], strides = [1]} : vector<16xf32> to vector<1xf32>
        %squeeze3A_1165 = vector.extract %slice3A_1164[0] : f32 from vector<1xf32>
        %mul3A_1166 = arith.constant 16 : i32
        %mul3A_1167 = arith.muli %scan3A_855, %mul3A_1166 : i32
        %add3A_1168 = arith.constant 12 : i32
        %add3A_1169 = arith.addi %mul3A_1167, %add3A_1168 : i32
        %get3A_1170 = arith.index_cast %add3A_1169 : i32 to index
        %get3A_1171 = arith.constant 0 : index
        %get3A_1172 = tpu.vector_load %arg32[%get3A_1170, %get3A_1171] {strides = array<i32>} : memref<1024x32xf32, #tpu.memory_space<vmem>>, vector<16xf32>,
        %mul3A_1173 = vector.broadcast %squeeze3A_1165 : f32 to vector<16xf32>
        %mul3A_1174 = arith.mulf %mul3A_1173, %get3A_1172 : vector<16xf32>
        %add3A_1175 = arith.addf %add3A_1153, %mul3A_1174 : vector<16xf32>
        %mul3A_1176 = arith.constant 16 : i32
        %mul3A_1177 = arith.muli %scan3A_855, %mul3A_1176 : i32
        %add3A_1178 = arith.constant 12 : i32
        %add3A_1179 = arith.addi %mul3A_1177, %add3A_1178 : i32
        %get3A_1180 = arith.index_cast %add3A_1179 : i32 to index
        %get3A_1181 = arith.constant 16 : index
        %get3A_1182 = tpu.vector_load %arg32[%get3A_1180, %get3A_1181] {strides = array<i32>} : memref<1024x32xf32, #tpu.memory_space<vmem>>, vector<16xf32>,
        %mul3A_1183 = vector.broadcast %squeeze3A_1165 : f32 to vector<16xf32>
        %mul3A_1184 = arith.mulf %mul3A_1183, %get3A_1182 : vector<16xf32>
        %add3A_1185 = arith.addf %add3A_1163, %mul3A_1184 : vector<16xf32>
        %slice3A_1186 = vector.extract_strided_slice %exp3A_891 {offsets = [13], sizes = [1], strides = [1]} : vector<16xf32> to vector<1xf32>
        %squeeze3A_1187 = vector.extract %slice3A_1186[0] : f32 from vector<1xf32>
        %mul3A_1188 = arith.constant 16 : i32
        %mul3A_1189 = arith.muli %scan3A_855, %mul3A_1188 : i32
        %add3A_1190 = arith.constant 13 : i32
        %add3A_1191 = arith.addi %mul3A_1189, %add3A_1190 : i32
        %get3A_1192 = arith.index_cast %add3A_1191 : i32 to index
        %get3A_1193 = arith.constant 0 : index
        %get3A_1194 = tpu.vector_load %arg32[%get3A_1192, %get3A_1193] {strides = array<i32>} : memref<1024x32xf32, #tpu.memory_space<vmem>>, vector<16xf32>,
        %mul3A_1195 = vector.broadcast %squeeze3A_1187 : f32 to vector<16xf32>
        %mul3A_1196 = arith.mulf %mul3A_1195, %get3A_1194 : vector<16xf32>
        %add3A_1197 = arith.addf %add3A_1175, %mul3A_1196 : vector<16xf32>
        %mul3A_1198 = arith.constant 16 : i32
        %mul3A_1199 = arith.muli %scan3A_855, %mul3A_1198 : i32
        %add3A_1200 = arith.constant 13 : i32
        %add3A_1201 = arith.addi %mul3A_1199, %add3A_1200 : i32
        %get3A_1202 = arith.index_cast %add3A_1201 : i32 to index
        %get3A_1203 = arith.constant 16 : index
        %get3A_1204 = tpu.vector_load %arg32[%get3A_1202, %get3A_1203] {strides = array<i32>} : memref<1024x32xf32, #tpu.memory_space<vmem>>, vector<16xf32>,
        %mul3A_1205 = vector.broadcast %squeeze3A_1187 : f32 to vector<16xf32>
        %mul3A_1206 = arith.mulf %mul3A_1205, %get3A_1204 : vector<16xf32>
        %add3A_1207 = arith.addf %add3A_1185, %mul3A_1206 : vector<16xf32>
        %slice3A_1208 = vector.extract_strided_slice %exp3A_891 {offsets = [14], sizes = [1], strides = [1]} : vector<16xf32> to vector<1xf32>
        %squeeze3A_1209 = vector.extract %slice3A_1208[0] : f32 from vector<1xf32>
        %mul3A_1210 = arith.constant 16 : i32
        %mul3A_1211 = arith.muli %scan3A_855, %mul3A_1210 : i32
        %add3A_1212 = arith.constant 14 : i32
        %add3A_1213 = arith.addi %mul3A_1211, %add3A_1212 : i32
        %get3A_1214 = arith.index_cast %add3A_1213 : i32 to index
        %get3A_1215 = arith.constant 0 : index
        %get3A_1216 = tpu.vector_load %arg32[%get3A_1214, %get3A_1215] {strides = array<i32>} : memref<1024x32xf32, #tpu.memory_space<vmem>>, vector<16xf32>,
        %mul3A_1217 = vector.broadcast %squeeze3A_1209 : f32 to vector<16xf32>
        %mul3A_1218 = arith.mulf %mul3A_1217, %get3A_1216 : vector<16xf32>
        %add3A_1219 = arith.addf %add3A_1197, %mul3A_1218 : vector<16xf32>
        %mul3A_1220 = arith.constant 16 : i32
        %mul3A_1221 = arith.muli %scan3A_855, %mul3A_1220 : i32
        %add3A_1222 = arith.constant 14 : i32
        %add3A_1223 = arith.addi %mul3A_1221, %add3A_1222 : i32
        %get3A_1224 = arith.index_cast %add3A_1223 : i32 to index
        %get3A_1225 = arith.constant 16 : index
        %get3A_1226 = tpu.vector_load %arg32[%get3A_1224, %get3A_1225] {strides = array<i32>} : memref<1024x32xf32, #tpu.memory_space<vmem>>, vector<16xf32>,
        %mul3A_1227 = vector.broadcast %squeeze3A_1209 : f32 to vector<16xf32>
        %mul3A_1228 = arith.mulf %mul3A_1227, %get3A_1226 : vector<16xf32>
        %add3A_1229 = arith.addf %add3A_1207, %mul3A_1228 : vector<16xf32>
        %slice3A_1230 = vector.extract_strided_slice %exp3A_891 {offsets = [15], sizes = [1], strides = [1]} : vector<16xf32> to vector<1xf32>
        %squeeze3A_1231 = vector.extract %slice3A_1230[0] : f32 from vector<1xf32>
        %mul3A_1232 = arith.constant 16 : i32
        %mul3A_1233 = arith.muli %scan3A_855, %mul3A_1232 : i32
        %add3A_1234 = arith.constant 15 : i32
        %add3A_1235 = arith.addi %mul3A_1233, %add3A_1234 : i32
        %get3A_1236 = arith.index_cast %add3A_1235 : i32 to index
        %get3A_1237 = arith.constant 0 : index
        %get3A_1238 = tpu.vector_load %arg32[%get3A_1236, %get3A_1237] {strides = array<i32>} : memref<1024x32xf32, #tpu.memory_space<vmem>>, vector<16xf32>,
        %mul3A_1239 = vector.broadcast %squeeze3A_1231 : f32 to vector<16xf32>
        %mul3A_1240 = arith.mulf %mul3A_1239, %get3A_1238 : vector<16xf32>
        %add3A_1241 = arith.addf %add3A_1219, %mul3A_1240 : vector<16xf32>
        %mul3A_1242 = arith.constant 16 : i32
        %mul3A_1243 = arith.muli %scan3A_855, %mul3A_1242 : i32
        %add3A_1244 = arith.constant 15 : i32
        %add3A_1245 = arith.addi %mul3A_1243, %add3A_1244 : i32
        %get3A_1246 = arith.index_cast %add3A_1245 : i32 to index
        %get3A_1247 = arith.constant 16 : index
        %get3A_1248 = tpu.vector_load %arg32[%get3A_1246, %get3A_1247] {strides = array<i32>} : memref<1024x32xf32, #tpu.memory_space<vmem>>, vector<16xf32>,
        %mul3A_1249 = vector.broadcast %squeeze3A_1231 : f32 to vector<16xf32>
        %mul3A_1250 = arith.mulf %mul3A_1249, %get3A_1248 : vector<16xf32>
        %add3A_1251 = arith.addf %add3A_1229, %mul3A_1250 : vector<16xf32>
        %broadcast_in_dim3A_1252 = vector.broadcast %reduce_sum3A_895 : f32 to vector<16xf32>
        %div3A_1253 = arith.constant 1.000000e+00 : f32
        %div3A_1254 = vector.broadcast %div3A_1253 : f32 to vector<16xf32>
        %div3A_1255 = arith.divf %div3A_1254, %broadcast_in_dim3A_1252 : vector<16xf32>
        %mul3A_1256 = arith.mulf %add3A_1241, %div3A_1255 : vector<16xf32>
        %swap3A_1257 = arith.index_cast %scan3A_855 : i32 to index
        %swap3A_1258 = arith.constant 0 : index
        %swap3A_1259 = tpu.vector_load %arg35[%swap3A_1257, %swap3A_1258] {strides = array<i32>} : memref<64x32xf32, #tpu.memory_space<vmem>>, vector<16xf32>,
        tpu.vector_store %arg35[%swap3A_1257, %swap3A_1258], %mul3A_1256 {strides = array<i32>} : memref<64x32xf32, #tpu.memory_space<vmem>>, vector<16xf32>,
        %mul3A_1260 = arith.mulf %add3A_1251, %div3A_1255 : vector<16xf32>
        %swap3A_1261 = arith.index_cast %scan3A_855 : i32 to index
        %swap3A_1262 = arith.constant 16 : index
        %swap3A_1263 = tpu.vector_load %arg35[%swap3A_1261, %swap3A_1262] {strides = array<i32>} : memref<64x32xf32, #tpu.memory_space<vmem>>, vector<16xf32>,
        tpu.vector_store %arg35[%swap3A_1261, %swap3A_1262], %mul3A_1260 {strides = array<i32>} : memref<64x32xf32, #tpu.memory_space<vmem>>, vector<16xf32>,
        %scan3A_1264 = arith.constant 0 : i32
        scf.yield %scan3A_1264 : i32
      }
      %scan3A_450 = arith.constant 64 : i32
      %mul3A_451 = arith.constant 4 : i32
      %mul3A_452 = arith.muli %add3A_379, %mul3A_451 : i32
      %add3A_453 = arith.addi %mul3A_2, %mul3A_452 : i32
      %mul3A_454 = arith.constant 16 : i32
      %mul3A_455 = arith.muli %add3A_453, %mul3A_454 : i32
      "tpu.region"() ({
        %run_scoped3A = tpu.sem_alloc : memref<!tpu.dma_semaphore, #tpu.memory_space<semaphore_mem>>
        %dma_start3A_457 = arith.constant 0 : i32
        %dma_start3A_458 = tpu.memref_slice %arg13[%mul3A_455, %dma_start3A_457] : memref<65536x32xf32, #tpu.memory_space<hbm>> -> memref<64x32xf32, #tpu.memory_space<hbm>>
        %dma_start3A_459 = arith.constant 0 : i32
        %dma_start3A_460 = tpu.memref_slice %arg13[%mul3A_455, %dma_start3A_459] : memref<65536x32xf32, #tpu.memory_space<hbm>> -> memref<64x32xf32, #tpu.memory_space<hbm>>
        tpu.enqueue_dma source(%arg35 : memref<64x32xf32, #tpu.memory_space<vmem>>) target(%dma_start3A_460 : memref<64x32xf32, #tpu.memory_space<hbm>>) target_semaphore(%run_scoped3A : memref<!tpu.dma_semaphore, #tpu.memory_space<semaphore_mem>>)
        %dma_wait3A_461 = arith.constant 0 : i32
        %dma_wait3A_462 = tpu.memref_slice %arg13[%mul3A_455, %dma_wait3A_461] : memref<65536x32xf32, #tpu.memory_space<hbm>> -> memref<64x32xf32, #tpu.memory_space<hbm>>
        %dma_wait3A_463 = arith.constant 0 : i32
        %dma_wait3A_464 = tpu.memref_slice %arg13[%mul3A_455, %dma_wait3A_463] : memref<65536x32xf32, #tpu.memory_space<hbm>> -> memref<64x32xf32, #tpu.memory_space<hbm>>
        tpu.wait_dma2 semaphore(%run_scoped3A : memref<!tpu.dma_semaphore, #tpu.memory_space<semaphore_mem>>) src(%arg35 : memref<64x32xf32, #tpu.memory_space<vmem>>) dst(%dma_wait3A_464 : memref<64x32xf32, #tpu.memory_space<hbm>>)
        tpu.yield
      }) : () -> ()
      %scan3A_456 = arith.constant 0 : i32
      scf.yield %scan3A_456 : i32
    }
    %scan3A_192 = arith.constant 16 : i32
    return
  }
}

module attributes {stable_mosaic.version = 14 : i64} {
  func.func @_tc_kernel_body(%arg0: i32, %arg1: memref<512x512xf32, #tpu.memory_space<vmem>>, %arg2: memref<512x512xf32, #tpu.memory_space<vmem>>, %arg3: memref<512x32xf32, #tpu.memory_space<vmem>>, %arg4: memref<512x16xf32, #tpu.memory_space<vmem>>, %arg5: memref<512x32xf32, #tpu.memory_space<vmem>>, %arg6: memref<512x512xf32, #tpu.memory_space<vmem>>, %arg7: memref<512x512xf32, #tpu.memory_space<vmem>>, %arg8: memref<16x512xf32, #tpu.memory_space<vmem>>, %arg9: memref<512x32xf32, #tpu.memory_space<vmem>>, %arg10: memref<32x32xf32, #tpu.memory_space<vmem>>, %arg11: memref<32x32xf32, #tpu.memory_space<vmem>>, %arg12: memref<32x32xf32, #tpu.memory_space<vmem>>, %arg13: memref<32x32xf32, #tpu.memory_space<vmem>>, %arg14: memref<1x32xf32, #tpu.memory_space<vmem>>, %arg15: memref<1x512xf32, #tpu.memory_space<vmem>>, %arg16: memref<1x32xf32, #tpu.memory_space<vmem>>, %arg17: memref<512xf32, #tpu.memory_space<vmem>>) attributes {dimension_semantics = [#tpu.dimension_semantics<arbitrary>], iteration_bounds = array<i64: 8>, scalar_prefetch = 0 : i64, scratch_operands = 0 : i64, tpu.core_type = #tpu.core_type<tc>, window_params = [{transform_indices = @transform_0, window_bounds = array<i64: 512, 512>}, {transform_indices = @transform_1, window_bounds = array<i64: 512, 512>}, {transform_indices = @transform_2, window_bounds = array<i64: 512, 32>}, {transform_indices = @transform_3, window_bounds = array<i64: 512, 16>}, {transform_indices = @transform_4, window_bounds = array<i64: 512, 32>}, {pipeline_mode = #tpu.pipeline_mode<synchronous>, transform_indices = @transform_5, window_bounds = array<i64: 512, 512>}, {pipeline_mode = #tpu.pipeline_mode<synchronous>, transform_indices = @transform_6, window_bounds = array<i64: 512, 512>}, {pipeline_mode = #tpu.pipeline_mode<synchronous>, transform_indices = @transform_7, window_bounds = array<i64: 16, 512>}, {pipeline_mode = #tpu.pipeline_mode<synchronous>, transform_indices = @transform_8, window_bounds = array<i64: 512, 32>}, {pipeline_mode = #tpu.pipeline_mode<synchronous>, transform_indices = @transform_9, window_bounds = array<i64: 32, 32>}, {pipeline_mode = #tpu.pipeline_mode<synchronous>, transform_indices = @transform_10, window_bounds = array<i64: 32, 32>}, {pipeline_mode = #tpu.pipeline_mode<synchronous>, transform_indices = @transform_11, window_bounds = array<i64: 32, 32>}, {pipeline_mode = #tpu.pipeline_mode<synchronous>, transform_indices = @transform_12, window_bounds = array<i64: 32, 32>}, {pipeline_mode = #tpu.pipeline_mode<synchronous>, transform_indices = @transform_13, window_bounds = array<i64: 1, 32>}, {pipeline_mode = #tpu.pipeline_mode<synchronous>, transform_indices = @transform_14, window_bounds = array<i64: 1, 512>}, {pipeline_mode = #tpu.pipeline_mode<synchronous>, transform_indices = @transform_15, window_bounds = array<i64: 1, 32>}, {transform_indices = @transform_16, window_bounds = array<i64: 512>}]} {
    %get3A = arith.constant 0 : index
    %get3A_0 = arith.constant 0 : index
    %get3A_1 = vector.load %arg1[%get3A, %get3A_0] : memref<512x512xf32, #tpu.memory_space<vmem>>, vector<512x512xf32>
    %get3A_2 = arith.constant 0 : index
    %get3A_3 = arith.constant 0 : index
    %get3A_4 = vector.load %arg2[%get3A_2, %get3A_3] : memref<512x512xf32, #tpu.memory_space<vmem>>, vector<512x512xf32>
    %get3A_5 = arith.constant 0 : index
    %get3A_6 = arith.constant 0 : index
    %get3A_7 = vector.load %arg4[%get3A_5, %get3A_6] : memref<512x16xf32, #tpu.memory_space<vmem>>, vector<512x16xf32>
    %get3A_8 = arith.constant 0 : index
    %get3A_9 = arith.constant 0 : index
    %get3A_10 = vector.load %arg8[%get3A_8, %get3A_9] : memref<16x512xf32, #tpu.memory_space<vmem>>, vector<16x512xf32>
    %dot_general3A = arith.constant dense<0.000000e+00> : vector<512x512xf32>
    %dot_general3A_11 = tpu.matmul %get3A_7, %get3A_10, %dot_general3A {dimension_numbers = #tpu.dot_dimension_numbers<[1], [0], [0], [1], [0, 0, 1, 1], [], []>, transpose_lhs_hint = false} : vector<512x16xf32>, vector<16x512xf32>, vector<512x512xf32> -> vector<512x512xf32>
    %get3A_12 = arith.constant 0 : index
    %get3A_13 = arith.constant 0 : index
    %get3A_14 = vector.load %arg6[%get3A_12, %get3A_13] : memref<512x512xf32, #tpu.memory_space<vmem>>, vector<512x512xf32>
    %dot_general3A_15 = arith.constant dense<0.000000e+00> : vector<512x512xf32>
    %dot_general3A_16 = tpu.matmul %get3A_1, %get3A_14, %dot_general3A_15 {dimension_numbers = #tpu.dot_dimension_numbers<[1], [0], [0], [1], [0, 0, 1, 1], [], []>, transpose_lhs_hint = false} : vector<512x512xf32>, vector<512x512xf32>, vector<512x512xf32> -> vector<512x512xf32>
    %get3A_17 = arith.constant 0 : index
    %get3A_18 = arith.constant 0 : index
    %get3A_19 = vector.load %arg7[%get3A_17, %get3A_18] : memref<512x512xf32, #tpu.memory_space<vmem>>, vector<512x512xf32>
    %dot_general3A_20 = arith.constant dense<0.000000e+00> : vector<512x512xf32>
    %dot_general3A_21 = tpu.matmul %get3A_4, %get3A_19, %dot_general3A_20 {dimension_numbers = #tpu.dot_dimension_numbers<[1], [0], [0], [1], [0, 0, 1, 1], [], []>, transpose_lhs_hint = false} : vector<512x512xf32>, vector<512x512xf32>, vector<512x512xf32> -> vector<512x512xf32>
    %add3A = arith.addf %dot_general3A_16, %dot_general3A_21 : vector<512x512xf32>
    %get3A_22 = arith.constant 0 : index
    %get3A_23 = arith.constant 0 : index
    %get3A_24 = vector.load %arg15[%get3A_22, %get3A_23] : memref<1x512xf32, #tpu.memory_space<vmem>>, vector<1x512xf32>
    %add3A_25 = vector.broadcast %get3A_24 : vector<1x512xf32> to vector<512x512xf32>
    %add3A_26 = arith.addf %add3A, %add3A_25 : vector<512x512xf32>
    %max3A = arith.constant 0.000000e+00 : f32
    %max3A_27 = vector.broadcast %max3A : f32 to vector<512x512xf32>
    %max3A_28 = arith.maximumf %add3A_26, %max3A_27 : vector<512x512xf32>
    %get3A_29 = arith.constant 0 : index
    %get3A_30 = arith.constant 0 : index
    %get3A_31 = vector.load %arg9[%get3A_29, %get3A_30] : memref<512x32xf32, #tpu.memory_space<vmem>>, vector<512x32xf32>
    %mul3A = arith.mulf %dot_general3A_11, %get3A_1 : vector<512x512xf32>
    %dot_general3A_32 = arith.constant dense<0.000000e+00> : vector<512x32xf32>
    %dot_general3A_33 = tpu.matmul %mul3A, %get3A_31, %dot_general3A_32 {dimension_numbers = #tpu.dot_dimension_numbers<[1], [0], [0], [1], [0, 0, 1, 1], [], []>, transpose_lhs_hint = false} : vector<512x512xf32>, vector<512x32xf32>, vector<512x32xf32> -> vector<512x32xf32>
    %mul3A_34 = arith.mulf %dot_general3A_11, %max3A_28 : vector<512x512xf32>
    %dot_general3A_35 = arith.constant dense<0.000000e+00> : vector<512x32xf32>
    %dot_general3A_36 = tpu.matmul %mul3A_34, %get3A_31, %dot_general3A_35 {dimension_numbers = #tpu.dot_dimension_numbers<[1], [0], [0], [1], [0, 0, 1, 1], [], []>, transpose_lhs_hint = false} : vector<512x512xf32>, vector<512x32xf32>, vector<512x32xf32> -> vector<512x32xf32>
    %get3A_37 = arith.constant 0 : index
    %get3A_38 = arith.constant 0 : index
    %get3A_39 = vector.load %arg3[%get3A_37, %get3A_38] : memref<512x32xf32, #tpu.memory_space<vmem>>, vector<512x32xf32>
    %get3A_40 = arith.constant 0 : index
    %get3A_41 = arith.constant 0 : index
    %get3A_42 = vector.load %arg10[%get3A_40, %get3A_41] : memref<32x32xf32, #tpu.memory_space<vmem>>, vector<32x32xf32>
    %dot_general3A_43 = arith.constant dense<0.000000e+00> : vector<512x32xf32>
    %dot_general3A_44 = tpu.matmul %get3A_39, %get3A_42, %dot_general3A_43 {dimension_numbers = #tpu.dot_dimension_numbers<[1], [0], [0], [1], [0, 0, 1, 1], [], []>, transpose_lhs_hint = false} : vector<512x32xf32>, vector<32x32xf32>, vector<512x32xf32> -> vector<512x32xf32>
    %get3A_45 = arith.constant 0 : index
    %get3A_46 = arith.constant 0 : index
    %get3A_47 = vector.load %arg11[%get3A_45, %get3A_46] : memref<32x32xf32, #tpu.memory_space<vmem>>, vector<32x32xf32>
    %dot_general3A_48 = arith.constant dense<0.000000e+00> : vector<512x32xf32>
    %dot_general3A_49 = tpu.matmul %dot_general3A_33, %get3A_47, %dot_general3A_48 {dimension_numbers = #tpu.dot_dimension_numbers<[1], [0], [0], [1], [0, 0, 1, 1], [], []>, transpose_lhs_hint = false} : vector<512x32xf32>, vector<32x32xf32>, vector<512x32xf32> -> vector<512x32xf32>
    %add3A_50 = arith.addf %dot_general3A_44, %dot_general3A_49 : vector<512x32xf32>
    %get3A_51 = arith.constant 0 : index
    %get3A_52 = arith.constant 0 : index
    %get3A_53 = vector.load %arg14[%get3A_51, %get3A_52] : memref<1x32xf32, #tpu.memory_space<vmem>>, vector<1x32xf32>
    %add3A_54 = vector.broadcast %get3A_53 : vector<1x32xf32> to vector<512x32xf32>
    %add3A_55 = arith.addf %add3A_50, %add3A_54 : vector<512x32xf32>
    %max3A_56 = arith.constant 0.000000e+00 : f32
    %max3A_57 = vector.broadcast %max3A_56 : f32 to vector<512x32xf32>
    %max3A_58 = arith.maximumf %add3A_55, %max3A_57 : vector<512x32xf32>
    %get3A_59 = arith.constant 0 : index
    %get3A_60 = arith.constant 0 : index
    %get3A_61 = vector.load %arg12[%get3A_59, %get3A_60] : memref<32x32xf32, #tpu.memory_space<vmem>>, vector<32x32xf32>
    %dot_general3A_62 = arith.constant dense<0.000000e+00> : vector<512x32xf32>
    %dot_general3A_63 = tpu.matmul %max3A_58, %get3A_61, %dot_general3A_62 {dimension_numbers = #tpu.dot_dimension_numbers<[1], [0], [0], [1], [0, 0, 1, 1], [], []>, transpose_lhs_hint = false} : vector<512x32xf32>, vector<32x32xf32>, vector<512x32xf32> -> vector<512x32xf32>
    %get3A_64 = arith.constant 0 : index
    %get3A_65 = arith.constant 0 : index
    %get3A_66 = vector.load %arg13[%get3A_64, %get3A_65] : memref<32x32xf32, #tpu.memory_space<vmem>>, vector<32x32xf32>
    %dot_general3A_67 = arith.constant dense<0.000000e+00> : vector<512x32xf32>
    %dot_general3A_68 = tpu.matmul %dot_general3A_36, %get3A_66, %dot_general3A_67 {dimension_numbers = #tpu.dot_dimension_numbers<[1], [0], [0], [1], [0, 0, 1, 1], [], []>, transpose_lhs_hint = false} : vector<512x32xf32>, vector<32x32xf32>, vector<512x32xf32> -> vector<512x32xf32>
    %add3A_69 = arith.addf %dot_general3A_63, %dot_general3A_68 : vector<512x32xf32>
    %get3A_70 = arith.constant 0 : index
    %get3A_71 = arith.constant 0 : index
    %get3A_72 = vector.load %arg16[%get3A_70, %get3A_71] : memref<1x32xf32, #tpu.memory_space<vmem>>, vector<1x32xf32>
    %add3A_73 = vector.broadcast %get3A_72 : vector<1x32xf32> to vector<512x32xf32>
    %add3A_74 = arith.addf %add3A_69, %add3A_73 : vector<512x32xf32>
    %tanh3A = math.tanh %add3A_74 : vector<512x32xf32>
    %get3A_75 = arith.constant 0 : index
    %get3A_76 = arith.constant 0 : index
    %get3A_77 = vector.load %arg5[%get3A_75, %get3A_76] : memref<512x32xf32, #tpu.memory_space<vmem>>, vector<512x32xf32>
    %mul3A_78 = arith.mulf %tanh3A, %get3A_77 : vector<512x32xf32>
    %reduce_sum3A = arith.constant dense<0.000000e+00> : vector<512xf32>
    %reduce_sum3A_79 = vector.multi_reduction <add>, %mul3A_78, %reduce_sum3A [1] : vector<512x32xf32> to vector<512xf32>
    %logistic3A = arith.negf %reduce_sum3A_79 : vector<512xf32>
    %logistic3A_80 = math.exp %logistic3A : vector<512xf32>
    %logistic3A_81 = arith.constant 1.000000e+00 : f32
    %logistic3A_82 = vector.broadcast %logistic3A_81 : f32 to vector<512xf32>
    %logistic3A_83 = arith.addf %logistic3A_82, %logistic3A_80 : vector<512xf32>
    %logistic3A_84 = arith.divf %logistic3A_82, %logistic3A_83 : vector<512xf32>
    %swap3A = arith.constant 0 : index
    %swap3A_85 = vector.load %arg17[%swap3A] : memref<512xf32, #tpu.memory_space<vmem>>, vector<512xf32>
    tpu.vector_store %arg17[%swap3A], %logistic3A_84 {strides = array<i32>} : memref<512xf32, #tpu.memory_space<vmem>>, vector<512xf32>,
    return
  }
  func.func @transform_0(%arg0: i32) -> (i32, i32) {
    %c0_i32 = arith.constant 0 : i32
    %c0_i32_0 = arith.constant 0 : i32
    return %arg0, %c0_i32 : i32, i32
  }
  func.func @transform_1(%arg0: i32) -> (i32, i32) {
    %c0_i32 = arith.constant 0 : i32
    %c0_i32_0 = arith.constant 0 : i32
    return %arg0, %c0_i32 : i32, i32
  }
  func.func @transform_2(%arg0: i32) -> (i32, i32) {
    %c0_i32 = arith.constant 0 : i32
    %c0_i32_0 = arith.constant 0 : i32
    return %arg0, %c0_i32 : i32, i32
  }
  func.func @transform_3(%arg0: i32) -> (i32, i32) {
    %c0_i32 = arith.constant 0 : i32
    %c0_i32_0 = arith.constant 0 : i32
    return %arg0, %c0_i32 : i32, i32
  }
  func.func @transform_4(%arg0: i32) -> (i32, i32) {
    %c0_i32 = arith.constant 0 : i32
    %c0_i32_0 = arith.constant 0 : i32
    return %arg0, %c0_i32 : i32, i32
  }
  func.func @transform_5(%arg0: i32) -> (i32, i32) {
    %c0_i32 = arith.constant 0 : i32
    %c0_i32_0 = arith.constant 0 : i32
    %c0_i32_1 = arith.constant 0 : i32
    return %c0_i32, %c0_i32_0 : i32, i32
  }
  func.func @transform_6(%arg0: i32) -> (i32, i32) {
    %c0_i32 = arith.constant 0 : i32
    %c0_i32_0 = arith.constant 0 : i32
    %c0_i32_1 = arith.constant 0 : i32
    return %c0_i32, %c0_i32_0 : i32, i32
  }
  func.func @transform_7(%arg0: i32) -> (i32, i32) {
    %c0_i32 = arith.constant 0 : i32
    %c0_i32_0 = arith.constant 0 : i32
    %c0_i32_1 = arith.constant 0 : i32
    return %c0_i32, %c0_i32_0 : i32, i32
  }
  func.func @transform_8(%arg0: i32) -> (i32, i32) {
    %c0_i32 = arith.constant 0 : i32
    %c0_i32_0 = arith.constant 0 : i32
    %c0_i32_1 = arith.constant 0 : i32
    return %c0_i32, %c0_i32_0 : i32, i32
  }
  func.func @transform_9(%arg0: i32) -> (i32, i32) {
    %c0_i32 = arith.constant 0 : i32
    %c0_i32_0 = arith.constant 0 : i32
    %c0_i32_1 = arith.constant 0 : i32
    return %c0_i32, %c0_i32_0 : i32, i32
  }
  func.func @transform_10(%arg0: i32) -> (i32, i32) {
    %c0_i32 = arith.constant 0 : i32
    %c0_i32_0 = arith.constant 0 : i32
    %c0_i32_1 = arith.constant 0 : i32
    return %c0_i32, %c0_i32_0 : i32, i32
  }
  func.func @transform_11(%arg0: i32) -> (i32, i32) {
    %c0_i32 = arith.constant 0 : i32
    %c0_i32_0 = arith.constant 0 : i32
    %c0_i32_1 = arith.constant 0 : i32
    return %c0_i32, %c0_i32_0 : i32, i32
  }
  func.func @transform_12(%arg0: i32) -> (i32, i32) {
    %c0_i32 = arith.constant 0 : i32
    %c0_i32_0 = arith.constant 0 : i32
    %c0_i32_1 = arith.constant 0 : i32
    return %c0_i32, %c0_i32_0 : i32, i32
  }
  func.func @transform_13(%arg0: i32) -> (i32, i32) {
    %c0_i32 = arith.constant 0 : i32
    %c0_i32_0 = arith.constant 0 : i32
    %c0_i32_1 = arith.constant 0 : i32
    return %c0_i32, %c0_i32_0 : i32, i32
  }
  func.func @transform_14(%arg0: i32) -> (i32, i32) {
    %c0_i32 = arith.constant 0 : i32
    %c0_i32_0 = arith.constant 0 : i32
    %c0_i32_1 = arith.constant 0 : i32
    return %c0_i32, %c0_i32_0 : i32, i32
  }
  func.func @transform_15(%arg0: i32) -> (i32, i32) {
    %c0_i32 = arith.constant 0 : i32
    %c0_i32_0 = arith.constant 0 : i32
    %c0_i32_1 = arith.constant 0 : i32
    return %c0_i32, %c0_i32_0 : i32, i32
  }
  func.func @transform_16(%arg0: i32) -> i32 {
    %c0_i32 = arith.constant 0 : i32
    return %arg0 : i32
  }
}

</mosaic_0001>

<sc_bundles>
// kernel: kernel.4.cloned.1.call-start
scs
__scs_entry_jumppad:
0x0: {  	(pc) =	sbr.rel $0x88, $3  }
0x1: {  	(tag) =	ssettag $0x0;
	lr =	simm.s32 $0x1  }
0x2: {  	[smem:$0x3F96] =	sst lr;
	_ =	strace $0xD0000000  }
0x3: {  	_ = 	snop  }
0x4: {  	_ = 	snop  }
0x5: {  	_ = 	snop  }
0x6: {  	_ = 	snop  }
0x7: {  	_ = 	snop  }
__scs_overlays_trampoline_lowered:
0x8: {  	[smem:$0x3FA5] =	sst s0  }
0x9: {  	[smem:$0x3FA6] =	sst s1  }
0xa: {  	[smem:$0x3FA7] =	sst s2  }
0xb: {  	[smem:$0x3FA8] =	sst s3  }
0xc: {  	[smem:$0x3FA9] =	sst s4  }
0xd: {  	[smem:$0x3FAA] =	sst s5  }
0xe: {  	[smem:$0x3FAB] =	sst s6  }
0xf: {  	[smem:$0x3FAC] =	sst s7  }
0x10: {  	[smem:$0x3FAD] =	sst s8  }
0x11: {  	[smem:$0x3FAE] =	sst s9;
	s0 =	simm.s32 @!p0 $0x0  }
0x12: {  	s1 =	sld [smem:$0x3F94];
	s0 =	simm.s32 @p0 $0x1  }
0x13: {  	[smem:$0x3FAF] =	sst s0;
	s0 =	simm.s32 @!p1 $0x0  }
0x14: {  	s2 =	sld [smem:$0x3F93];
	s0 =	simm.s32 @p1 $0x1  }
0x15: {  	[smem:$0x3FB0] =	sst s0;
	s0 =	simm.s32 @!p2 $0x0  }
0x16: {  	s3 =	sld [smem:$0x3FDB];
	s0 =	simm.s32 @p2 $0x1  }
0x17: {  	s4 =	simm.s32 $0x1BF5;
	[smem:$0x3FB2] =	sst s0  }
0x18: {  	s0 =	sld [smem:$0x3F95];
	_ =	swait.ge [sflag:s4], $0x0  }
0x19: {  	s7 =	sld [smem:$0x3F96]  }
0x1a: {  	s8 =	sadd.s32 $0xFFFFE003, lr  }
0x1b: {  	s9 =	sadd.s32 $0xFFFFFEF7, lr;
	s5 =	simm.s32 $0xFFFFFFFF;
	p2 =	slt.u32 s8, $0xFFFFF086  }
0x1c: {  	p1 =	slt.u32 s9, $0xF7A;
	s5 =	simm.s32 @!p2 $0x0  }
0x1d: {  	s5 =	simm.s32 @p1 $0x1;
	p0 =	seq.s32 s7, s2  }
0x1e: {  	s7 =	smul.u32 @!p0 $0xF7A, s2;
	p2 =	seq.s32 @!p0 s5, $0x0  }
0x1f: {  	s9 =	smul.u32 $0xF7A, s1;
	s8 =	simm.s32 @!p0 $0x1BF5;
	p2 =	por !p2, p0  }
0x20: {  	[sflag:s8] =	ssyncset.s32 @!p0 $0xFFFFF086;
	s6 =	sadd.s32 @!p0 s3, s7;
	s7 =	simm.s32 @!p0 $0x108  }
0x21: {  	s3 =	sadd.s32 s3, s9;
	s6 =	sadd.s32 @!p0 $0x88, s6;
	s7 =	simm.s32 @p2 $0x1082  }
0x22: {  	[simem:s7], [sflag:s8] =	dma.local @!p0 [hbm:s6], $0xF7A  }
0x23: {  	s9 =	sor.u32 $0xD0000000, s2;
	s6 =	simm.s32 $0x108;
	_ =	swait.ge @!p0 [sflag:s8], $0x0  }
0x24: {  	s3 =	sadd.s32 $0x88, s3;
	s6 =	simm.s32 @!p1 $0x1082;
	[sflag:s4] =	ssyncset.s32 $0xFFFFF086  }
0x25: {  	[simem:s6], [sflag:s4] =	dma.local [hbm:s3], $0xF7A  }
0x26: {  	[smem:$0x3F96] =	sst s1;
	(tag) =	ssettag s2;
	_ =	strace s9  }
0x27: {  	s1 =	sld [smem:$0x3FA6]  }
0x28: {  	s2 =	sld [smem:$0x3FA7]  }
0x29: {  	s4 =	sld [smem:$0x3FA9]  }
0x2a: {  	p0 =	seq.s32 s5, $0x0;
	s5 =	sld [smem:$0x3FAA]  }
0x2b: {  	s6 =	sld [smem:$0x3FAB]  }
0x2c: {  	s7 =	sld [smem:$0x3FAC]  }
0x2d: {  	s3 =	simm.s32 $0x108;
	s8 =	sld [smem:$0x3FAD]  }
0x2e: {  	s3 =	simm.s32 @!p0 $0x1082;
	s9 =	sld [smem:$0x3FAE]  }
0x2f: {  	lr =	sadd.s32 s0, s3;
	s0 =	sld [smem:$0x3FA5]  }
0x30: {  	s3 =	sld [smem:$0x3FA8]  }
0x31: {  	[smem:$0x3FB1] =	sst s10  }
0x32: {  	s10 =	sld [smem:$0x3FAF];
	_ =	sdelay $0x3  }
0x33: {  	p0 =	seq.s32 s10, $0x1;
	s10 =	sld [smem:$0x3FB1];
	_ =	sdelay $0x3  }
0x34: {  	[smem:$0x3FB1] =	sst s10  }
0x35: {  	s10 =	sld [smem:$0x3FB0];
	_ =	sdelay $0x3  }
0x36: {  	p1 =	seq.s32 s10, $0x1;
	s10 =	sld [smem:$0x3FB1];
	_ =	sdelay $0x3  }
0x37: {  	[smem:$0x3FB1] =	sst s10  }
0x38: {  	s10 =	sld [smem:$0x3FB2]  }
0x39: {  	_ = 	snop;
	(pc) =	sbr.ind lr, $3  }
0x3a: {  	_ = 	snop  }
0x3b: {  	_ = 	snop  }
0x3c: {  	p2 =	seq.s32 s10, $0x1;
	s10 =	sld [smem:$0x3FB1]  }
0x3d: {  	_ =	shalt  }
0x3e: {  	_ =	shalt  }
0x3f: {  	_ =	shalt  }
0x40: {  	_ =	shalt  }
0x41: {  	_ =	shalt  }
0x42: {  	_ =	shalt  }
0x43: {  	_ =	shalt  }
0x44: {  	_ =	shalt  }
0x45: {  	_ =	shalt  }
0x46: {  	_ =	shalt  }
0x47: {  	_ =	shalt  }
0x48: {  	_ =	shalt  }
0x49: {  	_ =	shalt  }
0x4a: {  	_ =	shalt  }
0x4b: {  	_ =	shalt  }
0x4c: {  	_ =	shalt  }
0x4d: {  	_ =	shalt  }
0x4e: {  	_ =	shalt  }
0x4f: {  	_ =	shalt  }
0x50: {  	_ =	shalt  }
0x51: {  	_ =	shalt  }
0x52: {  	_ =	shalt  }
0x53: {  	_ =	shalt  }
0x54: {  	_ =	shalt  }
0x55: {  	_ =	shalt  }
0x56: {  	_ =	shalt  }
0x57: {  	_ =	shalt  }
0x58: {  	_ =	shalt  }
0x59: {  	_ =	shalt  }
0x5a: {  	_ =	shalt  }
0x5b: {  	_ =	shalt  }
0x5c: {  	_ =	shalt  }
0x5d: {  	_ =	shalt  }
0x5e: {  	_ =	shalt  }
0x5f: {  	_ =	shalt  }
0x60: {  	_ =	shalt  }
0x61: {  	_ =	shalt  }
0x62: {  	_ =	shalt  }
0x63: {  	_ =	shalt  }
0x64: {  	_ =	shalt  }
0x65: {  	_ =	shalt  }
0x66: {  	_ =	shalt  }
0x67: {  	_ =	shalt  }
0x68: {  	_ =	shalt  }
0x69: {  	_ =	shalt  }
0x6a: {  	_ =	shalt  }
0x6b: {  	_ =	shalt  }
0x6c: {  	_ =	shalt  }
0x6d: {  	_ =	shalt  }
0x6e: {  	_ =	shalt  }
0x6f: {  	_ =	shalt  }
0x70: {  	_ =	shalt  }
0x71: {  	_ =	shalt  }
0x72: {  	_ =	shalt  }
0x73: {  	_ =	shalt  }
0x74: {  	_ =	shalt  }
0x75: {  	_ =	shalt  }
0x76: {  	_ =	shalt  }
0x77: {  	_ =	shalt  }
0x78: {  	_ =	shalt  }
0x79: {  	_ =	shalt  }
0x7a: {  	_ =	shalt  }
0x7b: {  	_ =	shalt  }
0x7c: {  	_ =	shalt  }
0x7d: {  	_ =	shalt  }
0x7e: {  	_ =	shalt  }
0x7f: {  	_ =	shalt  }
0x80: {  	_ =	shalt  }
0x81: {  	_ =	shalt  }
0x82: {  	_ =	shalt  }
0x83: {  	_ =	shalt  }
0x84: {  	_ =	shalt  }
0x85: {  	_ =	shalt  }
0x86: {  	_ =	shalt  }
0x87: {  	_ =	shalt  }
.Lfunc_end0:
.L_simem_size_0:
called_computation_lowered:
.L_overlay_start_0:
0x88: {  	s2 =	sld [smem:$0x3FD9]  }
0x89: {  	s3 =	sld [smem:$0x3FFE];
	_ =	sdelay $0x1  }
0x8a: {  	s1 =	srdreg.scid  }
0x8b: {  	s0 =	sand.u32 $0x1, s1  }
0x8c: {  	s17 =	sshll.u32 s0, $0xA;
	s2 =	sadd.s32 s3, s2  }
0x8d: {  	s2 =	sadd.s32 s2, s17  }
0x8e: {  	[smem:$0x3FBD] =	sst s2  }
0x8f: {  	_ = 	snop  }
0x90: {  	s2 =	sld [smem:$0x3FC9]  }
0x91: {  	s18 =	sld [smem:$0x3FC8]  }
0x92: {  	s4 =	sld [smem:$0x3FD0];
	(tm) =	ssettm $0x1  }
0x93: {  	s5 =	sld [smem:$0x3FFB];
	_ =	sdelay $0x3  }
0x94: {  	_ =	strace s5  }
0x95: {  	s5 =	sld [smem:$0x3FFC];
	_ =	sdelay $0x3  }
0x96: {  	_ =	strace s5  }
0x97: {  	s5 =	sld [smem:$0x3FFD];
	_ =	sdelay $0x3  }
0x98: {  	_ =	strace s5  }
0x99: {  	_ =	strace $0x8FFFFFFF  }
0x9a: {  	s19 =	sld [smem:$0x3FDB];
	_ =	sdelay $0x1  }
0x9b: {  	s6 =	simm.s32 $_scs_section_size  }
0x9c: {  	s7 =	simm.s32 $_size__tile_overlayer_lowered;
	s8 =	simm.s32 $_tile_overlayer_lowered  }
0x9d: {  	s22 =	simm.s32 $0x1BFF;
	s21 =	sshll.u32 s8, $0x1;
	s5 =	sadd.s32 s6, s19  }
0x9e: {  	s9 =	simm.s32 $0x0;
	s20 =	sshll.u32 s7, $0x1;
	s7 =	sadd.s32 s21, s5  }
0x9f: {  	[timem:s9], [sflag:s22] =	dma.local [hbm:s7], s20  }
0xa0: {  	_ =	swait.ge [sflag:s22], s20  }
0xa1: {  	s6 =	ssub.s32 $0x0, s20;
	[sflag:s22] =	ssyncset.done $0x0  }
0xa2: {  	[sflag:s22] =	ssyncadd.s32 s6;
	_ =	sdelay $0x1  }
0xa3: {  	s23 =	simm.s32 $0x1B8B  }
0xa4: {  	_ =	swait.ge [sflag:s23], $0x1  }
0xa5: {  	[sflag:s23] =	ssyncset.done $0x0  }
0xa6: {  	s25 =	simm.s32 $0x1B8E;
	s24 =	sld [smem:$0x3FFE];
	[sflag:s23] =	ssyncadd.s32 $0xFFFFFFFF  }
0xa7: {  	s26 =	simm.s32 $execute0_lowered;
	[smem:$0x3FD2] =	sst s25  }
0xa8: {  	s7 =	sshll.u32 s26, $0x1;
	_ =	strace $0x80000046;
	[dreg:$0x1] =	wrdreg $0xFFFFFFFF  }
0xa9: {  	s28 =	simm.s32 $_size_execute0_lowered;
	s5 =	sadd.s32 s5, s7;
	[dreg:$0x0] =	wrdreg $0x0  }
0xaa: {  	s7 =	sshll.u32 s28, $0x1;
	[dreg:$0x2] =	wrdreg s5  }
0xab: {  	[dreg:$0x3] =	wrdreg s7  }
0xac: {  	[dreg:$0x4] =	wrdreg $0xC0  }
0xad: {  	_ =	task [dreg:s9], $0x5FFFF  }
0xae: {  	[dreg:$0x1] =	wrdreg $0xFFFFFFFF  }
0xaf: {  	[dreg:$0x0] =	wrdreg $0x60  }
0xb0: {  	[dreg:$0x2] =	wrdreg s2  }
0xb1: {  	[dreg:$0x3] =	wrdreg s18  }
0xb2: {  	[dreg:$0x4] =	wrdreg s24  }
0xb3: {  	[dreg:$0x5] =	wrdreg s4  }
0xb4: {  	[dreg:$0x6] =	wrdreg $0x9  }
0xb5: {  	_ =	task.clear_ibuf [dreg:s9], $0x7FFFF;
	_ =	strace $0x90000046  }
0xb6: {  	s29 =	simm.s32 $0x9;
	_ =	strace $0x80000048  }
0xb7: {  	_ =	swait.ge [sflag:s29], $0x1  }
0xb8: {  	[sflag:s29] =	ssyncadd.s32 $0xFFFFFFFF  }
0xb9: {  	_ =	strace $0x90000048  }
0xba: {  	_ =	sfence  }
0xbb: {  	s30 =	sld [smem:$0x0];
	_ =	sdelay $0x2  }
0xbc: {  	s31 =	sshll.u32 s1, $0xD;
	s1 =	sshrl.u32 s1, $0x2  }
0xbd: {  	s3 =	sand.u32 $0x4000, s31;
	s1 =	sadd.s32 s1, s30  }
0xbe: {  	s0 =	sor.u32 s3, s0;
	s1 =	sshll.u32 s1, $0x11  }
0xbf: {  	s0 =	sor.u32 s1, s0  }
0xc0: {  	s0 =	sadd.s32 $0x8F2B, s0  }
0xc1: {  	[sflag:s0] =	ssyncadd.remote.s32 $0x1  }
0xc2: {  	_ =	sfence.sel $0xFFFF  }
0xc3: {  	[dreg:$0x0] =	wrdreg $0xFFFFFFFF;
	(pc) =	sbr.abs _section_cstart, $3  }
0xc4: {  	[dreg:$0x1] =	wrdreg $0xFFFFFFFF  }
0xc5: {  	_ =	task.clear_ibuf [dreg:s9], $0x2FFFF;
	_ =	strace $0x9FFFFFFF  }
0xc6: {  	(tm) =	ssettm $0x7FFFFFFF  }
0xc7: {  	_ =	shalt  }
tec
execute0_lowered:
.L_overlay_start_1:
0x0: {  	(tag) =	ssettag $0x1  }
0x1: {  	s0 =	rddreg [dreg:$0x0]  }
0x2: {  	s1 =	rddreg [dreg:$0x1]  }
0x3: {  	s2 =	rddreg [dreg:$0x2];
	s3 =	simm.s32 $0x0;
	s4 =	srdreg.scid  }
0x4: {  	s5 =	stileid.u32;
	s29 =	simm.s32 $0x3500;
	s31 =	simm.s32 $0x40  }
0x5: {  	[smem:$0x7FF] =	sst s3;
	s6 =	sand.u32 $0x1, s4;
	s4 =	sadd.s32 $0x18AC00, s2  }
0x6: {  	s7 =	sshll.u32 s5, $0x1;
	s5 =	sadd.s32 $0x1BBA00, s2;
	s19 =	sadd.s32 $0x1EC800, s2  }
0x7: {  	s18 =	simm.s32 $0x16580;
	s9 =	sadd.s32 $0x44200, s2;
	_ =	strace $0x80000047  }
0x8: {  	s11 =	sor.u32 s6, s7;
	[dreg:$0x5] =	wrdreg s19;
	s7 =	sadd.s32 $0x24E400, s2  }
0x9: {  	s6 =	ssub.s32 $0x2, s6;
	s8 =	sshll.u32 s11, $0x9;
	s20 =	sshll.u32 s11, $0x8  }
0xa: {  	s21 =	sshrl.u32 s6, $0x1;
	s14 =	sshll.u32 s11, $0x4;
	s10 =	sshll.u32 s11, $0x7  }
0xb: {  	s23 =	sshll.u32 s11, $0xD;
	s11 =	simm.s32 $0x17580;
	s12 =	sadd.s32 s8, s2  }
0xc: {  	s13 =	sadd.s32 s20, s2;
	s8 =	sadd.s32 $0x4200, s2;
	s1 =	sadd.s32 s1, s14  }
0xd: {  	s2 =	ssub.s32 s6, s21;
	s0 =	sadd.s32 s0, s14;
	[dreg:$0x6] =	wrdreg s1  }
0xe: {  	s17 =	sadd.s32 s9, s23;
	s28 =	sor.u32 $0x8, s10;
	[dreg:$0x7] =	wrdreg s0  }
0xf: {  	s20 =	simm.s32 $0x6;
	s22 =	sadd.s32 $0x8A200, s12;
	[dreg:$0xc] =	wrdreg s28  }
0x10: {  	s21 =	simm.s32 $0x80;
	s24 =	sadd.s32 $0x84200, s12;
	[dreg:$0x8] =	wrdreg s22  }
0x11: {  	s6 =	simm.s32 $0x4;
	s25 =	sadd.s32 $0x88200, s13;
	[dreg:$0x9] =	wrdreg s24  }
0x12: {  	s26 =	sadd.s32 s8, s23;
	s30 =	smax.u32 s2, $0x1;
	[dreg:$0xa] =	wrdreg s25  }
0x13: {  	s1 =	simm.s32 $0x16D80;
	s23 =	simm.s32 $0x3;
	[dreg:$0xb] =	wrdreg s26  }
0x14: {  	s12 =	simm.s32 $0x5;
	s2 =	simm.s32 $0x0;
	[dreg:$0xd] =	wrdreg s30  }
0x15: {  	s25 =	simm.s32 $0x2;
	s26 =	simm.s32 $0x4D40;
	s24 =	simm.s32 $0x15580  }
.LBB2_1:
0x16: {  	[dreg:$0xe] =	wrdreg s2  }
0x17: {  	s0 =	rddreg [dreg:$0x6]  }
0x18: {  	[tilespmem:s3], [sflag:$0x6] =	stream.linear.gather [hbm4b:s0+s3], $0x80, $0x38;
	[tilespmem:$0x17D80] =	vst v63  }
0x19: {  	_ =	swait.ge [sflag:s20], $0x80  }
0x1a: {  	[sflag:s20] =	ssyncset.done $0x0  }
0x1b: {  	s30 =	rddreg [dreg:$0x7];
	[sflag:s20] =	ssyncadd.s32 $0xFFFFFF80  }
0x1c: {  	[tilespmem:s21], [sflag:$0x6] =	stream.linear.gather [hbm4b:s30+s3], $0x80, $0x38;
	[tilespmem:$0x17D80] =	vst v63  }
0x1d: {  	_ =	swait.ge [sflag:s20], $0x80  }
0x1e: {  	[sflag:s20] =	ssyncset.done $0x0  }
0x1f: {  	[sflag:s20] =	ssyncadd.s32 $0xFFFFFF80  }
0x20: {  	s13 =	simm.s32 $0x3100;
	s2 =	rddreg [dreg:$0x3]  }
0x21: {  	[tilespmem:s13], [sflag:$0x6] =	stream.linear.gather [hbm4b:s2+s3], $0x400, $0x38;
	[tilespmem:$0x17D80] =	vst v63  }
0x22: {  	_ =	swait.ge [sflag:s20], $0x400  }
0x23: {  	[sflag:s20] =	ssyncset.done $0x0  }
0x24: {  	s15 =	simm.s32 $0x100;
	s14 =	rddreg [dreg:$0x5];
	[sflag:s20] =	ssyncadd.s32 $0xFFFFFC00  }
0x25: {  	[tilespmem:s15], [sflag:$0x1] =	stream.indirect.gather [hbm4b:s14+s21], $0x20, s21, s21, $0xb8;
	[tilespmem:$0x17D80] =	vst v63  }
0x26: {  	s13 =	simm.s32 $0x1100  }
0x27: {  	[tilespmem:s13], [sflag:$0x1] =	stream.indirect.gather [hbm4b:s7+s21], $0x20, s3, s21, $0xb8;
	[tilespmem:$0x17D80] =	vst v63  }
0x28: {  	s16 =	simm.s32 $0x2100  }
0x29: {  	[tilespmem:s16], [sflag:$0x1] =	stream.indirect.gather [hbm4b:s4+s21], $0x10, s3, s21, $0xb8;
	[tilespmem:$0x17D80] =	vst v63  }
0x2a: {  	s19 =	simm.s32 $0x2900;
	s22 =	simm.s32 $0x1  }
0x2b: {  	[tilespmem:s19], [sflag:$0x1] =	stream.indirect.gather [hbm4b:s5+s21], $0x10, s3, s21, $0xb8;
	[tilespmem:$0x17D80] =	vst v63  }
0x2c: {  	_ =	swait.ge [sflag:s22], $0x1000  }
0x2d: {  	[sflag:s22] =	ssyncset.done $0x0  }
0x2e: {  	[sflag:s22] =	ssyncadd.s32 $0xFFFFF000  }
0x2f: {  	_ =	swait.ge [sflag:s22], $0x1000  }
0x30: {  	[sflag:s22] =	ssyncset.done $0x0  }
0x31: {  	[sflag:s22] =	ssyncadd.s32 $0xFFFFF000  }
0x32: {  	_ =	swait.ge [sflag:s22], $0x800  }
0x33: {  	[sflag:s22] =	ssyncset.done $0x0  }
0x34: {  	[sflag:s22] =	ssyncadd.s32 $0xFFFFF800  }
0x35: {  	_ =	swait.ge [sflag:s22], $0x800  }
0x36: {  	[sflag:s22] =	ssyncset.done $0x0  }
0x37: {  	s28 =	rddreg [dreg:$0x8];
	[sflag:s22] =	ssyncadd.s32 $0xFFFFF800  }
0x38: {  	[hbm4b:s28+s3] =	stream.linear.scatter [tilespmem:s15], [sflag:$0x6], $0x1000, $0x38;
	[tilespmem:$0x17D80] =	vst v63  }
0x39: {  	_ =	swait.ge [sflag:s20], $0x1000  }
0x3a: {  	[sflag:s20] =	ssyncset.done $0x0  }
0x3b: {  	s30 =	rddreg [dreg:$0x9];
	[sflag:s20] =	ssyncadd.s32 $0xFFFFF000  }
0x3c: {  	[hbm4b:s30+s3] =	stream.linear.scatter [tilespmem:s13], [sflag:$0x6], $0x1000, $0x38;
	[tilespmem:$0x17D80] =	vst v63  }
0x3d: {  	_ =	swait.ge [sflag:s20], $0x1000  }
0x3e: {  	[sflag:s20] =	ssyncset.done $0x0  }
0x3f: {  	s13 =	simm.s32 $0x0;
	[sflag:s20] =	ssyncadd.s32 $0xFFFFF000  }
0x40: {  	v1 =	vld [tilespmem:s13+$0x100]  }
0x41: {  	v0 =	vld [tilespmem:s13+$0x110]  }
0x42: {  	v2 =	vld [tilespmem:$0x3100]  }
0x43: {  	v3 =	vld [tilespmem:$0x3110]  }
0x44: {  	v4 =	vld [tilespmem:$0x3120]  }
0x45: {  	v6 =	vld [tilespmem:$0x3130];
	v5 =	vbroadcast v1, $0x0  }
0x46: {  	v7 =	vld [tilespmem:$0x3140]  }
0x47: {  	v9 =	vld [tilespmem:$0x3150];
	v8 =	vbroadcast v1, $0x1;
	v2 =	vmul.f32 v2, v5  }
0x48: {  	v39 =	vld [tilespmem:$0x3160];
	v3 =	vmul.f32 v3, v5  }
0x49: {  	v11 =	vld [tilespmem:$0x3170];
	v10 =	vbroadcast v1, $0x2;
	v4 =	vmul.f32 v4, v8;
	v2 =	vadd.f32 $0.0e+00, v2  }
0x4a: {  	v40 =	vld [tilespmem:$0x3180];
	v6 =	vmul.f32 v6, v8;
	v3 =	vadd.f32 $0.0e+00, v3  }
0x4b: {  	v42 =	vld [tilespmem:$0x3190];
	v12 =	vbroadcast v1, $0x3;
	v41 =	vmul.f32 v7, v10;
	v2 =	vadd.f32 v4, v2  }
0x4c: {  	v44 =	vld [tilespmem:$0x31A0];
	v43 =	vmul.f32 v9, v10;
	v3 =	vadd.f32 v6, v3  }
0x4d: {  	v47 =	vld [tilespmem:$0x31B0];
	v45 =	vbroadcast v1, $0x4;
	v46 =	vmul.f32 v39, v12;
	v2 =	vadd.f32 v41, v2  }
0x4e: {  	v49 =	vld [tilespmem:$0x31C0];
	v48 =	vmul.f32 v11, v12;
	v3 =	vadd.f32 v43, v3  }
0x4f: {  	v52 =	vld [tilespmem:$0x31D0];
	v50 =	vbroadcast v1, $0x5;
	v51 =	vmul.f32 v40, v45;
	v2 =	vadd.f32 v46, v2  }
0x50: {  	v54 =	vld [tilespmem:$0x31E0];
	v53 =	vmul.f32 v42, v45;
	v3 =	vadd.f32 v48, v3  }
0x51: {  	v57 =	vld [tilespmem:$0x31F0];
	v55 =	vbroadcast v1, $0x6;
	v56 =	vmul.f32 v44, v50;
	v2 =	vadd.f32 v51, v2  }
0x52: {  	v58 =	vld [tilespmem:$0x3200];
	v5 =	vmul.f32 v47, v50;
	v3 =	vadd.f32 v53, v3  }
0x53: {  	v61 =	vld [tilespmem:$0x3210];
	v59 =	vbroadcast v1, $0x7;
	v60 =	vmul.f32 v49, v55;
	v2 =	vadd.f32 v56, v2  }
0x54: {  	v63 =	vld [tilespmem:$0x3220];
	v62 =	vmul.f32 v52, v55;
	v3 =	vadd.f32 v5, v3  }
0x55: {  	v18 =	vld [tilespmem:$0x3230];
	v16 =	vbroadcast v1, $0x8;
	v17 =	vmul.f32 v54, v59;
	v2 =	vadd.f32 v60, v2  }
0x56: {  	v20 =	vld [tilespmem:$0x3240];
	v19 =	vmul.f32 v57, v59;
	v3 =	vadd.f32 v62, v3  }
0x57: {  	v23 =	vld [tilespmem:$0x3250];
	v22 =	vbroadcast v1, $0x9;
	v21 =	vmul.f32 v58, v16;
	v2 =	vadd.f32 v17, v2  }
0x58: {  	v25 =	vld [tilespmem:$0x3260];
	v24 =	vmul.f32 v61, v16;
	v3 =	vadd.f32 v19, v3  }
0x59: {  	v28 =	vld [tilespmem:$0x3270];
	v26 =	vbroadcast v1, $0xA;
	v27 =	vmul.f32 v63, v22;
	v2 =	vadd.f32 v21, v2  }
0x5a: {  	v30 =	vld [tilespmem:$0x3280];
	v29 =	vmul.f32 v18, v22;
	v3 =	vadd.f32 v24, v3  }
0x5b: {  	v33 =	vld [tilespmem:$0x3290];
	v31 =	vbroadcast v1, $0xB;
	v32 =	vmul.f32 v20, v26;
	v2 =	vadd.f32 v27, v2  }
0x5c: {  	v35 =	vld [tilespmem:$0x32A0];
	v34 =	vmul.f32 v23, v26;
	v3 =	vadd.f32 v29, v3  }
0x5d: {  	v38 =	vld [tilespmem:$0x32B0];
	v36 =	vbroadcast v1, $0xC;
	v37 =	vmul.f32 v25, v31;
	v2 =	vadd.f32 v32, v2  }
0x5e: {  	v39 =	vmul.f32 v28, v31;
	v40 =	vld [tilespmem:$0x32C0];
	v3 =	vadd.f32 v34, v3  }
0x5f: {  	v42 =	vmul.f32 v30, v36;
	v41 =	vbroadcast v1, $0xD;
	v43 =	vld [tilespmem:$0x32D0];
	v2 =	vadd.f32 v37, v2  }
0x60: {  	v44 =	vmul.f32 v33, v36;
	v45 =	vld [tilespmem:$0x32E0];
	v3 =	vadd.f32 v39, v3  }
0x61: {  	v46 =	vbroadcast v1, $0xE;
	v47 =	vmul.f32 v35, v41;
	v48 =	vld [tilespmem:$0x32F0];
	v2 =	vadd.f32 v42, v2  }
0x62: {  	v50 =	vld [tilespmem:$0x3300];
	v49 =	vmul.f32 v38, v41;
	v3 =	vadd.f32 v44, v3  }
0x63: {  	v52 =	vld [tilespmem:$0x3310];
	v1 =	vbroadcast v1, $0xF;
	v51 =	vmul.f32 v40, v46;
	v2 =	vadd.f32 v47, v2  }
0x64: {  	v54 =	vld [tilespmem:$0x3320];
	v53 =	vmul.f32 v43, v46;
	v3 =	vadd.f32 v49, v3  }
0x65: {  	v55 =	vbroadcast v0, $0x0;
	v57 =	vld [tilespmem:$0x3330];
	v56 =	vmul.f32 v45, v1;
	v2 =	vadd.f32 v51, v2  }
0x66: {  	v58 =	vld [tilespmem:$0x3340];
	v1 =	vmul.f32 v48, v1;
	v3 =	vadd.f32 v53, v3  }
0x67: {  	v61 =	vld [tilespmem:$0x3350];
	v59 =	vmul.f32 v50, v55;
	v60 =	vbroadcast v0, $0x1;
	v2 =	vadd.f32 v56, v2  }
0x68: {  	v62 =	vld [tilespmem:$0x3360];
	v1 =	vadd.f32 v1, v3;
	v3 =	vmul.f32 v52, v55  }
0x69: {  	v13 =	vld [tilespmem:$0x3370];
	v63 =	vbroadcast v0, $0x2;
	v12 =	vmul.f32 v54, v60;
	v2 =	vadd.f32 v59, v2  }
0x6a: {  	v14 =	vld [tilespmem:$0x3380];
	v1 =	vadd.f32 v3, v1;
	v3 =	vmul.f32 v57, v60  }
0x6b: {  	v15 =	vbroadcast v0, $0x3;
	v16 =	vmul.f32 v58, v63;
	v17 =	vld [tilespmem:$0x3390];
	v2 =	vadd.f32 v12, v2  }
0x6c: {  	v18 =	vld [tilespmem:$0x33A0];
	v1 =	vadd.f32 v3, v1;
	v3 =	vmul.f32 v61, v63  }
0x6d: {  	v19 =	vbroadcast v0, $0x4;
	v21 =	vld [tilespmem:$0x33B0];
	v20 =	vmul.f32 v62, v15;
	v2 =	vadd.f32 v16, v2  }
0x6e: {  	v22 =	vld [tilespmem:$0x33C0];
	v1 =	vadd.f32 v3, v1;
	v3 =	vmul.f32 v13, v15  }
0x6f: {  	v23 =	vbroadcast v0, $0x5;
	v25 =	vld [tilespmem:$0x33D0];
	v24 =	vmul.f32 v14, v19;
	v2 =	vadd.f32 v20, v2  }
0x70: {  	v26 =	vld [tilespmem:$0x33E0];
	v1 =	vadd.f32 v3, v1;
	v3 =	vmul.f32 v17, v19  }
0x71: {  	v28 =	vmul.f32 v18, v23;
	v27 =	vbroadcast v0, $0x6;
	v29 =	vld [tilespmem:$0x33F0];
	v2 =	vadd.f32 v24, v2  }
0x72: {  	v30 =	vld [tilespmem:$0x3400];
	v1 =	vadd.f32 v3, v1;
	v3 =	vmul.f32 v21, v23  }
0x73: {  	v31 =	vbroadcast v0, $0x7;
	v33 =	vld [tilespmem:$0x3410];
	v32 =	vmul.f32 v22, v27;
	v2 =	vadd.f32 v28, v2  }
0x74: {  	v34 =	vld [tilespmem:$0x3420];
	v1 =	vadd.f32 v3, v1;
	v3 =	vmul.f32 v25, v27  }
0x75: {  	v36 =	vmul.f32 v26, v31;
	v35 =	vbroadcast v0, $0x8;
	v37 =	vld [tilespmem:$0x3430];
	v2 =	vadd.f32 v32, v2  }
0x76: {  	v38 =	vld [tilespmem:$0x3440];
	v1 =	vadd.f32 v3, v1;
	v3 =	vmul.f32 v29, v31  }
0x77: {  	v41 =	vld [tilespmem:$0x3450];
	v40 =	vmul.f32 v30, v35;
	v39 =	vbroadcast v0, $0x9;
	v2 =	vadd.f32 v36, v2  }
0x78: {  	v42 =	vld [tilespmem:$0x3460];
	v1 =	vadd.f32 v3, v1;
	v3 =	vmul.f32 v33, v35  }
0x79: {  	v43 =	vbroadcast v0, $0xA;
	v45 =	vld [tilespmem:$0x3470];
	v44 =	vmul.f32 v34, v39;
	v2 =	vadd.f32 v40, v2  }
0x7a: {  	v46 =	vld [tilespmem:$0x3480];
	v1 =	vadd.f32 v3, v1;
	v3 =	vmul.f32 v37, v39  }
0x7b: {  	v48 =	vmul.f32 v38, v43;
	v47 =	vbroadcast v0, $0xB;
	v49 =	vld [tilespmem:$0x3490];
	v2 =	vadd.f32 v44, v2  }
0x7c: {  	v50 =	vld [tilespmem:$0x34A0];
	v1 =	vadd.f32 v3, v1;
	v3 =	vmul.f32 v41, v43  }
0x7d: {  	v51 =	vbroadcast v0, $0xC;
	v53 =	vld [tilespmem:$0x34B0];
	v52 =	vmul.f32 v42, v47;
	v2 =	vadd.f32 v48, v2  }
0x7e: {  	v54 =	vld [tilespmem:$0x34C0];
	v1 =	vadd.f32 v3, v1;
	v3 =	vmul.f32 v45, v47  }
0x7f: {  	v55 =	vbroadcast v0, $0xD;
	v56 =	vmul.f32 v46, v51;
	v57 =	vld [tilespmem:$0x34D0];
	v2 =	vadd.f32 v52, v2  }
0x80: {  	v58 =	vld [tilespmem:$0x34E0];
	v1 =	vadd.f32 v3, v1;
	v3 =	vmul.f32 v49, v51  }
0x81: {  	v59 =	vbroadcast v0, $0xE;
	v60 =	vmul.f32 v50, v55;
	v61 =	vld [tilespmem:$0x34F0];
	v2 =	vadd.f32 v56, v2  }
0x82: {  	v1 =	vadd.f32 v3, v1;
	v3 =	vmul.f32 v53, v55  }
0x83: {  	v0 =	vbroadcast v0, $0xF;
	v62 =	vmul.f32 v54, v59;
	v2 =	vadd.f32 v60, v2  }
0x84: {  	v1 =	vadd.f32 v3, v1;
	v3 =	vmul.f32 v57, v59  }
0x85: {  	v63 =	vmul.f32 v58, v0;
	v2 =	vadd.f32 v62, v2  }
0x86: {  	v0 =	vmul.f32 v61, v0;
	v1 =	vadd.f32 v3, v1  }
0x87: {  	v2 =	vadd.f32 v63, v2  }
0x88: {  	v1 =	vadd.f32 v0, v1  }
0x89: {  	v0 =	vmul.f32 $3.125000000e-02, v2  }
0x8a: {  	s0 =	simm.s32 $0x20;
	s14 =	simm.s32 $0x100;
	v1 =	vmul.f32 $3.125000000e-02, v1  }
.LBB2_2:
0x8b: {  	p0 =	sne.s32 s14, $0x3F80;
	v2 =	vld [tilespmem:s0+$0x100];
	[tilespmem:s13+$0x3500] =	vst v0;
	s15 =	smov.u32 s14;
	s14 =	sadd.s32 $0x80, s14  }
0x8c: {  	v0 =	vld [tilespmem:s0+$0x110];
	[tilespmem:s13+$0x3510] =	vst v1;
	s13 =	smov.u32 s0  }
0x8d: {  	v1 =	vld [tilespmem:$0x3100]  }
0x8e: {  	v3 =	vld [tilespmem:$0x3110]  }
0x8f: {  	v4 =	vld [tilespmem:$0x3120]  }
0x90: {  	v5 =	vbroadcast v2, $0x0;
	v6 =	vld [tilespmem:$0x3130];
	v7 =	vbroadcast v2, $0x2  }
0x91: {  	v9 =	vbroadcast v2, $0x3;
	v10 =	vbroadcast v2, $0x4;
	v8 =	vld [tilespmem:$0x3140]  }
0x92: {  	v11 =	vbroadcast v2, $0x1;
	v1 =	vmul.f32 v1, v5;
	v12 =	vld [tilespmem:$0x3150]  }
0x93: {  	v13 =	vbroadcast v2, $0x5;
	v3 =	vmul.f32 v3, v5;
	v5 =	vld [tilespmem:$0x3160]  }
0x94: {  	v15 =	vbroadcast v2, $0x6;
	v1 =	vadd.f32 $0.0e+00, v1;
	v4 =	vmul.f32 v4, v11;
	v14 =	vld [tilespmem:$0x3170]  }
0x95: {  	v16 =	vbroadcast v2, $0x7;
	v3 =	vadd.f32 $0.0e+00, v3;
	v6 =	vmul.f32 v6, v11;
	v11 =	vld [tilespmem:$0x3180]  }
0x96: {  	v17 =	vbroadcast v2, $0x8;
	v1 =	vadd.f32 v4, v1;
	v4 =	vmul.f32 v8, v7;
	v8 =	vld [tilespmem:$0x3190]  }
0x97: {  	v3 =	vadd.f32 v6, v3;
	v6 =	vmul.f32 v12, v7;
	v7 =	vld [tilespmem:$0x31A0];
	v12 =	vbroadcast v2, $0xA  }
0x98: {  	v18 =	vbroadcast v2, $0xB;
	v1 =	vadd.f32 v4, v1;
	v4 =	vmul.f32 v5, v9;
	v5 =	vld [tilespmem:$0x31B0]  }
0x99: {  	v3 =	vadd.f32 v6, v3;
	v6 =	vmul.f32 v14, v9;
	v9 =	vld [tilespmem:$0x31C0];
	v14 =	vbroadcast v2, $0xC  }
0x9a: {  	v19 =	vbroadcast v2, $0xD;
	v1 =	vadd.f32 v4, v1;
	v4 =	vmul.f32 v11, v10;
	v11 =	vld [tilespmem:$0x31D0]  }
0x9b: {  	v3 =	vadd.f32 v6, v3;
	v6 =	vmul.f32 v8, v10;
	v8 =	vld [tilespmem:$0x31E0];
	v10 =	vbroadcast v2, $0xE  }
0x9c: {  	v20 =	vbroadcast v2, $0xF;
	v1 =	vadd.f32 v4, v1;
	v4 =	vmul.f32 v7, v13;
	v7 =	vld [tilespmem:$0x31F0]  }
0x9d: {  	v3 =	vadd.f32 v6, v3;
	v5 =	vmul.f32 v5, v13;
	v6 =	vld [tilespmem:$0x3200];
	v13 =	vbroadcast v0, $0x0  }
0x9e: {  	v21 =	vbroadcast v0, $0x2;
	v1 =	vadd.f32 v4, v1;
	v4 =	vmul.f32 v9, v15;
	v9 =	vld [tilespmem:$0x3210]  }
0x9f: {  	v3 =	vadd.f32 v5, v3;
	v5 =	vmul.f32 v11, v15;
	v11 =	vld [tilespmem:$0x3220];
	v15 =	vbroadcast v0, $0x3  }
0xa0: {  	v22 =	vbroadcast v0, $0x4;
	v1 =	vadd.f32 v4, v1;
	v4 =	vmul.f32 v8, v16;
	v8 =	vld [tilespmem:$0x3230]  }
0xa1: {  	v3 =	vadd.f32 v5, v3;
	v5 =	vmul.f32 v7, v16;
	v7 =	vld [tilespmem:$0x3240];
	v16 =	vbroadcast v0, $0x5  }
0xa2: {  	v2 =	vbroadcast v2, $0x9;
	v1 =	vadd.f32 v4, v1;
	v4 =	vmul.f32 v6, v17;
	v6 =	vld [tilespmem:$0x3250]  }
0xa3: {  	v3 =	vadd.f32 v5, v3;
	v5 =	vmul.f32 v9, v17;
	v9 =	vld [tilespmem:$0x3260];
	v17 =	vbroadcast v0, $0x6  }
0xa4: {  	v23 =	vbroadcast v0, $0x7;
	v1 =	vadd.f32 v4, v1;
	v4 =	vmul.f32 v11, v2;
	v11 =	vld [tilespmem:$0x3270]  }
0xa5: {  	v24 =	vbroadcast v0, $0x8;
	v3 =	vadd.f32 v5, v3;
	v2 =	vmul.f32 v8, v2;
	v8 =	vld [tilespmem:$0x3280]  }
0xa6: {  	v1 =	vadd.f32 v4, v1;
	v4 =	vmul.f32 v7, v12;
	v25 =	vld [tilespmem:$0x3290];
	v7 =	vbroadcast v0, $0x9  }
0xa7: {  	v2 =	vadd.f32 v2, v3;
	v3 =	vmul.f32 v6, v12;
	v12 =	vld [tilespmem:$0x32A0];
	v6 =	vbroadcast v0, $0xA  }
0xa8: {  	v5 =	vbroadcast v0, $0xB;
	v1 =	vadd.f32 v4, v1;
	v9 =	vmul.f32 v9, v18;
	v26 =	vld [tilespmem:$0x32B0]  }
0xa9: {  	v4 =	vbroadcast v0, $0xC;
	v2 =	vadd.f32 v3, v2;
	v11 =	vmul.f32 v11, v18;
	v18 =	vld [tilespmem:$0x32C0]  }
0xaa: {  	v3 =	vbroadcast v0, $0xD;
	v1 =	vadd.f32 v9, v1;
	v8 =	vmul.f32 v8, v14;
	v9 =	vld [tilespmem:$0x32D0]  }
0xab: {  	v11 =	vadd.f32 v11, v2;
	v14 =	vmul.f32 v25, v14;
	v25 =	vld [tilespmem:$0x32E0];
	v2 =	vbroadcast v0, $0xE  }
0xac: {  	v8 =	vadd.f32 v8, v1;
	v12 =	vmul.f32 v12, v19;
	v27 =	vld [tilespmem:$0x32F0];
	v1 =	vbroadcast v0, $0xF  }
0xad: {  	v11 =	vadd.f32 v14, v11;
	v14 =	vmul.f32 v26, v19;
	v19 =	vld [tilespmem:$0x3300]  }
0xae: {  	v8 =	vadd.f32 v12, v8;
	v12 =	vmul.f32 v18, v10;
	v18 =	vld [tilespmem:$0x3310]  }
0xaf: {  	v11 =	vadd.f32 v14, v11;
	v9 =	vmul.f32 v9, v10;
	v10 =	vld [tilespmem:$0x3320]  }
0xb0: {  	v8 =	vadd.f32 v12, v8;
	v12 =	vmul.f32 v25, v20;
	v14 =	vld [tilespmem:$0x3330]  }
0xb1: {  	v9 =	vadd.f32 v9, v11;
	v11 =	vmul.f32 v27, v20;
	v20 =	vld [tilespmem:$0x3340]  }
0xb2: {  	v0 =	vbroadcast v0, $0x1;
	v8 =	vadd.f32 v12, v8;
	v12 =	vmul.f32 v19, v13;
	v19 =	vld [tilespmem:$0x3350]  }
0xb3: {  	v9 =	vadd.f32 v11, v9;
	v11 =	vmul.f32 v18, v13;
	v13 =	vld [tilespmem:$0x3360]  }
0xb4: {  	v8 =	vadd.f32 v12, v8;
	v10 =	vmul.f32 v10, v0;
	v12 =	vld [tilespmem:$0x3370]  }
0xb5: {  	v9 =	vadd.f32 v11, v9;
	v0 =	vmul.f32 v14, v0;
	v11 =	vld [tilespmem:$0x3380]  }
0xb6: {  	v8 =	vadd.f32 v10, v8;
	v10 =	vmul.f32 v20, v21;
	v14 =	vld [tilespmem:$0x3390]  }
0xb7: {  	v0 =	vadd.f32 v0, v9;
	v9 =	vmul.f32 v19, v21;
	v18 =	vld [tilespmem:$0x33A0]  }
0xb8: {  	v8 =	vadd.f32 v10, v8;
	v10 =	vmul.f32 v13, v15;
	v13 =	vld [tilespmem:$0x33B0]  }
0xb9: {  	v0 =	vadd.f32 v9, v0;
	v9 =	vmul.f32 v12, v15;
	v12 =	vld [tilespmem:$0x33C0]  }
0xba: {  	v8 =	vadd.f32 v10, v8;
	v10 =	vmul.f32 v11, v22;
	v11 =	vld [tilespmem:$0x33D0]  }
0xbb: {  	v0 =	vadd.f32 v9, v0;
	v9 =	vmul.f32 v14, v22;
	v14 =	vld [tilespmem:$0x33E0]  }
0xbc: {  	v8 =	vadd.f32 v10, v8;
	v10 =	vmul.f32 v18, v16;
	v15 =	vld [tilespmem:$0x33F0]  }
0xbd: {  	v0 =	vadd.f32 v9, v0;
	v9 =	vmul.f32 v13, v16;
	v13 =	vld [tilespmem:$0x3400]  }
0xbe: {  	v8 =	vadd.f32 v10, v8;
	v10 =	vmul.f32 v12, v17;
	v12 =	vld [tilespmem:$0x3410]  }
0xbf: {  	v0 =	vadd.f32 v9, v0;
	v9 =	vmul.f32 v11, v17;
	v11 =	vld [tilespmem:$0x3420]  }
0xc0: {  	v8 =	vadd.f32 v10, v8;
	v10 =	vmul.f32 v14, v23;
	v14 =	vld [tilespmem:$0x3430]  }
0xc1: {  	v0 =	vadd.f32 v9, v0;
	v9 =	vmul.f32 v15, v23;
	v15 =	vld [tilespmem:$0x3440]  }
0xc2: {  	v8 =	vadd.f32 v10, v8;
	v10 =	vmul.f32 v13, v24;
	v13 =	vld [tilespmem:$0x3450]  }
0xc3: {  	v0 =	vadd.f32 v9, v0;
	v9 =	vmul.f32 v12, v24;
	v12 =	vld [tilespmem:$0x3460]  }
0xc4: {  	v8 =	vadd.f32 v10, v8;
	v10 =	vmul.f32 v11, v7;
	v11 =	vld [tilespmem:$0x3470]  }
0xc5: {  	v0 =	vadd.f32 v9, v0;
	v7 =	vmul.f32 v14, v7;
	v9 =	vld [tilespmem:$0x3480]  }
0xc6: {  	v8 =	vadd.f32 v10, v8;
	v10 =	vmul.f32 v15, v6;
	v14 =	vld [tilespmem:$0x3490]  }
0xc7: {  	v0 =	vadd.f32 v7, v0;
	v6 =	vmul.f32 v13, v6;
	v7 =	vld [tilespmem:$0x34A0]  }
0xc8: {  	v8 =	vadd.f32 v10, v8;
	v10 =	vmul.f32 v12, v5;
	v12 =	vld [tilespmem:$0x34B0]  }
0xc9: {  	v0 =	vadd.f32 v6, v0;
	v5 =	vmul.f32 v11, v5;
	v6 =	vld [tilespmem:$0x34C0]  }
0xca: {  	v8 =	vadd.f32 v10, v8;
	v9 =	vmul.f32 v9, v4;
	v10 =	vld [tilespmem:$0x34D0]  }
0xcb: {  	v0 =	vadd.f32 v5, v0;
	v4 =	vmul.f32 v14, v4;
	v5 =	vld [tilespmem:$0x34E0]  }
0xcc: {  	v8 =	vadd.f32 v9, v8;
	v7 =	vmul.f32 v7, v3;
	v9 =	vld [tilespmem:$0x34F0]  }
0xcd: {  	v0 =	vadd.f32 v4, v0;
	v3 =	vmul.f32 v12, v3  }
0xce: {  	v4 =	vadd.f32 v7, v8;
	v6 =	vmul.f32 v6, v2  }
0xcf: {  	v0 =	vadd.f32 v3, v0;
	v2 =	vmul.f32 v10, v2  }
0xd0: {  	v3 =	vadd.f32 v6, v4;
	v4 =	vmul.f32 v5, v1  }
.Ltmp0:
0xd1: {  	v0 =	vadd.f32 v2, v0;
	v1 =	vmul.f32 v9, v1;
	(pc) =	sbr.rel @p0 .LBB2_2-.Ltmp0, $4  }
0xd2: {  	v2 =	vadd.f32 v4, v3  }
0xd3: {  	v1 =	vadd.f32 v1, v0  }
0xd4: {  	v0 =	vmul.f32 $3.125000000e-02, v2  }
0xd5: {  	s0 =	sshra.s32 s15, $0x2;
	v1 =	vmul.f32 $3.125000000e-02, v1  }
0xd6: {  	v2 =	vld [tilespmem:s0+$0x100];
	[tilespmem:s13+$0x3500] =	vst v0  }
0xd7: {  	v0 =	vld [tilespmem:s0+$0x110];
	[tilespmem:s13+$0x3510] =	vst v1  }
0xd8: {  	v1 =	vld [tilespmem:$0x3100]  }
0xd9: {  	v3 =	vld [tilespmem:$0x3110]  }
0xda: {  	v4 =	vld [tilespmem:$0x3120]  }
0xdb: {  	v6 =	vld [tilespmem:$0x3130];
	v5 =	vbroadcast v2, $0x0  }
0xdc: {  	v7 =	vld [tilespmem:$0x3140]  }
0xdd: {  	v9 =	vld [tilespmem:$0x3150];
	v8 =	vbroadcast v2, $0x1;
	v1 =	vmul.f32 v1, v5  }
0xde: {  	v39 =	vld [tilespmem:$0x3160];
	v3 =	vmul.f32 v3, v5  }
0xdf: {  	v11 =	vld [tilespmem:$0x3170];
	v10 =	vbroadcast v2, $0x2;
	v4 =	vmul.f32 v4, v8;
	v1 =	vadd.f32 $0.0e+00, v1  }
0xe0: {  	v40 =	vld [tilespmem:$0x3180];
	v6 =	vmul.f32 v6, v8;
	v3 =	vadd.f32 $0.0e+00, v3  }
0xe1: {  	v42 =	vld [tilespmem:$0x3190];
	v12 =	vbroadcast v2, $0x3;
	v41 =	vmul.f32 v7, v10;
	v1 =	vadd.f32 v4, v1  }
0xe2: {  	v44 =	vld [tilespmem:$0x31A0];
	v43 =	vmul.f32 v9, v10;
	v3 =	vadd.f32 v6, v3  }
0xe3: {  	v47 =	vld [tilespmem:$0x31B0];
	v45 =	vbroadcast v2, $0x4;
	v46 =	vmul.f32 v39, v12;
	v1 =	vadd.f32 v41, v1  }
0xe4: {  	v49 =	vld [tilespmem:$0x31C0];
	v48 =	vmul.f32 v11, v12;
	v3 =	vadd.f32 v43, v3  }
0xe5: {  	v52 =	vld [tilespmem:$0x31D0];
	v50 =	vbroadcast v2, $0x5;
	v51 =	vmul.f32 v40, v45;
	v1 =	vadd.f32 v46, v1  }
0xe6: {  	v54 =	vld [tilespmem:$0x31E0];
	v53 =	vmul.f32 v42, v45;
	v3 =	vadd.f32 v48, v3  }
0xe7: {  	v57 =	vld [tilespmem:$0x31F0];
	v55 =	vbroadcast v2, $0x6;
	v56 =	vmul.f32 v44, v50;
	v1 =	vadd.f32 v51, v1  }
0xe8: {  	v58 =	vld [tilespmem:$0x3200];
	v5 =	vmul.f32 v47, v50;
	v3 =	vadd.f32 v53, v3  }
0xe9: {  	v61 =	vld [tilespmem:$0x3210];
	v59 =	vbroadcast v2, $0x7;
	v60 =	vmul.f32 v49, v55;
	v1 =	vadd.f32 v56, v1  }
0xea: {  	v63 =	vld [tilespmem:$0x3220];
	v62 =	vmul.f32 v52, v55;
	v3 =	vadd.f32 v5, v3  }
0xeb: {  	v18 =	vld [tilespmem:$0x3230];
	v16 =	vbroadcast v2, $0x8;
	v17 =	vmul.f32 v54, v59;
	v1 =	vadd.f32 v60, v1  }
0xec: {  	v20 =	vld [tilespmem:$0x3240];
	v19 =	vmul.f32 v57, v59;
	v3 =	vadd.f32 v62, v3  }
0xed: {  	v23 =	vld [tilespmem:$0x3250];
	v22 =	vbroadcast v2, $0x9;
	v21 =	vmul.f32 v58, v16;
	v1 =	vadd.f32 v17, v1  }
0xee: {  	v25 =	vld [tilespmem:$0x3260];
	v24 =	vmul.f32 v61, v16;
	v3 =	vadd.f32 v19, v3  }
0xef: {  	v28 =	vld [tilespmem:$0x3270];
	v26 =	vbroadcast v2, $0xA;
	v27 =	vmul.f32 v63, v22;
	v1 =	vadd.f32 v21, v1  }
0xf0: {  	v30 =	vld [tilespmem:$0x3280];
	v29 =	vmul.f32 v18, v22;
	v3 =	vadd.f32 v24, v3  }
0xf1: {  	v33 =	vld [tilespmem:$0x3290];
	v31 =	vbroadcast v2, $0xB;
	v32 =	vmul.f32 v20, v26;
	v1 =	vadd.f32 v27, v1  }
0xf2: {  	v35 =	vld [tilespmem:$0x32A0];
	v34 =	vmul.f32 v23, v26;
	v3 =	vadd.f32 v29, v3  }
0xf3: {  	v38 =	vld [tilespmem:$0x32B0];
	v36 =	vbroadcast v2, $0xC;
	v37 =	vmul.f32 v25, v31;
	v1 =	vadd.f32 v32, v1  }
0xf4: {  	v39 =	vmul.f32 v28, v31;
	v40 =	vld [tilespmem:$0x32C0];
	v3 =	vadd.f32 v34, v3  }
0xf5: {  	v42 =	vmul.f32 v30, v36;
	v41 =	vbroadcast v2, $0xD;
	v43 =	vld [tilespmem:$0x32D0];
	v1 =	vadd.f32 v37, v1  }
0xf6: {  	v44 =	vmul.f32 v33, v36;
	v45 =	vld [tilespmem:$0x32E0];
	v3 =	vadd.f32 v39, v3  }
0xf7: {  	v46 =	vbroadcast v2, $0xE;
	v47 =	vmul.f32 v35, v41;
	v48 =	vld [tilespmem:$0x32F0];
	v1 =	vadd.f32 v42, v1  }
0xf8: {  	v50 =	vld [tilespmem:$0x3300];
	v49 =	vmul.f32 v38, v41;
	v3 =	vadd.f32 v44, v3  }
0xf9: {  	v52 =	vld [tilespmem:$0x3310];
	v2 =	vbroadcast v2, $0xF;
	v51 =	vmul.f32 v40, v46;
	v1 =	vadd.f32 v47, v1  }
0xfa: {  	v54 =	vld [tilespmem:$0x3320];
	v53 =	vmul.f32 v43, v46;
	v3 =	vadd.f32 v49, v3  }
0xfb: {  	v55 =	vbroadcast v0, $0x0;
	v57 =	vld [tilespmem:$0x3330];
	v56 =	vmul.f32 v45, v2;
	v1 =	vadd.f32 v51, v1  }
0xfc: {  	v58 =	vld [tilespmem:$0x3340];
	v2 =	vmul.f32 v48, v2;
	v3 =	vadd.f32 v53, v3  }
0xfd: {  	v61 =	vld [tilespmem:$0x3350];
	v59 =	vmul.f32 v50, v55;
	v60 =	vbroadcast v0, $0x1;
	v1 =	vadd.f32 v56, v1  }
0xfe: {  	v62 =	vld [tilespmem:$0x3360];
	v2 =	vadd.f32 v2, v3;
	v3 =	vmul.f32 v52, v55  }
0xff: {  	v13 =	vld [tilespmem:$0x3370];
	v63 =	vbroadcast v0, $0x2;
	v12 =	vmul.f32 v54, v60;
	v1 =	vadd.f32 v59, v1  }
0x100: {  	v14 =	vld [tilespmem:$0x3380];
	v2 =	vadd.f32 v3, v2;
	v3 =	vmul.f32 v57, v60  }
0x101: {  	v15 =	vbroadcast v0, $0x3;
	v16 =	vmul.f32 v58, v63;
	v17 =	vld [tilespmem:$0x3390];
	v1 =	vadd.f32 v12, v1  }
0x102: {  	v18 =	vld [tilespmem:$0x33A0];
	v2 =	vadd.f32 v3, v2;
	v3 =	vmul.f32 v61, v63  }
0x103: {  	v19 =	vbroadcast v0, $0x4;
	v21 =	vld [tilespmem:$0x33B0];
	v20 =	vmul.f32 v62, v15;
	v1 =	vadd.f32 v16, v1  }
0x104: {  	v22 =	vld [tilespmem:$0x33C0];
	v2 =	vadd.f32 v3, v2;
	v3 =	vmul.f32 v13, v15  }
0x105: {  	v23 =	vbroadcast v0, $0x5;
	v25 =	vld [tilespmem:$0x33D0];
	v24 =	vmul.f32 v14, v19;
	v1 =	vadd.f32 v20, v1  }
0x106: {  	v26 =	vld [tilespmem:$0x33E0];
	v2 =	vadd.f32 v3, v2;
	v3 =	vmul.f32 v17, v19  }
0x107: {  	v28 =	vmul.f32 v18, v23;
	v27 =	vbroadcast v0, $0x6;
	v29 =	vld [tilespmem:$0x33F0];
	v1 =	vadd.f32 v24, v1  }
0x108: {  	v30 =	vld [tilespmem:$0x3400];
	v2 =	vadd.f32 v3, v2;
	v3 =	vmul.f32 v21, v23  }
0x109: {  	v31 =	vbroadcast v0, $0x7;
	v33 =	vld [tilespmem:$0x3410];
	v32 =	vmul.f32 v22, v27;
	v1 =	vadd.f32 v28, v1  }
0x10a: {  	v34 =	vld [tilespmem:$0x3420];
	v2 =	vadd.f32 v3, v2;
	v3 =	vmul.f32 v25, v27  }
0x10b: {  	v36 =	vmul.f32 v26, v31;
	v35 =	vbroadcast v0, $0x8;
	v37 =	vld [tilespmem:$0x3430];
	v1 =	vadd.f32 v32, v1  }
0x10c: {  	v38 =	vld [tilespmem:$0x3440];
	v2 =	vadd.f32 v3, v2;
	v3 =	vmul.f32 v29, v31  }
0x10d: {  	v41 =	vld [tilespmem:$0x3450];
	v40 =	vmul.f32 v30, v35;
	v39 =	vbroadcast v0, $0x9;
	v1 =	vadd.f32 v36, v1  }
0x10e: {  	v42 =	vld [tilespmem:$0x3460];
	v2 =	vadd.f32 v3, v2;
	v3 =	vmul.f32 v33, v35  }
0x10f: {  	v43 =	vbroadcast v0, $0xA;
	v45 =	vld [tilespmem:$0x3470];
	v44 =	vmul.f32 v34, v39;
	v1 =	vadd.f32 v40, v1  }
0x110: {  	v46 =	vld [tilespmem:$0x3480];
	v2 =	vadd.f32 v3, v2;
	v3 =	vmul.f32 v37, v39  }
0x111: {  	v48 =	vmul.f32 v38, v43;
	v47 =	vbroadcast v0, $0xB;
	v49 =	vld [tilespmem:$0x3490];
	v1 =	vadd.f32 v44, v1  }
0x112: {  	v50 =	vld [tilespmem:$0x34A0];
	v2 =	vadd.f32 v3, v2;
	v3 =	vmul.f32 v41, v43  }
0x113: {  	v51 =	vbroadcast v0, $0xC;
	v53 =	vld [tilespmem:$0x34B0];
	v52 =	vmul.f32 v42, v47;
	v1 =	vadd.f32 v48, v1  }
0x114: {  	v54 =	vld [tilespmem:$0x34C0];
	v2 =	vadd.f32 v3, v2;
	v3 =	vmul.f32 v45, v47  }
0x115: {  	v55 =	vbroadcast v0, $0xD;
	v56 =	vmul.f32 v46, v51;
	v57 =	vld [tilespmem:$0x34D0];
	v1 =	vadd.f32 v52, v1  }
0x116: {  	v58 =	vld [tilespmem:$0x34E0];
	v2 =	vadd.f32 v3, v2;
	v3 =	vmul.f32 v49, v51  }
0x117: {  	v59 =	vbroadcast v0, $0xE;
	v60 =	vmul.f32 v50, v55;
	v61 =	vld [tilespmem:$0x34F0];
	v1 =	vadd.f32 v56, v1  }
0x118: {  	v2 =	vadd.f32 v3, v2;
	v3 =	vmul.f32 v53, v55  }
0x119: {  	v0 =	vbroadcast v0, $0xF;
	v62 =	vmul.f32 v54, v59;
	v1 =	vadd.f32 v60, v1  }
0x11a: {  	v2 =	vadd.f32 v3, v2;
	v3 =	vmul.f32 v57, v59  }
0x11b: {  	v63 =	vmul.f32 v58, v0;
	v1 =	vadd.f32 v62, v1  }
0x11c: {  	v0 =	vmul.f32 v61, v0;
	v2 =	vadd.f32 v3, v2  }
0x11d: {  	v1 =	vadd.f32 v63, v1  }
0x11e: {  	v0 =	vadd.f32 v0, v2  }
0x11f: {  	v1 =	vmul.f32 $3.125000000e-02, v1  }
0x120: {  	v0 =	vmul.f32 $3.125000000e-02, v0  }
0x121: {  	[tilespmem:s0+$0x3500] =	vst v1  }
0x122: {  	s28 =	simm.s32 $0x2900;
	[tilespmem:s0+$0x3510] =	vst v0  }
0x123: {  	v0 =	vld [tilespmem:s28+$0x0];
	_ =	sdelay $0x3  }
0x124: {  	s30 =	simm.s32 $0x0  }
0x125: {  	v0 =	vadd.s32 s30, v0;
	_ =	sdelay $0x4  }
0x126: {  	v0 =	vld.idx.msk [tilespmem:v0+s29+$0x0], $0xffff;
	_ =	sdelay $0x4  }
0x127: {  	v0 =	vmul.f32 $1.442695020e+00, v0;
	_ =	sdelay $0x1  }
0x128: {  	(erf) = vpow2.f32 v0;
	_ =	sdelay $0x8  }
0x129: {  	v0 =	vpop (erf)  }
0x12a: {  	(xrf2) =	vadd.scan.msk.f32 $0xffff, v0;
	_ =	sdelay $0x9  }
0x12b: {  	v1, _, _ =	vpop (xrf2)  }
0x12c: {  	v1 =	vbroadcast v1, $0xF;
	_ =	sdelay $0x1  }
0x12d: {  	(erf) = vrcp.f32 v1;
	_ =	sdelay $0x8  }
0x12e: {  	v1 =	vpop (erf)  }
0x12f: {  	v0 =	vmul.f32 v1, v0  }
0x130: {  	s0 =	simm.s32 $0x4500  }
0x131: {  	s2 =	simm.s32 $0x2910;
	[tilespmem:s0+$0x0] =	vst v0  }
0x132: {  	s14 =	simm.s32 $0x40;
	s13 =	simm.s32 $0x20;
	v0 =	vld [tilespmem:s2+$0x0]  }
.LBB2_4:
0x133: {  	p0 =	sne.s32 s14, $0xFE0;
	_ =	sdelay $0x3  }
0x134: {  	v0 =	vadd.s32 s13, v0;
	s13 =	smov.u32 s14;
	_ =	sdelay $0x4  }
0x135: {  	v0 =	vld.idx.msk [tilespmem:v0+s29+$0x0], $0xffff;
	_ =	sdelay $0x5  }
0x136: {  	v0 =	vmul.f32 $1.442695020e+00, v0;
	_ =	sdelay $0x1  }
0x137: {  	(erf) = vpow2.f32 v0;
	_ =	sdelay $0x8  }
0x138: {  	v0 =	vpop (erf)  }
0x139: {  	(xrf2) =	vadd.scan.msk.f32 $0xffff, v0;
	_ =	sdelay $0x9  }
0x13a: {  	v1, _, _ =	vpop (xrf2)  }
0x13b: {  	v1 =	vbroadcast v1, $0xF;
	_ =	sdelay $0x1  }
0x13c: {  	(erf) = vrcp.f32 v1;
	_ =	sdelay $0x8  }
.Ltmp1:
0x13d: {  	v1 =	vpop (erf);
	(pc) =	sbr.rel @p0 .LBB2_4-.Ltmp1, $4  }
0x13e: {  	v0 =	vmul.f32 v1, v0  }
0x13f: {  	s0 =	sadd.s32 $0x10, s0  }
0x140: {  	s2 =	sadd.s32 $0x10, s2;
	[tilespmem:s0+$0x0] =	vst v0  }
0x141: {  	s14 =	sadd.s32 $0x20, s14;
	v0 =	vld [tilespmem:s2+$0x0]  }
0x142: {  	_ =	sdelay $0x3  }
0x143: {  	v0 =	vadd.s32 s13, v0;
	_ =	sdelay $0x4  }
0x144: {  	v0 =	vld.idx.msk [tilespmem:v0+s29+$0x0], $0xffff;
	_ =	sdelay $0x4  }
0x145: {  	v0 =	vmul.f32 $1.442695020e+00, v0;
	_ =	sdelay $0x1  }
0x146: {  	(erf) = vpow2.f32 v0;
	_ =	sdelay $0x8  }
0x147: {  	v0 =	vpop (erf)  }
0x148: {  	(xrf2) =	vadd.scan.msk.f32 $0xffff, v0;
	_ =	sdelay $0x9  }
0x149: {  	v1, _, _ =	vpop (xrf2)  }
0x14a: {  	v1 =	vbroadcast v1, $0xF;
	_ =	sdelay $0x1  }
0x14b: {  	(erf) = vrcp.f32 v1;
	_ =	sdelay $0x8  }
0x14c: {  	v1 =	vpop (erf)  }
0x14d: {  	v0 =	vmul.f32 v1, v0  }
0x14e: {  	s0 =	sadd.s32 $0x10, s0  }
0x14f: {  	s14 =	rddreg [dreg:$0xa];
	s2 =	simm.s32 $0x4500;
	[tilespmem:s0+$0x0] =	vst v0  }
0x150: {  	[hbm4b:s14+s3] =	stream.linear.scatter [tilespmem:s2], [sflag:$0x6], $0x800, $0x38;
	[tilespmem:$0x17D80] =	vst v63  }
0x151: {  	_ =	swait.ge [sflag:s20], $0x800  }
0x152: {  	[sflag:s20] =	ssyncset.done $0x0  }
0x153: {  	[sflag:s20] =	ssyncadd.s32 $0xFFFFF800  }
0x154: {  	v61 =	vld [tilespmem:$0x2100]  }
0x155: {  	v62 =	vld [tilespmem:$0x2110]  }
0x156: {  	v2 =	vld [tilespmem:$0x2120]  }
0x157: {  	v3 =	vld [tilespmem:$0x2130];
	_ =	sdelay $0x1  }
0x158: {  	[tilespmem:$0x4D00] =	vst v61  }
0x159: {  	[tilespmem:$0x4D10] =	vst v62  }
0x15a: {  	[tilespmem:$0x4D20] =	vst v2  }
0x15b: {  	s15 =	simm.s32 $0x4D00;
	s16 =	simm.s32 $0x5580;
	[tilespmem:$0x4D30] =	vst v3  }
0x15c: {  	[tilespmem:s16], [sflag:$0x2] =	stream.indirect.gather [hbm4b:s4+s31], $0x10, s15, s31, $0xb8;
	[tilespmem:$0x17D80] =	vst v63  }
0x15d: {  	s19 =	simm.s32 $0x5D80  }
0x15e: {  	[tilespmem:s19], [sflag:$0x2] =	stream.indirect.gather [hbm4b:s5+s31], $0x10, s15, s31, $0xb8;
	[tilespmem:$0x17D80] =	vst v63  }
0x15f: {  	s22 =	simm.s32 $0x16580  }
0x160: {  	[tilespmem:s22], [sflag:$0x2] =	stream.indirect.gather [hbm4b:s7+s31], $0x20, s15, s31, $0xb8;
	[tilespmem:$0x17D80] =	vst v63  }
0x161: {  	_ =	swait.ge [sflag:s25], $0x400  }
0x162: {  	[sflag:s25] =	ssyncset.done $0x0  }
0x163: {  	[sflag:s25] =	ssyncadd.s32 $0xFFFFFC00  }
0x164: {  	_ =	swait.ge [sflag:s25], $0x400  }
0x165: {  	[sflag:s25] =	ssyncset.done $0x0  }
0x166: {  	[sflag:s25] =	ssyncadd.s32 $0xFFFFFC00  }
0x167: {  	_ =	swait.ge [sflag:s25], $0x800  }
0x168: {  	[sflag:s25] =	ssyncset.done $0x0  }
0x169: {  	s28 =	rddreg [dreg:$0xb];
	[sflag:s25] =	ssyncadd.s32 $0xFFFFF800  }
0x16a: {  	[hbm4b:s28+s3] =	stream.linear.scatter [tilespmem:s22], [sflag:$0x6], $0x800, $0x38;
	[tilespmem:$0x17D80] =	vst v63  }
0x16b: {  	_ =	swait.ge [sflag:s20], $0x800  }
0x16c: {  	[sflag:s20] =	ssyncset.done $0x0  }
0x16d: {  	s30 =	simm.s32 $0x55A0;
	[sflag:s20] =	ssyncadd.s32 $0xFFFFF800  }
0x16e: {  	v63 =	vld [tilespmem:s30+$0xFFFFFFE0];
	_ =	sdelay $0x3  }
0x16f: {  	s0 =	simm.s32 $0x4DA0  }
0x170: {  	[tilespmem:s0+$0xFFFFFFE0] =	vst v63  }
0x171: {  	v0 =	vld [tilespmem:s30+$0xFFFFFFF0];
	_ =	sdelay $0x4  }
0x172: {  	[tilespmem:s0+$0xFFFFFFF0] =	vst v0  }
0x173: {  	v0 =	vld [tilespmem:s30+$0x0];
	_ =	sdelay $0x4  }
0x174: {  	[tilespmem:s0+$0x0] =	vst v0  }
0x175: {  	v0 =	vld [tilespmem:s30+$0x10];
	_ =	sdelay $0x4  }
0x176: {  	s13 =	simm.s32 $0x55E0;
	s2 =	simm.s32 $0x0;
	[tilespmem:s0+$0x10] =	vst v0  }
.LBB2_6:
0x177: {  	v0 =	vld [tilespmem:s13+$0xFFFFFFE0];
	s2 =	sadd.s32 $0x4, s2  }
0x178: {  	p0 =	slt.u32 s2, $0x3C;
	_ =	sdelay $0x2  }
0x179: {  	s0 =	sadd.s32 $0x40, s0  }
0x17a: {  	[tilespmem:s0+$0xFFFFFFE0] =	vst v0  }
0x17b: {  	v0 =	vld [tilespmem:s13+$0xFFFFFFF0];
	_ =	sdelay $0x4  }
0x17c: {  	[tilespmem:s0+$0xFFFFFFF0] =	vst v0  }
0x17d: {  	v0 =	vld [tilespmem:s13+$0x0];
	_ =	sdelay $0x4  }
0x17e: {  	[tilespmem:s0+$0x0] =	vst v0  }
0x17f: {  	v0 =	vld [tilespmem:s13+$0x10]  }
.Ltmp2:
0x180: {  	(pc) =	sbr.rel @p0 .LBB2_6-.Ltmp2, $2  }
0x181: {  	_ =	sdelay $0x2  }
0x182: {  	s13 =	sadd.s32 $0x40, s13;
	[tilespmem:s0+$0x10] =	vst v0  }
0x183: {  	s0 =	simm.s32 $0x4D80;
	s2 =	simm.s32 $0x6580  }
0x184: {  	[tilespmem:s2], [sflag:$0x4] =	stream.indirect.gather [hbm4b:s7+s21], $0x20, s0, s21, $0xb8;
	[tilespmem:$0x17D80] =	vst v63  }
0x185: {  	s13 =	simm.s32 $0x4E00;
	s14 =	simm.s32 $0x7580  }
0x186: {  	[tilespmem:s14], [sflag:$0x4] =	stream.indirect.gather [hbm4b:s7+s21], $0x20, s13, s21, $0xb8;
	[tilespmem:$0x17D80] =	vst v63  }
0x187: {  	s15 =	simm.s32 $0x4E80;
	s16 =	simm.s32 $0x8580  }
0x188: {  	[tilespmem:s16], [sflag:$0x4] =	stream.indirect.gather [hbm4b:s7+s21], $0x20, s15, s21, $0xb8;
	[tilespmem:$0x17D80] =	vst v63  }
0x189: {  	s19 =	simm.s32 $0x4F00;
	s22 =	simm.s32 $0x9580  }
0x18a: {  	[tilespmem:s22], [sflag:$0x4] =	stream.indirect.gather [hbm4b:s7+s21], $0x20, s19, s21, $0xb8;
	[tilespmem:$0x17D80] =	vst v63  }
0x18b: {  	s28 =	simm.s32 $0x4F80;
	s30 =	simm.s32 $0xA580  }
0x18c: {  	[tilespmem:s30], [sflag:$0x4] =	stream.indirect.gather [hbm4b:s7+s21], $0x20, s28, s21, $0xb8;
	[tilespmem:$0x17D80] =	vst v63  }
0x18d: {  	s13 =	simm.s32 $0x5000;
	s14 =	simm.s32 $0xB580  }
0x18e: {  	[tilespmem:s14], [sflag:$0x4] =	stream.indirect.gather [hbm4b:s7+s21], $0x20, s13, s21, $0xb8;
	[tilespmem:$0x17D80] =	vst v63  }
0x18f: {  	s15 =	simm.s32 $0x5080;
	s16 =	simm.s32 $0xC580  }
0x190: {  	[tilespmem:s16], [sflag:$0x4] =	stream.indirect.gather [hbm4b:s7+s21], $0x20, s15, s21, $0xb8;
	[tilespmem:$0x17D80] =	vst v63  }
0x191: {  	s19 =	simm.s32 $0x5100;
	s22 =	simm.s32 $0xD580  }
0x192: {  	[tilespmem:s22], [sflag:$0x4] =	stream.indirect.gather [hbm4b:s7+s21], $0x20, s19, s21, $0xb8;
	[tilespmem:$0x17D80] =	vst v63  }
0x193: {  	v0 =	vld [tilespmem:$0x2140]  }
0x194: {  	v1 =	vld [tilespmem:$0x2150]  }
0x195: {  	v2 =	vld [tilespmem:$0x2160]  }
0x196: {  	v3 =	vld [tilespmem:$0x2170];
	_ =	sdelay $0x1  }
0x197: {  	[tilespmem:$0x4D40] =	vst v0  }
0x198: {  	[tilespmem:$0x4D50] =	vst v1  }
0x199: {  	[tilespmem:$0x4D60] =	vst v2  }
0x19a: {  	s28 =	simm.s32 $0x5980;
	[tilespmem:$0x4D70] =	vst v3  }
0x19b: {  	[tilespmem:s28], [sflag:$0x3] =	stream.indirect.gather [hbm4b:s4+s31], $0x10, s26, s31, $0xb8;
	[tilespmem:$0x17D80] =	vst v63  }
0x19c: {  	s30 =	simm.s32 $0x6180  }
0x19d: {  	[tilespmem:s30], [sflag:$0x3] =	stream.indirect.gather [hbm4b:s5+s31], $0x10, s26, s31, $0xb8;
	[tilespmem:$0x17D80] =	vst v63  }
0x19e: {  	s15 =	simm.s32 $0x0  }
0x19f: {  	[tilespmem:s1], [sflag:$0x3] =	stream.indirect.gather [hbm4b:s7+s31], $0x20, s26, s31, $0xb8;
	[tilespmem:$0x17D80] =	vst v63  }
.LBB2_8:
0x1a0: {  	p0 =	seq.s32 s15, $0xF  }
0x1a1: {  	s0 =	sshll.u32 @!p0 s15, $0x7  }
0x1a2: {  	s0 =	sand.u32 @!p0 $0x3FFFFF80, s0  }
0x1a3: {  	v0 =	vld @!p0 [tilespmem:s0+$0x2180];
	_ =	sdelay $0x4  }
0x1a4: {  	[tilespmem:$0x4D00] =	vst @!p0 v0  }
0x1a5: {  	v0 =	vld @!p0 [tilespmem:s0+$0x2190];
	_ =	sdelay $0x4  }
0x1a6: {  	[tilespmem:$0x4D10] =	vst @!p0 v0  }
0x1a7: {  	v0 =	vld @!p0 [tilespmem:s0+$0x21A0];
	_ =	sdelay $0x4  }
0x1a8: {  	[tilespmem:$0x4D20] =	vst @!p0 v0  }
0x1a9: {  	v0 =	vld @!p0 [tilespmem:s0+$0x21B0];
	_ =	sdelay $0x4  }
0x1aa: {  	s2 =	simm.s32 @!p0 $0x4D00;
	s13 =	simm.s32 @!p0 $0x5580;
	s0 =	simm.s32 @!p0 $0x40;
	[tilespmem:$0x4D30] =	vst @!p0 v0  }
0x1ab: {  	[tilespmem:s13], [sflag:$0x2] =	stream.indirect.gather @!p0 [hbm4b:s4+s0], $0x10, s2, s0, $0xb8;
	[tilespmem:$0x17D80] =	vst v63  }
0x1ac: {  	s13 =	simm.s32 @!p0 $0x5D80  }
0x1ad: {  	[tilespmem:s13], [sflag:$0x2] =	stream.indirect.gather @!p0 [hbm4b:s5+s0], $0x10, s2, s0, $0xb8;
	[tilespmem:$0x17D80] =	vst v63  }
0x1ae: {  	s13 =	simm.s32 @!p0 $0x16580  }
0x1af: {  	[tilespmem:s13], [sflag:$0x2] =	stream.indirect.gather @!p0 [hbm4b:s7+s0], $0x20, s2, s0, $0xb8;
	[tilespmem:$0x17D80] =	vst v63  }
0x1b0: {  	_ =	swait.ge [sflag:s23], $0x400  }
0x1b1: {  	[sflag:s23] =	ssyncset.done $0x0  }
0x1b2: {  	[sflag:s23] =	ssyncadd.s32 $0xFFFFFC00  }
0x1b3: {  	s16 =	sshll.u32 s15, $0x3;
	_ =	swait.ge [sflag:s23], $0x400  }
0x1b4: {  	s13 =	sor.u32 $0x4, s16;
	[sflag:s23] =	ssyncset.done $0x0  }
0x1b5: {  	s28 =	sadd.s32 s10, s13;
	[sflag:s23] =	ssyncadd.s32 $0xFFFFFC00  }
0x1b6: {  	s0 =	sshll.u32 s28, $0x6;
	_ =	swait.ge [sflag:s23], $0x800  }
0x1b7: {  	s14 =	sand.u32 $0x1FFFFF00, s0;
	[sflag:s23] =	ssyncset.done $0x0  }
0x1b8: {  	s0 =	sadd.s32 s8, s14;
	[sflag:s23] =	ssyncadd.s32 $0xFFFFF800  }
0x1b9: {  	[hbm4b:s0+s3] =	stream.linear.scatter [tilespmem:s1], [sflag:$0x6], $0x800, $0x38;
	[tilespmem:$0x17D80] =	vst v63  }
0x1ba: {  	_ =	swait.ge [sflag:s20], $0x800  }
0x1bb: {  	[sflag:s20] =	ssyncset.done $0x0  }
0x1bc: {  	s30 =	simm.s32 $0x59A0;
	[sflag:s20] =	ssyncadd.s32 $0xFFFFF800  }
0x1bd: {  	v63 =	vld [tilespmem:s30+$0xFFFFFFE0];
	_ =	sdelay $0x3  }
0x1be: {  	s0 =	simm.s32 $0x51A0  }
0x1bf: {  	[tilespmem:s0+$0xFFFFFFE0] =	vst v63  }
0x1c0: {  	v0 =	vld [tilespmem:s30+$0xFFFFFFF0];
	_ =	sdelay $0x4  }
0x1c1: {  	[tilespmem:s0+$0xFFFFFFF0] =	vst v0  }
0x1c2: {  	v0 =	vld [tilespmem:s30+$0x0];
	_ =	sdelay $0x4  }
0x1c3: {  	[tilespmem:s0+$0x0] =	vst v0  }
0x1c4: {  	v0 =	vld [tilespmem:s30+$0x10];
	_ =	sdelay $0x4  }
0x1c5: {  	s19 =	sadd.s32 $0x1, s15;
	s22 =	simm.s32 $0x59E0;
	s2 =	simm.s32 $0x0;
	[tilespmem:s0+$0x10] =	vst v0  }
.LBB2_9:
0x1c6: {  	v0 =	vld [tilespmem:s22+$0xFFFFFFE0];
	s2 =	sadd.s32 $0x4, s2  }
0x1c7: {  	p1 =	slt.u32 s2, $0x3C;
	_ =	sdelay $0x2  }
0x1c8: {  	s0 =	sadd.s32 $0x40, s0  }
0x1c9: {  	[tilespmem:s0+$0xFFFFFFE0] =	vst v0  }
0x1ca: {  	v0 =	vld [tilespmem:s22+$0xFFFFFFF0];
	_ =	sdelay $0x4  }
0x1cb: {  	[tilespmem:s0+$0xFFFFFFF0] =	vst v0  }
0x1cc: {  	v0 =	vld [tilespmem:s22+$0x0];
	_ =	sdelay $0x4  }
0x1cd: {  	[tilespmem:s0+$0x0] =	vst v0  }
0x1ce: {  	v0 =	vld [tilespmem:s22+$0x10]  }
.Ltmp3:
0x1cf: {  	(pc) =	sbr.rel @p1 .LBB2_9-.Ltmp3, $2  }
0x1d0: {  	_ =	sdelay $0x2  }
0x1d1: {  	s22 =	sadd.s32 $0x40, s22;
	[tilespmem:s0+$0x10] =	vst v0  }
0x1d2: {  	s0 =	simm.s32 $0x5180;
	s2 =	simm.s32 $0xE580  }
0x1d3: {  	[tilespmem:s2], [sflag:$0x5] =	stream.indirect.gather [hbm4b:s7+s21], $0x20, s0, s21, $0xb8;
	[tilespmem:$0x17D80] =	vst v63  }
0x1d4: {  	s22 =	simm.s32 $0xF580;
	s2 =	simm.s32 $0x5200  }
0x1d5: {  	[tilespmem:s22], [sflag:$0x5] =	stream.indirect.gather [hbm4b:s7+s21], $0x20, s2, s21, $0xb8;
	[tilespmem:$0x17D80] =	vst v63  }
0x1d6: {  	s2 =	simm.s32 $0x5280;
	s22 =	simm.s32 $0x10580  }
0x1d7: {  	[tilespmem:s22], [sflag:$0x5] =	stream.indirect.gather [hbm4b:s7+s21], $0x20, s2, s21, $0xb8;
	[tilespmem:$0x17D80] =	vst v63  }
0x1d8: {  	s2 =	simm.s32 $0x5300;
	s22 =	simm.s32 $0x11580  }
0x1d9: {  	[tilespmem:s22], [sflag:$0x5] =	stream.indirect.gather [hbm4b:s7+s21], $0x20, s2, s21, $0xb8;
	[tilespmem:$0x17D80] =	vst v63  }
0x1da: {  	s2 =	simm.s32 $0x5380;
	s22 =	simm.s32 $0x12580  }
0x1db: {  	[tilespmem:s22], [sflag:$0x5] =	stream.indirect.gather [hbm4b:s7+s21], $0x20, s2, s21, $0xb8;
	[tilespmem:$0x17D80] =	vst v63  }
0x1dc: {  	s2 =	simm.s32 $0x5400;
	s22 =	simm.s32 $0x13580  }
0x1dd: {  	[tilespmem:s22], [sflag:$0x5] =	stream.indirect.gather [hbm4b:s7+s21], $0x20, s2, s21, $0xb8;
	[tilespmem:$0x17D80] =	vst v63  }
0x1de: {  	s2 =	simm.s32 $0x5480;
	s22 =	simm.s32 $0x14580  }
0x1df: {  	[tilespmem:s22], [sflag:$0x5] =	stream.indirect.gather [hbm4b:s7+s21], $0x20, s2, s21, $0xb8;
	[tilespmem:$0x17D80] =	vst v63  }
0x1e0: {  	s22 =	simm.s32 $0x5500  }
0x1e1: {  	[tilespmem:s24], [sflag:$0x5] =	stream.indirect.gather [hbm4b:s7+s21], $0x20, s22, s21, $0xb8;
	[tilespmem:$0x17D80] =	vst v63  }
0x1e2: {  	_ =	swait.ge [sflag:s6], $0x1000  }
0x1e3: {  	[sflag:s6] =	ssyncset.done $0x0  }
0x1e4: {  	[sflag:s6] =	ssyncadd.s32 $0xFFFFF000  }
0x1e5: {  	_ =	swait.ge [sflag:s6], $0x1000  }
0x1e6: {  	[sflag:s6] =	ssyncset.done $0x0  }
0x1e7: {  	[sflag:s6] =	ssyncadd.s32 $0xFFFFF000  }
0x1e8: {  	_ =	swait.ge [sflag:s6], $0x1000  }
0x1e9: {  	[sflag:s6] =	ssyncset.done $0x0  }
0x1ea: {  	[sflag:s6] =	ssyncadd.s32 $0xFFFFF000  }
0x1eb: {  	_ =	swait.ge [sflag:s6], $0x1000  }
0x1ec: {  	[sflag:s6] =	ssyncset.done $0x0  }
0x1ed: {  	[sflag:s6] =	ssyncadd.s32 $0xFFFFF000  }
0x1ee: {  	_ =	swait.ge [sflag:s6], $0x1000  }
0x1ef: {  	[sflag:s6] =	ssyncset.done $0x0  }
0x1f0: {  	[sflag:s6] =	ssyncadd.s32 $0xFFFFF000  }
0x1f1: {  	_ =	swait.ge [sflag:s6], $0x1000  }
0x1f2: {  	[sflag:s6] =	ssyncset.done $0x0  }
0x1f3: {  	[sflag:s6] =	ssyncadd.s32 $0xFFFFF000  }
0x1f4: {  	_ =	swait.ge [sflag:s6], $0x1000  }
0x1f5: {  	[sflag:s6] =	ssyncset.done $0x0  }
0x1f6: {  	[sflag:s6] =	ssyncadd.s32 $0xFFFFF000  }
0x1f7: {  	_ =	swait.ge [sflag:s6], $0x1000  }
0x1f8: {  	s28 =	simm.s32 $0x175A0;
	s30 =	simm.s32 $0x5D90;
	[sflag:s6] =	ssyncset.done $0x0  }
0x1f9: {  	s0 =	simm.s32 $0xFFFFFFFE;
	s2 =	simm.s32 $0x6780;
	[sflag:s6] =	ssyncadd.s32 $0xFFFFF000  }
.LBB2_11:
0x1fa: {  	v0 =	vld [tilespmem:s30+$0xFFFFFFF0]  }
0x1fb: {  	s0 =	sadd.s32 $0x2, s0  }
0x1fc: {  	s22 =	sshrl.u32 s0, $0x4  }
0x1fd: {  	s22 =	sadd.s32 s16, s22  }
0x1fe: {  	s22 =	sshll.u32 s22, $0x5  }
0x1ff: {  	v0 =	vadd.s32 s22, v0;
	_ =	sdelay $0x4  }
0x200: {  	v0 =	vld.idx.msk [tilespmem:v0+s29+$0x0], $0xffff;
	_ =	sdelay $0x4  }
0x201: {  	v0 =	vmul.f32 $1.442695020e+00, v0;
	_ =	sdelay $0x1  }
0x202: {  	(erf) = vpow2.f32 v0;
	_ =	sdelay $0x5  }
0x203: {  	v20 =	vld [tilespmem:s2+$0xFFFFFE00]  }
0x204: {  	v1 =	vld [tilespmem:s2+$0xFFFFFE10]  }
0x205: {  	v2 =	vld [tilespmem:s2+$0xFFFFFE20]  }
0x206: {  	v4 =	vld [tilespmem:s2+$0xFFFFFE30];
	v3 =	vpop (erf)  }
0x207: {  	v6 =	vld [tilespmem:s2+$0xFFFFFE40];
	v5 =	vbroadcast v3, $0x0  }
0x208: {  	v7 =	vld [tilespmem:s2+$0xFFFFFE50]  }
0x209: {  	v9 =	vld [tilespmem:s2+$0xFFFFFE60];
	v8 =	vbroadcast v3, $0x1;
	v0 =	vmul.f32 v5, v20  }
0x20a: {  	v21 =	vld [tilespmem:s2+$0xFFFFFE70];
	v1 =	vmul.f32 v5, v1  }
0x20b: {  	v11 =	vld [tilespmem:s2+$0xFFFFFE80];
	v10 =	vbroadcast v3, $0x2;
	v2 =	vmul.f32 v2, v8;
	v0 =	vadd.f32 $0.0e+00, v0  }
0x20c: {  	v22 =	vld [tilespmem:s2+$0xFFFFFE90];
	v4 =	vmul.f32 v4, v8;
	v1 =	vadd.f32 $0.0e+00, v1  }
0x20d: {  	v12 =	vld [tilespmem:s2+$0xFFFFFEA0];
	v24 =	vbroadcast v3, $0x3;
	v23 =	vmul.f32 v6, v10;
	v0 =	vadd.f32 v0, v2  }
0x20e: {  	v26 =	vld [tilespmem:s2+$0xFFFFFEB0];
	v25 =	vmul.f32 v7, v10;
	v1 =	vadd.f32 v4, v1  }
0x20f: {  	v29 =	vld [tilespmem:s2+$0xFFFFFEC0];
	v28 =	vbroadcast v3, $0x4;
	v27 =	vmul.f32 v9, v24;
	v0 =	vadd.f32 v23, v0  }
0x210: {  	v31 =	vld [tilespmem:s2+$0xFFFFFED0];
	v30 =	vmul.f32 v21, v24;
	v1 =	vadd.f32 v25, v1  }
0x211: {  	v34 =	vld [tilespmem:s2+$0xFFFFFEE0];
	v33 =	vbroadcast v3, $0x5;
	v32 =	vmul.f32 v11, v28;
	v0 =	vadd.f32 v27, v0  }
0x212: {  	v36 =	vld [tilespmem:s2+$0xFFFFFEF0];
	v35 =	vmul.f32 v22, v28;
	v1 =	vadd.f32 v30, v1  }
0x213: {  	v39 =	vld [tilespmem:s2+$0xFFFFFF00];
	v38 =	vbroadcast v3, $0x6;
	v37 =	vmul.f32 v12, v33;
	v0 =	vadd.f32 v32, v0  }
0x214: {  	v41 =	vld [tilespmem:s2+$0xFFFFFF10];
	(xrf2) =	vadd.scan.msk.f32 $0xffff, v3;
	v40 =	vmul.f32 v26, v33;
	v1 =	vadd.f32 v35, v1  }
0x215: {  	v44 =	vld [tilespmem:s2+$0xFFFFFF20];
	v43 =	vbroadcast v3, $0x7;
	v42 =	vmul.f32 v29, v38;
	v0 =	vadd.f32 v37, v0  }
0x216: {  	v46 =	vld [tilespmem:s2+$0xFFFFFF30];
	v45 =	vmul.f32 v31, v38;
	v1 =	vadd.f32 v40, v1  }
0x217: {  	v49 =	vld [tilespmem:s2+$0xFFFFFF40];
	v48 =	vbroadcast v3, $0x8;
	v47 =	vmul.f32 v34, v43;
	v0 =	vadd.f32 v42, v0  }
0x218: {  	v51 =	vld [tilespmem:s2+$0xFFFFFF50];
	v50 =	vmul.f32 v36, v43;
	v1 =	vadd.f32 v45, v1  }
0x219: {  	v54 =	vld [tilespmem:s2+$0xFFFFFF60];
	v53 =	vbroadcast v3, $0x9;
	v52 =	vmul.f32 v39, v48;
	v0 =	vadd.f32 v47, v0  }
0x21a: {  	v56 =	vld [tilespmem:s2+$0xFFFFFF70];
	v55 =	vmul.f32 v41, v48;
	v1 =	vadd.f32 v50, v1  }
0x21b: {  	v59 =	vld [tilespmem:s2+$0xFFFFFF80];
	v58 =	vbroadcast v3, $0xA;
	v57 =	vmul.f32 v44, v53;
	v0 =	vadd.f32 v52, v0  }
0x21c: {  	v60 =	vmul.f32 v46, v53;
	v1 =	vadd.f32 v55, v1  }
0x21d: {  	v63 =	vld [tilespmem:s2+$0xFFFFFF90];
	v62 =	vbroadcast v3, $0xB;
	v61 =	vmul.f32 v49, v58;
	v0 =	vadd.f32 v57, v0  }
0x21e: {  	v19 =	vld [tilespmem:s2+$0xFFFFFFA0];
	v18 =	vbroadcast v3, $0xC;
	v17 =	vmul.f32 v51, v58;
	v16, _, _ =	vpop (xrf2);
	v1 =	vadd.f32 v60, v1  }
0x21f: {  	v20 =	vmul.f32 v54, v62;
	v21 =	vld [tilespmem:s2+$0xFFFFFFB0];
	v11 =	vbroadcast v16, $0xF;
	v0 =	vadd.f32 v61, v0  }
0x220: {  	v22 =	vmul.f32 v56, v62;
	v24 =	vld [tilespmem:s2+$0xFFFFFFC0];
	v23 =	vmul.f32 v59, v18;
	v1 =	vadd.f32 v17, v1  }
0x221: {  	v26 =	vld [tilespmem:s2+$0xFFFFFFD0];
	v25 =	vbroadcast v3, $0xD;
	(erf) = vrcp.f32 v11;
	v0 =	vadd.f32 v20, v0  }
0x222: {  	v28 =	vld [tilespmem:s2+$0xFFFFFFE0];
	v27 =	vmul.f32 v63, v18;
	v1 =	vadd.f32 v22, v1  }
0x223: {  	v31 =	vld [tilespmem:s2+$0xFFFFFFF0];
	v29 =	vmul.f32 v19, v25;
	v30 =	vbroadcast v3, $0xE;
	v0 =	vadd.f32 v23, v0  }
0x224: {  	v2 =	vmul.f32 v21, v25;
	v1 =	vadd.f32 v27, v1  }
0x225: {  	v3 =	vbroadcast v3, $0xF;
	v32 =	vmul.f32 v24, v30;
	v0 =	vadd.f32 v29, v0  }
0x226: {  	v33 =	vmul.f32 v26, v30;
	v1 =	vadd.f32 v2, v1  }
0x227: {  	v34 =	vmul.f32 v28, v3;
	v0 =	vadd.f32 v32, v0  }
0x228: {  	v35 =	vmul.f32 v31, v3;
	v1 =	vadd.f32 v33, v1  }
0x229: {  	v0 =	vadd.f32 v34, v0  }
0x22a: {  	v36 =	vpop (erf);
	v1 =	vadd.f32 v35, v1  }
0x22b: {  	v0 =	vmul.f32 v0, v36  }
0x22c: {  	v1 =	vmul.f32 v1, v36  }
0x22d: {  	[tilespmem:s28+$0xFFFFFFE0] =	vst v0  }
0x22e: {  	[tilespmem:s28+$0xFFFFFFF0] =	vst v1  }
0x22f: {  	v0 =	vld [tilespmem:s30+$0x0];
	_ =	sdelay $0x4  }
0x230: {  	v0 =	vadd.s32 s22, v0;
	_ =	sdelay $0x4  }
0x231: {  	v0 =	vld.idx.msk [tilespmem:v0+s29+$0x0], $0xffff;
	_ =	sdelay $0x4  }
0x232: {  	v0 =	vmul.f32 $1.442695020e+00, v0;
	_ =	sdelay $0x1  }
0x233: {  	(erf) = vpow2.f32 v0;
	_ =	sdelay $0x5  }
0x234: {  	v37 =	vld [tilespmem:s2+$0x0]  }
0x235: {  	v1 =	vld [tilespmem:s2+$0x10]  }
0x236: {  	v38 =	vld [tilespmem:s2+$0x20]  }
0x237: {  	v39 =	vld [tilespmem:s2+$0x30];
	v3 =	vpop (erf)  }
0x238: {  	v41 =	vld [tilespmem:s2+$0x40];
	v40 =	vbroadcast v3, $0x0  }
0x239: {  	v42 =	vld [tilespmem:s2+$0x50]  }
0x23a: {  	v44 =	vld [tilespmem:s2+$0x60];
	v43 =	vbroadcast v3, $0x1;
	v0 =	vmul.f32 v40, v37  }
0x23b: {  	v45 =	vld [tilespmem:s2+$0x70];
	v1 =	vmul.f32 v40, v1  }
0x23c: {  	v47 =	vld [tilespmem:s2+$0x80];
	v46 =	vbroadcast v3, $0x2;
	v2 =	vmul.f32 v38, v43;
	v0 =	vadd.f32 $0.0e+00, v0  }
0x23d: {  	v48 =	vld [tilespmem:s2+$0x90];
	v4 =	vmul.f32 v39, v43;
	v1 =	vadd.f32 $0.0e+00, v1  }
0x23e: {  	v51 =	vld [tilespmem:s2+$0xA0];
	v50 =	vbroadcast v3, $0x3;
	v49 =	vmul.f32 v41, v46;
	v0 =	vadd.f32 v0, v2  }
0x23f: {  	v53 =	vld [tilespmem:s2+$0xB0];
	v52 =	vmul.f32 v42, v46;
	v1 =	vadd.f32 v4, v1  }
0x240: {  	v56 =	vld [tilespmem:s2+$0xC0];
	v55 =	vbroadcast v3, $0x4;
	v54 =	vmul.f32 v44, v50;
	v0 =	vadd.f32 v49, v0  }
0x241: {  	v58 =	vld [tilespmem:s2+$0xD0];
	v57 =	vmul.f32 v45, v50;
	v1 =	vadd.f32 v52, v1  }
0x242: {  	v61 =	vld [tilespmem:s2+$0xE0];
	v60 =	vbroadcast v3, $0x5;
	v59 =	vmul.f32 v47, v55;
	v0 =	vadd.f32 v54, v0  }
0x243: {  	v63 =	vld [tilespmem:s2+$0xF0];
	v62 =	vmul.f32 v48, v55;
	v1 =	vadd.f32 v57, v1  }
0x244: {  	v18 =	vld [tilespmem:s2+$0x100];
	v17 =	vbroadcast v3, $0x6;
	v16 =	vmul.f32 v51, v60;
	v0 =	vadd.f32 v59, v0  }
0x245: {  	v20 =	vld [tilespmem:s2+$0x110];
	(xrf2) =	vadd.scan.msk.f32 $0xffff, v3;
	v19 =	vmul.f32 v53, v60;
	v1 =	vadd.f32 v62, v1  }
0x246: {  	v23 =	vld [tilespmem:s2+$0x120];
	v22 =	vbroadcast v3, $0x7;
	v21 =	vmul.f32 v56, v17;
	v0 =	vadd.f32 v16, v0  }
0x247: {  	v25 =	vld [tilespmem:s2+$0x130];
	v24 =	vmul.f32 v58, v17;
	v1 =	vadd.f32 v19, v1  }
0x248: {  	v28 =	vld [tilespmem:s2+$0x140];
	v27 =	vbroadcast v3, $0x8;
	v26 =	vmul.f32 v61, v22;
	v0 =	vadd.f32 v21, v0  }
0x249: {  	v30 =	vld [tilespmem:s2+$0x150];
	v29 =	vmul.f32 v63, v22;
	v1 =	vadd.f32 v24, v1  }
0x24a: {  	v33 =	vld [tilespmem:s2+$0x160];
	v32 =	vbroadcast v3, $0x9;
	v31 =	vmul.f32 v18, v27;
	v0 =	vadd.f32 v26, v0  }
0x24b: {  	v35 =	vld [tilespmem:s2+$0x170];
	v34 =	vmul.f32 v20, v27;
	v1 =	vadd.f32 v29, v1  }
0x24c: {  	v36 =	vmul.f32 v23, v32;
	v37 =	vbroadcast v3, $0xA;
	v38 =	vld [tilespmem:s2+$0x180];
	v0 =	vadd.f32 v31, v0  }
0x24d: {  	v39 =	vmul.f32 v25, v32;
	v1 =	vadd.f32 v34, v1  }
0x24e: {  	v41 =	vbroadcast v3, $0xB;
	v42 =	vld [tilespmem:s2+$0x190];
	v40 =	vmul.f32 v28, v37;
	v0 =	vadd.f32 v36, v0  }
0x24f: {  	v45 =	vbroadcast v3, $0xC;
	v46 =	vld [tilespmem:s2+$0x1A0];
	v44 =	vmul.f32 v30, v37;
	v43, _, _ =	vpop (xrf2);
	v1 =	vadd.f32 v39, v1  }
0x250: {  	v48 =	vld [tilespmem:s2+$0x1B0];
	v47 =	vmul.f32 v33, v41;
	v11 =	vbroadcast v43, $0xF;
	v0 =	vadd.f32 v40, v0  }
0x251: {  	v51 =	vld [tilespmem:s2+$0x1C0];
	v50 =	vmul.f32 v38, v45;
	v49 =	vmul.f32 v35, v41;
	v1 =	vadd.f32 v44, v1  }
0x252: {  	v53 =	vld [tilespmem:s2+$0x1D0];
	v52 =	vbroadcast v3, $0xD;
	(erf) = vrcp.f32 v11;
	v0 =	vadd.f32 v47, v0  }
0x253: {  	v55 =	vld [tilespmem:s2+$0x1E0];
	v54 =	vmul.f32 v42, v45;
	v1 =	vadd.f32 v49, v1  }
0x254: {  	v58 =	vld [tilespmem:s2+$0x1F0];
	v56 =	vmul.f32 v46, v52;
	v57 =	vbroadcast v3, $0xE;
	v0 =	vadd.f32 v50, v0  }
0x255: {  	v2 =	vmul.f32 v48, v52;
	v1 =	vadd.f32 v54, v1  }
0x256: {  	v3 =	vbroadcast v3, $0xF;
	v59 =	vmul.f32 v51, v57;
	v0 =	vadd.f32 v56, v0  }
0x257: {  	v60 =	vmul.f32 v53, v57;
	v1 =	vadd.f32 v2, v1  }
0x258: {  	v61 =	vmul.f32 v55, v3;
	v0 =	vadd.f32 v59, v0  }
0x259: {  	v62 =	vmul.f32 v58, v3;
	v1 =	vadd.f32 v60, v1  }
0x25a: {  	p1 =	slt.u32 s0, $0x3E;
	v0 =	vadd.f32 v61, v0  }
.Ltmp4:
0x25b: {  	v63 =	vpop (erf);
	v1 =	vadd.f32 v62, v1;
	(pc) =	sbr.rel @p1 .LBB2_11-.Ltmp4, $4  }
0x25c: {  	v0 =	vmul.f32 v0, v63  }
0x25d: {  	v1 =	vmul.f32 v1, v63  }
0x25e: {  	[tilespmem:s28+$0x0] =	vst v0  }
0x25f: {  	s30 =	sadd.s32 $0x20, s30;
	s2 =	sadd.s32 $0x400, s2;
	[tilespmem:s28+$0x10] =	vst v1;
	s28 =	sadd.s32 $0x40, s28  }
0x260: {  	s0 =	sshll.u32 s15, $0x9  }
.Ltmp5:
0x261: {  	s2 =	sadd.s32 s0, s17;
	(pc) =	sbr.rel @p0 .LBB2_16-.Ltmp5, $4  }
0x262: {  	[hbm4b:s2+s3] =	stream.linear.scatter [tilespmem:s11], [sflag:$0x6], $0x800, $0x38;
	[tilespmem:$0x17D80] =	vst v63  }
0x263: {  	_ =	swait.ge [sflag:s20], $0x800  }
0x264: {  	[sflag:s20] =	ssyncset.done $0x0  }
0x265: {  	[sflag:s20] =	ssyncadd.s32 $0xFFFFF800  }
0x266: {  	s0 =	sshrl.u32 s0, $0x2  }
0x267: {  	v0 =	vld [tilespmem:s0+$0x21C0];
	_ =	sdelay $0x4  }
0x268: {  	[tilespmem:$0x4D40] =	vst v0  }
0x269: {  	v0 =	vld [tilespmem:s0+$0x21D0];
	_ =	sdelay $0x4  }
0x26a: {  	[tilespmem:$0x4D50] =	vst v0  }
0x26b: {  	v0 =	vld [tilespmem:s0+$0x21E0];
	_ =	sdelay $0x4  }
0x26c: {  	[tilespmem:$0x4D60] =	vst v0  }
0x26d: {  	v0 =	vld [tilespmem:s0+$0x21F0];
	_ =	sdelay $0x4  }
0x26e: {  	s22 =	simm.s32 $0x5980;
	[tilespmem:$0x4D70] =	vst v0  }
0x26f: {  	[tilespmem:s22], [sflag:$0x3] =	stream.indirect.gather [hbm4b:s4+s31], $0x10, s26, s31, $0xb8;
	[tilespmem:$0x17D80] =	vst v63  }
0x270: {  	s28 =	simm.s32 $0x6180  }
0x271: {  	[tilespmem:s28], [sflag:$0x3] =	stream.indirect.gather [hbm4b:s5+s31], $0x10, s26, s31, $0xb8;
	[tilespmem:$0x17D80] =	vst v63  }
0x272: {  	_ = 	snop  }
0x273: {  	[tilespmem:s1], [sflag:$0x3] =	stream.indirect.gather [hbm4b:s7+s31], $0x20, s26, s31, $0xb8;
	[tilespmem:$0x17D80] =	vst v63  }
0x274: {  	_ =	swait.ge [sflag:s25], $0x400  }
0x275: {  	[sflag:s25] =	ssyncset.done $0x0  }
0x276: {  	[sflag:s25] =	ssyncadd.s32 $0xFFFFFC00  }
0x277: {  	_ =	swait.ge [sflag:s25], $0x400  }
0x278: {  	[sflag:s25] =	ssyncset.done $0x0;
	s30 =	rddreg [dreg:$0xc]  }
0x279: {  	[sflag:s25] =	ssyncadd.s32 $0xFFFFFC00;
	s0 =	sadd.s32 s16, s30  }
0x27a: {  	_ =	swait.ge [sflag:s25], $0x800;
	s0 =	sshll.u32 s0, $0x6  }
0x27b: {  	[sflag:s25] =	ssyncset.done $0x0;
	s0 =	sand.u32 $0x1FFFFE00, s0  }
0x27c: {  	[sflag:s25] =	ssyncadd.s32 $0xFFFFF800;
	s0 =	sadd.s32 s8, s0  }
0x27d: {  	[hbm4b:s0+s3] =	stream.linear.scatter [tilespmem:s18], [sflag:$0x6], $0x800, $0x38;
	[tilespmem:$0x17D80] =	vst v63  }
0x27e: {  	_ =	swait.ge [sflag:s20], $0x800  }
0x27f: {  	[sflag:s20] =	ssyncset.done $0x0  }
0x280: {  	s2 =	simm.s32 $0x55A0;
	[sflag:s20] =	ssyncadd.s32 $0xFFFFF800  }
0x281: {  	v63 =	vld [tilespmem:s2+$0xFFFFFFE0];
	_ =	sdelay $0x3  }
0x282: {  	s0 =	simm.s32 $0x4DA0  }
0x283: {  	[tilespmem:s0+$0xFFFFFFE0] =	vst v63  }
0x284: {  	v0 =	vld [tilespmem:s2+$0xFFFFFFF0];
	_ =	sdelay $0x4  }
0x285: {  	[tilespmem:s0+$0xFFFFFFF0] =	vst v0  }
0x286: {  	v0 =	vld [tilespmem:s2+$0x0];
	_ =	sdelay $0x4  }
0x287: {  	[tilespmem:s0+$0x0] =	vst v0  }
0x288: {  	v0 =	vld [tilespmem:s2+$0x10];
	_ =	sdelay $0x4  }
0x289: {  	s15 =	simm.s32 $0x55E0;
	s2 =	simm.s32 $0x0;
	[tilespmem:s0+$0x10] =	vst v0  }
.LBB2_14:
0x28a: {  	v0 =	vld [tilespmem:s15+$0xFFFFFFE0];
	s2 =	sadd.s32 $0x4, s2  }
0x28b: {  	p0 =	slt.u32 s2, $0x3C;
	_ =	sdelay $0x2  }
0x28c: {  	s0 =	sadd.s32 $0x40, s0  }
0x28d: {  	[tilespmem:s0+$0xFFFFFFE0] =	vst v0  }
0x28e: {  	v0 =	vld [tilespmem:s15+$0xFFFFFFF0];
	_ =	sdelay $0x4  }
0x28f: {  	[tilespmem:s0+$0xFFFFFFF0] =	vst v0  }
0x290: {  	v0 =	vld [tilespmem:s15+$0x0];
	_ =	sdelay $0x4  }
0x291: {  	[tilespmem:s0+$0x0] =	vst v0  }
0x292: {  	v0 =	vld [tilespmem:s15+$0x10]  }
.Ltmp6:
0x293: {  	(pc) =	sbr.rel @p0 .LBB2_14-.Ltmp6, $2  }
0x294: {  	_ =	sdelay $0x2  }
0x295: {  	s15 =	sadd.s32 $0x40, s15;
	[tilespmem:s0+$0x10] =	vst v0  }
0x296: {  	s0 =	simm.s32 $0x4D80;
	s2 =	simm.s32 $0x6580  }
0x297: {  	[tilespmem:s2], [sflag:$0x4] =	stream.indirect.gather [hbm4b:s7+s21], $0x20, s0, s21, $0xb8;
	[tilespmem:$0x17D80] =	vst v63  }
0x298: {  	s28 =	simm.s32 $0x4E00;
	s30 =	simm.s32 $0x7580  }
0x299: {  	[tilespmem:s30], [sflag:$0x4] =	stream.indirect.gather [hbm4b:s7+s21], $0x20, s28, s21, $0xb8;
	[tilespmem:$0x17D80] =	vst v63  }
0x29a: {  	s15 =	simm.s32 $0x8580;
	s2 =	simm.s32 $0x4E80  }
0x29b: {  	[tilespmem:s15], [sflag:$0x4] =	stream.indirect.gather [hbm4b:s7+s21], $0x20, s2, s21, $0xb8;
	[tilespmem:$0x17D80] =	vst v63  }
0x29c: {  	s16 =	simm.s32 $0x4F00;
	s22 =	simm.s32 $0x9580  }
0x29d: {  	[tilespmem:s22], [sflag:$0x4] =	stream.indirect.gather [hbm4b:s7+s21], $0x20, s16, s21, $0xb8;
	[tilespmem:$0x17D80] =	vst v63  }
0x29e: {  	s28 =	simm.s32 $0x4F80;
	s30 =	simm.s32 $0xA580  }
0x29f: {  	[tilespmem:s30], [sflag:$0x4] =	stream.indirect.gather [hbm4b:s7+s21], $0x20, s28, s21, $0xb8;
	[tilespmem:$0x17D80] =	vst v63  }
0x2a0: {  	s2 =	simm.s32 $0x5000;
	s15 =	simm.s32 $0xB580  }
0x2a1: {  	[tilespmem:s15], [sflag:$0x4] =	stream.indirect.gather [hbm4b:s7+s21], $0x20, s2, s21, $0xb8;
	[tilespmem:$0x17D80] =	vst v63  }
0x2a2: {  	s16 =	simm.s32 $0x5080;
	s22 =	simm.s32 $0xC580  }
0x2a3: {  	[tilespmem:s22], [sflag:$0x4] =	stream.indirect.gather [hbm4b:s7+s21], $0x20, s16, s21, $0xb8;
	[tilespmem:$0x17D80] =	vst v63  }
0x2a4: {  	s28 =	simm.s32 $0x5100;
	s30 =	simm.s32 $0xD580  }
0x2a5: {  	[tilespmem:s30], [sflag:$0x4] =	stream.indirect.gather [hbm4b:s7+s21], $0x20, s28, s21, $0xb8;
	[tilespmem:$0x17D80] =	vst v63  }
.LBB2_16:
0x2a6: {  	_ =	swait.ge [sflag:s12], $0x1000  }
0x2a7: {  	[sflag:s12] =	ssyncset.done $0x0  }
0x2a8: {  	[sflag:s12] =	ssyncadd.s32 $0xFFFFF000  }
0x2a9: {  	_ =	swait.ge [sflag:s12], $0x1000  }
0x2aa: {  	[sflag:s12] =	ssyncset.done $0x0  }
0x2ab: {  	[sflag:s12] =	ssyncadd.s32 $0xFFFFF000  }
0x2ac: {  	_ =	swait.ge [sflag:s12], $0x1000  }
0x2ad: {  	[sflag:s12] =	ssyncset.done $0x0  }
0x2ae: {  	[sflag:s12] =	ssyncadd.s32 $0xFFFFF000  }
0x2af: {  	_ =	swait.ge [sflag:s12], $0x1000  }
0x2b0: {  	[sflag:s12] =	ssyncset.done $0x0  }
0x2b1: {  	[sflag:s12] =	ssyncadd.s32 $0xFFFFF000  }
0x2b2: {  	_ =	swait.ge [sflag:s12], $0x1000  }
0x2b3: {  	[sflag:s12] =	ssyncset.done $0x0  }
0x2b4: {  	[sflag:s12] =	ssyncadd.s32 $0xFFFFF000  }
0x2b5: {  	_ =	swait.ge [sflag:s12], $0x1000  }
0x2b6: {  	[sflag:s12] =	ssyncset.done $0x0  }
0x2b7: {  	[sflag:s12] =	ssyncadd.s32 $0xFFFFF000  }
0x2b8: {  	_ =	swait.ge [sflag:s12], $0x1000  }
0x2b9: {  	[sflag:s12] =	ssyncset.done $0x0  }
0x2ba: {  	[sflag:s12] =	ssyncadd.s32 $0xFFFFF000  }
0x2bb: {  	_ =	swait.ge [sflag:s12], $0x1000  }
0x2bc: {  	s0 =	simm.s32 $0xFFFFFFFE;
	s15 =	simm.s32 $0x175A0;
	[sflag:s12] =	ssyncset.done $0x0  }
0x2bd: {  	s16 =	simm.s32 $0x6190;
	s2 =	simm.s32 $0xE780;
	[sflag:s12] =	ssyncadd.s32 $0xFFFFF000  }
.LBB2_17:
0x2be: {  	v0 =	vld [tilespmem:s16+$0xFFFFFFF0]  }
0x2bf: {  	s0 =	sadd.s32 $0x2, s0  }
0x2c0: {  	s22 =	sshrl.u32 s0, $0x4  }
0x2c1: {  	s22 =	sadd.s32 s13, s22  }
0x2c2: {  	s22 =	sshll.u32 s22, $0x5  }
0x2c3: {  	v0 =	vadd.s32 s22, v0;
	_ =	sdelay $0x4  }
0x2c4: {  	v0 =	vld.idx.msk [tilespmem:v0+s29+$0x0], $0xffff;
	_ =	sdelay $0x4  }
0x2c5: {  	v0 =	vmul.f32 $1.442695020e+00, v0;
	_ =	sdelay $0x1  }
0x2c6: {  	(erf) = vpow2.f32 v0;
	_ =	sdelay $0x5  }
0x2c7: {  	v20 =	vld [tilespmem:s2+$0xFFFFFE00]  }
0x2c8: {  	v1 =	vld [tilespmem:s2+$0xFFFFFE10]  }
0x2c9: {  	v2 =	vld [tilespmem:s2+$0xFFFFFE20]  }
0x2ca: {  	v4 =	vld [tilespmem:s2+$0xFFFFFE30];
	v3 =	vpop (erf)  }
0x2cb: {  	v6 =	vld [tilespmem:s2+$0xFFFFFE40];
	v5 =	vbroadcast v3, $0x0  }
0x2cc: {  	v7 =	vld [tilespmem:s2+$0xFFFFFE50]  }
0x2cd: {  	v9 =	vld [tilespmem:s2+$0xFFFFFE60];
	v8 =	vbroadcast v3, $0x1;
	v0 =	vmul.f32 v5, v20  }
0x2ce: {  	v21 =	vld [tilespmem:s2+$0xFFFFFE70];
	v1 =	vmul.f32 v5, v1  }
0x2cf: {  	v11 =	vld [tilespmem:s2+$0xFFFFFE80];
	v10 =	vbroadcast v3, $0x2;
	v2 =	vmul.f32 v2, v8;
	v0 =	vadd.f32 $0.0e+00, v0  }
0x2d0: {  	v22 =	vld [tilespmem:s2+$0xFFFFFE90];
	v4 =	vmul.f32 v4, v8;
	v1 =	vadd.f32 $0.0e+00, v1  }
0x2d1: {  	v12 =	vld [tilespmem:s2+$0xFFFFFEA0];
	v24 =	vbroadcast v3, $0x3;
	v23 =	vmul.f32 v6, v10;
	v0 =	vadd.f32 v0, v2  }
0x2d2: {  	v26 =	vld [tilespmem:s2+$0xFFFFFEB0];
	v25 =	vmul.f32 v7, v10;
	v1 =	vadd.f32 v4, v1  }
0x2d3: {  	v29 =	vld [tilespmem:s2+$0xFFFFFEC0];
	v28 =	vbroadcast v3, $0x4;
	v27 =	vmul.f32 v9, v24;
	v0 =	vadd.f32 v23, v0  }
0x2d4: {  	v31 =	vld [tilespmem:s2+$0xFFFFFED0];
	v30 =	vmul.f32 v21, v24;
	v1 =	vadd.f32 v25, v1  }
0x2d5: {  	v34 =	vld [tilespmem:s2+$0xFFFFFEE0];
	v33 =	vbroadcast v3, $0x5;
	v32 =	vmul.f32 v11, v28;
	v0 =	vadd.f32 v27, v0  }
0x2d6: {  	v36 =	vld [tilespmem:s2+$0xFFFFFEF0];
	v35 =	vmul.f32 v22, v28;
	v1 =	vadd.f32 v30, v1  }
0x2d7: {  	v39 =	vld [tilespmem:s2+$0xFFFFFF00];
	v38 =	vbroadcast v3, $0x6;
	v37 =	vmul.f32 v12, v33;
	v0 =	vadd.f32 v32, v0  }
0x2d8: {  	v41 =	vld [tilespmem:s2+$0xFFFFFF10];
	(xrf2) =	vadd.scan.msk.f32 $0xffff, v3;
	v40 =	vmul.f32 v26, v33;
	v1 =	vadd.f32 v35, v1  }
0x2d9: {  	v44 =	vld [tilespmem:s2+$0xFFFFFF20];
	v43 =	vbroadcast v3, $0x7;
	v42 =	vmul.f32 v29, v38;
	v0 =	vadd.f32 v37, v0  }
0x2da: {  	v46 =	vld [tilespmem:s2+$0xFFFFFF30];
	v45 =	vmul.f32 v31, v38;
	v1 =	vadd.f32 v40, v1  }
0x2db: {  	v49 =	vld [tilespmem:s2+$0xFFFFFF40];
	v48 =	vbroadcast v3, $0x8;
	v47 =	vmul.f32 v34, v43;
	v0 =	vadd.f32 v42, v0  }
0x2dc: {  	v51 =	vld [tilespmem:s2+$0xFFFFFF50];
	v50 =	vmul.f32 v36, v43;
	v1 =	vadd.f32 v45, v1  }
0x2dd: {  	v54 =	vld [tilespmem:s2+$0xFFFFFF60];
	v53 =	vbroadcast v3, $0x9;
	v52 =	vmul.f32 v39, v48;
	v0 =	vadd.f32 v47, v0  }
0x2de: {  	v56 =	vld [tilespmem:s2+$0xFFFFFF70];
	v55 =	vmul.f32 v41, v48;
	v1 =	vadd.f32 v50, v1  }
0x2df: {  	v59 =	vld [tilespmem:s2+$0xFFFFFF80];
	v58 =	vbroadcast v3, $0xA;
	v57 =	vmul.f32 v44, v53;
	v0 =	vadd.f32 v52, v0  }
0x2e0: {  	v60 =	vmul.f32 v46, v53;
	v1 =	vadd.f32 v55, v1  }
0x2e1: {  	v63 =	vld [tilespmem:s2+$0xFFFFFF90];
	v62 =	vbroadcast v3, $0xB;
	v61 =	vmul.f32 v49, v58;
	v0 =	vadd.f32 v57, v0  }
0x2e2: {  	v19 =	vld [tilespmem:s2+$0xFFFFFFA0];
	v18 =	vbroadcast v3, $0xC;
	v17 =	vmul.f32 v51, v58;
	v16, _, _ =	vpop (xrf2);
	v1 =	vadd.f32 v60, v1  }
0x2e3: {  	v20 =	vmul.f32 v54, v62;
	v21 =	vld [tilespmem:s2+$0xFFFFFFB0];
	v11 =	vbroadcast v16, $0xF;
	v0 =	vadd.f32 v61, v0  }
0x2e4: {  	v22 =	vmul.f32 v56, v62;
	v24 =	vld [tilespmem:s2+$0xFFFFFFC0];
	v23 =	vmul.f32 v59, v18;
	v1 =	vadd.f32 v17, v1  }
0x2e5: {  	v26 =	vld [tilespmem:s2+$0xFFFFFFD0];
	v25 =	vbroadcast v3, $0xD;
	(erf) = vrcp.f32 v11;
	v0 =	vadd.f32 v20, v0  }
0x2e6: {  	v28 =	vld [tilespmem:s2+$0xFFFFFFE0];
	v27 =	vmul.f32 v63, v18;
	v1 =	vadd.f32 v22, v1  }
0x2e7: {  	v31 =	vld [tilespmem:s2+$0xFFFFFFF0];
	v29 =	vmul.f32 v19, v25;
	v30 =	vbroadcast v3, $0xE;
	v0 =	vadd.f32 v23, v0  }
0x2e8: {  	v2 =	vmul.f32 v21, v25;
	v1 =	vadd.f32 v27, v1  }
0x2e9: {  	v3 =	vbroadcast v3, $0xF;
	v32 =	vmul.f32 v24, v30;
	v0 =	vadd.f32 v29, v0  }
0x2ea: {  	v33 =	vmul.f32 v26, v30;
	v1 =	vadd.f32 v2, v1  }
0x2eb: {  	v34 =	vmul.f32 v28, v3;
	v0 =	vadd.f32 v32, v0  }
0x2ec: {  	v35 =	vmul.f32 v31, v3;
	v1 =	vadd.f32 v33, v1  }
0x2ed: {  	v0 =	vadd.f32 v34, v0  }
0x2ee: {  	v36 =	vpop (erf);
	v1 =	vadd.f32 v35, v1  }
0x2ef: {  	v0 =	vmul.f32 v0, v36  }
0x2f0: {  	v1 =	vmul.f32 v1, v36  }
0x2f1: {  	[tilespmem:s15+$0xFFFFFFE0] =	vst v0  }
0x2f2: {  	[tilespmem:s15+$0xFFFFFFF0] =	vst v1  }
0x2f3: {  	v0 =	vld [tilespmem:s16+$0x0];
	_ =	sdelay $0x4  }
0x2f4: {  	v0 =	vadd.s32 s22, v0;
	_ =	sdelay $0x4  }
0x2f5: {  	v0 =	vld.idx.msk [tilespmem:v0+s29+$0x0], $0xffff;
	_ =	sdelay $0x4  }
0x2f6: {  	v0 =	vmul.f32 $1.442695020e+00, v0;
	_ =	sdelay $0x1  }
0x2f7: {  	(erf) = vpow2.f32 v0;
	_ =	sdelay $0x5  }
0x2f8: {  	v37 =	vld [tilespmem:s2+$0x0]  }
0x2f9: {  	v1 =	vld [tilespmem:s2+$0x10]  }
0x2fa: {  	v38 =	vld [tilespmem:s2+$0x20]  }
0x2fb: {  	v39 =	vld [tilespmem:s2+$0x30];
	v3 =	vpop (erf)  }
0x2fc: {  	v41 =	vld [tilespmem:s2+$0x40];
	v40 =	vbroadcast v3, $0x0  }
0x2fd: {  	v42 =	vld [tilespmem:s2+$0x50]  }
0x2fe: {  	v44 =	vld [tilespmem:s2+$0x60];
	v43 =	vbroadcast v3, $0x1;
	v0 =	vmul.f32 v40, v37  }
0x2ff: {  	v45 =	vld [tilespmem:s2+$0x70];
	v1 =	vmul.f32 v40, v1  }
0x300: {  	v47 =	vld [tilespmem:s2+$0x80];
	v46 =	vbroadcast v3, $0x2;
	v2 =	vmul.f32 v38, v43;
	v0 =	vadd.f32 $0.0e+00, v0  }
0x301: {  	v48 =	vld [tilespmem:s2+$0x90];
	v4 =	vmul.f32 v39, v43;
	v1 =	vadd.f32 $0.0e+00, v1  }
0x302: {  	v51 =	vld [tilespmem:s2+$0xA0];
	v50 =	vbroadcast v3, $0x3;
	v49 =	vmul.f32 v41, v46;
	v0 =	vadd.f32 v0, v2  }
0x303: {  	v53 =	vld [tilespmem:s2+$0xB0];
	v52 =	vmul.f32 v42, v46;
	v1 =	vadd.f32 v4, v1  }
0x304: {  	v56 =	vld [tilespmem:s2+$0xC0];
	v55 =	vbroadcast v3, $0x4;
	v54 =	vmul.f32 v44, v50;
	v0 =	vadd.f32 v49, v0  }
0x305: {  	v58 =	vld [tilespmem:s2+$0xD0];
	v57 =	vmul.f32 v45, v50;
	v1 =	vadd.f32 v52, v1  }
0x306: {  	v61 =	vld [tilespmem:s2+$0xE0];
	v60 =	vbroadcast v3, $0x5;
	v59 =	vmul.f32 v47, v55;
	v0 =	vadd.f32 v54, v0  }
0x307: {  	v63 =	vld [tilespmem:s2+$0xF0];
	v62 =	vmul.f32 v48, v55;
	v1 =	vadd.f32 v57, v1  }
0x308: {  	v18 =	vld [tilespmem:s2+$0x100];
	v17 =	vbroadcast v3, $0x6;
	v16 =	vmul.f32 v51, v60;
	v0 =	vadd.f32 v59, v0  }
0x309: {  	v20 =	vld [tilespmem:s2+$0x110];
	(xrf2) =	vadd.scan.msk.f32 $0xffff, v3;
	v19 =	vmul.f32 v53, v60;
	v1 =	vadd.f32 v62, v1  }
0x30a: {  	v23 =	vld [tilespmem:s2+$0x120];
	v22 =	vbroadcast v3, $0x7;
	v21 =	vmul.f32 v56, v17;
	v0 =	vadd.f32 v16, v0  }
0x30b: {  	v25 =	vld [tilespmem:s2+$0x130];
	v24 =	vmul.f32 v58, v17;
	v1 =	vadd.f32 v19, v1  }
0x30c: {  	v28 =	vld [tilespmem:s2+$0x140];
	v27 =	vbroadcast v3, $0x8;
	v26 =	vmul.f32 v61, v22;
	v0 =	vadd.f32 v21, v0  }
0x30d: {  	v30 =	vld [tilespmem:s2+$0x150];
	v29 =	vmul.f32 v63, v22;
	v1 =	vadd.f32 v24, v1  }
0x30e: {  	v33 =	vld [tilespmem:s2+$0x160];
	v32 =	vbroadcast v3, $0x9;
	v31 =	vmul.f32 v18, v27;
	v0 =	vadd.f32 v26, v0  }
0x30f: {  	v35 =	vld [tilespmem:s2+$0x170];
	v34 =	vmul.f32 v20, v27;
	v1 =	vadd.f32 v29, v1  }
0x310: {  	v36 =	vmul.f32 v23, v32;
	v37 =	vbroadcast v3, $0xA;
	v38 =	vld [tilespmem:s2+$0x180];
	v0 =	vadd.f32 v31, v0  }
0x311: {  	v39 =	vmul.f32 v25, v32;
	v1 =	vadd.f32 v34, v1  }
0x312: {  	v41 =	vbroadcast v3, $0xB;
	v42 =	vld [tilespmem:s2+$0x190];
	v40 =	vmul.f32 v28, v37;
	v0 =	vadd.f32 v36, v0  }
0x313: {  	v45 =	vbroadcast v3, $0xC;
	v46 =	vld [tilespmem:s2+$0x1A0];
	v44 =	vmul.f32 v30, v37;
	v43, _, _ =	vpop (xrf2);
	v1 =	vadd.f32 v39, v1  }
0x314: {  	v48 =	vld [tilespmem:s2+$0x1B0];
	v47 =	vmul.f32 v33, v41;
	v11 =	vbroadcast v43, $0xF;
	v0 =	vadd.f32 v40, v0  }
0x315: {  	v51 =	vld [tilespmem:s2+$0x1C0];
	v50 =	vmul.f32 v38, v45;
	v49 =	vmul.f32 v35, v41;
	v1 =	vadd.f32 v44, v1  }
0x316: {  	v53 =	vld [tilespmem:s2+$0x1D0];
	v52 =	vbroadcast v3, $0xD;
	(erf) = vrcp.f32 v11;
	v0 =	vadd.f32 v47, v0  }
0x317: {  	v55 =	vld [tilespmem:s2+$0x1E0];
	v54 =	vmul.f32 v42, v45;
	v1 =	vadd.f32 v49, v1  }
0x318: {  	v58 =	vld [tilespmem:s2+$0x1F0];
	v56 =	vmul.f32 v46, v52;
	v57 =	vbroadcast v3, $0xE;
	v0 =	vadd.f32 v50, v0  }
0x319: {  	v2 =	vmul.f32 v48, v52;
	v1 =	vadd.f32 v54, v1  }
0x31a: {  	v3 =	vbroadcast v3, $0xF;
	v59 =	vmul.f32 v51, v57;
	v0 =	vadd.f32 v56, v0  }
0x31b: {  	v60 =	vmul.f32 v53, v57;
	v1 =	vadd.f32 v2, v1  }
0x31c: {  	v61 =	vmul.f32 v55, v3;
	v0 =	vadd.f32 v59, v0  }
0x31d: {  	v62 =	vmul.f32 v58, v3;
	v1 =	vadd.f32 v60, v1  }
0x31e: {  	p0 =	slt.u32 s0, $0x3E;
	v0 =	vadd.f32 v61, v0  }
.Ltmp7:
0x31f: {  	v63 =	vpop (erf);
	v1 =	vadd.f32 v62, v1;
	(pc) =	sbr.rel @p0 .LBB2_17-.Ltmp7, $4  }
0x320: {  	v0 =	vmul.f32 v0, v63  }
0x321: {  	v1 =	vmul.f32 v1, v63  }
0x322: {  	[tilespmem:s15+$0x0] =	vst v0  }
0x323: {  	s16 =	sadd.s32 $0x20, s16;
	s2 =	sadd.s32 $0x400, s2;
	[tilespmem:s15+$0x10] =	vst v1;
	s15 =	sadd.s32 $0x40, s15  }
0x324: {  	p0 =	sne.s32 s19, $0x10  }
.Ltmp8:
0x325: {  	s0 =	sadd.s32 s9, s14;
	(pc) =	sbr.rel @p0 .LBB2_8-.Ltmp8, $4  }
0x326: {  	[hbm4b:s0+s3] =	stream.linear.scatter [tilespmem:s11], [sflag:$0x6], $0x800, $0x38;
	[tilespmem:$0x17D80] =	vst v63  }
0x327: {  	_ =	swait.ge [sflag:s20], $0x800  }
0x328: {  	[sflag:s20] =	ssyncset.done $0x0  }
0x329: {  	s15 =	smov.u32 s19;
	[sflag:s20] =	ssyncadd.s32 $0xFFFFF800  }
0x32a: {  	s2 =	rddreg [dreg:$0xe]  }
0x32b: {  	s0 =	rddreg [dreg:$0xd];
	s2 =	sadd.s32 $0x1, s2  }
0x32c: {  	p0 =	sne.s32 s2, s0  }
.Ltmp9:
0x32d: {  	_ = 	snop;
	(pc) =	sbr.rel @p0 .LBB2_1-.Ltmp9, $1  }
0x32e: {  	_ =	sdelay $0x3  }
0x32f: {  	_ =	sfence.sel $0x180000  }
0x330: {  	[bflag:$0x0] =	sbarrier.arrive $0xFFFF  }
0x331: {  	_ =	strace $0x90000047  }
0x332: {  	s0 =	stileid.u32;
	[bflag:$0x2] =	sbarrier.arrive $0xFFFF  }
0x333: {  	p0 =	sne.s32 s0, $0x0;
	s0 =	rddreg [dreg:$0x4]  }
0x334: {  	s0 =	sadd.s32 @!p0 $0x100000, s0  }
0x335: {  	[sflag:s0] =	ssyncadd.tile.s32 @!p0 $0x1;
	_ =	shalt  }
.Lfunc_end2:
_tile_overlayer_lowered:
.L_overlay_start_2:
0x336: {  	(tag) =	ssettag $0x2  }
0x337: {  	s0 =	rddreg [dreg:$0x0];
	s2 =	stileid.u32  }
0x338: {  	s1 =	rddreg [dreg:$0x1];
	p0 =	sne.s32 s2, $0x0  }
0x339: {  	s3 =	rddreg [dreg:$0x2];
	[bflag:$0x3] =	sbarrier.arrive $0xFFFF;
	s2 =	simm.s32 @!p0 $0x1C06  }
0x33a: {  	[timem:s3], [sflag:s2] =	dma.local @!p0 [hbm:s0], s1  }
0x33b: {  	s0 =	simm.s32 @!p0 $0x6  }
0x33c: {  	_ =	swait.ge @!p0 [sflag:s0], s1  }
0x33d: {  	s1 =	ssub.s32 @!p0 $0x0, s1;
	[sflag:s0] =	ssyncset.done @!p0 $0x0  }
0x33e: {  	[sflag:s0] =	ssyncadd.s32 @!p0 s1  }
0x33f: {  	[bflag:$0x3] =	sbarrier.arrive $0xFFFF  }
0x340: {  	_ =	shalt  }

</sc_bundles>
